<compile_context>
chip_gen: v7x
topology: tpu7x:2x2x1
jax: 0.10.2.dev20260603
libtpu: 0.0.44.dev20260713+nightly
codegen_flags: <defaults>
</compile_context>

<pallas_src>
import functools

import jax
import jax.numpy as jnp
from jax.experimental import pallas as pl
from jax.experimental.pallas import tpu as pltpu
from jax.experimental.pallas import tpu_sc as plsc

_B, _N, _C, _K = 8, 16384, 6, 1024
_W = 512


def _make_fps(B, N, K, W=_W, S=4, interpret=False):
    NCH = N // W

    def step(xyz_ref, start_ref, cen0_ref, idx_ref, md_ref, far_ref, cen_ref):
        k = pl.program_id(0)

        @pl.when(k == 0)
        def _init():
            md_ref[...] = jnp.full((B, N), jnp.inf, dtype=jnp.float32)
            far_ref[...] = start_ref[...]
            cen_ref[...] = cen0_ref[...]

        ii0 = jax.lax.broadcasted_iota(jnp.int32, (B, W), 1)
        for s in range(S):
            far = far_ref[...]
            idx_ref[s] = far

            cx = cen_ref[0]
            cy = cen_ref[1]
            cz = cen_ref[2]

            accv = acci = accx = accy = accz = None
            for c in range(NCH):
                sl = pl.ds(c * W, W)
                xc = xyz_ref[0, :, sl]
                yc = xyz_ref[1, :, sl]
                zc = xyz_ref[2, :, sl]
                dx = xc - cx
                dy = yc - cy
                dz = zc - cz
                dist = (dx * dx + dz * dz) + dy * dy
                mdc = jnp.minimum(md_ref[:, sl], dist)
                md_ref[:, sl] = mdc
                if c == 0:
                    accv, acci, accx, accy, accz = mdc, ii0, xc, yc, zc
                else:
                    iic = ii0 + (c * W)
                    cond = mdc > accv
                    accv = jnp.where(cond, mdc, accv)
                    acci = jnp.where(cond, iic, acci)
                    accx = jnp.where(cond, xc, accx)
                    accy = jnp.where(cond, yc, accy)
                    accz = jnp.where(cond, zc, accz)

            m = jnp.max(accv, axis=1, keepdims=True)
            cand = jnp.where(accv == m, acci, N)
            far2 = jnp.min(cand, axis=1, keepdims=True)
            selm = cand == far2
            cen_ref[0] = jnp.sum(
                jnp.where(selm, accx, 0.0), axis=1, keepdims=True
            )
            cen_ref[1] = jnp.sum(
                jnp.where(selm, accy, 0.0), axis=1, keepdims=True
            )
            cen_ref[2] = jnp.sum(
                jnp.where(selm, accz, 0.0), axis=1, keepdims=True
            )
            far_ref[...] = far2

    return pl.pallas_call(
        step,
        grid=(K // S,),
        in_specs=[
            pl.BlockSpec((3, B, N), lambda k: (0, 0, 0)),
            pl.BlockSpec((B, 1), lambda k: (0, 0)),
            pl.BlockSpec((3, B, 1), lambda k: (0, 0, 0)),
        ],
        out_specs=pl.BlockSpec((S, B, 1), lambda k: (k, 0, 0)),
        out_shape=jax.ShapeDtypeStruct((K, B, 1), jnp.int32),
        scratch_shapes=[
            pltpu.VMEM((B, N), jnp.float32),
            pltpu.VMEM((B, 1), jnp.int32),
            pltpu.VMEM((3, B, 1), jnp.float32),
        ],
        interpret=interpret,
    )


def _make_gather(R, D, rows_per_worker):
    mesh = plsc.VectorSubcoreMesh(core_axis_name="c", subcore_axis_name="s")
    num_cores = 2

    def body(idx_hbm, table_hbm, out_hbm, idx_v, rows_v, sem):
        wid = jax.lax.axis_index("s") * num_cores + jax.lax.axis_index("c")
        base = wid * rows_per_worker
        pltpu.sync_copy(idx_hbm.at[pl.ds(base, rows_per_worker)], idx_v)
        pltpu.async_copy(table_hbm.at[idx_v], rows_v, sem).wait()
        pltpu.sync_copy(rows_v, out_hbm.at[pl.ds(base, rows_per_worker)])

    return functools.partial(
        pl.kernel,
        mesh=mesh,
        out_type=jax.ShapeDtypeStruct((R, D), jnp.float32),
        scratch_types=[
            pltpu.VMEM((rows_per_worker,), jnp.int32),
            pltpu.VMEM((rows_per_worker, D), jnp.float32),
            pltpu.SemaphoreType.DMA,
        ],
        compiler_params=pltpu.CompilerParams(use_tc_tiling_on_sc=False),
    )(body)


def kernel(points):
    start = jax.random.randint(
        jax.random.key(42), (_B,), 0, _N, dtype=jnp.int32
    )[:, None]
    xyz_t = jnp.transpose(points[..., :3], (2, 0, 1))
    cen0 = jnp.take_along_axis(xyz_t, start[None, :, :], axis=2)

    idx3 = _make_fps(_B, _N, _K)(xyz_t, start, cen0)
    idx = jnp.transpose(idx3.reshape(_K, _B))

    Dpad = 8
    flat_idx = (idx + jnp.arange(_B, dtype=jnp.int32)[:, None] * _N).reshape(
        _B * _K
    )
    table = jnp.pad(points, ((0, 0), (0, 0), (0, Dpad - _C))).reshape(
        _B * _N, Dpad
    )
    rows = _make_gather(_B * _K, Dpad, (_B * _K) // 32)(flat_idx, table)
    gathered = rows[:, :_C].reshape(_B, _K, _C)

    num_points = jnp.full((_B,), _K, dtype=jnp.int32)
    return gathered, num_points

# --- scband reference (transcript-rebuilt; emitter-appended) ---
"""Pipeline reference for scband-farthest-point-sub-sample-pc-72241349919056 (READ-ONLY COPY).

The authoritative reference and input builder live on the scoring server;
editing this copy changes nothing except your own understanding.
"""

import jax, jax.numpy as jnp
import numpy as np

B, N, C, K = 8, 16384, 6, 1024


def setup_inputs(seed: int = 0) -> dict:
    key = jax.random.key(seed)
    points = jax.random.normal(key, (B, N, C), dtype=jnp.float32)
    return {"points": points}


def _sample_farthest_points(xyz, k):
    # xyz: [B, N, 3]; iterative farthest point sampling with random start point
    b, n, _ = xyz.shape
    start = jax.random.randint(jax.random.key(42), (b,), 0, n, dtype=jnp.int32)
    min_dist0 = jnp.full((b, n), jnp.inf, dtype=xyz.dtype)

    def body(carry, _):
        min_dist, farthest = carry
        centroid = jnp.take_along_axis(
            xyz, farthest[:, None, None].astype(jnp.int32), axis=1
        )  # [B, 1, 3] (index broadcasts over last axis)
        dist = jnp.sum((xyz - centroid) ** 2, axis=-1)  # [B, N]
        min_dist = jnp.minimum(min_dist, dist)
        nxt = jnp.argmax(min_dist, axis=-1).astype(jnp.int32)
        return (min_dist, nxt), farthest

    (_, _), idx_seq = jax.lax.scan(body, (min_dist0, start), None, length=k)
    return jnp.transpose(idx_seq)  # [B, K]


def reference(points):
    # xyz_view: first 3 channels are coordinates
    xyz = points[..., :3]
    idx = _sample_farthest_points(xyz, K)  # [B, K] int32
    idx_e = jnp.broadcast_to(idx[..., None], (points.shape[0], K, points.shape[-1]))
    gathered = jnp.take_along_axis(points, idx_e, axis=1)  # [B, K, C]
    num_points = jnp.full((points.shape[0],), K, dtype=jnp.int32)
    return gathered, num_points

if __name__ == "__main__":
    import jax
    _d = setup_inputs()
    print(jax.jit(kernel)(*tuple(_d.values())))

</pallas_src>

<mosaic_0001>
#map = affine_map<(d0, d1) -> (0)>
#map1 = affine_map<(d0, d1) -> (0, 0)>
module attributes {stable_mosaic.version = 14 : i64} {
  func.func @body(%arg0: i32, %arg1: i32, %arg2: memref<8192xi32, #tpu.memory_space<hbm>>, %arg3: memref<131072x8xf32, #tpu.memory_space<hbm>>, %arg4: memref<8192x8xf32, #tpu.memory_space<hbm>>, %arg5: memref<256xi32, #tpu.memory_space<vmem>>, %arg6: memref<256x8xf32, #tpu.memory_space<vmem>>, %arg7: memref<!tpu.dma_semaphore, #tpu.memory_space<semaphore_mem>>) attributes {dimension_semantics = [#tpu.dimension_semantics<core_parallel>, #tpu.dimension_semantics<subcore_parallel>], iteration_bounds = array<i64: 2, 16>, scalar_prefetch = 0 : i64, scratch_operands = 3 : i64, tpu.core_type = #tpu.core_type<sc_vector_subcore>, window_params = [{transform_indices = #map}, {transform_indices = #map1}, {transform_indices = #map1}]} {
    %mul3A = arith.constant 2 : i32
    %mul3A_0 = arith.muli %arg1, %mul3A : i32
    %add3A = arith.addi %mul3A_0, %arg0 : i32
    %mul3A_1 = arith.constant 256 : i32
    %mul3A_2 = arith.muli %add3A, %mul3A_1 : i32
    "tpu.region"() ({
      %run_scoped3A = tpu.sem_alloc : memref<!tpu.dma_semaphore, #tpu.memory_space<semaphore_mem>>
      %dma_start3A_7 = tpu.memref_slice %arg2[%mul3A_2] : memref<8192xi32, #tpu.memory_space<hbm>> -> memref<256xi32, #tpu.memory_space<hbm>>
      %dma_start3A_8 = tpu.memref_slice %arg2[%mul3A_2] : memref<8192xi32, #tpu.memory_space<hbm>> -> memref<256xi32, #tpu.memory_space<hbm>>
      tpu.enqueue_dma source(%dma_start3A_8 : memref<256xi32, #tpu.memory_space<hbm>>) target(%arg5 : memref<256xi32, #tpu.memory_space<vmem>>) target_semaphore(%run_scoped3A : memref<!tpu.dma_semaphore, #tpu.memory_space<semaphore_mem>>)
      %dma_wait3A_9 = tpu.memref_slice %arg2[%mul3A_2] : memref<8192xi32, #tpu.memory_space<hbm>> -> memref<256xi32, #tpu.memory_space<hbm>>
      %dma_wait3A_10 = tpu.memref_slice %arg2[%mul3A_2] : memref<8192xi32, #tpu.memory_space<hbm>> -> memref<256xi32, #tpu.memory_space<hbm>>
      tpu.wait_dma2 semaphore(%run_scoped3A : memref<!tpu.dma_semaphore, #tpu.memory_space<semaphore_mem>>) src(%dma_wait3A_10 : memref<256xi32, #tpu.memory_space<hbm>>) dst(%arg5 : memref<256xi32, #tpu.memory_space<vmem>>)
      tpu.yield
    }) : () -> ()
    %dma_start3A = arith.constant 0 : i32
    %dma_start3A_3 = arith.constant 0 : i32
    %dma_start3A_4 = tpu.memref_slice %arg3[%dma_start3A, %dma_start3A_3] : memref<131072x8xf32, #tpu.memory_space<hbm>> -> memref<131072x8xf32, #tpu.memory_space<hbm>>
    tpu.enqueue_indirect_dma source(%dma_start3A_4 : memref<131072x8xf32, #tpu.memory_space<hbm>>) target(%arg6 : memref<256x8xf32, #tpu.memory_space<vmem>>) offsets(%arg5 : memref<256xi32, #tpu.memory_space<vmem>>) semaphore(%arg7 : memref<!tpu.dma_semaphore, #tpu.memory_space<semaphore_mem>>)
    %dma_wait3A = arith.constant 0 : i32
    %dma_wait3A_5 = arith.constant 0 : i32
    %dma_wait3A_6 = tpu.memref_slice %arg3[%dma_wait3A, %dma_wait3A_5] : memref<131072x8xf32, #tpu.memory_space<hbm>> -> memref<131072x8xf32, #tpu.memory_space<hbm>>
    tpu.wait_indirect_dma semaphore(%arg7 : memref<!tpu.dma_semaphore, #tpu.memory_space<semaphore_mem>>) src(%dma_wait3A_6 : memref<131072x8xf32, #tpu.memory_space<hbm>>) dst(%arg6 : memref<256x8xf32, #tpu.memory_space<vmem>>)
    "tpu.region"() ({
      %run_scoped3A = tpu.sem_alloc : memref<!tpu.dma_semaphore, #tpu.memory_space<semaphore_mem>>
      %dma_start3A_7 = arith.constant 0 : i32
      %dma_start3A_8 = tpu.memref_slice %arg4[%mul3A_2, %dma_start3A_7] : memref<8192x8xf32, #tpu.memory_space<hbm>> -> memref<256x8xf32, #tpu.memory_space<hbm>>
      %dma_start3A_9 = arith.constant 0 : i32
      %dma_start3A_10 = tpu.memref_slice %arg4[%mul3A_2, %dma_start3A_9] : memref<8192x8xf32, #tpu.memory_space<hbm>> -> memref<256x8xf32, #tpu.memory_space<hbm>>
      tpu.enqueue_dma source(%arg6 : memref<256x8xf32, #tpu.memory_space<vmem>>) target(%dma_start3A_10 : memref<256x8xf32, #tpu.memory_space<hbm>>) target_semaphore(%run_scoped3A : memref<!tpu.dma_semaphore, #tpu.memory_space<semaphore_mem>>)
      %dma_wait3A_11 = arith.constant 0 : i32
      %dma_wait3A_12 = tpu.memref_slice %arg4[%mul3A_2, %dma_wait3A_11] : memref<8192x8xf32, #tpu.memory_space<hbm>> -> memref<256x8xf32, #tpu.memory_space<hbm>>
      %dma_wait3A_13 = arith.constant 0 : i32
      %dma_wait3A_14 = tpu.memref_slice %arg4[%mul3A_2, %dma_wait3A_13] : memref<8192x8xf32, #tpu.memory_space<hbm>> -> memref<256x8xf32, #tpu.memory_space<hbm>>
      tpu.wait_dma2 semaphore(%run_scoped3A : memref<!tpu.dma_semaphore, #tpu.memory_space<semaphore_mem>>) src(%arg6 : memref<256x8xf32, #tpu.memory_space<vmem>>) dst(%dma_wait3A_14 : memref<256x8xf32, #tpu.memory_space<hbm>>)
      tpu.yield
    }) : () -> ()
    return
  }
}

module attributes {stable_mosaic.version = 14 : i64} {
  func.func @step(%arg0: i32, %arg1: memref<3x8x16384xf32, #tpu.memory_space<vmem>>, %arg2: memref<8x1xi32, #tpu.memory_space<vmem>>, %arg3: memref<3x8x1xf32, #tpu.memory_space<vmem>>, %arg4: memref<4x8x1xi32, #tpu.memory_space<vmem>>, %arg5: memref<8x16384xf32, #tpu.memory_space<vmem>>, %arg6: memref<8x1xi32, #tpu.memory_space<vmem>>, %arg7: memref<3x8x1xf32, #tpu.memory_space<vmem>>) attributes {dimension_semantics = [#tpu.dimension_semantics<arbitrary>], iteration_bounds = array<i64: 256>, scalar_prefetch = 0 : i64, scratch_operands = 3 : i64, tpu.core_type = #tpu.core_type<tc>, window_params = [{pipeline_mode = #tpu.pipeline_mode<synchronous>, transform_indices = @transform_0, window_bounds = array<i64: 3, 8, 16384>}, {pipeline_mode = #tpu.pipeline_mode<synchronous>, transform_indices = @transform_1, window_bounds = array<i64: 8, 1>}, {pipeline_mode = #tpu.pipeline_mode<synchronous>, transform_indices = @transform_2, window_bounds = array<i64: 3, 8, 1>}, {transform_indices = @transform_3, window_bounds = array<i64: 4, 8, 1>}]} {
    %eq3A = arith.constant 0 : i32
    %eq3A_0 = arith.cmpi eq, %arg0, %eq3A : i32
    %convert_element_type3A = arith.extui %eq3A_0 : i1 to i32
    %cond3A = arith.constant 0 : i32
    %cond3A_1 = arith.cmpi ne, %convert_element_type3A, %cond3A : i32
    scf.if %cond3A_1 {
      %broadcast_in_dim3A_5633 = arith.constant 0x7F800000 : f32
      %broadcast_in_dim3A_5634 = vector.broadcast %broadcast_in_dim3A_5633 : f32 to vector<8x16384xf32>
      %swap3A_5635 = arith.constant 0 : index
      %swap3A_5636 = arith.constant 0 : index
      %swap3A_5637 = vector.load %arg5[%swap3A_5635, %swap3A_5636] : memref<8x16384xf32, #tpu.memory_space<vmem>>, vector<8x16384xf32>
      tpu.vector_store %arg5[%swap3A_5635, %swap3A_5636], %broadcast_in_dim3A_5634 {strides = array<i32>} : memref<8x16384xf32, #tpu.memory_space<vmem>>, vector<8x16384xf32>,
      %get3A_5638 = arith.constant 0 : index
      %get3A_5639 = arith.constant 0 : index
      %get3A_5640 = vector.load %arg2[%get3A_5638, %get3A_5639] : memref<8x1xi32, #tpu.memory_space<vmem>>, vector<8x1xi32>
      %swap3A_5641 = arith.constant 0 : index
      %swap3A_5642 = arith.constant 0 : index
      %swap3A_5643 = vector.load %arg6[%swap3A_5641, %swap3A_5642] : memref<8x1xi32, #tpu.memory_space<vmem>>, vector<8x1xi32>
      tpu.vector_store %arg6[%swap3A_5641, %swap3A_5642], %get3A_5640 {strides = array<i32>} : memref<8x1xi32, #tpu.memory_space<vmem>>, vector<8x1xi32>,
      %get3A_5644 = arith.constant 0 : index
      %get3A_5645 = arith.constant 0 : index
      %get3A_5646 = arith.constant 0 : index
      %get3A_5647 = vector.load %arg3[%get3A_5644, %get3A_5645, %get3A_5646] : memref<3x8x1xf32, #tpu.memory_space<vmem>>, vector<3x8x1xf32>
      %swap3A_5648 = arith.constant 0 : index
      %swap3A_5649 = arith.constant 0 : index
      %swap3A_5650 = arith.constant 0 : index
      %swap3A_5651 = vector.load %arg7[%swap3A_5648, %swap3A_5649, %swap3A_5650] : memref<3x8x1xf32, #tpu.memory_space<vmem>>, vector<3x8x1xf32>
      tpu.vector_store %arg7[%swap3A_5648, %swap3A_5649, %swap3A_5650], %get3A_5647 {strides = array<i32>} : memref<3x8x1xf32, #tpu.memory_space<vmem>>, vector<3x8x1xf32>,
    } else {
    }
    %iota3A = tpu.iota {dimensions = array<i32: 1>} : vector<8x512xi32>
    %get3A = arith.constant 0 : index
    %get3A_2 = arith.constant 0 : index
    %get3A_3 = vector.load %arg6[%get3A, %get3A_2] : memref<8x1xi32, #tpu.memory_space<vmem>>, vector<8x1xi32>
    %swap3A = arith.constant 0 : index
    %swap3A_4 = arith.constant 0 : index
    %swap3A_5 = arith.constant 0 : index
    %swap3A_6 = vector.load %arg4[%swap3A, %swap3A_4, %swap3A_5] : memref<4x8x1xi32, #tpu.memory_space<vmem>>, vector<1x8x1xi32>
    %swap3A_7 = vector.shape_cast %swap3A_6 : vector<1x8x1xi32> to vector<8x1xi32>
    %swap3A_8 = vector.shape_cast %get3A_3 : vector<8x1xi32> to vector<1x8x1xi32>
    tpu.vector_store %arg4[%swap3A, %swap3A_4, %swap3A_5], %swap3A_8 {strides = array<i32>} : memref<4x8x1xi32, #tpu.memory_space<vmem>>, vector<1x8x1xi32>,
    %get3A_9 = arith.constant 0 : index
    %get3A_10 = arith.constant 0 : index
    %get3A_11 = arith.constant 0 : index
    %get3A_12 = vector.load %arg7[%get3A_9, %get3A_10, %get3A_11] : memref<3x8x1xf32, #tpu.memory_space<vmem>>, vector<1x8x1xf32>
    %get3A_13 = vector.shape_cast %get3A_12 : vector<1x8x1xf32> to vector<8x1xf32>
    %get3A_14 = arith.constant 1 : index
    %get3A_15 = arith.constant 0 : index
    %get3A_16 = arith.constant 0 : index
    %get3A_17 = vector.load %arg7[%get3A_14, %get3A_15, %get3A_16] : memref<3x8x1xf32, #tpu.memory_space<vmem>>, vector<1x8x1xf32>
    %get3A_18 = vector.shape_cast %get3A_17 : vector<1x8x1xf32> to vector<8x1xf32>
    %get3A_19 = arith.constant 2 : index
    %get3A_20 = arith.constant 0 : index
    %get3A_21 = arith.constant 0 : index
    %get3A_22 = vector.load %arg7[%get3A_19, %get3A_20, %get3A_21] : memref<3x8x1xf32, #tpu.memory_space<vmem>>, vector<1x8x1xf32>
    %get3A_23 = vector.shape_cast %get3A_22 : vector<1x8x1xf32> to vector<8x1xf32>
    %get3A_24 = arith.constant 0 : index
    %get3A_25 = arith.constant 0 : index
    %get3A_26 = arith.constant 0 : index
    %get3A_27 = vector.load %arg1[%get3A_24, %get3A_25, %get3A_26] : memref<3x8x16384xf32, #tpu.memory_space<vmem>>, vector<1x8x512xf32>
    %get3A_28 = vector.shape_cast %get3A_27 : vector<1x8x512xf32> to vector<8x512xf32>
    %get3A_29 = arith.constant 1 : index
    %get3A_30 = arith.constant 0 : index
    %get3A_31 = arith.constant 0 : index
    %get3A_32 = vector.load %arg1[%get3A_29, %get3A_30, %get3A_31] : memref<3x8x16384xf32, #tpu.memory_space<vmem>>, vector<1x8x512xf32>
    %get3A_33 = vector.shape_cast %get3A_32 : vector<1x8x512xf32> to vector<8x512xf32>
    %get3A_34 = arith.constant 2 : index
    %get3A_35 = arith.constant 0 : index
    %get3A_36 = arith.constant 0 : index
    %get3A_37 = vector.load %arg1[%get3A_34, %get3A_35, %get3A_36] : memref<3x8x16384xf32, #tpu.memory_space<vmem>>, vector<1x8x512xf32>
    %get3A_38 = vector.shape_cast %get3A_37 : vector<1x8x512xf32> to vector<8x512xf32>
    %sub3A = vector.broadcast %get3A_13 : vector<8x1xf32> to vector<8x512xf32>
    %sub3A_39 = arith.subf %get3A_28, %sub3A : vector<8x512xf32>
    %sub3A_40 = vector.broadcast %get3A_18 : vector<8x1xf32> to vector<8x512xf32>
    %sub3A_41 = arith.subf %get3A_33, %sub3A_40 : vector<8x512xf32>
    %sub3A_42 = vector.broadcast %get3A_23 : vector<8x1xf32> to vector<8x512xf32>
    %sub3A_43 = arith.subf %get3A_38, %sub3A_42 : vector<8x512xf32>
    %mul3A = arith.mulf %sub3A_39, %sub3A_39 : vector<8x512xf32>
    %mul3A_44 = arith.mulf %sub3A_43, %sub3A_43 : vector<8x512xf32>
    %add3A = arith.addf %mul3A, %mul3A_44 : vector<8x512xf32>
    %mul3A_45 = arith.mulf %sub3A_41, %sub3A_41 : vector<8x512xf32>
    %add3A_46 = arith.addf %add3A, %mul3A_45 : vector<8x512xf32>
    %get3A_47 = arith.constant 0 : index
    %get3A_48 = arith.constant 0 : index
    %get3A_49 = vector.load %arg5[%get3A_47, %get3A_48] : memref<8x16384xf32, #tpu.memory_space<vmem>>, vector<8x512xf32>
    %min3A = arith.minimumf %get3A_49, %add3A_46 : vector<8x512xf32>
    %swap3A_50 = arith.constant 0 : index
    %swap3A_51 = arith.constant 0 : index
    %swap3A_52 = vector.load %arg5[%swap3A_50, %swap3A_51] : memref<8x16384xf32, #tpu.memory_space<vmem>>, vector<8x512xf32>
    tpu.vector_store %arg5[%swap3A_50, %swap3A_51], %min3A {strides = array<i32>} : memref<8x16384xf32, #tpu.memory_space<vmem>>, vector<8x512xf32>,
    %get3A_53 = arith.constant 0 : index
    %get3A_54 = arith.constant 0 : index
    %get3A_55 = arith.constant 512 : index
    %get3A_56 = vector.load %arg1[%get3A_53, %get3A_54, %get3A_55] : memref<3x8x16384xf32, #tpu.memory_space<vmem>>, vector<1x8x512xf32>
    %get3A_57 = vector.shape_cast %get3A_56 : vector<1x8x512xf32> to vector<8x512xf32>
    %get3A_58 = arith.constant 1 : index
    %get3A_59 = arith.constant 0 : index
    %get3A_60 = arith.constant 512 : index
    %get3A_61 = vector.load %arg1[%get3A_58, %get3A_59, %get3A_60] : memref<3x8x16384xf32, #tpu.memory_space<vmem>>, vector<1x8x512xf32>
    %get3A_62 = vector.shape_cast %get3A_61 : vector<1x8x512xf32> to vector<8x512xf32>
    %get3A_63 = arith.constant 2 : index
    %get3A_64 = arith.constant 0 : index
    %get3A_65 = arith.constant 512 : index
    %get3A_66 = vector.load %arg1[%get3A_63, %get3A_64, %get3A_65] : memref<3x8x16384xf32, #tpu.memory_space<vmem>>, vector<1x8x512xf32>
    %get3A_67 = vector.shape_cast %get3A_66 : vector<1x8x512xf32> to vector<8x512xf32>
    %sub3A_68 = vector.broadcast %get3A_13 : vector<8x1xf32> to vector<8x512xf32>
    %sub3A_69 = arith.subf %get3A_57, %sub3A_68 : vector<8x512xf32>
    %sub3A_70 = vector.broadcast %get3A_18 : vector<8x1xf32> to vector<8x512xf32>
    %sub3A_71 = arith.subf %get3A_62, %sub3A_70 : vector<8x512xf32>
    %sub3A_72 = vector.broadcast %get3A_23 : vector<8x1xf32> to vector<8x512xf32>
    %sub3A_73 = arith.subf %get3A_67, %sub3A_72 : vector<8x512xf32>
    %mul3A_74 = arith.mulf %sub3A_69, %sub3A_69 : vector<8x512xf32>
    %mul3A_75 = arith.mulf %sub3A_73, %sub3A_73 : vector<8x512xf32>
    %add3A_76 = arith.addf %mul3A_74, %mul3A_75 : vector<8x512xf32>
    %mul3A_77 = arith.mulf %sub3A_71, %sub3A_71 : vector<8x512xf32>
    %add3A_78 = arith.addf %add3A_76, %mul3A_77 : vector<8x512xf32>
    %get3A_79 = arith.constant 0 : index
    %get3A_80 = arith.constant 512 : index
    %get3A_81 = vector.load %arg5[%get3A_79, %get3A_80] : memref<8x16384xf32, #tpu.memory_space<vmem>>, vector<8x512xf32>
    %min3A_82 = arith.minimumf %get3A_81, %add3A_78 : vector<8x512xf32>
    %swap3A_83 = arith.constant 0 : index
    %swap3A_84 = arith.constant 512 : index
    %swap3A_85 = vector.load %arg5[%swap3A_83, %swap3A_84] : memref<8x16384xf32, #tpu.memory_space<vmem>>, vector<8x512xf32>
    tpu.vector_store %arg5[%swap3A_83, %swap3A_84], %min3A_82 {strides = array<i32>} : memref<8x16384xf32, #tpu.memory_space<vmem>>, vector<8x512xf32>,
    %add3A_86 = arith.constant 512 : i32
    %add3A_87 = vector.broadcast %add3A_86 : i32 to vector<8x512xi32>
    %add3A_88 = arith.addi %iota3A, %add3A_87 : vector<8x512xi32>
    %gt3A = arith.cmpf ogt, %min3A_82, %min3A : vector<8x512xf32>
    %select_n3A = arith.select %gt3A, %min3A_82, %min3A : vector<8x512xi1>, vector<8x512xf32>
    %select_n3A_89 = arith.select %gt3A, %add3A_88, %iota3A : vector<8x512xi1>, vector<8x512xi32>
    %select_n3A_90 = arith.select %gt3A, %get3A_57, %get3A_28 : vector<8x512xi1>, vector<8x512xf32>
    %select_n3A_91 = arith.select %gt3A, %get3A_62, %get3A_33 : vector<8x512xi1>, vector<8x512xf32>
    %select_n3A_92 = arith.select %gt3A, %get3A_67, %get3A_38 : vector<8x512xi1>, vector<8x512xf32>
    %get3A_93 = arith.constant 0 : index
    %get3A_94 = arith.constant 0 : index
    %get3A_95 = arith.constant 1024 : index
    %get3A_96 = vector.load %arg1[%get3A_93, %get3A_94, %get3A_95] : memref<3x8x16384xf32, #tpu.memory_space<vmem>>, vector<1x8x512xf32>
    %get3A_97 = vector.shape_cast %get3A_96 : vector<1x8x512xf32> to vector<8x512xf32>
    %get3A_98 = arith.constant 1 : index
    %get3A_99 = arith.constant 0 : index
    %get3A_100 = arith.constant 1024 : index
    %get3A_101 = vector.load %arg1[%get3A_98, %get3A_99, %get3A_100] : memref<3x8x16384xf32, #tpu.memory_space<vmem>>, vector<1x8x512xf32>
    %get3A_102 = vector.shape_cast %get3A_101 : vector<1x8x512xf32> to vector<8x512xf32>
    %get3A_103 = arith.constant 2 : index
    %get3A_104 = arith.constant 0 : index
    %get3A_105 = arith.constant 1024 : index
    %get3A_106 = vector.load %arg1[%get3A_103, %get3A_104, %get3A_105] : memref<3x8x16384xf32, #tpu.memory_space<vmem>>, vector<1x8x512xf32>
    %get3A_107 = vector.shape_cast %get3A_106 : vector<1x8x512xf32> to vector<8x512xf32>
    %sub3A_108 = vector.broadcast %get3A_13 : vector<8x1xf32> to vector<8x512xf32>
    %sub3A_109 = arith.subf %get3A_97, %sub3A_108 : vector<8x512xf32>
    %sub3A_110 = vector.broadcast %get3A_18 : vector<8x1xf32> to vector<8x512xf32>
    %sub3A_111 = arith.subf %get3A_102, %sub3A_110 : vector<8x512xf32>
    %sub3A_112 = vector.broadcast %get3A_23 : vector<8x1xf32> to vector<8x512xf32>
    %sub3A_113 = arith.subf %get3A_107, %sub3A_112 : vector<8x512xf32>
    %mul3A_114 = arith.mulf %sub3A_109, %sub3A_109 : vector<8x512xf32>
    %mul3A_115 = arith.mulf %sub3A_113, %sub3A_113 : vector<8x512xf32>
    %add3A_116 = arith.addf %mul3A_114, %mul3A_115 : vector<8x512xf32>
    %mul3A_117 = arith.mulf %sub3A_111, %sub3A_111 : vector<8x512xf32>
    %add3A_118 = arith.addf %add3A_116, %mul3A_117 : vector<8x512xf32>
    %get3A_119 = arith.constant 0 : index
    %get3A_120 = arith.constant 1024 : index
    %get3A_121 = vector.load %arg5[%get3A_119, %get3A_120] : memref<8x16384xf32, #tpu.memory_space<vmem>>, vector<8x512xf32>
    %min3A_122 = arith.minimumf %get3A_121, %add3A_118 : vector<8x512xf32>
    %swap3A_123 = arith.constant 0 : index
    %swap3A_124 = arith.constant 1024 : index
    %swap3A_125 = vector.load %arg5[%swap3A_123, %swap3A_124] : memref<8x16384xf32, #tpu.memory_space<vmem>>, vector<8x512xf32>
    tpu.vector_store %arg5[%swap3A_123, %swap3A_124], %min3A_122 {strides = array<i32>} : memref<8x16384xf32, #tpu.memory_space<vmem>>, vector<8x512xf32>,
    %add3A_126 = arith.constant 1024 : i32
    %add3A_127 = vector.broadcast %add3A_126 : i32 to vector<8x512xi32>
    %add3A_128 = arith.addi %iota3A, %add3A_127 : vector<8x512xi32>
    %gt3A_129 = arith.cmpf ogt, %min3A_122, %select_n3A : vector<8x512xf32>
    %select_n3A_130 = arith.select %gt3A_129, %min3A_122, %select_n3A : vector<8x512xi1>, vector<8x512xf32>
    %select_n3A_131 = arith.select %gt3A_129, %add3A_128, %select_n3A_89 : vector<8x512xi1>, vector<8x512xi32>
    %select_n3A_132 = arith.select %gt3A_129, %get3A_97, %select_n3A_90 : vector<8x512xi1>, vector<8x512xf32>
    %select_n3A_133 = arith.select %gt3A_129, %get3A_102, %select_n3A_91 : vector<8x512xi1>, vector<8x512xf32>
    %select_n3A_134 = arith.select %gt3A_129, %get3A_107, %select_n3A_92 : vector<8x512xi1>, vector<8x512xf32>
    %get3A_135 = arith.constant 0 : index
    %get3A_136 = arith.constant 0 : index
    %get3A_137 = arith.constant 1536 : index
    %get3A_138 = vector.load %arg1[%get3A_135, %get3A_136, %get3A_137] : memref<3x8x16384xf32, #tpu.memory_space<vmem>>, vector<1x8x512xf32>
    %get3A_139 = vector.shape_cast %get3A_138 : vector<1x8x512xf32> to vector<8x512xf32>
    %get3A_140 = arith.constant 1 : index
    %get3A_141 = arith.constant 0 : index
    %get3A_142 = arith.constant 1536 : index
    %get3A_143 = vector.load %arg1[%get3A_140, %get3A_141, %get3A_142] : memref<3x8x16384xf32, #tpu.memory_space<vmem>>, vector<1x8x512xf32>
    %get3A_144 = vector.shape_cast %get3A_143 : vector<1x8x512xf32> to vector<8x512xf32>
    %get3A_145 = arith.constant 2 : index
    %get3A_146 = arith.constant 0 : index
    %get3A_147 = arith.constant 1536 : index
    %get3A_148 = vector.load %arg1[%get3A_145, %get3A_146, %get3A_147] : memref<3x8x16384xf32, #tpu.memory_space<vmem>>, vector<1x8x512xf32>
    %get3A_149 = vector.shape_cast %get3A_148 : vector<1x8x512xf32> to vector<8x512xf32>
    %sub3A_150 = vector.broadcast %get3A_13 : vector<8x1xf32> to vector<8x512xf32>
    %sub3A_151 = arith.subf %get3A_139, %sub3A_150 : vector<8x512xf32>
    %sub3A_152 = vector.broadcast %get3A_18 : vector<8x1xf32> to vector<8x512xf32>
    %sub3A_153 = arith.subf %get3A_144, %sub3A_152 : vector<8x512xf32>
    %sub3A_154 = vector.broadcast %get3A_23 : vector<8x1xf32> to vector<8x512xf32>
    %sub3A_155 = arith.subf %get3A_149, %sub3A_154 : vector<8x512xf32>
    %mul3A_156 = arith.mulf %sub3A_151, %sub3A_151 : vector<8x512xf32>
    %mul3A_157 = arith.mulf %sub3A_155, %sub3A_155 : vector<8x512xf32>
    %add3A_158 = arith.addf %mul3A_156, %mul3A_157 : vector<8x512xf32>
    %mul3A_159 = arith.mulf %sub3A_153, %sub3A_153 : vector<8x512xf32>
    %add3A_160 = arith.addf %add3A_158, %mul3A_159 : vector<8x512xf32>
    %get3A_161 = arith.constant 0 : index
    %get3A_162 = arith.constant 1536 : index
    %get3A_163 = vector.load %arg5[%get3A_161, %get3A_162] : memref<8x16384xf32, #tpu.memory_space<vmem>>, vector<8x512xf32>
    %min3A_164 = arith.minimumf %get3A_163, %add3A_160 : vector<8x512xf32>
    %swap3A_165 = arith.constant 0 : index
    %swap3A_166 = arith.constant 1536 : index
    %swap3A_167 = vector.load %arg5[%swap3A_165, %swap3A_166] : memref<8x16384xf32, #tpu.memory_space<vmem>>, vector<8x512xf32>
    tpu.vector_store %arg5[%swap3A_165, %swap3A_166], %min3A_164 {strides = array<i32>} : memref<8x16384xf32, #tpu.memory_space<vmem>>, vector<8x512xf32>,
    %add3A_168 = arith.constant 1536 : i32
    %add3A_169 = vector.broadcast %add3A_168 : i32 to vector<8x512xi32>
    %add3A_170 = arith.addi %iota3A, %add3A_169 : vector<8x512xi32>
    %gt3A_171 = arith.cmpf ogt, %min3A_164, %select_n3A_130 : vector<8x512xf32>
    %select_n3A_172 = arith.select %gt3A_171, %min3A_164, %select_n3A_130 : vector<8x512xi1>, vector<8x512xf32>
    %select_n3A_173 = arith.select %gt3A_171, %add3A_170, %select_n3A_131 : vector<8x512xi1>, vector<8x512xi32>
    %select_n3A_174 = arith.select %gt3A_171, %get3A_139, %select_n3A_132 : vector<8x512xi1>, vector<8x512xf32>
    %select_n3A_175 = arith.select %gt3A_171, %get3A_144, %select_n3A_133 : vector<8x512xi1>, vector<8x512xf32>
    %select_n3A_176 = arith.select %gt3A_171, %get3A_149, %select_n3A_134 : vector<8x512xi1>, vector<8x512xf32>
    %get3A_177 = arith.constant 0 : index
    %get3A_178 = arith.constant 0 : index
    %get3A_179 = arith.constant 2048 : index
    %get3A_180 = vector.load %arg1[%get3A_177, %get3A_178, %get3A_179] : memref<3x8x16384xf32, #tpu.memory_space<vmem>>, vector<1x8x512xf32>
    %get3A_181 = vector.shape_cast %get3A_180 : vector<1x8x512xf32> to vector<8x512xf32>
    %get3A_182 = arith.constant 1 : index
    %get3A_183 = arith.constant 0 : index
    %get3A_184 = arith.constant 2048 : index
    %get3A_185 = vector.load %arg1[%get3A_182, %get3A_183, %get3A_184] : memref<3x8x16384xf32, #tpu.memory_space<vmem>>, vector<1x8x512xf32>
    %get3A_186 = vector.shape_cast %get3A_185 : vector<1x8x512xf32> to vector<8x512xf32>
    %get3A_187 = arith.constant 2 : index
    %get3A_188 = arith.constant 0 : index
    %get3A_189 = arith.constant 2048 : index
    %get3A_190 = vector.load %arg1[%get3A_187, %get3A_188, %get3A_189] : memref<3x8x16384xf32, #tpu.memory_space<vmem>>, vector<1x8x512xf32>
    %get3A_191 = vector.shape_cast %get3A_190 : vector<1x8x512xf32> to vector<8x512xf32>
    %sub3A_192 = vector.broadcast %get3A_13 : vector<8x1xf32> to vector<8x512xf32>
    %sub3A_193 = arith.subf %get3A_181, %sub3A_192 : vector<8x512xf32>
    %sub3A_194 = vector.broadcast %get3A_18 : vector<8x1xf32> to vector<8x512xf32>
    %sub3A_195 = arith.subf %get3A_186, %sub3A_194 : vector<8x512xf32>
    %sub3A_196 = vector.broadcast %get3A_23 : vector<8x1xf32> to vector<8x512xf32>
    %sub3A_197 = arith.subf %get3A_191, %sub3A_196 : vector<8x512xf32>
    %mul3A_198 = arith.mulf %sub3A_193, %sub3A_193 : vector<8x512xf32>
    %mul3A_199 = arith.mulf %sub3A_197, %sub3A_197 : vector<8x512xf32>
    %add3A_200 = arith.addf %mul3A_198, %mul3A_199 : vector<8x512xf32>
    %mul3A_201 = arith.mulf %sub3A_195, %sub3A_195 : vector<8x512xf32>
    %add3A_202 = arith.addf %add3A_200, %mul3A_201 : vector<8x512xf32>
    %get3A_203 = arith.constant 0 : index
    %get3A_204 = arith.constant 2048 : index
    %get3A_205 = vector.load %arg5[%get3A_203, %get3A_204] : memref<8x16384xf32, #tpu.memory_space<vmem>>, vector<8x512xf32>
    %min3A_206 = arith.minimumf %get3A_205, %add3A_202 : vector<8x512xf32>
    %swap3A_207 = arith.constant 0 : index
    %swap3A_208 = arith.constant 2048 : index
    %swap3A_209 = vector.load %arg5[%swap3A_207, %swap3A_208] : memref<8x16384xf32, #tpu.memory_space<vmem>>, vector<8x512xf32>
    tpu.vector_store %arg5[%swap3A_207, %swap3A_208], %min3A_206 {strides = array<i32>} : memref<8x16384xf32, #tpu.memory_space<vmem>>, vector<8x512xf32>,
    %add3A_210 = arith.constant 2048 : i32
    %add3A_211 = vector.broadcast %add3A_210 : i32 to vector<8x512xi32>
    %add3A_212 = arith.addi %iota3A, %add3A_211 : vector<8x512xi32>
    %gt3A_213 = arith.cmpf ogt, %min3A_206, %select_n3A_172 : vector<8x512xf32>
    %select_n3A_214 = arith.select %gt3A_213, %min3A_206, %select_n3A_172 : vector<8x512xi1>, vector<8x512xf32>
    %select_n3A_215 = arith.select %gt3A_213, %add3A_212, %select_n3A_173 : vector<8x512xi1>, vector<8x512xi32>
    %select_n3A_216 = arith.select %gt3A_213, %get3A_181, %select_n3A_174 : vector<8x512xi1>, vector<8x512xf32>
    %select_n3A_217 = arith.select %gt3A_213, %get3A_186, %select_n3A_175 : vector<8x512xi1>, vector<8x512xf32>
    %select_n3A_218 = arith.select %gt3A_213, %get3A_191, %select_n3A_176 : vector<8x512xi1>, vector<8x512xf32>
    %get3A_219 = arith.constant 0 : index
    %get3A_220 = arith.constant 0 : index
    %get3A_221 = arith.constant 2560 : index
    %get3A_222 = vector.load %arg1[%get3A_219, %get3A_220, %get3A_221] : memref<3x8x16384xf32, #tpu.memory_space<vmem>>, vector<1x8x512xf32>
    %get3A_223 = vector.shape_cast %get3A_222 : vector<1x8x512xf32> to vector<8x512xf32>
    %get3A_224 = arith.constant 1 : index
    %get3A_225 = arith.constant 0 : index
    %get3A_226 = arith.constant 2560 : index
    %get3A_227 = vector.load %arg1[%get3A_224, %get3A_225, %get3A_226] : memref<3x8x16384xf32, #tpu.memory_space<vmem>>, vector<1x8x512xf32>
    %get3A_228 = vector.shape_cast %get3A_227 : vector<1x8x512xf32> to vector<8x512xf32>
    %get3A_229 = arith.constant 2 : index
    %get3A_230 = arith.constant 0 : index
    %get3A_231 = arith.constant 2560 : index
    %get3A_232 = vector.load %arg1[%get3A_229, %get3A_230, %get3A_231] : memref<3x8x16384xf32, #tpu.memory_space<vmem>>, vector<1x8x512xf32>
    %get3A_233 = vector.shape_cast %get3A_232 : vector<1x8x512xf32> to vector<8x512xf32>
    %sub3A_234 = vector.broadcast %get3A_13 : vector<8x1xf32> to vector<8x512xf32>
    %sub3A_235 = arith.subf %get3A_223, %sub3A_234 : vector<8x512xf32>
    %sub3A_236 = vector.broadcast %get3A_18 : vector<8x1xf32> to vector<8x512xf32>
    %sub3A_237 = arith.subf %get3A_228, %sub3A_236 : vector<8x512xf32>
    %sub3A_238 = vector.broadcast %get3A_23 : vector<8x1xf32> to vector<8x512xf32>
    %sub3A_239 = arith.subf %get3A_233, %sub3A_238 : vector<8x512xf32>
    %mul3A_240 = arith.mulf %sub3A_235, %sub3A_235 : vector<8x512xf32>
    %mul3A_241 = arith.mulf %sub3A_239, %sub3A_239 : vector<8x512xf32>
    %add3A_242 = arith.addf %mul3A_240, %mul3A_241 : vector<8x512xf32>
    %mul3A_243 = arith.mulf %sub3A_237, %sub3A_237 : vector<8x512xf32>
    %add3A_244 = arith.addf %add3A_242, %mul3A_243 : vector<8x512xf32>
    %get3A_245 = arith.constant 0 : index
    %get3A_246 = arith.constant 2560 : index
    %get3A_247 = vector.load %arg5[%get3A_245, %get3A_246] : memref<8x16384xf32, #tpu.memory_space<vmem>>, vector<8x512xf32>
    %min3A_248 = arith.minimumf %get3A_247, %add3A_244 : vector<8x512xf32>
    %swap3A_249 = arith.constant 0 : index
    %swap3A_250 = arith.constant 2560 : index
    %swap3A_251 = vector.load %arg5[%swap3A_249, %swap3A_250] : memref<8x16384xf32, #tpu.memory_space<vmem>>, vector<8x512xf32>
    tpu.vector_store %arg5[%swap3A_249, %swap3A_250], %min3A_248 {strides = array<i32>} : memref<8x16384xf32, #tpu.memory_space<vmem>>, vector<8x512xf32>,
    %add3A_252 = arith.constant 2560 : i32
    %add3A_253 = vector.broadcast %add3A_252 : i32 to vector<8x512xi32>
    %add3A_254 = arith.addi %iota3A, %add3A_253 : vector<8x512xi32>
    %gt3A_255 = arith.cmpf ogt, %min3A_248, %select_n3A_214 : vector<8x512xf32>
    %select_n3A_256 = arith.select %gt3A_255, %min3A_248, %select_n3A_214 : vector<8x512xi1>, vector<8x512xf32>
    %select_n3A_257 = arith.select %gt3A_255, %add3A_254, %select_n3A_215 : vector<8x512xi1>, vector<8x512xi32>
    %select_n3A_258 = arith.select %gt3A_255, %get3A_223, %select_n3A_216 : vector<8x512xi1>, vector<8x512xf32>
    %select_n3A_259 = arith.select %gt3A_255, %get3A_228, %select_n3A_217 : vector<8x512xi1>, vector<8x512xf32>
    %select_n3A_260 = arith.select %gt3A_255, %get3A_233, %select_n3A_218 : vector<8x512xi1>, vector<8x512xf32>
    %get3A_261 = arith.constant 0 : index
    %get3A_262 = arith.constant 0 : index
    %get3A_263 = arith.constant 3072 : index
    %get3A_264 = vector.load %arg1[%get3A_261, %get3A_262, %get3A_263] : memref<3x8x16384xf32, #tpu.memory_space<vmem>>, vector<1x8x512xf32>
    %get3A_265 = vector.shape_cast %get3A_264 : vector<1x8x512xf32> to vector<8x512xf32>
    %get3A_266 = arith.constant 1 : index
    %get3A_267 = arith.constant 0 : index
    %get3A_268 = arith.constant 3072 : index
    %get3A_269 = vector.load %arg1[%get3A_266, %get3A_267, %get3A_268] : memref<3x8x16384xf32, #tpu.memory_space<vmem>>, vector<1x8x512xf32>
    %get3A_270 = vector.shape_cast %get3A_269 : vector<1x8x512xf32> to vector<8x512xf32>
    %get3A_271 = arith.constant 2 : index
    %get3A_272 = arith.constant 0 : index
    %get3A_273 = arith.constant 3072 : index
    %get3A_274 = vector.load %arg1[%get3A_271, %get3A_272, %get3A_273] : memref<3x8x16384xf32, #tpu.memory_space<vmem>>, vector<1x8x512xf32>
    %get3A_275 = vector.shape_cast %get3A_274 : vector<1x8x512xf32> to vector<8x512xf32>
    %sub3A_276 = vector.broadcast %get3A_13 : vector<8x1xf32> to vector<8x512xf32>
    %sub3A_277 = arith.subf %get3A_265, %sub3A_276 : vector<8x512xf32>
    %sub3A_278 = vector.broadcast %get3A_18 : vector<8x1xf32> to vector<8x512xf32>
    %sub3A_279 = arith.subf %get3A_270, %sub3A_278 : vector<8x512xf32>
    %sub3A_280 = vector.broadcast %get3A_23 : vector<8x1xf32> to vector<8x512xf32>
    %sub3A_281 = arith.subf %get3A_275, %sub3A_280 : vector<8x512xf32>
    %mul3A_282 = arith.mulf %sub3A_277, %sub3A_277 : vector<8x512xf32>
    %mul3A_283 = arith.mulf %sub3A_281, %sub3A_281 : vector<8x512xf32>
    %add3A_284 = arith.addf %mul3A_282, %mul3A_283 : vector<8x512xf32>
    %mul3A_285 = arith.mulf %sub3A_279, %sub3A_279 : vector<8x512xf32>
    %add3A_286 = arith.addf %add3A_284, %mul3A_285 : vector<8x512xf32>
    %get3A_287 = arith.constant 0 : index
    %get3A_288 = arith.constant 3072 : index
    %get3A_289 = vector.load %arg5[%get3A_287, %get3A_288] : memref<8x16384xf32, #tpu.memory_space<vmem>>, vector<8x512xf32>
    %min3A_290 = arith.minimumf %get3A_289, %add3A_286 : vector<8x512xf32>
    %swap3A_291 = arith.constant 0 : index
    %swap3A_292 = arith.constant 3072 : index
    %swap3A_293 = vector.load %arg5[%swap3A_291, %swap3A_292] : memref<8x16384xf32, #tpu.memory_space<vmem>>, vector<8x512xf32>
    tpu.vector_store %arg5[%swap3A_291, %swap3A_292], %min3A_290 {strides = array<i32>} : memref<8x16384xf32, #tpu.memory_space<vmem>>, vector<8x512xf32>,
    %add3A_294 = arith.constant 3072 : i32
    %add3A_295 = vector.broadcast %add3A_294 : i32 to vector<8x512xi32>
    %add3A_296 = arith.addi %iota3A, %add3A_295 : vector<8x512xi32>
    %gt3A_297 = arith.cmpf ogt, %min3A_290, %select_n3A_256 : vector<8x512xf32>
    %select_n3A_298 = arith.select %gt3A_297, %min3A_290, %select_n3A_256 : vector<8x512xi1>, vector<8x512xf32>
    %select_n3A_299 = arith.select %gt3A_297, %add3A_296, %select_n3A_257 : vector<8x512xi1>, vector<8x512xi32>
    %select_n3A_300 = arith.select %gt3A_297, %get3A_265, %select_n3A_258 : vector<8x512xi1>, vector<8x512xf32>
    %select_n3A_301 = arith.select %gt3A_297, %get3A_270, %select_n3A_259 : vector<8x512xi1>, vector<8x512xf32>
    %select_n3A_302 = arith.select %gt3A_297, %get3A_275, %select_n3A_260 : vector<8x512xi1>, vector<8x512xf32>
    %get3A_303 = arith.constant 0 : index
    %get3A_304 = arith.constant 0 : index
    %get3A_305 = arith.constant 3584 : index
    %get3A_306 = vector.load %arg1[%get3A_303, %get3A_304, %get3A_305] : memref<3x8x16384xf32, #tpu.memory_space<vmem>>, vector<1x8x512xf32>
    %get3A_307 = vector.shape_cast %get3A_306 : vector<1x8x512xf32> to vector<8x512xf32>
    %get3A_308 = arith.constant 1 : index
    %get3A_309 = arith.constant 0 : index
    %get3A_310 = arith.constant 3584 : index
    %get3A_311 = vector.load %arg1[%get3A_308, %get3A_309, %get3A_310] : memref<3x8x16384xf32, #tpu.memory_space<vmem>>, vector<1x8x512xf32>
    %get3A_312 = vector.shape_cast %get3A_311 : vector<1x8x512xf32> to vector<8x512xf32>
    %get3A_313 = arith.constant 2 : index
    %get3A_314 = arith.constant 0 : index
    %get3A_315 = arith.constant 3584 : index
    %get3A_316 = vector.load %arg1[%get3A_313, %get3A_314, %get3A_315] : memref<3x8x16384xf32, #tpu.memory_space<vmem>>, vector<1x8x512xf32>
    %get3A_317 = vector.shape_cast %get3A_316 : vector<1x8x512xf32> to vector<8x512xf32>
    %sub3A_318 = vector.broadcast %get3A_13 : vector<8x1xf32> to vector<8x512xf32>
    %sub3A_319 = arith.subf %get3A_307, %sub3A_318 : vector<8x512xf32>
    %sub3A_320 = vector.broadcast %get3A_18 : vector<8x1xf32> to vector<8x512xf32>
    %sub3A_321 = arith.subf %get3A_312, %sub3A_320 : vector<8x512xf32>
    %sub3A_322 = vector.broadcast %get3A_23 : vector<8x1xf32> to vector<8x512xf32>
    %sub3A_323 = arith.subf %get3A_317, %sub3A_322 : vector<8x512xf32>
    %mul3A_324 = arith.mulf %sub3A_319, %sub3A_319 : vector<8x512xf32>
    %mul3A_325 = arith.mulf %sub3A_323, %sub3A_323 : vector<8x512xf32>
    %add3A_326 = arith.addf %mul3A_324, %mul3A_325 : vector<8x512xf32>
    %mul3A_327 = arith.mulf %sub3A_321, %sub3A_321 : vector<8x512xf32>
    %add3A_328 = arith.addf %add3A_326, %mul3A_327 : vector<8x512xf32>
    %get3A_329 = arith.constant 0 : index
    %get3A_330 = arith.constant 3584 : index
    %get3A_331 = vector.load %arg5[%get3A_329, %get3A_330] : memref<8x16384xf32, #tpu.memory_space<vmem>>, vector<8x512xf32>
    %min3A_332 = arith.minimumf %get3A_331, %add3A_328 : vector<8x512xf32>
    %swap3A_333 = arith.constant 0 : index
    %swap3A_334 = arith.constant 3584 : index
    %swap3A_335 = vector.load %arg5[%swap3A_333, %swap3A_334] : memref<8x16384xf32, #tpu.memory_space<vmem>>, vector<8x512xf32>
    tpu.vector_store %arg5[%swap3A_333, %swap3A_334], %min3A_332 {strides = array<i32>} : memref<8x16384xf32, #tpu.memory_space<vmem>>, vector<8x512xf32>,
    %add3A_336 = arith.constant 3584 : i32
    %add3A_337 = vector.broadcast %add3A_336 : i32 to vector<8x512xi32>
    %add3A_338 = arith.addi %iota3A, %add3A_337 : vector<8x512xi32>
    %gt3A_339 = arith.cmpf ogt, %min3A_332, %select_n3A_298 : vector<8x512xf32>
    %select_n3A_340 = arith.select %gt3A_339, %min3A_332, %select_n3A_298 : vector<8x512xi1>, vector<8x512xf32>
    %select_n3A_341 = arith.select %gt3A_339, %add3A_338, %select_n3A_299 : vector<8x512xi1>, vector<8x512xi32>
    %select_n3A_342 = arith.select %gt3A_339, %get3A_307, %select_n3A_300 : vector<8x512xi1>, vector<8x512xf32>
    %select_n3A_343 = arith.select %gt3A_339, %get3A_312, %select_n3A_301 : vector<8x512xi1>, vector<8x512xf32>
    %select_n3A_344 = arith.select %gt3A_339, %get3A_317, %select_n3A_302 : vector<8x512xi1>, vector<8x512xf32>
    %get3A_345 = arith.constant 0 : index
    %get3A_346 = arith.constant 0 : index
    %get3A_347 = arith.constant 4096 : index
    %get3A_348 = vector.load %arg1[%get3A_345, %get3A_346, %get3A_347] : memref<3x8x16384xf32, #tpu.memory_space<vmem>>, vector<1x8x512xf32>
    %get3A_349 = vector.shape_cast %get3A_348 : vector<1x8x512xf32> to vector<8x512xf32>
    %get3A_350 = arith.constant 1 : index
    %get3A_351 = arith.constant 0 : index
    %get3A_352 = arith.constant 4096 : index
    %get3A_353 = vector.load %arg1[%get3A_350, %get3A_351, %get3A_352] : memref<3x8x16384xf32, #tpu.memory_space<vmem>>, vector<1x8x512xf32>
    %get3A_354 = vector.shape_cast %get3A_353 : vector<1x8x512xf32> to vector<8x512xf32>
    %get3A_355 = arith.constant 2 : index
    %get3A_356 = arith.constant 0 : index
    %get3A_357 = arith.constant 4096 : index
    %get3A_358 = vector.load %arg1[%get3A_355, %get3A_356, %get3A_357] : memref<3x8x16384xf32, #tpu.memory_space<vmem>>, vector<1x8x512xf32>
    %get3A_359 = vector.shape_cast %get3A_358 : vector<1x8x512xf32> to vector<8x512xf32>
    %sub3A_360 = vector.broadcast %get3A_13 : vector<8x1xf32> to vector<8x512xf32>
    %sub3A_361 = arith.subf %get3A_349, %sub3A_360 : vector<8x512xf32>
    %sub3A_362 = vector.broadcast %get3A_18 : vector<8x1xf32> to vector<8x512xf32>
    %sub3A_363 = arith.subf %get3A_354, %sub3A_362 : vector<8x512xf32>
    %sub3A_364 = vector.broadcast %get3A_23 : vector<8x1xf32> to vector<8x512xf32>
    %sub3A_365 = arith.subf %get3A_359, %sub3A_364 : vector<8x512xf32>
    %mul3A_366 = arith.mulf %sub3A_361, %sub3A_361 : vector<8x512xf32>
    %mul3A_367 = arith.mulf %sub3A_365, %sub3A_365 : vector<8x512xf32>
    %add3A_368 = arith.addf %mul3A_366, %mul3A_367 : vector<8x512xf32>
    %mul3A_369 = arith.mulf %sub3A_363, %sub3A_363 : vector<8x512xf32>
    %add3A_370 = arith.addf %add3A_368, %mul3A_369 : vector<8x512xf32>
    %get3A_371 = arith.constant 0 : index
    %get3A_372 = arith.constant 4096 : index
    %get3A_373 = vector.load %arg5[%get3A_371, %get3A_372] : memref<8x16384xf32, #tpu.memory_space<vmem>>, vector<8x512xf32>
    %min3A_374 = arith.minimumf %get3A_373, %add3A_370 : vector<8x512xf32>
    %swap3A_375 = arith.constant 0 : index
    %swap3A_376 = arith.constant 4096 : index
    %swap3A_377 = vector.load %arg5[%swap3A_375, %swap3A_376] : memref<8x16384xf32, #tpu.memory_space<vmem>>, vector<8x512xf32>
    tpu.vector_store %arg5[%swap3A_375, %swap3A_376], %min3A_374 {strides = array<i32>} : memref<8x16384xf32, #tpu.memory_space<vmem>>, vector<8x512xf32>,
    %add3A_378 = arith.constant 4096 : i32
    %add3A_379 = vector.broadcast %add3A_378 : i32 to vector<8x512xi32>
    %add3A_380 = arith.addi %iota3A, %add3A_379 : vector<8x512xi32>
    %gt3A_381 = arith.cmpf ogt, %min3A_374, %select_n3A_340 : vector<8x512xf32>
    %select_n3A_382 = arith.select %gt3A_381, %min3A_374, %select_n3A_340 : vector<8x512xi1>, vector<8x512xf32>
    %select_n3A_383 = arith.select %gt3A_381, %add3A_380, %select_n3A_341 : vector<8x512xi1>, vector<8x512xi32>
    %select_n3A_384 = arith.select %gt3A_381, %get3A_349, %select_n3A_342 : vector<8x512xi1>, vector<8x512xf32>
    %select_n3A_385 = arith.select %gt3A_381, %get3A_354, %select_n3A_343 : vector<8x512xi1>, vector<8x512xf32>
    %select_n3A_386 = arith.select %gt3A_381, %get3A_359, %select_n3A_344 : vector<8x512xi1>, vector<8x512xf32>
    %get3A_387 = arith.constant 0 : index
    %get3A_388 = arith.constant 0 : index
    %get3A_389 = arith.constant 4608 : index
    %get3A_390 = vector.load %arg1[%get3A_387, %get3A_388, %get3A_389] : memref<3x8x16384xf32, #tpu.memory_space<vmem>>, vector<1x8x512xf32>
    %get3A_391 = vector.shape_cast %get3A_390 : vector<1x8x512xf32> to vector<8x512xf32>
    %get3A_392 = arith.constant 1 : index
    %get3A_393 = arith.constant 0 : index
    %get3A_394 = arith.constant 4608 : index
    %get3A_395 = vector.load %arg1[%get3A_392, %get3A_393, %get3A_394] : memref<3x8x16384xf32, #tpu.memory_space<vmem>>, vector<1x8x512xf32>
    %get3A_396 = vector.shape_cast %get3A_395 : vector<1x8x512xf32> to vector<8x512xf32>
    %get3A_397 = arith.constant 2 : index
    %get3A_398 = arith.constant 0 : index
    %get3A_399 = arith.constant 4608 : index
    %get3A_400 = vector.load %arg1[%get3A_397, %get3A_398, %get3A_399] : memref<3x8x16384xf32, #tpu.memory_space<vmem>>, vector<1x8x512xf32>
    %get3A_401 = vector.shape_cast %get3A_400 : vector<1x8x512xf32> to vector<8x512xf32>
    %sub3A_402 = vector.broadcast %get3A_13 : vector<8x1xf32> to vector<8x512xf32>
    %sub3A_403 = arith.subf %get3A_391, %sub3A_402 : vector<8x512xf32>
    %sub3A_404 = vector.broadcast %get3A_18 : vector<8x1xf32> to vector<8x512xf32>
    %sub3A_405 = arith.subf %get3A_396, %sub3A_404 : vector<8x512xf32>
    %sub3A_406 = vector.broadcast %get3A_23 : vector<8x1xf32> to vector<8x512xf32>
    %sub3A_407 = arith.subf %get3A_401, %sub3A_406 : vector<8x512xf32>
    %mul3A_408 = arith.mulf %sub3A_403, %sub3A_403 : vector<8x512xf32>
    %mul3A_409 = arith.mulf %sub3A_407, %sub3A_407 : vector<8x512xf32>
    %add3A_410 = arith.addf %mul3A_408, %mul3A_409 : vector<8x512xf32>
    %mul3A_411 = arith.mulf %sub3A_405, %sub3A_405 : vector<8x512xf32>
    %add3A_412 = arith.addf %add3A_410, %mul3A_411 : vector<8x512xf32>
    %get3A_413 = arith.constant 0 : index
    %get3A_414 = arith.constant 4608 : index
    %get3A_415 = vector.load %arg5[%get3A_413, %get3A_414] : memref<8x16384xf32, #tpu.memory_space<vmem>>, vector<8x512xf32>
    %min3A_416 = arith.minimumf %get3A_415, %add3A_412 : vector<8x512xf32>
    %swap3A_417 = arith.constant 0 : index
    %swap3A_418 = arith.constant 4608 : index
    %swap3A_419 = vector.load %arg5[%swap3A_417, %swap3A_418] : memref<8x16384xf32, #tpu.memory_space<vmem>>, vector<8x512xf32>
    tpu.vector_store %arg5[%swap3A_417, %swap3A_418], %min3A_416 {strides = array<i32>} : memref<8x16384xf32, #tpu.memory_space<vmem>>, vector<8x512xf32>,
    %add3A_420 = arith.constant 4608 : i32
    %add3A_421 = vector.broadcast %add3A_420 : i32 to vector<8x512xi32>
    %add3A_422 = arith.addi %iota3A, %add3A_421 : vector<8x512xi32>
    %gt3A_423 = arith.cmpf ogt, %min3A_416, %select_n3A_382 : vector<8x512xf32>
    %select_n3A_424 = arith.select %gt3A_423, %min3A_416, %select_n3A_382 : vector<8x512xi1>, vector<8x512xf32>
    %select_n3A_425 = arith.select %gt3A_423, %add3A_422, %select_n3A_383 : vector<8x512xi1>, vector<8x512xi32>
    %select_n3A_426 = arith.select %gt3A_423, %get3A_391, %select_n3A_384 : vector<8x512xi1>, vector<8x512xf32>
    %select_n3A_427 = arith.select %gt3A_423, %get3A_396, %select_n3A_385 : vector<8x512xi1>, vector<8x512xf32>
    %select_n3A_428 = arith.select %gt3A_423, %get3A_401, %select_n3A_386 : vector<8x512xi1>, vector<8x512xf32>
    %get3A_429 = arith.constant 0 : index
    %get3A_430 = arith.constant 0 : index
    %get3A_431 = arith.constant 5120 : index
    %get3A_432 = vector.load %arg1[%get3A_429, %get3A_430, %get3A_431] : memref<3x8x16384xf32, #tpu.memory_space<vmem>>, vector<1x8x512xf32>
    %get3A_433 = vector.shape_cast %get3A_432 : vector<1x8x512xf32> to vector<8x512xf32>
    %get3A_434 = arith.constant 1 : index
    %get3A_435 = arith.constant 0 : index
    %get3A_436 = arith.constant 5120 : index
    %get3A_437 = vector.load %arg1[%get3A_434, %get3A_435, %get3A_436] : memref<3x8x16384xf32, #tpu.memory_space<vmem>>, vector<1x8x512xf32>
    %get3A_438 = vector.shape_cast %get3A_437 : vector<1x8x512xf32> to vector<8x512xf32>
    %get3A_439 = arith.constant 2 : index
    %get3A_440 = arith.constant 0 : index
    %get3A_441 = arith.constant 5120 : index
    %get3A_442 = vector.load %arg1[%get3A_439, %get3A_440, %get3A_441] : memref<3x8x16384xf32, #tpu.memory_space<vmem>>, vector<1x8x512xf32>
    %get3A_443 = vector.shape_cast %get3A_442 : vector<1x8x512xf32> to vector<8x512xf32>
    %sub3A_444 = vector.broadcast %get3A_13 : vector<8x1xf32> to vector<8x512xf32>
    %sub3A_445 = arith.subf %get3A_433, %sub3A_444 : vector<8x512xf32>
    %sub3A_446 = vector.broadcast %get3A_18 : vector<8x1xf32> to vector<8x512xf32>
    %sub3A_447 = arith.subf %get3A_438, %sub3A_446 : vector<8x512xf32>
    %sub3A_448 = vector.broadcast %get3A_23 : vector<8x1xf32> to vector<8x512xf32>
    %sub3A_449 = arith.subf %get3A_443, %sub3A_448 : vector<8x512xf32>
    %mul3A_450 = arith.mulf %sub3A_445, %sub3A_445 : vector<8x512xf32>
    %mul3A_451 = arith.mulf %sub3A_449, %sub3A_449 : vector<8x512xf32>
    %add3A_452 = arith.addf %mul3A_450, %mul3A_451 : vector<8x512xf32>
    %mul3A_453 = arith.mulf %sub3A_447, %sub3A_447 : vector<8x512xf32>
    %add3A_454 = arith.addf %add3A_452, %mul3A_453 : vector<8x512xf32>
    %get3A_455 = arith.constant 0 : index
    %get3A_456 = arith.constant 5120 : index
    %get3A_457 = vector.load %arg5[%get3A_455, %get3A_456] : memref<8x16384xf32, #tpu.memory_space<vmem>>, vector<8x512xf32>
    %min3A_458 = arith.minimumf %get3A_457, %add3A_454 : vector<8x512xf32>
    %swap3A_459 = arith.constant 0 : index
    %swap3A_460 = arith.constant 5120 : index
    %swap3A_461 = vector.load %arg5[%swap3A_459, %swap3A_460] : memref<8x16384xf32, #tpu.memory_space<vmem>>, vector<8x512xf32>
    tpu.vector_store %arg5[%swap3A_459, %swap3A_460], %min3A_458 {strides = array<i32>} : memref<8x16384xf32, #tpu.memory_space<vmem>>, vector<8x512xf32>,
    %add3A_462 = arith.constant 5120 : i32
    %add3A_463 = vector.broadcast %add3A_462 : i32 to vector<8x512xi32>
    %add3A_464 = arith.addi %iota3A, %add3A_463 : vector<8x512xi32>
    %gt3A_465 = arith.cmpf ogt, %min3A_458, %select_n3A_424 : vector<8x512xf32>
    %select_n3A_466 = arith.select %gt3A_465, %min3A_458, %select_n3A_424 : vector<8x512xi1>, vector<8x512xf32>
    %select_n3A_467 = arith.select %gt3A_465, %add3A_464, %select_n3A_425 : vector<8x512xi1>, vector<8x512xi32>
    %select_n3A_468 = arith.select %gt3A_465, %get3A_433, %select_n3A_426 : vector<8x512xi1>, vector<8x512xf32>
    %select_n3A_469 = arith.select %gt3A_465, %get3A_438, %select_n3A_427 : vector<8x512xi1>, vector<8x512xf32>
    %select_n3A_470 = arith.select %gt3A_465, %get3A_443, %select_n3A_428 : vector<8x512xi1>, vector<8x512xf32>
    %get3A_471 = arith.constant 0 : index
    %get3A_472 = arith.constant 0 : index
    %get3A_473 = arith.constant 5632 : index
    %get3A_474 = vector.load %arg1[%get3A_471, %get3A_472, %get3A_473] : memref<3x8x16384xf32, #tpu.memory_space<vmem>>, vector<1x8x512xf32>
    %get3A_475 = vector.shape_cast %get3A_474 : vector<1x8x512xf32> to vector<8x512xf32>
    %get3A_476 = arith.constant 1 : index
    %get3A_477 = arith.constant 0 : index
    %get3A_478 = arith.constant 5632 : index
    %get3A_479 = vector.load %arg1[%get3A_476, %get3A_477, %get3A_478] : memref<3x8x16384xf32, #tpu.memory_space<vmem>>, vector<1x8x512xf32>
    %get3A_480 = vector.shape_cast %get3A_479 : vector<1x8x512xf32> to vector<8x512xf32>
    %get3A_481 = arith.constant 2 : index
    %get3A_482 = arith.constant 0 : index
    %get3A_483 = arith.constant 5632 : index
    %get3A_484 = vector.load %arg1[%get3A_481, %get3A_482, %get3A_483] : memref<3x8x16384xf32, #tpu.memory_space<vmem>>, vector<1x8x512xf32>
    %get3A_485 = vector.shape_cast %get3A_484 : vector<1x8x512xf32> to vector<8x512xf32>
    %sub3A_486 = vector.broadcast %get3A_13 : vector<8x1xf32> to vector<8x512xf32>
    %sub3A_487 = arith.subf %get3A_475, %sub3A_486 : vector<8x512xf32>
    %sub3A_488 = vector.broadcast %get3A_18 : vector<8x1xf32> to vector<8x512xf32>
    %sub3A_489 = arith.subf %get3A_480, %sub3A_488 : vector<8x512xf32>
    %sub3A_490 = vector.broadcast %get3A_23 : vector<8x1xf32> to vector<8x512xf32>
    %sub3A_491 = arith.subf %get3A_485, %sub3A_490 : vector<8x512xf32>
    %mul3A_492 = arith.mulf %sub3A_487, %sub3A_487 : vector<8x512xf32>
    %mul3A_493 = arith.mulf %sub3A_491, %sub3A_491 : vector<8x512xf32>
    %add3A_494 = arith.addf %mul3A_492, %mul3A_493 : vector<8x512xf32>
    %mul3A_495 = arith.mulf %sub3A_489, %sub3A_489 : vector<8x512xf32>
    %add3A_496 = arith.addf %add3A_494, %mul3A_495 : vector<8x512xf32>
    %get3A_497 = arith.constant 0 : index
    %get3A_498 = arith.constant 5632 : index
    %get3A_499 = vector.load %arg5[%get3A_497, %get3A_498] : memref<8x16384xf32, #tpu.memory_space<vmem>>, vector<8x512xf32>
    %min3A_500 = arith.minimumf %get3A_499, %add3A_496 : vector<8x512xf32>
    %swap3A_501 = arith.constant 0 : index
    %swap3A_502 = arith.constant 5632 : index
    %swap3A_503 = vector.load %arg5[%swap3A_501, %swap3A_502] : memref<8x16384xf32, #tpu.memory_space<vmem>>, vector<8x512xf32>
    tpu.vector_store %arg5[%swap3A_501, %swap3A_502], %min3A_500 {strides = array<i32>} : memref<8x16384xf32, #tpu.memory_space<vmem>>, vector<8x512xf32>,
    %add3A_504 = arith.constant 5632 : i32
    %add3A_505 = vector.broadcast %add3A_504 : i32 to vector<8x512xi32>
    %add3A_506 = arith.addi %iota3A, %add3A_505 : vector<8x512xi32>
    %gt3A_507 = arith.cmpf ogt, %min3A_500, %select_n3A_466 : vector<8x512xf32>
    %select_n3A_508 = arith.select %gt3A_507, %min3A_500, %select_n3A_466 : vector<8x512xi1>, vector<8x512xf32>
    %select_n3A_509 = arith.select %gt3A_507, %add3A_506, %select_n3A_467 : vector<8x512xi1>, vector<8x512xi32>
    %select_n3A_510 = arith.select %gt3A_507, %get3A_475, %select_n3A_468 : vector<8x512xi1>, vector<8x512xf32>
    %select_n3A_511 = arith.select %gt3A_507, %get3A_480, %select_n3A_469 : vector<8x512xi1>, vector<8x512xf32>
    %select_n3A_512 = arith.select %gt3A_507, %get3A_485, %select_n3A_470 : vector<8x512xi1>, vector<8x512xf32>
    %get3A_513 = arith.constant 0 : index
    %get3A_514 = arith.constant 0 : index
    %get3A_515 = arith.constant 6144 : index
    %get3A_516 = vector.load %arg1[%get3A_513, %get3A_514, %get3A_515] : memref<3x8x16384xf32, #tpu.memory_space<vmem>>, vector<1x8x512xf32>
    %get3A_517 = vector.shape_cast %get3A_516 : vector<1x8x512xf32> to vector<8x512xf32>
    %get3A_518 = arith.constant 1 : index
    %get3A_519 = arith.constant 0 : index
    %get3A_520 = arith.constant 6144 : index
    %get3A_521 = vector.load %arg1[%get3A_518, %get3A_519, %get3A_520] : memref<3x8x16384xf32, #tpu.memory_space<vmem>>, vector<1x8x512xf32>
    %get3A_522 = vector.shape_cast %get3A_521 : vector<1x8x512xf32> to vector<8x512xf32>
    %get3A_523 = arith.constant 2 : index
    %get3A_524 = arith.constant 0 : index
    %get3A_525 = arith.constant 6144 : index
    %get3A_526 = vector.load %arg1[%get3A_523, %get3A_524, %get3A_525] : memref<3x8x16384xf32, #tpu.memory_space<vmem>>, vector<1x8x512xf32>
    %get3A_527 = vector.shape_cast %get3A_526 : vector<1x8x512xf32> to vector<8x512xf32>
    %sub3A_528 = vector.broadcast %get3A_13 : vector<8x1xf32> to vector<8x512xf32>
    %sub3A_529 = arith.subf %get3A_517, %sub3A_528 : vector<8x512xf32>
    %sub3A_530 = vector.broadcast %get3A_18 : vector<8x1xf32> to vector<8x512xf32>
    %sub3A_531 = arith.subf %get3A_522, %sub3A_530 : vector<8x512xf32>
    %sub3A_532 = vector.broadcast %get3A_23 : vector<8x1xf32> to vector<8x512xf32>
    %sub3A_533 = arith.subf %get3A_527, %sub3A_532 : vector<8x512xf32>
    %mul3A_534 = arith.mulf %sub3A_529, %sub3A_529 : vector<8x512xf32>
    %mul3A_535 = arith.mulf %sub3A_533, %sub3A_533 : vector<8x512xf32>
    %add3A_536 = arith.addf %mul3A_534, %mul3A_535 : vector<8x512xf32>
    %mul3A_537 = arith.mulf %sub3A_531, %sub3A_531 : vector<8x512xf32>
    %add3A_538 = arith.addf %add3A_536, %mul3A_537 : vector<8x512xf32>
    %get3A_539 = arith.constant 0 : index
    %get3A_540 = arith.constant 6144 : index
    %get3A_541 = vector.load %arg5[%get3A_539, %get3A_540] : memref<8x16384xf32, #tpu.memory_space<vmem>>, vector<8x512xf32>
    %min3A_542 = arith.minimumf %get3A_541, %add3A_538 : vector<8x512xf32>
    %swap3A_543 = arith.constant 0 : index
    %swap3A_544 = arith.constant 6144 : index
    %swap3A_545 = vector.load %arg5[%swap3A_543, %swap3A_544] : memref<8x16384xf32, #tpu.memory_space<vmem>>, vector<8x512xf32>
    tpu.vector_store %arg5[%swap3A_543, %swap3A_544], %min3A_542 {strides = array<i32>} : memref<8x16384xf32, #tpu.memory_space<vmem>>, vector<8x512xf32>,
    %add3A_546 = arith.constant 6144 : i32
    %add3A_547 = vector.broadcast %add3A_546 : i32 to vector<8x512xi32>
    %add3A_548 = arith.addi %iota3A, %add3A_547 : vector<8x512xi32>
    %gt3A_549 = arith.cmpf ogt, %min3A_542, %select_n3A_508 : vector<8x512xf32>
    %select_n3A_550 = arith.select %gt3A_549, %min3A_542, %select_n3A_508 : vector<8x512xi1>, vector<8x512xf32>
    %select_n3A_551 = arith.select %gt3A_549, %add3A_548, %select_n3A_509 : vector<8x512xi1>, vector<8x512xi32>
    %select_n3A_552 = arith.select %gt3A_549, %get3A_517, %select_n3A_510 : vector<8x512xi1>, vector<8x512xf32>
    %select_n3A_553 = arith.select %gt3A_549, %get3A_522, %select_n3A_511 : vector<8x512xi1>, vector<8x512xf32>
    %select_n3A_554 = arith.select %gt3A_549, %get3A_527, %select_n3A_512 : vector<8x512xi1>, vector<8x512xf32>
    %get3A_555 = arith.constant 0 : index
    %get3A_556 = arith.constant 0 : index
    %get3A_557 = arith.constant 6656 : index
    %get3A_558 = vector.load %arg1[%get3A_555, %get3A_556, %get3A_557] : memref<3x8x16384xf32, #tpu.memory_space<vmem>>, vector<1x8x512xf32>
    %get3A_559 = vector.shape_cast %get3A_558 : vector<1x8x512xf32> to vector<8x512xf32>
    %get3A_560 = arith.constant 1 : index
    %get3A_561 = arith.constant 0 : index
    %get3A_562 = arith.constant 6656 : index
    %get3A_563 = vector.load %arg1[%get3A_560, %get3A_561, %get3A_562] : memref<3x8x16384xf32, #tpu.memory_space<vmem>>, vector<1x8x512xf32>
    %get3A_564 = vector.shape_cast %get3A_563 : vector<1x8x512xf32> to vector<8x512xf32>
    %get3A_565 = arith.constant 2 : index
    %get3A_566 = arith.constant 0 : index
    %get3A_567 = arith.constant 6656 : index
    %get3A_568 = vector.load %arg1[%get3A_565, %get3A_566, %get3A_567] : memref<3x8x16384xf32, #tpu.memory_space<vmem>>, vector<1x8x512xf32>
    %get3A_569 = vector.shape_cast %get3A_568 : vector<1x8x512xf32> to vector<8x512xf32>
    %sub3A_570 = vector.broadcast %get3A_13 : vector<8x1xf32> to vector<8x512xf32>
    %sub3A_571 = arith.subf %get3A_559, %sub3A_570 : vector<8x512xf32>
    %sub3A_572 = vector.broadcast %get3A_18 : vector<8x1xf32> to vector<8x512xf32>
    %sub3A_573 = arith.subf %get3A_564, %sub3A_572 : vector<8x512xf32>
    %sub3A_574 = vector.broadcast %get3A_23 : vector<8x1xf32> to vector<8x512xf32>
    %sub3A_575 = arith.subf %get3A_569, %sub3A_574 : vector<8x512xf32>
    %mul3A_576 = arith.mulf %sub3A_571, %sub3A_571 : vector<8x512xf32>
    %mul3A_577 = arith.mulf %sub3A_575, %sub3A_575 : vector<8x512xf32>
    %add3A_578 = arith.addf %mul3A_576, %mul3A_577 : vector<8x512xf32>
    %mul3A_579 = arith.mulf %sub3A_573, %sub3A_573 : vector<8x512xf32>
    %add3A_580 = arith.addf %add3A_578, %mul3A_579 : vector<8x512xf32>
    %get3A_581 = arith.constant 0 : index
    %get3A_582 = arith.constant 6656 : index
    %get3A_583 = vector.load %arg5[%get3A_581, %get3A_582] : memref<8x16384xf32, #tpu.memory_space<vmem>>, vector<8x512xf32>
    %min3A_584 = arith.minimumf %get3A_583, %add3A_580 : vector<8x512xf32>
    %swap3A_585 = arith.constant 0 : index
    %swap3A_586 = arith.constant 6656 : index
    %swap3A_587 = vector.load %arg5[%swap3A_585, %swap3A_586] : memref<8x16384xf32, #tpu.memory_space<vmem>>, vector<8x512xf32>
    tpu.vector_store %arg5[%swap3A_585, %swap3A_586], %min3A_584 {strides = array<i32>} : memref<8x16384xf32, #tpu.memory_space<vmem>>, vector<8x512xf32>,
    %add3A_588 = arith.constant 6656 : i32
    %add3A_589 = vector.broadcast %add3A_588 : i32 to vector<8x512xi32>
    %add3A_590 = arith.addi %iota3A, %add3A_589 : vector<8x512xi32>
    %gt3A_591 = arith.cmpf ogt, %min3A_584, %select_n3A_550 : vector<8x512xf32>
    %select_n3A_592 = arith.select %gt3A_591, %min3A_584, %select_n3A_550 : vector<8x512xi1>, vector<8x512xf32>
    %select_n3A_593 = arith.select %gt3A_591, %add3A_590, %select_n3A_551 : vector<8x512xi1>, vector<8x512xi32>
    %select_n3A_594 = arith.select %gt3A_591, %get3A_559, %select_n3A_552 : vector<8x512xi1>, vector<8x512xf32>
    %select_n3A_595 = arith.select %gt3A_591, %get3A_564, %select_n3A_553 : vector<8x512xi1>, vector<8x512xf32>
    %select_n3A_596 = arith.select %gt3A_591, %get3A_569, %select_n3A_554 : vector<8x512xi1>, vector<8x512xf32>
    %get3A_597 = arith.constant 0 : index
    %get3A_598 = arith.constant 0 : index
    %get3A_599 = arith.constant 7168 : index
    %get3A_600 = vector.load %arg1[%get3A_597, %get3A_598, %get3A_599] : memref<3x8x16384xf32, #tpu.memory_space<vmem>>, vector<1x8x512xf32>
    %get3A_601 = vector.shape_cast %get3A_600 : vector<1x8x512xf32> to vector<8x512xf32>
    %get3A_602 = arith.constant 1 : index
    %get3A_603 = arith.constant 0 : index
    %get3A_604 = arith.constant 7168 : index
    %get3A_605 = vector.load %arg1[%get3A_602, %get3A_603, %get3A_604] : memref<3x8x16384xf32, #tpu.memory_space<vmem>>, vector<1x8x512xf32>
    %get3A_606 = vector.shape_cast %get3A_605 : vector<1x8x512xf32> to vector<8x512xf32>
    %get3A_607 = arith.constant 2 : index
    %get3A_608 = arith.constant 0 : index
    %get3A_609 = arith.constant 7168 : index
    %get3A_610 = vector.load %arg1[%get3A_607, %get3A_608, %get3A_609] : memref<3x8x16384xf32, #tpu.memory_space<vmem>>, vector<1x8x512xf32>
    %get3A_611 = vector.shape_cast %get3A_610 : vector<1x8x512xf32> to vector<8x512xf32>
    %sub3A_612 = vector.broadcast %get3A_13 : vector<8x1xf32> to vector<8x512xf32>
    %sub3A_613 = arith.subf %get3A_601, %sub3A_612 : vector<8x512xf32>
    %sub3A_614 = vector.broadcast %get3A_18 : vector<8x1xf32> to vector<8x512xf32>
    %sub3A_615 = arith.subf %get3A_606, %sub3A_614 : vector<8x512xf32>
    %sub3A_616 = vector.broadcast %get3A_23 : vector<8x1xf32> to vector<8x512xf32>
    %sub3A_617 = arith.subf %get3A_611, %sub3A_616 : vector<8x512xf32>
    %mul3A_618 = arith.mulf %sub3A_613, %sub3A_613 : vector<8x512xf32>
    %mul3A_619 = arith.mulf %sub3A_617, %sub3A_617 : vector<8x512xf32>
    %add3A_620 = arith.addf %mul3A_618, %mul3A_619 : vector<8x512xf32>
    %mul3A_621 = arith.mulf %sub3A_615, %sub3A_615 : vector<8x512xf32>
    %add3A_622 = arith.addf %add3A_620, %mul3A_621 : vector<8x512xf32>
    %get3A_623 = arith.constant 0 : index
    %get3A_624 = arith.constant 7168 : index
    %get3A_625 = vector.load %arg5[%get3A_623, %get3A_624] : memref<8x16384xf32, #tpu.memory_space<vmem>>, vector<8x512xf32>
    %min3A_626 = arith.minimumf %get3A_625, %add3A_622 : vector<8x512xf32>
    %swap3A_627 = arith.constant 0 : index
    %swap3A_628 = arith.constant 7168 : index
    %swap3A_629 = vector.load %arg5[%swap3A_627, %swap3A_628] : memref<8x16384xf32, #tpu.memory_space<vmem>>, vector<8x512xf32>
    tpu.vector_store %arg5[%swap3A_627, %swap3A_628], %min3A_626 {strides = array<i32>} : memref<8x16384xf32, #tpu.memory_space<vmem>>, vector<8x512xf32>,
    %add3A_630 = arith.constant 7168 : i32
    %add3A_631 = vector.broadcast %add3A_630 : i32 to vector<8x512xi32>
    %add3A_632 = arith.addi %iota3A, %add3A_631 : vector<8x512xi32>
    %gt3A_633 = arith.cmpf ogt, %min3A_626, %select_n3A_592 : vector<8x512xf32>
    %select_n3A_634 = arith.select %gt3A_633, %min3A_626, %select_n3A_592 : vector<8x512xi1>, vector<8x512xf32>
    %select_n3A_635 = arith.select %gt3A_633, %add3A_632, %select_n3A_593 : vector<8x512xi1>, vector<8x512xi32>
    %select_n3A_636 = arith.select %gt3A_633, %get3A_601, %select_n3A_594 : vector<8x512xi1>, vector<8x512xf32>
    %select_n3A_637 = arith.select %gt3A_633, %get3A_606, %select_n3A_595 : vector<8x512xi1>, vector<8x512xf32>
    %select_n3A_638 = arith.select %gt3A_633, %get3A_611, %select_n3A_596 : vector<8x512xi1>, vector<8x512xf32>
    %get3A_639 = arith.constant 0 : index
    %get3A_640 = arith.constant 0 : index
    %get3A_641 = arith.constant 7680 : index
    %get3A_642 = vector.load %arg1[%get3A_639, %get3A_640, %get3A_641] : memref<3x8x16384xf32, #tpu.memory_space<vmem>>, vector<1x8x512xf32>
    %get3A_643 = vector.shape_cast %get3A_642 : vector<1x8x512xf32> to vector<8x512xf32>
    %get3A_644 = arith.constant 1 : index
    %get3A_645 = arith.constant 0 : index
    %get3A_646 = arith.constant 7680 : index
    %get3A_647 = vector.load %arg1[%get3A_644, %get3A_645, %get3A_646] : memref<3x8x16384xf32, #tpu.memory_space<vmem>>, vector<1x8x512xf32>
    %get3A_648 = vector.shape_cast %get3A_647 : vector<1x8x512xf32> to vector<8x512xf32>
    %get3A_649 = arith.constant 2 : index
    %get3A_650 = arith.constant 0 : index
    %get3A_651 = arith.constant 7680 : index
    %get3A_652 = vector.load %arg1[%get3A_649, %get3A_650, %get3A_651] : memref<3x8x16384xf32, #tpu.memory_space<vmem>>, vector<1x8x512xf32>
    %get3A_653 = vector.shape_cast %get3A_652 : vector<1x8x512xf32> to vector<8x512xf32>
    %sub3A_654 = vector.broadcast %get3A_13 : vector<8x1xf32> to vector<8x512xf32>
    %sub3A_655 = arith.subf %get3A_643, %sub3A_654 : vector<8x512xf32>
    %sub3A_656 = vector.broadcast %get3A_18 : vector<8x1xf32> to vector<8x512xf32>
    %sub3A_657 = arith.subf %get3A_648, %sub3A_656 : vector<8x512xf32>
    %sub3A_658 = vector.broadcast %get3A_23 : vector<8x1xf32> to vector<8x512xf32>
    %sub3A_659 = arith.subf %get3A_653, %sub3A_658 : vector<8x512xf32>
    %mul3A_660 = arith.mulf %sub3A_655, %sub3A_655 : vector<8x512xf32>
    %mul3A_661 = arith.mulf %sub3A_659, %sub3A_659 : vector<8x512xf32>
    %add3A_662 = arith.addf %mul3A_660, %mul3A_661 : vector<8x512xf32>
    %mul3A_663 = arith.mulf %sub3A_657, %sub3A_657 : vector<8x512xf32>
    %add3A_664 = arith.addf %add3A_662, %mul3A_663 : vector<8x512xf32>
    %get3A_665 = arith.constant 0 : index
    %get3A_666 = arith.constant 7680 : index
    %get3A_667 = vector.load %arg5[%get3A_665, %get3A_666] : memref<8x16384xf32, #tpu.memory_space<vmem>>, vector<8x512xf32>
    %min3A_668 = arith.minimumf %get3A_667, %add3A_664 : vector<8x512xf32>
    %swap3A_669 = arith.constant 0 : index
    %swap3A_670 = arith.constant 7680 : index
    %swap3A_671 = vector.load %arg5[%swap3A_669, %swap3A_670] : memref<8x16384xf32, #tpu.memory_space<vmem>>, vector<8x512xf32>
    tpu.vector_store %arg5[%swap3A_669, %swap3A_670], %min3A_668 {strides = array<i32>} : memref<8x16384xf32, #tpu.memory_space<vmem>>, vector<8x512xf32>,
    %add3A_672 = arith.constant 7680 : i32
    %add3A_673 = vector.broadcast %add3A_672 : i32 to vector<8x512xi32>
    %add3A_674 = arith.addi %iota3A, %add3A_673 : vector<8x512xi32>
    %gt3A_675 = arith.cmpf ogt, %min3A_668, %select_n3A_634 : vector<8x512xf32>
    %select_n3A_676 = arith.select %gt3A_675, %min3A_668, %select_n3A_634 : vector<8x512xi1>, vector<8x512xf32>
    %select_n3A_677 = arith.select %gt3A_675, %add3A_674, %select_n3A_635 : vector<8x512xi1>, vector<8x512xi32>
    %select_n3A_678 = arith.select %gt3A_675, %get3A_643, %select_n3A_636 : vector<8x512xi1>, vector<8x512xf32>
    %select_n3A_679 = arith.select %gt3A_675, %get3A_648, %select_n3A_637 : vector<8x512xi1>, vector<8x512xf32>
    %select_n3A_680 = arith.select %gt3A_675, %get3A_653, %select_n3A_638 : vector<8x512xi1>, vector<8x512xf32>
    %get3A_681 = arith.constant 0 : index
    %get3A_682 = arith.constant 0 : index
    %get3A_683 = arith.constant 8192 : index
    %get3A_684 = vector.load %arg1[%get3A_681, %get3A_682, %get3A_683] : memref<3x8x16384xf32, #tpu.memory_space<vmem>>, vector<1x8x512xf32>
    %get3A_685 = vector.shape_cast %get3A_684 : vector<1x8x512xf32> to vector<8x512xf32>
    %get3A_686 = arith.constant 1 : index
    %get3A_687 = arith.constant 0 : index
    %get3A_688 = arith.constant 8192 : index
    %get3A_689 = vector.load %arg1[%get3A_686, %get3A_687, %get3A_688] : memref<3x8x16384xf32, #tpu.memory_space<vmem>>, vector<1x8x512xf32>
    %get3A_690 = vector.shape_cast %get3A_689 : vector<1x8x512xf32> to vector<8x512xf32>
    %get3A_691 = arith.constant 2 : index
    %get3A_692 = arith.constant 0 : index
    %get3A_693 = arith.constant 8192 : index
    %get3A_694 = vector.load %arg1[%get3A_691, %get3A_692, %get3A_693] : memref<3x8x16384xf32, #tpu.memory_space<vmem>>, vector<1x8x512xf32>
    %get3A_695 = vector.shape_cast %get3A_694 : vector<1x8x512xf32> to vector<8x512xf32>
    %sub3A_696 = vector.broadcast %get3A_13 : vector<8x1xf32> to vector<8x512xf32>
    %sub3A_697 = arith.subf %get3A_685, %sub3A_696 : vector<8x512xf32>
    %sub3A_698 = vector.broadcast %get3A_18 : vector<8x1xf32> to vector<8x512xf32>
    %sub3A_699 = arith.subf %get3A_690, %sub3A_698 : vector<8x512xf32>
    %sub3A_700 = vector.broadcast %get3A_23 : vector<8x1xf32> to vector<8x512xf32>
    %sub3A_701 = arith.subf %get3A_695, %sub3A_700 : vector<8x512xf32>
    %mul3A_702 = arith.mulf %sub3A_697, %sub3A_697 : vector<8x512xf32>
    %mul3A_703 = arith.mulf %sub3A_701, %sub3A_701 : vector<8x512xf32>
    %add3A_704 = arith.addf %mul3A_702, %mul3A_703 : vector<8x512xf32>
    %mul3A_705 = arith.mulf %sub3A_699, %sub3A_699 : vector<8x512xf32>
    %add3A_706 = arith.addf %add3A_704, %mul3A_705 : vector<8x512xf32>
    %get3A_707 = arith.constant 0 : index
    %get3A_708 = arith.constant 8192 : index
    %get3A_709 = vector.load %arg5[%get3A_707, %get3A_708] : memref<8x16384xf32, #tpu.memory_space<vmem>>, vector<8x512xf32>
    %min3A_710 = arith.minimumf %get3A_709, %add3A_706 : vector<8x512xf32>
    %swap3A_711 = arith.constant 0 : index
    %swap3A_712 = arith.constant 8192 : index
    %swap3A_713 = vector.load %arg5[%swap3A_711, %swap3A_712] : memref<8x16384xf32, #tpu.memory_space<vmem>>, vector<8x512xf32>
    tpu.vector_store %arg5[%swap3A_711, %swap3A_712], %min3A_710 {strides = array<i32>} : memref<8x16384xf32, #tpu.memory_space<vmem>>, vector<8x512xf32>,
    %add3A_714 = arith.constant 8192 : i32
    %add3A_715 = vector.broadcast %add3A_714 : i32 to vector<8x512xi32>
    %add3A_716 = arith.addi %iota3A, %add3A_715 : vector<8x512xi32>
    %gt3A_717 = arith.cmpf ogt, %min3A_710, %select_n3A_676 : vector<8x512xf32>
    %select_n3A_718 = arith.select %gt3A_717, %min3A_710, %select_n3A_676 : vector<8x512xi1>, vector<8x512xf32>
    %select_n3A_719 = arith.select %gt3A_717, %add3A_716, %select_n3A_677 : vector<8x512xi1>, vector<8x512xi32>
    %select_n3A_720 = arith.select %gt3A_717, %get3A_685, %select_n3A_678 : vector<8x512xi1>, vector<8x512xf32>
    %select_n3A_721 = arith.select %gt3A_717, %get3A_690, %select_n3A_679 : vector<8x512xi1>, vector<8x512xf32>
    %select_n3A_722 = arith.select %gt3A_717, %get3A_695, %select_n3A_680 : vector<8x512xi1>, vector<8x512xf32>
    %get3A_723 = arith.constant 0 : index
    %get3A_724 = arith.constant 0 : index
    %get3A_725 = arith.constant 8704 : index
    %get3A_726 = vector.load %arg1[%get3A_723, %get3A_724, %get3A_725] : memref<3x8x16384xf32, #tpu.memory_space<vmem>>, vector<1x8x512xf32>
    %get3A_727 = vector.shape_cast %get3A_726 : vector<1x8x512xf32> to vector<8x512xf32>
    %get3A_728 = arith.constant 1 : index
    %get3A_729 = arith.constant 0 : index
    %get3A_730 = arith.constant 8704 : index
    %get3A_731 = vector.load %arg1[%get3A_728, %get3A_729, %get3A_730] : memref<3x8x16384xf32, #tpu.memory_space<vmem>>, vector<1x8x512xf32>
    %get3A_732 = vector.shape_cast %get3A_731 : vector<1x8x512xf32> to vector<8x512xf32>
    %get3A_733 = arith.constant 2 : index
    %get3A_734 = arith.constant 0 : index
    %get3A_735 = arith.constant 8704 : index
    %get3A_736 = vector.load %arg1[%get3A_733, %get3A_734, %get3A_735] : memref<3x8x16384xf32, #tpu.memory_space<vmem>>, vector<1x8x512xf32>
    %get3A_737 = vector.shape_cast %get3A_736 : vector<1x8x512xf32> to vector<8x512xf32>
    %sub3A_738 = vector.broadcast %get3A_13 : vector<8x1xf32> to vector<8x512xf32>
    %sub3A_739 = arith.subf %get3A_727, %sub3A_738 : vector<8x512xf32>
    %sub3A_740 = vector.broadcast %get3A_18 : vector<8x1xf32> to vector<8x512xf32>
    %sub3A_741 = arith.subf %get3A_732, %sub3A_740 : vector<8x512xf32>
    %sub3A_742 = vector.broadcast %get3A_23 : vector<8x1xf32> to vector<8x512xf32>
    %sub3A_743 = arith.subf %get3A_737, %sub3A_742 : vector<8x512xf32>
    %mul3A_744 = arith.mulf %sub3A_739, %sub3A_739 : vector<8x512xf32>
    %mul3A_745 = arith.mulf %sub3A_743, %sub3A_743 : vector<8x512xf32>
    %add3A_746 = arith.addf %mul3A_744, %mul3A_745 : vector<8x512xf32>
    %mul3A_747 = arith.mulf %sub3A_741, %sub3A_741 : vector<8x512xf32>
    %add3A_748 = arith.addf %add3A_746, %mul3A_747 : vector<8x512xf32>
    %get3A_749 = arith.constant 0 : index
    %get3A_750 = arith.constant 8704 : index
    %get3A_751 = vector.load %arg5[%get3A_749, %get3A_750] : memref<8x16384xf32, #tpu.memory_space<vmem>>, vector<8x512xf32>
    %min3A_752 = arith.minimumf %get3A_751, %add3A_748 : vector<8x512xf32>
    %swap3A_753 = arith.constant 0 : index
    %swap3A_754 = arith.constant 8704 : index
    %swap3A_755 = vector.load %arg5[%swap3A_753, %swap3A_754] : memref<8x16384xf32, #tpu.memory_space<vmem>>, vector<8x512xf32>
    tpu.vector_store %arg5[%swap3A_753, %swap3A_754], %min3A_752 {strides = array<i32>} : memref<8x16384xf32, #tpu.memory_space<vmem>>, vector<8x512xf32>,
    %add3A_756 = arith.constant 8704 : i32
    %add3A_757 = vector.broadcast %add3A_756 : i32 to vector<8x512xi32>
    %add3A_758 = arith.addi %iota3A, %add3A_757 : vector<8x512xi32>
    %gt3A_759 = arith.cmpf ogt, %min3A_752, %select_n3A_718 : vector<8x512xf32>
    %select_n3A_760 = arith.select %gt3A_759, %min3A_752, %select_n3A_718 : vector<8x512xi1>, vector<8x512xf32>
    %select_n3A_761 = arith.select %gt3A_759, %add3A_758, %select_n3A_719 : vector<8x512xi1>, vector<8x512xi32>
    %select_n3A_762 = arith.select %gt3A_759, %get3A_727, %select_n3A_720 : vector<8x512xi1>, vector<8x512xf32>
    %select_n3A_763 = arith.select %gt3A_759, %get3A_732, %select_n3A_721 : vector<8x512xi1>, vector<8x512xf32>
    %select_n3A_764 = arith.select %gt3A_759, %get3A_737, %select_n3A_722 : vector<8x512xi1>, vector<8x512xf32>
    %get3A_765 = arith.constant 0 : index
    %get3A_766 = arith.constant 0 : index
    %get3A_767 = arith.constant 9216 : index
    %get3A_768 = vector.load %arg1[%get3A_765, %get3A_766, %get3A_767] : memref<3x8x16384xf32, #tpu.memory_space<vmem>>, vector<1x8x512xf32>
    %get3A_769 = vector.shape_cast %get3A_768 : vector<1x8x512xf32> to vector<8x512xf32>
    %get3A_770 = arith.constant 1 : index
    %get3A_771 = arith.constant 0 : index
    %get3A_772 = arith.constant 9216 : index
    %get3A_773 = vector.load %arg1[%get3A_770, %get3A_771, %get3A_772] : memref<3x8x16384xf32, #tpu.memory_space<vmem>>, vector<1x8x512xf32>
    %get3A_774 = vector.shape_cast %get3A_773 : vector<1x8x512xf32> to vector<8x512xf32>
    %get3A_775 = arith.constant 2 : index
    %get3A_776 = arith.constant 0 : index
    %get3A_777 = arith.constant 9216 : index
    %get3A_778 = vector.load %arg1[%get3A_775, %get3A_776, %get3A_777] : memref<3x8x16384xf32, #tpu.memory_space<vmem>>, vector<1x8x512xf32>
    %get3A_779 = vector.shape_cast %get3A_778 : vector<1x8x512xf32> to vector<8x512xf32>
    %sub3A_780 = vector.broadcast %get3A_13 : vector<8x1xf32> to vector<8x512xf32>
    %sub3A_781 = arith.subf %get3A_769, %sub3A_780 : vector<8x512xf32>
    %sub3A_782 = vector.broadcast %get3A_18 : vector<8x1xf32> to vector<8x512xf32>
    %sub3A_783 = arith.subf %get3A_774, %sub3A_782 : vector<8x512xf32>
    %sub3A_784 = vector.broadcast %get3A_23 : vector<8x1xf32> to vector<8x512xf32>
    %sub3A_785 = arith.subf %get3A_779, %sub3A_784 : vector<8x512xf32>
    %mul3A_786 = arith.mulf %sub3A_781, %sub3A_781 : vector<8x512xf32>
    %mul3A_787 = arith.mulf %sub3A_785, %sub3A_785 : vector<8x512xf32>
    %add3A_788 = arith.addf %mul3A_786, %mul3A_787 : vector<8x512xf32>
    %mul3A_789 = arith.mulf %sub3A_783, %sub3A_783 : vector<8x512xf32>
    %add3A_790 = arith.addf %add3A_788, %mul3A_789 : vector<8x512xf32>
    %get3A_791 = arith.constant 0 : index
    %get3A_792 = arith.constant 9216 : index
    %get3A_793 = vector.load %arg5[%get3A_791, %get3A_792] : memref<8x16384xf32, #tpu.memory_space<vmem>>, vector<8x512xf32>
    %min3A_794 = arith.minimumf %get3A_793, %add3A_790 : vector<8x512xf32>
    %swap3A_795 = arith.constant 0 : index
    %swap3A_796 = arith.constant 9216 : index
    %swap3A_797 = vector.load %arg5[%swap3A_795, %swap3A_796] : memref<8x16384xf32, #tpu.memory_space<vmem>>, vector<8x512xf32>
    tpu.vector_store %arg5[%swap3A_795, %swap3A_796], %min3A_794 {strides = array<i32>} : memref<8x16384xf32, #tpu.memory_space<vmem>>, vector<8x512xf32>,
    %add3A_798 = arith.constant 9216 : i32
    %add3A_799 = vector.broadcast %add3A_798 : i32 to vector<8x512xi32>
    %add3A_800 = arith.addi %iota3A, %add3A_799 : vector<8x512xi32>
    %gt3A_801 = arith.cmpf ogt, %min3A_794, %select_n3A_760 : vector<8x512xf32>
    %select_n3A_802 = arith.select %gt3A_801, %min3A_794, %select_n3A_760 : vector<8x512xi1>, vector<8x512xf32>
    %select_n3A_803 = arith.select %gt3A_801, %add3A_800, %select_n3A_761 : vector<8x512xi1>, vector<8x512xi32>
    %select_n3A_804 = arith.select %gt3A_801, %get3A_769, %select_n3A_762 : vector<8x512xi1>, vector<8x512xf32>
    %select_n3A_805 = arith.select %gt3A_801, %get3A_774, %select_n3A_763 : vector<8x512xi1>, vector<8x512xf32>
    %select_n3A_806 = arith.select %gt3A_801, %get3A_779, %select_n3A_764 : vector<8x512xi1>, vector<8x512xf32>
    %get3A_807 = arith.constant 0 : index
    %get3A_808 = arith.constant 0 : index
    %get3A_809 = arith.constant 9728 : index
    %get3A_810 = vector.load %arg1[%get3A_807, %get3A_808, %get3A_809] : memref<3x8x16384xf32, #tpu.memory_space<vmem>>, vector<1x8x512xf32>
    %get3A_811 = vector.shape_cast %get3A_810 : vector<1x8x512xf32> to vector<8x512xf32>
    %get3A_812 = arith.constant 1 : index
    %get3A_813 = arith.constant 0 : index
    %get3A_814 = arith.constant 9728 : index
    %get3A_815 = vector.load %arg1[%get3A_812, %get3A_813, %get3A_814] : memref<3x8x16384xf32, #tpu.memory_space<vmem>>, vector<1x8x512xf32>
    %get3A_816 = vector.shape_cast %get3A_815 : vector<1x8x512xf32> to vector<8x512xf32>
    %get3A_817 = arith.constant 2 : index
    %get3A_818 = arith.constant 0 : index
    %get3A_819 = arith.constant 9728 : index
    %get3A_820 = vector.load %arg1[%get3A_817, %get3A_818, %get3A_819] : memref<3x8x16384xf32, #tpu.memory_space<vmem>>, vector<1x8x512xf32>
    %get3A_821 = vector.shape_cast %get3A_820 : vector<1x8x512xf32> to vector<8x512xf32>
    %sub3A_822 = vector.broadcast %get3A_13 : vector<8x1xf32> to vector<8x512xf32>
    %sub3A_823 = arith.subf %get3A_811, %sub3A_822 : vector<8x512xf32>
    %sub3A_824 = vector.broadcast %get3A_18 : vector<8x1xf32> to vector<8x512xf32>
    %sub3A_825 = arith.subf %get3A_816, %sub3A_824 : vector<8x512xf32>
    %sub3A_826 = vector.broadcast %get3A_23 : vector<8x1xf32> to vector<8x512xf32>
    %sub3A_827 = arith.subf %get3A_821, %sub3A_826 : vector<8x512xf32>
    %mul3A_828 = arith.mulf %sub3A_823, %sub3A_823 : vector<8x512xf32>
    %mul3A_829 = arith.mulf %sub3A_827, %sub3A_827 : vector<8x512xf32>
    %add3A_830 = arith.addf %mul3A_828, %mul3A_829 : vector<8x512xf32>
    %mul3A_831 = arith.mulf %sub3A_825, %sub3A_825 : vector<8x512xf32>
    %add3A_832 = arith.addf %add3A_830, %mul3A_831 : vector<8x512xf32>
    %get3A_833 = arith.constant 0 : index
    %get3A_834 = arith.constant 9728 : index
    %get3A_835 = vector.load %arg5[%get3A_833, %get3A_834] : memref<8x16384xf32, #tpu.memory_space<vmem>>, vector<8x512xf32>
    %min3A_836 = arith.minimumf %get3A_835, %add3A_832 : vector<8x512xf32>
    %swap3A_837 = arith.constant 0 : index
    %swap3A_838 = arith.constant 9728 : index
    %swap3A_839 = vector.load %arg5[%swap3A_837, %swap3A_838] : memref<8x16384xf32, #tpu.memory_space<vmem>>, vector<8x512xf32>
    tpu.vector_store %arg5[%swap3A_837, %swap3A_838], %min3A_836 {strides = array<i32>} : memref<8x16384xf32, #tpu.memory_space<vmem>>, vector<8x512xf32>,
    %add3A_840 = arith.constant 9728 : i32
    %add3A_841 = vector.broadcast %add3A_840 : i32 to vector<8x512xi32>
    %add3A_842 = arith.addi %iota3A, %add3A_841 : vector<8x512xi32>
    %gt3A_843 = arith.cmpf ogt, %min3A_836, %select_n3A_802 : vector<8x512xf32>
    %select_n3A_844 = arith.select %gt3A_843, %min3A_836, %select_n3A_802 : vector<8x512xi1>, vector<8x512xf32>
    %select_n3A_845 = arith.select %gt3A_843, %add3A_842, %select_n3A_803 : vector<8x512xi1>, vector<8x512xi32>
    %select_n3A_846 = arith.select %gt3A_843, %get3A_811, %select_n3A_804 : vector<8x512xi1>, vector<8x512xf32>
    %select_n3A_847 = arith.select %gt3A_843, %get3A_816, %select_n3A_805 : vector<8x512xi1>, vector<8x512xf32>
    %select_n3A_848 = arith.select %gt3A_843, %get3A_821, %select_n3A_806 : vector<8x512xi1>, vector<8x512xf32>
    %get3A_849 = arith.constant 0 : index
    %get3A_850 = arith.constant 0 : index
    %get3A_851 = arith.constant 10240 : index
    %get3A_852 = vector.load %arg1[%get3A_849, %get3A_850, %get3A_851] : memref<3x8x16384xf32, #tpu.memory_space<vmem>>, vector<1x8x512xf32>
    %get3A_853 = vector.shape_cast %get3A_852 : vector<1x8x512xf32> to vector<8x512xf32>
    %get3A_854 = arith.constant 1 : index
    %get3A_855 = arith.constant 0 : index
    %get3A_856 = arith.constant 10240 : index
    %get3A_857 = vector.load %arg1[%get3A_854, %get3A_855, %get3A_856] : memref<3x8x16384xf32, #tpu.memory_space<vmem>>, vector<1x8x512xf32>
    %get3A_858 = vector.shape_cast %get3A_857 : vector<1x8x512xf32> to vector<8x512xf32>
    %get3A_859 = arith.constant 2 : index
    %get3A_860 = arith.constant 0 : index
    %get3A_861 = arith.constant 10240 : index
    %get3A_862 = vector.load %arg1[%get3A_859, %get3A_860, %get3A_861] : memref<3x8x16384xf32, #tpu.memory_space<vmem>>, vector<1x8x512xf32>
    %get3A_863 = vector.shape_cast %get3A_862 : vector<1x8x512xf32> to vector<8x512xf32>
    %sub3A_864 = vector.broadcast %get3A_13 : vector<8x1xf32> to vector<8x512xf32>
    %sub3A_865 = arith.subf %get3A_853, %sub3A_864 : vector<8x512xf32>
    %sub3A_866 = vector.broadcast %get3A_18 : vector<8x1xf32> to vector<8x512xf32>
    %sub3A_867 = arith.subf %get3A_858, %sub3A_866 : vector<8x512xf32>
    %sub3A_868 = vector.broadcast %get3A_23 : vector<8x1xf32> to vector<8x512xf32>
    %sub3A_869 = arith.subf %get3A_863, %sub3A_868 : vector<8x512xf32>
    %mul3A_870 = arith.mulf %sub3A_865, %sub3A_865 : vector<8x512xf32>
    %mul3A_871 = arith.mulf %sub3A_869, %sub3A_869 : vector<8x512xf32>
    %add3A_872 = arith.addf %mul3A_870, %mul3A_871 : vector<8x512xf32>
    %mul3A_873 = arith.mulf %sub3A_867, %sub3A_867 : vector<8x512xf32>
    %add3A_874 = arith.addf %add3A_872, %mul3A_873 : vector<8x512xf32>
    %get3A_875 = arith.constant 0 : index
    %get3A_876 = arith.constant 10240 : index
    %get3A_877 = vector.load %arg5[%get3A_875, %get3A_876] : memref<8x16384xf32, #tpu.memory_space<vmem>>, vector<8x512xf32>
    %min3A_878 = arith.minimumf %get3A_877, %add3A_874 : vector<8x512xf32>
    %swap3A_879 = arith.constant 0 : index
    %swap3A_880 = arith.constant 10240 : index
    %swap3A_881 = vector.load %arg5[%swap3A_879, %swap3A_880] : memref<8x16384xf32, #tpu.memory_space<vmem>>, vector<8x512xf32>
    tpu.vector_store %arg5[%swap3A_879, %swap3A_880], %min3A_878 {strides = array<i32>} : memref<8x16384xf32, #tpu.memory_space<vmem>>, vector<8x512xf32>,
    %add3A_882 = arith.constant 10240 : i32
    %add3A_883 = vector.broadcast %add3A_882 : i32 to vector<8x512xi32>
    %add3A_884 = arith.addi %iota3A, %add3A_883 : vector<8x512xi32>
    %gt3A_885 = arith.cmpf ogt, %min3A_878, %select_n3A_844 : vector<8x512xf32>
    %select_n3A_886 = arith.select %gt3A_885, %min3A_878, %select_n3A_844 : vector<8x512xi1>, vector<8x512xf32>
    %select_n3A_887 = arith.select %gt3A_885, %add3A_884, %select_n3A_845 : vector<8x512xi1>, vector<8x512xi32>
    %select_n3A_888 = arith.select %gt3A_885, %get3A_853, %select_n3A_846 : vector<8x512xi1>, vector<8x512xf32>
    %select_n3A_889 = arith.select %gt3A_885, %get3A_858, %select_n3A_847 : vector<8x512xi1>, vector<8x512xf32>
    %select_n3A_890 = arith.select %gt3A_885, %get3A_863, %select_n3A_848 : vector<8x512xi1>, vector<8x512xf32>
    %get3A_891 = arith.constant 0 : index
    %get3A_892 = arith.constant 0 : index
    %get3A_893 = arith.constant 10752 : index
    %get3A_894 = vector.load %arg1[%get3A_891, %get3A_892, %get3A_893] : memref<3x8x16384xf32, #tpu.memory_space<vmem>>, vector<1x8x512xf32>
    %get3A_895 = vector.shape_cast %get3A_894 : vector<1x8x512xf32> to vector<8x512xf32>
    %get3A_896 = arith.constant 1 : index
    %get3A_897 = arith.constant 0 : index
    %get3A_898 = arith.constant 10752 : index
    %get3A_899 = vector.load %arg1[%get3A_896, %get3A_897, %get3A_898] : memref<3x8x16384xf32, #tpu.memory_space<vmem>>, vector<1x8x512xf32>
    %get3A_900 = vector.shape_cast %get3A_899 : vector<1x8x512xf32> to vector<8x512xf32>
    %get3A_901 = arith.constant 2 : index
    %get3A_902 = arith.constant 0 : index
    %get3A_903 = arith.constant 10752 : index
    %get3A_904 = vector.load %arg1[%get3A_901, %get3A_902, %get3A_903] : memref<3x8x16384xf32, #tpu.memory_space<vmem>>, vector<1x8x512xf32>
    %get3A_905 = vector.shape_cast %get3A_904 : vector<1x8x512xf32> to vector<8x512xf32>
    %sub3A_906 = vector.broadcast %get3A_13 : vector<8x1xf32> to vector<8x512xf32>
    %sub3A_907 = arith.subf %get3A_895, %sub3A_906 : vector<8x512xf32>
    %sub3A_908 = vector.broadcast %get3A_18 : vector<8x1xf32> to vector<8x512xf32>
    %sub3A_909 = arith.subf %get3A_900, %sub3A_908 : vector<8x512xf32>
    %sub3A_910 = vector.broadcast %get3A_23 : vector<8x1xf32> to vector<8x512xf32>
    %sub3A_911 = arith.subf %get3A_905, %sub3A_910 : vector<8x512xf32>
    %mul3A_912 = arith.mulf %sub3A_907, %sub3A_907 : vector<8x512xf32>
    %mul3A_913 = arith.mulf %sub3A_911, %sub3A_911 : vector<8x512xf32>
    %add3A_914 = arith.addf %mul3A_912, %mul3A_913 : vector<8x512xf32>
    %mul3A_915 = arith.mulf %sub3A_909, %sub3A_909 : vector<8x512xf32>
    %add3A_916 = arith.addf %add3A_914, %mul3A_915 : vector<8x512xf32>
    %get3A_917 = arith.constant 0 : index
    %get3A_918 = arith.constant 10752 : index
    %get3A_919 = vector.load %arg5[%get3A_917, %get3A_918] : memref<8x16384xf32, #tpu.memory_space<vmem>>, vector<8x512xf32>
    %min3A_920 = arith.minimumf %get3A_919, %add3A_916 : vector<8x512xf32>
    %swap3A_921 = arith.constant 0 : index
    %swap3A_922 = arith.constant 10752 : index
    %swap3A_923 = vector.load %arg5[%swap3A_921, %swap3A_922] : memref<8x16384xf32, #tpu.memory_space<vmem>>, vector<8x512xf32>
    tpu.vector_store %arg5[%swap3A_921, %swap3A_922], %min3A_920 {strides = array<i32>} : memref<8x16384xf32, #tpu.memory_space<vmem>>, vector<8x512xf32>,
    %add3A_924 = arith.constant 10752 : i32
    %add3A_925 = vector.broadcast %add3A_924 : i32 to vector<8x512xi32>
    %add3A_926 = arith.addi %iota3A, %add3A_925 : vector<8x512xi32>
    %gt3A_927 = arith.cmpf ogt, %min3A_920, %select_n3A_886 : vector<8x512xf32>
    %select_n3A_928 = arith.select %gt3A_927, %min3A_920, %select_n3A_886 : vector<8x512xi1>, vector<8x512xf32>
    %select_n3A_929 = arith.select %gt3A_927, %add3A_926, %select_n3A_887 : vector<8x512xi1>, vector<8x512xi32>
    %select_n3A_930 = arith.select %gt3A_927, %get3A_895, %select_n3A_888 : vector<8x512xi1>, vector<8x512xf32>
    %select_n3A_931 = arith.select %gt3A_927, %get3A_900, %select_n3A_889 : vector<8x512xi1>, vector<8x512xf32>
    %select_n3A_932 = arith.select %gt3A_927, %get3A_905, %select_n3A_890 : vector<8x512xi1>, vector<8x512xf32>
    %get3A_933 = arith.constant 0 : index
    %get3A_934 = arith.constant 0 : index
    %get3A_935 = arith.constant 11264 : index
    %get3A_936 = vector.load %arg1[%get3A_933, %get3A_934, %get3A_935] : memref<3x8x16384xf32, #tpu.memory_space<vmem>>, vector<1x8x512xf32>
    %get3A_937 = vector.shape_cast %get3A_936 : vector<1x8x512xf32> to vector<8x512xf32>
    %get3A_938 = arith.constant 1 : index
    %get3A_939 = arith.constant 0 : index
    %get3A_940 = arith.constant 11264 : index
    %get3A_941 = vector.load %arg1[%get3A_938, %get3A_939, %get3A_940] : memref<3x8x16384xf32, #tpu.memory_space<vmem>>, vector<1x8x512xf32>
    %get3A_942 = vector.shape_cast %get3A_941 : vector<1x8x512xf32> to vector<8x512xf32>
    %get3A_943 = arith.constant 2 : index
    %get3A_944 = arith.constant 0 : index
    %get3A_945 = arith.constant 11264 : index
    %get3A_946 = vector.load %arg1[%get3A_943, %get3A_944, %get3A_945] : memref<3x8x16384xf32, #tpu.memory_space<vmem>>, vector<1x8x512xf32>
    %get3A_947 = vector.shape_cast %get3A_946 : vector<1x8x512xf32> to vector<8x512xf32>
    %sub3A_948 = vector.broadcast %get3A_13 : vector<8x1xf32> to vector<8x512xf32>
    %sub3A_949 = arith.subf %get3A_937, %sub3A_948 : vector<8x512xf32>
    %sub3A_950 = vector.broadcast %get3A_18 : vector<8x1xf32> to vector<8x512xf32>
    %sub3A_951 = arith.subf %get3A_942, %sub3A_950 : vector<8x512xf32>
    %sub3A_952 = vector.broadcast %get3A_23 : vector<8x1xf32> to vector<8x512xf32>
    %sub3A_953 = arith.subf %get3A_947, %sub3A_952 : vector<8x512xf32>
    %mul3A_954 = arith.mulf %sub3A_949, %sub3A_949 : vector<8x512xf32>
    %mul3A_955 = arith.mulf %sub3A_953, %sub3A_953 : vector<8x512xf32>
    %add3A_956 = arith.addf %mul3A_954, %mul3A_955 : vector<8x512xf32>
    %mul3A_957 = arith.mulf %sub3A_951, %sub3A_951 : vector<8x512xf32>
    %add3A_958 = arith.addf %add3A_956, %mul3A_957 : vector<8x512xf32>
    %get3A_959 = arith.constant 0 : index
    %get3A_960 = arith.constant 11264 : index
    %get3A_961 = vector.load %arg5[%get3A_959, %get3A_960] : memref<8x16384xf32, #tpu.memory_space<vmem>>, vector<8x512xf32>
    %min3A_962 = arith.minimumf %get3A_961, %add3A_958 : vector<8x512xf32>
    %swap3A_963 = arith.constant 0 : index
    %swap3A_964 = arith.constant 11264 : index
    %swap3A_965 = vector.load %arg5[%swap3A_963, %swap3A_964] : memref<8x16384xf32, #tpu.memory_space<vmem>>, vector<8x512xf32>
    tpu.vector_store %arg5[%swap3A_963, %swap3A_964], %min3A_962 {strides = array<i32>} : memref<8x16384xf32, #tpu.memory_space<vmem>>, vector<8x512xf32>,
    %add3A_966 = arith.constant 11264 : i32
    %add3A_967 = vector.broadcast %add3A_966 : i32 to vector<8x512xi32>
    %add3A_968 = arith.addi %iota3A, %add3A_967 : vector<8x512xi32>
    %gt3A_969 = arith.cmpf ogt, %min3A_962, %select_n3A_928 : vector<8x512xf32>
    %select_n3A_970 = arith.select %gt3A_969, %min3A_962, %select_n3A_928 : vector<8x512xi1>, vector<8x512xf32>
    %select_n3A_971 = arith.select %gt3A_969, %add3A_968, %select_n3A_929 : vector<8x512xi1>, vector<8x512xi32>
    %select_n3A_972 = arith.select %gt3A_969, %get3A_937, %select_n3A_930 : vector<8x512xi1>, vector<8x512xf32>
    %select_n3A_973 = arith.select %gt3A_969, %get3A_942, %select_n3A_931 : vector<8x512xi1>, vector<8x512xf32>
    %select_n3A_974 = arith.select %gt3A_969, %get3A_947, %select_n3A_932 : vector<8x512xi1>, vector<8x512xf32>
    %get3A_975 = arith.constant 0 : index
    %get3A_976 = arith.constant 0 : index
    %get3A_977 = arith.constant 11776 : index
    %get3A_978 = vector.load %arg1[%get3A_975, %get3A_976, %get3A_977] : memref<3x8x16384xf32, #tpu.memory_space<vmem>>, vector<1x8x512xf32>
    %get3A_979 = vector.shape_cast %get3A_978 : vector<1x8x512xf32> to vector<8x512xf32>
    %get3A_980 = arith.constant 1 : index
    %get3A_981 = arith.constant 0 : index
    %get3A_982 = arith.constant 11776 : index
    %get3A_983 = vector.load %arg1[%get3A_980, %get3A_981, %get3A_982] : memref<3x8x16384xf32, #tpu.memory_space<vmem>>, vector<1x8x512xf32>
    %get3A_984 = vector.shape_cast %get3A_983 : vector<1x8x512xf32> to vector<8x512xf32>
    %get3A_985 = arith.constant 2 : index
    %get3A_986 = arith.constant 0 : index
    %get3A_987 = arith.constant 11776 : index
    %get3A_988 = vector.load %arg1[%get3A_985, %get3A_986, %get3A_987] : memref<3x8x16384xf32, #tpu.memory_space<vmem>>, vector<1x8x512xf32>
    %get3A_989 = vector.shape_cast %get3A_988 : vector<1x8x512xf32> to vector<8x512xf32>
    %sub3A_990 = vector.broadcast %get3A_13 : vector<8x1xf32> to vector<8x512xf32>
    %sub3A_991 = arith.subf %get3A_979, %sub3A_990 : vector<8x512xf32>
    %sub3A_992 = vector.broadcast %get3A_18 : vector<8x1xf32> to vector<8x512xf32>
    %sub3A_993 = arith.subf %get3A_984, %sub3A_992 : vector<8x512xf32>
    %sub3A_994 = vector.broadcast %get3A_23 : vector<8x1xf32> to vector<8x512xf32>
    %sub3A_995 = arith.subf %get3A_989, %sub3A_994 : vector<8x512xf32>
    %mul3A_996 = arith.mulf %sub3A_991, %sub3A_991 : vector<8x512xf32>
    %mul3A_997 = arith.mulf %sub3A_995, %sub3A_995 : vector<8x512xf32>
    %add3A_998 = arith.addf %mul3A_996, %mul3A_997 : vector<8x512xf32>
    %mul3A_999 = arith.mulf %sub3A_993, %sub3A_993 : vector<8x512xf32>
    %add3A_1000 = arith.addf %add3A_998, %mul3A_999 : vector<8x512xf32>
    %get3A_1001 = arith.constant 0 : index
    %get3A_1002 = arith.constant 11776 : index
    %get3A_1003 = vector.load %arg5[%get3A_1001, %get3A_1002] : memref<8x16384xf32, #tpu.memory_space<vmem>>, vector<8x512xf32>
    %min3A_1004 = arith.minimumf %get3A_1003, %add3A_1000 : vector<8x512xf32>
    %swap3A_1005 = arith.constant 0 : index
    %swap3A_1006 = arith.constant 11776 : index
    %swap3A_1007 = vector.load %arg5[%swap3A_1005, %swap3A_1006] : memref<8x16384xf32, #tpu.memory_space<vmem>>, vector<8x512xf32>
    tpu.vector_store %arg5[%swap3A_1005, %swap3A_1006], %min3A_1004 {strides = array<i32>} : memref<8x16384xf32, #tpu.memory_space<vmem>>, vector<8x512xf32>,
    %add3A_1008 = arith.constant 11776 : i32
    %add3A_1009 = vector.broadcast %add3A_1008 : i32 to vector<8x512xi32>
    %add3A_1010 = arith.addi %iota3A, %add3A_1009 : vector<8x512xi32>
    %gt3A_1011 = arith.cmpf ogt, %min3A_1004, %select_n3A_970 : vector<8x512xf32>
    %select_n3A_1012 = arith.select %gt3A_1011, %min3A_1004, %select_n3A_970 : vector<8x512xi1>, vector<8x512xf32>
    %select_n3A_1013 = arith.select %gt3A_1011, %add3A_1010, %select_n3A_971 : vector<8x512xi1>, vector<8x512xi32>
    %select_n3A_1014 = arith.select %gt3A_1011, %get3A_979, %select_n3A_972 : vector<8x512xi1>, vector<8x512xf32>
    %select_n3A_1015 = arith.select %gt3A_1011, %get3A_984, %select_n3A_973 : vector<8x512xi1>, vector<8x512xf32>
    %select_n3A_1016 = arith.select %gt3A_1011, %get3A_989, %select_n3A_974 : vector<8x512xi1>, vector<8x512xf32>
    %get3A_1017 = arith.constant 0 : index
    %get3A_1018 = arith.constant 0 : index
    %get3A_1019 = arith.constant 12288 : index
    %get3A_1020 = vector.load %arg1[%get3A_1017, %get3A_1018, %get3A_1019] : memref<3x8x16384xf32, #tpu.memory_space<vmem>>, vector<1x8x512xf32>
    %get3A_1021 = vector.shape_cast %get3A_1020 : vector<1x8x512xf32> to vector<8x512xf32>
    %get3A_1022 = arith.constant 1 : index
    %get3A_1023 = arith.constant 0 : index
    %get3A_1024 = arith.constant 12288 : index
    %get3A_1025 = vector.load %arg1[%get3A_1022, %get3A_1023, %get3A_1024] : memref<3x8x16384xf32, #tpu.memory_space<vmem>>, vector<1x8x512xf32>
    %get3A_1026 = vector.shape_cast %get3A_1025 : vector<1x8x512xf32> to vector<8x512xf32>
    %get3A_1027 = arith.constant 2 : index
    %get3A_1028 = arith.constant 0 : index
    %get3A_1029 = arith.constant 12288 : index
    %get3A_1030 = vector.load %arg1[%get3A_1027, %get3A_1028, %get3A_1029] : memref<3x8x16384xf32, #tpu.memory_space<vmem>>, vector<1x8x512xf32>
    %get3A_1031 = vector.shape_cast %get3A_1030 : vector<1x8x512xf32> to vector<8x512xf32>
    %sub3A_1032 = vector.broadcast %get3A_13 : vector<8x1xf32> to vector<8x512xf32>
    %sub3A_1033 = arith.subf %get3A_1021, %sub3A_1032 : vector<8x512xf32>
    %sub3A_1034 = vector.broadcast %get3A_18 : vector<8x1xf32> to vector<8x512xf32>
    %sub3A_1035 = arith.subf %get3A_1026, %sub3A_1034 : vector<8x512xf32>
    %sub3A_1036 = vector.broadcast %get3A_23 : vector<8x1xf32> to vector<8x512xf32>
    %sub3A_1037 = arith.subf %get3A_1031, %sub3A_1036 : vector<8x512xf32>
    %mul3A_1038 = arith.mulf %sub3A_1033, %sub3A_1033 : vector<8x512xf32>
    %mul3A_1039 = arith.mulf %sub3A_1037, %sub3A_1037 : vector<8x512xf32>
    %add3A_1040 = arith.addf %mul3A_1038, %mul3A_1039 : vector<8x512xf32>
    %mul3A_1041 = arith.mulf %sub3A_1035, %sub3A_1035 : vector<8x512xf32>
    %add3A_1042 = arith.addf %add3A_1040, %mul3A_1041 : vector<8x512xf32>
    %get3A_1043 = arith.constant 0 : index
    %get3A_1044 = arith.constant 12288 : index
    %get3A_1045 = vector.load %arg5[%get3A_1043, %get3A_1044] : memref<8x16384xf32, #tpu.memory_space<vmem>>, vector<8x512xf32>
    %min3A_1046 = arith.minimumf %get3A_1045, %add3A_1042 : vector<8x512xf32>
    %swap3A_1047 = arith.constant 0 : index
    %swap3A_1048 = arith.constant 12288 : index
    %swap3A_1049 = vector.load %arg5[%swap3A_1047, %swap3A_1048] : memref<8x16384xf32, #tpu.memory_space<vmem>>, vector<8x512xf32>
    tpu.vector_store %arg5[%swap3A_1047, %swap3A_1048], %min3A_1046 {strides = array<i32>} : memref<8x16384xf32, #tpu.memory_space<vmem>>, vector<8x512xf32>,
    %add3A_1050 = arith.constant 12288 : i32
    %add3A_1051 = vector.broadcast %add3A_1050 : i32 to vector<8x512xi32>
    %add3A_1052 = arith.addi %iota3A, %add3A_1051 : vector<8x512xi32>
    %gt3A_1053 = arith.cmpf ogt, %min3A_1046, %select_n3A_1012 : vector<8x512xf32>
    %select_n3A_1054 = arith.select %gt3A_1053, %min3A_1046, %select_n3A_1012 : vector<8x512xi1>, vector<8x512xf32>
    %select_n3A_1055 = arith.select %gt3A_1053, %add3A_1052, %select_n3A_1013 : vector<8x512xi1>, vector<8x512xi32>
    %select_n3A_1056 = arith.select %gt3A_1053, %get3A_1021, %select_n3A_1014 : vector<8x512xi1>, vector<8x512xf32>
    %select_n3A_1057 = arith.select %gt3A_1053, %get3A_1026, %select_n3A_1015 : vector<8x512xi1>, vector<8x512xf32>
    %select_n3A_1058 = arith.select %gt3A_1053, %get3A_1031, %select_n3A_1016 : vector<8x512xi1>, vector<8x512xf32>
    %get3A_1059 = arith.constant 0 : index
    %get3A_1060 = arith.constant 0 : index
    %get3A_1061 = arith.constant 12800 : index
    %get3A_1062 = vector.load %arg1[%get3A_1059, %get3A_1060, %get3A_1061] : memref<3x8x16384xf32, #tpu.memory_space<vmem>>, vector<1x8x512xf32>
    %get3A_1063 = vector.shape_cast %get3A_1062 : vector<1x8x512xf32> to vector<8x512xf32>
    %get3A_1064 = arith.constant 1 : index
    %get3A_1065 = arith.constant 0 : index
    %get3A_1066 = arith.constant 12800 : index
    %get3A_1067 = vector.load %arg1[%get3A_1064, %get3A_1065, %get3A_1066] : memref<3x8x16384xf32, #tpu.memory_space<vmem>>, vector<1x8x512xf32>
    %get3A_1068 = vector.shape_cast %get3A_1067 : vector<1x8x512xf32> to vector<8x512xf32>
    %get3A_1069 = arith.constant 2 : index
    %get3A_1070 = arith.constant 0 : index
    %get3A_1071 = arith.constant 12800 : index
    %get3A_1072 = vector.load %arg1[%get3A_1069, %get3A_1070, %get3A_1071] : memref<3x8x16384xf32, #tpu.memory_space<vmem>>, vector<1x8x512xf32>
    %get3A_1073 = vector.shape_cast %get3A_1072 : vector<1x8x512xf32> to vector<8x512xf32>
    %sub3A_1074 = vector.broadcast %get3A_13 : vector<8x1xf32> to vector<8x512xf32>
    %sub3A_1075 = arith.subf %get3A_1063, %sub3A_1074 : vector<8x512xf32>
    %sub3A_1076 = vector.broadcast %get3A_18 : vector<8x1xf32> to vector<8x512xf32>
    %sub3A_1077 = arith.subf %get3A_1068, %sub3A_1076 : vector<8x512xf32>
    %sub3A_1078 = vector.broadcast %get3A_23 : vector<8x1xf32> to vector<8x512xf32>
    %sub3A_1079 = arith.subf %get3A_1073, %sub3A_1078 : vector<8x512xf32>
    %mul3A_1080 = arith.mulf %sub3A_1075, %sub3A_1075 : vector<8x512xf32>
    %mul3A_1081 = arith.mulf %sub3A_1079, %sub3A_1079 : vector<8x512xf32>
    %add3A_1082 = arith.addf %mul3A_1080, %mul3A_1081 : vector<8x512xf32>
    %mul3A_1083 = arith.mulf %sub3A_1077, %sub3A_1077 : vector<8x512xf32>
    %add3A_1084 = arith.addf %add3A_1082, %mul3A_1083 : vector<8x512xf32>
    %get3A_1085 = arith.constant 0 : index
    %get3A_1086 = arith.constant 12800 : index
    %get3A_1087 = vector.load %arg5[%get3A_1085, %get3A_1086] : memref<8x16384xf32, #tpu.memory_space<vmem>>, vector<8x512xf32>
    %min3A_1088 = arith.minimumf %get3A_1087, %add3A_1084 : vector<8x512xf32>
    %swap3A_1089 = arith.constant 0 : index
    %swap3A_1090 = arith.constant 12800 : index
    %swap3A_1091 = vector.load %arg5[%swap3A_1089, %swap3A_1090] : memref<8x16384xf32, #tpu.memory_space<vmem>>, vector<8x512xf32>
    tpu.vector_store %arg5[%swap3A_1089, %swap3A_1090], %min3A_1088 {strides = array<i32>} : memref<8x16384xf32, #tpu.memory_space<vmem>>, vector<8x512xf32>,
    %add3A_1092 = arith.constant 12800 : i32
    %add3A_1093 = vector.broadcast %add3A_1092 : i32 to vector<8x512xi32>
    %add3A_1094 = arith.addi %iota3A, %add3A_1093 : vector<8x512xi32>
    %gt3A_1095 = arith.cmpf ogt, %min3A_1088, %select_n3A_1054 : vector<8x512xf32>
    %select_n3A_1096 = arith.select %gt3A_1095, %min3A_1088, %select_n3A_1054 : vector<8x512xi1>, vector<8x512xf32>
    %select_n3A_1097 = arith.select %gt3A_1095, %add3A_1094, %select_n3A_1055 : vector<8x512xi1>, vector<8x512xi32>
    %select_n3A_1098 = arith.select %gt3A_1095, %get3A_1063, %select_n3A_1056 : vector<8x512xi1>, vector<8x512xf32>
    %select_n3A_1099 = arith.select %gt3A_1095, %get3A_1068, %select_n3A_1057 : vector<8x512xi1>, vector<8x512xf32>
    %select_n3A_1100 = arith.select %gt3A_1095, %get3A_1073, %select_n3A_1058 : vector<8x512xi1>, vector<8x512xf32>
    %get3A_1101 = arith.constant 0 : index
    %get3A_1102 = arith.constant 0 : index
    %get3A_1103 = arith.constant 13312 : index
    %get3A_1104 = vector.load %arg1[%get3A_1101, %get3A_1102, %get3A_1103] : memref<3x8x16384xf32, #tpu.memory_space<vmem>>, vector<1x8x512xf32>
    %get3A_1105 = vector.shape_cast %get3A_1104 : vector<1x8x512xf32> to vector<8x512xf32>
    %get3A_1106 = arith.constant 1 : index
    %get3A_1107 = arith.constant 0 : index
    %get3A_1108 = arith.constant 13312 : index
    %get3A_1109 = vector.load %arg1[%get3A_1106, %get3A_1107, %get3A_1108] : memref<3x8x16384xf32, #tpu.memory_space<vmem>>, vector<1x8x512xf32>
    %get3A_1110 = vector.shape_cast %get3A_1109 : vector<1x8x512xf32> to vector<8x512xf32>
    %get3A_1111 = arith.constant 2 : index
    %get3A_1112 = arith.constant 0 : index
    %get3A_1113 = arith.constant 13312 : index
    %get3A_1114 = vector.load %arg1[%get3A_1111, %get3A_1112, %get3A_1113] : memref<3x8x16384xf32, #tpu.memory_space<vmem>>, vector<1x8x512xf32>
    %get3A_1115 = vector.shape_cast %get3A_1114 : vector<1x8x512xf32> to vector<8x512xf32>
    %sub3A_1116 = vector.broadcast %get3A_13 : vector<8x1xf32> to vector<8x512xf32>
    %sub3A_1117 = arith.subf %get3A_1105, %sub3A_1116 : vector<8x512xf32>
    %sub3A_1118 = vector.broadcast %get3A_18 : vector<8x1xf32> to vector<8x512xf32>
    %sub3A_1119 = arith.subf %get3A_1110, %sub3A_1118 : vector<8x512xf32>
    %sub3A_1120 = vector.broadcast %get3A_23 : vector<8x1xf32> to vector<8x512xf32>
    %sub3A_1121 = arith.subf %get3A_1115, %sub3A_1120 : vector<8x512xf32>
    %mul3A_1122 = arith.mulf %sub3A_1117, %sub3A_1117 : vector<8x512xf32>
    %mul3A_1123 = arith.mulf %sub3A_1121, %sub3A_1121 : vector<8x512xf32>
    %add3A_1124 = arith.addf %mul3A_1122, %mul3A_1123 : vector<8x512xf32>
    %mul3A_1125 = arith.mulf %sub3A_1119, %sub3A_1119 : vector<8x512xf32>
    %add3A_1126 = arith.addf %add3A_1124, %mul3A_1125 : vector<8x512xf32>
    %get3A_1127 = arith.constant 0 : index
    %get3A_1128 = arith.constant 13312 : index
    %get3A_1129 = vector.load %arg5[%get3A_1127, %get3A_1128] : memref<8x16384xf32, #tpu.memory_space<vmem>>, vector<8x512xf32>
    %min3A_1130 = arith.minimumf %get3A_1129, %add3A_1126 : vector<8x512xf32>
    %swap3A_1131 = arith.constant 0 : index
    %swap3A_1132 = arith.constant 13312 : index
    %swap3A_1133 = vector.load %arg5[%swap3A_1131, %swap3A_1132] : memref<8x16384xf32, #tpu.memory_space<vmem>>, vector<8x512xf32>
    tpu.vector_store %arg5[%swap3A_1131, %swap3A_1132], %min3A_1130 {strides = array<i32>} : memref<8x16384xf32, #tpu.memory_space<vmem>>, vector<8x512xf32>,
    %add3A_1134 = arith.constant 13312 : i32
    %add3A_1135 = vector.broadcast %add3A_1134 : i32 to vector<8x512xi32>
    %add3A_1136 = arith.addi %iota3A, %add3A_1135 : vector<8x512xi32>
    %gt3A_1137 = arith.cmpf ogt, %min3A_1130, %select_n3A_1096 : vector<8x512xf32>
    %select_n3A_1138 = arith.select %gt3A_1137, %min3A_1130, %select_n3A_1096 : vector<8x512xi1>, vector<8x512xf32>
    %select_n3A_1139 = arith.select %gt3A_1137, %add3A_1136, %select_n3A_1097 : vector<8x512xi1>, vector<8x512xi32>
    %select_n3A_1140 = arith.select %gt3A_1137, %get3A_1105, %select_n3A_1098 : vector<8x512xi1>, vector<8x512xf32>
    %select_n3A_1141 = arith.select %gt3A_1137, %get3A_1110, %select_n3A_1099 : vector<8x512xi1>, vector<8x512xf32>
    %select_n3A_1142 = arith.select %gt3A_1137, %get3A_1115, %select_n3A_1100 : vector<8x512xi1>, vector<8x512xf32>
    %get3A_1143 = arith.constant 0 : index
    %get3A_1144 = arith.constant 0 : index
    %get3A_1145 = arith.constant 13824 : index
    %get3A_1146 = vector.load %arg1[%get3A_1143, %get3A_1144, %get3A_1145] : memref<3x8x16384xf32, #tpu.memory_space<vmem>>, vector<1x8x512xf32>
    %get3A_1147 = vector.shape_cast %get3A_1146 : vector<1x8x512xf32> to vector<8x512xf32>
    %get3A_1148 = arith.constant 1 : index
    %get3A_1149 = arith.constant 0 : index
    %get3A_1150 = arith.constant 13824 : index
    %get3A_1151 = vector.load %arg1[%get3A_1148, %get3A_1149, %get3A_1150] : memref<3x8x16384xf32, #tpu.memory_space<vmem>>, vector<1x8x512xf32>
    %get3A_1152 = vector.shape_cast %get3A_1151 : vector<1x8x512xf32> to vector<8x512xf32>
    %get3A_1153 = arith.constant 2 : index
    %get3A_1154 = arith.constant 0 : index
    %get3A_1155 = arith.constant 13824 : index
    %get3A_1156 = vector.load %arg1[%get3A_1153, %get3A_1154, %get3A_1155] : memref<3x8x16384xf32, #tpu.memory_space<vmem>>, vector<1x8x512xf32>
    %get3A_1157 = vector.shape_cast %get3A_1156 : vector<1x8x512xf32> to vector<8x512xf32>
    %sub3A_1158 = vector.broadcast %get3A_13 : vector<8x1xf32> to vector<8x512xf32>
    %sub3A_1159 = arith.subf %get3A_1147, %sub3A_1158 : vector<8x512xf32>
    %sub3A_1160 = vector.broadcast %get3A_18 : vector<8x1xf32> to vector<8x512xf32>
    %sub3A_1161 = arith.subf %get3A_1152, %sub3A_1160 : vector<8x512xf32>
    %sub3A_1162 = vector.broadcast %get3A_23 : vector<8x1xf32> to vector<8x512xf32>
    %sub3A_1163 = arith.subf %get3A_1157, %sub3A_1162 : vector<8x512xf32>
    %mul3A_1164 = arith.mulf %sub3A_1159, %sub3A_1159 : vector<8x512xf32>
    %mul3A_1165 = arith.mulf %sub3A_1163, %sub3A_1163 : vector<8x512xf32>
    %add3A_1166 = arith.addf %mul3A_1164, %mul3A_1165 : vector<8x512xf32>
    %mul3A_1167 = arith.mulf %sub3A_1161, %sub3A_1161 : vector<8x512xf32>
    %add3A_1168 = arith.addf %add3A_1166, %mul3A_1167 : vector<8x512xf32>
    %get3A_1169 = arith.constant 0 : index
    %get3A_1170 = arith.constant 13824 : index
    %get3A_1171 = vector.load %arg5[%get3A_1169, %get3A_1170] : memref<8x16384xf32, #tpu.memory_space<vmem>>, vector<8x512xf32>
    %min3A_1172 = arith.minimumf %get3A_1171, %add3A_1168 : vector<8x512xf32>
    %swap3A_1173 = arith.constant 0 : index
    %swap3A_1174 = arith.constant 13824 : index
    %swap3A_1175 = vector.load %arg5[%swap3A_1173, %swap3A_1174] : memref<8x16384xf32, #tpu.memory_space<vmem>>, vector<8x512xf32>
    tpu.vector_store %arg5[%swap3A_1173, %swap3A_1174], %min3A_1172 {strides = array<i32>} : memref<8x16384xf32, #tpu.memory_space<vmem>>, vector<8x512xf32>,
    %add3A_1176 = arith.constant 13824 : i32
    %add3A_1177 = vector.broadcast %add3A_1176 : i32 to vector<8x512xi32>
    %add3A_1178 = arith.addi %iota3A, %add3A_1177 : vector<8x512xi32>
    %gt3A_1179 = arith.cmpf ogt, %min3A_1172, %select_n3A_1138 : vector<8x512xf32>
    %select_n3A_1180 = arith.select %gt3A_1179, %min3A_1172, %select_n3A_1138 : vector<8x512xi1>, vector<8x512xf32>
    %select_n3A_1181 = arith.select %gt3A_1179, %add3A_1178, %select_n3A_1139 : vector<8x512xi1>, vector<8x512xi32>
    %select_n3A_1182 = arith.select %gt3A_1179, %get3A_1147, %select_n3A_1140 : vector<8x512xi1>, vector<8x512xf32>
    %select_n3A_1183 = arith.select %gt3A_1179, %get3A_1152, %select_n3A_1141 : vector<8x512xi1>, vector<8x512xf32>
    %select_n3A_1184 = arith.select %gt3A_1179, %get3A_1157, %select_n3A_1142 : vector<8x512xi1>, vector<8x512xf32>
    %get3A_1185 = arith.constant 0 : index
    %get3A_1186 = arith.constant 0 : index
    %get3A_1187 = arith.constant 14336 : index
    %get3A_1188 = vector.load %arg1[%get3A_1185, %get3A_1186, %get3A_1187] : memref<3x8x16384xf32, #tpu.memory_space<vmem>>, vector<1x8x512xf32>
    %get3A_1189 = vector.shape_cast %get3A_1188 : vector<1x8x512xf32> to vector<8x512xf32>
    %get3A_1190 = arith.constant 1 : index
    %get3A_1191 = arith.constant 0 : index
    %get3A_1192 = arith.constant 14336 : index
    %get3A_1193 = vector.load %arg1[%get3A_1190, %get3A_1191, %get3A_1192] : memref<3x8x16384xf32, #tpu.memory_space<vmem>>, vector<1x8x512xf32>
    %get3A_1194 = vector.shape_cast %get3A_1193 : vector<1x8x512xf32> to vector<8x512xf32>
    %get3A_1195 = arith.constant 2 : index
    %get3A_1196 = arith.constant 0 : index
    %get3A_1197 = arith.constant 14336 : index
    %get3A_1198 = vector.load %arg1[%get3A_1195, %get3A_1196, %get3A_1197] : memref<3x8x16384xf32, #tpu.memory_space<vmem>>, vector<1x8x512xf32>
    %get3A_1199 = vector.shape_cast %get3A_1198 : vector<1x8x512xf32> to vector<8x512xf32>
    %sub3A_1200 = vector.broadcast %get3A_13 : vector<8x1xf32> to vector<8x512xf32>
    %sub3A_1201 = arith.subf %get3A_1189, %sub3A_1200 : vector<8x512xf32>
    %sub3A_1202 = vector.broadcast %get3A_18 : vector<8x1xf32> to vector<8x512xf32>
    %sub3A_1203 = arith.subf %get3A_1194, %sub3A_1202 : vector<8x512xf32>
    %sub3A_1204 = vector.broadcast %get3A_23 : vector<8x1xf32> to vector<8x512xf32>
    %sub3A_1205 = arith.subf %get3A_1199, %sub3A_1204 : vector<8x512xf32>
    %mul3A_1206 = arith.mulf %sub3A_1201, %sub3A_1201 : vector<8x512xf32>
    %mul3A_1207 = arith.mulf %sub3A_1205, %sub3A_1205 : vector<8x512xf32>
    %add3A_1208 = arith.addf %mul3A_1206, %mul3A_1207 : vector<8x512xf32>
    %mul3A_1209 = arith.mulf %sub3A_1203, %sub3A_1203 : vector<8x512xf32>
    %add3A_1210 = arith.addf %add3A_1208, %mul3A_1209 : vector<8x512xf32>
    %get3A_1211 = arith.constant 0 : index
    %get3A_1212 = arith.constant 14336 : index
    %get3A_1213 = vector.load %arg5[%get3A_1211, %get3A_1212] : memref<8x16384xf32, #tpu.memory_space<vmem>>, vector<8x512xf32>
    %min3A_1214 = arith.minimumf %get3A_1213, %add3A_1210 : vector<8x512xf32>
    %swap3A_1215 = arith.constant 0 : index
    %swap3A_1216 = arith.constant 14336 : index
    %swap3A_1217 = vector.load %arg5[%swap3A_1215, %swap3A_1216] : memref<8x16384xf32, #tpu.memory_space<vmem>>, vector<8x512xf32>
    tpu.vector_store %arg5[%swap3A_1215, %swap3A_1216], %min3A_1214 {strides = array<i32>} : memref<8x16384xf32, #tpu.memory_space<vmem>>, vector<8x512xf32>,
    %add3A_1218 = arith.constant 14336 : i32
    %add3A_1219 = vector.broadcast %add3A_1218 : i32 to vector<8x512xi32>
    %add3A_1220 = arith.addi %iota3A, %add3A_1219 : vector<8x512xi32>
    %gt3A_1221 = arith.cmpf ogt, %min3A_1214, %select_n3A_1180 : vector<8x512xf32>
    %select_n3A_1222 = arith.select %gt3A_1221, %min3A_1214, %select_n3A_1180 : vector<8x512xi1>, vector<8x512xf32>
    %select_n3A_1223 = arith.select %gt3A_1221, %add3A_1220, %select_n3A_1181 : vector<8x512xi1>, vector<8x512xi32>
    %select_n3A_1224 = arith.select %gt3A_1221, %get3A_1189, %select_n3A_1182 : vector<8x512xi1>, vector<8x512xf32>
    %select_n3A_1225 = arith.select %gt3A_1221, %get3A_1194, %select_n3A_1183 : vector<8x512xi1>, vector<8x512xf32>
    %select_n3A_1226 = arith.select %gt3A_1221, %get3A_1199, %select_n3A_1184 : vector<8x512xi1>, vector<8x512xf32>
    %get3A_1227 = arith.constant 0 : index
    %get3A_1228 = arith.constant 0 : index
    %get3A_1229 = arith.constant 14848 : index
    %get3A_1230 = vector.load %arg1[%get3A_1227, %get3A_1228, %get3A_1229] : memref<3x8x16384xf32, #tpu.memory_space<vmem>>, vector<1x8x512xf32>
    %get3A_1231 = vector.shape_cast %get3A_1230 : vector<1x8x512xf32> to vector<8x512xf32>
    %get3A_1232 = arith.constant 1 : index
    %get3A_1233 = arith.constant 0 : index
    %get3A_1234 = arith.constant 14848 : index
    %get3A_1235 = vector.load %arg1[%get3A_1232, %get3A_1233, %get3A_1234] : memref<3x8x16384xf32, #tpu.memory_space<vmem>>, vector<1x8x512xf32>
    %get3A_1236 = vector.shape_cast %get3A_1235 : vector<1x8x512xf32> to vector<8x512xf32>
    %get3A_1237 = arith.constant 2 : index
    %get3A_1238 = arith.constant 0 : index
    %get3A_1239 = arith.constant 14848 : index
    %get3A_1240 = vector.load %arg1[%get3A_1237, %get3A_1238, %get3A_1239] : memref<3x8x16384xf32, #tpu.memory_space<vmem>>, vector<1x8x512xf32>
    %get3A_1241 = vector.shape_cast %get3A_1240 : vector<1x8x512xf32> to vector<8x512xf32>
    %sub3A_1242 = vector.broadcast %get3A_13 : vector<8x1xf32> to vector<8x512xf32>
    %sub3A_1243 = arith.subf %get3A_1231, %sub3A_1242 : vector<8x512xf32>
    %sub3A_1244 = vector.broadcast %get3A_18 : vector<8x1xf32> to vector<8x512xf32>
    %sub3A_1245 = arith.subf %get3A_1236, %sub3A_1244 : vector<8x512xf32>
    %sub3A_1246 = vector.broadcast %get3A_23 : vector<8x1xf32> to vector<8x512xf32>
    %sub3A_1247 = arith.subf %get3A_1241, %sub3A_1246 : vector<8x512xf32>
    %mul3A_1248 = arith.mulf %sub3A_1243, %sub3A_1243 : vector<8x512xf32>
    %mul3A_1249 = arith.mulf %sub3A_1247, %sub3A_1247 : vector<8x512xf32>
    %add3A_1250 = arith.addf %mul3A_1248, %mul3A_1249 : vector<8x512xf32>
    %mul3A_1251 = arith.mulf %sub3A_1245, %sub3A_1245 : vector<8x512xf32>
    %add3A_1252 = arith.addf %add3A_1250, %mul3A_1251 : vector<8x512xf32>
    %get3A_1253 = arith.constant 0 : index
    %get3A_1254 = arith.constant 14848 : index
    %get3A_1255 = vector.load %arg5[%get3A_1253, %get3A_1254] : memref<8x16384xf32, #tpu.memory_space<vmem>>, vector<8x512xf32>
    %min3A_1256 = arith.minimumf %get3A_1255, %add3A_1252 : vector<8x512xf32>
    %swap3A_1257 = arith.constant 0 : index
    %swap3A_1258 = arith.constant 14848 : index
    %swap3A_1259 = vector.load %arg5[%swap3A_1257, %swap3A_1258] : memref<8x16384xf32, #tpu.memory_space<vmem>>, vector<8x512xf32>
    tpu.vector_store %arg5[%swap3A_1257, %swap3A_1258], %min3A_1256 {strides = array<i32>} : memref<8x16384xf32, #tpu.memory_space<vmem>>, vector<8x512xf32>,
    %add3A_1260 = arith.constant 14848 : i32
    %add3A_1261 = vector.broadcast %add3A_1260 : i32 to vector<8x512xi32>
    %add3A_1262 = arith.addi %iota3A, %add3A_1261 : vector<8x512xi32>
    %gt3A_1263 = arith.cmpf ogt, %min3A_1256, %select_n3A_1222 : vector<8x512xf32>
    %select_n3A_1264 = arith.select %gt3A_1263, %min3A_1256, %select_n3A_1222 : vector<8x512xi1>, vector<8x512xf32>
    %select_n3A_1265 = arith.select %gt3A_1263, %add3A_1262, %select_n3A_1223 : vector<8x512xi1>, vector<8x512xi32>
    %select_n3A_1266 = arith.select %gt3A_1263, %get3A_1231, %select_n3A_1224 : vector<8x512xi1>, vector<8x512xf32>
    %select_n3A_1267 = arith.select %gt3A_1263, %get3A_1236, %select_n3A_1225 : vector<8x512xi1>, vector<8x512xf32>
    %select_n3A_1268 = arith.select %gt3A_1263, %get3A_1241, %select_n3A_1226 : vector<8x512xi1>, vector<8x512xf32>
    %get3A_1269 = arith.constant 0 : index
    %get3A_1270 = arith.constant 0 : index
    %get3A_1271 = arith.constant 15360 : index
    %get3A_1272 = vector.load %arg1[%get3A_1269, %get3A_1270, %get3A_1271] : memref<3x8x16384xf32, #tpu.memory_space<vmem>>, vector<1x8x512xf32>
    %get3A_1273 = vector.shape_cast %get3A_1272 : vector<1x8x512xf32> to vector<8x512xf32>
    %get3A_1274 = arith.constant 1 : index
    %get3A_1275 = arith.constant 0 : index
    %get3A_1276 = arith.constant 15360 : index
    %get3A_1277 = vector.load %arg1[%get3A_1274, %get3A_1275, %get3A_1276] : memref<3x8x16384xf32, #tpu.memory_space<vmem>>, vector<1x8x512xf32>
    %get3A_1278 = vector.shape_cast %get3A_1277 : vector<1x8x512xf32> to vector<8x512xf32>
    %get3A_1279 = arith.constant 2 : index
    %get3A_1280 = arith.constant 0 : index
    %get3A_1281 = arith.constant 15360 : index
    %get3A_1282 = vector.load %arg1[%get3A_1279, %get3A_1280, %get3A_1281] : memref<3x8x16384xf32, #tpu.memory_space<vmem>>, vector<1x8x512xf32>
    %get3A_1283 = vector.shape_cast %get3A_1282 : vector<1x8x512xf32> to vector<8x512xf32>
    %sub3A_1284 = vector.broadcast %get3A_13 : vector<8x1xf32> to vector<8x512xf32>
    %sub3A_1285 = arith.subf %get3A_1273, %sub3A_1284 : vector<8x512xf32>
    %sub3A_1286 = vector.broadcast %get3A_18 : vector<8x1xf32> to vector<8x512xf32>
    %sub3A_1287 = arith.subf %get3A_1278, %sub3A_1286 : vector<8x512xf32>
    %sub3A_1288 = vector.broadcast %get3A_23 : vector<8x1xf32> to vector<8x512xf32>
    %sub3A_1289 = arith.subf %get3A_1283, %sub3A_1288 : vector<8x512xf32>
    %mul3A_1290 = arith.mulf %sub3A_1285, %sub3A_1285 : vector<8x512xf32>
    %mul3A_1291 = arith.mulf %sub3A_1289, %sub3A_1289 : vector<8x512xf32>
    %add3A_1292 = arith.addf %mul3A_1290, %mul3A_1291 : vector<8x512xf32>
    %mul3A_1293 = arith.mulf %sub3A_1287, %sub3A_1287 : vector<8x512xf32>
    %add3A_1294 = arith.addf %add3A_1292, %mul3A_1293 : vector<8x512xf32>
    %get3A_1295 = arith.constant 0 : index
    %get3A_1296 = arith.constant 15360 : index
    %get3A_1297 = vector.load %arg5[%get3A_1295, %get3A_1296] : memref<8x16384xf32, #tpu.memory_space<vmem>>, vector<8x512xf32>
    %min3A_1298 = arith.minimumf %get3A_1297, %add3A_1294 : vector<8x512xf32>
    %swap3A_1299 = arith.constant 0 : index
    %swap3A_1300 = arith.constant 15360 : index
    %swap3A_1301 = vector.load %arg5[%swap3A_1299, %swap3A_1300] : memref<8x16384xf32, #tpu.memory_space<vmem>>, vector<8x512xf32>
    tpu.vector_store %arg5[%swap3A_1299, %swap3A_1300], %min3A_1298 {strides = array<i32>} : memref<8x16384xf32, #tpu.memory_space<vmem>>, vector<8x512xf32>,
    %add3A_1302 = arith.constant 15360 : i32
    %add3A_1303 = vector.broadcast %add3A_1302 : i32 to vector<8x512xi32>
    %add3A_1304 = arith.addi %iota3A, %add3A_1303 : vector<8x512xi32>
    %gt3A_1305 = arith.cmpf ogt, %min3A_1298, %select_n3A_1264 : vector<8x512xf32>
    %select_n3A_1306 = arith.select %gt3A_1305, %min3A_1298, %select_n3A_1264 : vector<8x512xi1>, vector<8x512xf32>
    %select_n3A_1307 = arith.select %gt3A_1305, %add3A_1304, %select_n3A_1265 : vector<8x512xi1>, vector<8x512xi32>
    %select_n3A_1308 = arith.select %gt3A_1305, %get3A_1273, %select_n3A_1266 : vector<8x512xi1>, vector<8x512xf32>
    %select_n3A_1309 = arith.select %gt3A_1305, %get3A_1278, %select_n3A_1267 : vector<8x512xi1>, vector<8x512xf32>
    %select_n3A_1310 = arith.select %gt3A_1305, %get3A_1283, %select_n3A_1268 : vector<8x512xi1>, vector<8x512xf32>
    %get3A_1311 = arith.constant 0 : index
    %get3A_1312 = arith.constant 0 : index
    %get3A_1313 = arith.constant 15872 : index
    %get3A_1314 = vector.load %arg1[%get3A_1311, %get3A_1312, %get3A_1313] : memref<3x8x16384xf32, #tpu.memory_space<vmem>>, vector<1x8x512xf32>
    %get3A_1315 = vector.shape_cast %get3A_1314 : vector<1x8x512xf32> to vector<8x512xf32>
    %get3A_1316 = arith.constant 1 : index
    %get3A_1317 = arith.constant 0 : index
    %get3A_1318 = arith.constant 15872 : index
    %get3A_1319 = vector.load %arg1[%get3A_1316, %get3A_1317, %get3A_1318] : memref<3x8x16384xf32, #tpu.memory_space<vmem>>, vector<1x8x512xf32>
    %get3A_1320 = vector.shape_cast %get3A_1319 : vector<1x8x512xf32> to vector<8x512xf32>
    %get3A_1321 = arith.constant 2 : index
    %get3A_1322 = arith.constant 0 : index
    %get3A_1323 = arith.constant 15872 : index
    %get3A_1324 = vector.load %arg1[%get3A_1321, %get3A_1322, %get3A_1323] : memref<3x8x16384xf32, #tpu.memory_space<vmem>>, vector<1x8x512xf32>
    %get3A_1325 = vector.shape_cast %get3A_1324 : vector<1x8x512xf32> to vector<8x512xf32>
    %sub3A_1326 = vector.broadcast %get3A_13 : vector<8x1xf32> to vector<8x512xf32>
    %sub3A_1327 = arith.subf %get3A_1315, %sub3A_1326 : vector<8x512xf32>
    %sub3A_1328 = vector.broadcast %get3A_18 : vector<8x1xf32> to vector<8x512xf32>
    %sub3A_1329 = arith.subf %get3A_1320, %sub3A_1328 : vector<8x512xf32>
    %sub3A_1330 = vector.broadcast %get3A_23 : vector<8x1xf32> to vector<8x512xf32>
    %sub3A_1331 = arith.subf %get3A_1325, %sub3A_1330 : vector<8x512xf32>
    %mul3A_1332 = arith.mulf %sub3A_1327, %sub3A_1327 : vector<8x512xf32>
    %mul3A_1333 = arith.mulf %sub3A_1331, %sub3A_1331 : vector<8x512xf32>
    %add3A_1334 = arith.addf %mul3A_1332, %mul3A_1333 : vector<8x512xf32>
    %mul3A_1335 = arith.mulf %sub3A_1329, %sub3A_1329 : vector<8x512xf32>
    %add3A_1336 = arith.addf %add3A_1334, %mul3A_1335 : vector<8x512xf32>
    %get3A_1337 = arith.constant 0 : index
    %get3A_1338 = arith.constant 15872 : index
    %get3A_1339 = vector.load %arg5[%get3A_1337, %get3A_1338] : memref<8x16384xf32, #tpu.memory_space<vmem>>, vector<8x512xf32>
    %min3A_1340 = arith.minimumf %get3A_1339, %add3A_1336 : vector<8x512xf32>
    %swap3A_1341 = arith.constant 0 : index
    %swap3A_1342 = arith.constant 15872 : index
    %swap3A_1343 = vector.load %arg5[%swap3A_1341, %swap3A_1342] : memref<8x16384xf32, #tpu.memory_space<vmem>>, vector<8x512xf32>
    tpu.vector_store %arg5[%swap3A_1341, %swap3A_1342], %min3A_1340 {strides = array<i32>} : memref<8x16384xf32, #tpu.memory_space<vmem>>, vector<8x512xf32>,
    %add3A_1344 = arith.constant 15872 : i32
    %add3A_1345 = vector.broadcast %add3A_1344 : i32 to vector<8x512xi32>
    %add3A_1346 = arith.addi %iota3A, %add3A_1345 : vector<8x512xi32>
    %gt3A_1347 = arith.cmpf ogt, %min3A_1340, %select_n3A_1306 : vector<8x512xf32>
    %select_n3A_1348 = arith.select %gt3A_1347, %min3A_1340, %select_n3A_1306 : vector<8x512xi1>, vector<8x512xf32>
    %select_n3A_1349 = arith.select %gt3A_1347, %add3A_1346, %select_n3A_1307 : vector<8x512xi1>, vector<8x512xi32>
    %select_n3A_1350 = arith.select %gt3A_1347, %get3A_1315, %select_n3A_1308 : vector<8x512xi1>, vector<8x512xf32>
    %select_n3A_1351 = arith.select %gt3A_1347, %get3A_1320, %select_n3A_1309 : vector<8x512xi1>, vector<8x512xf32>
    %select_n3A_1352 = arith.select %gt3A_1347, %get3A_1325, %select_n3A_1310 : vector<8x512xi1>, vector<8x512xf32>
    %reduce_max3A = arith.constant dense<0xFF800000> : vector<8xf32>
    %reduce_max3A_1353 = vector.multi_reduction <maximumf>, %select_n3A_1348, %reduce_max3A [1] : vector<8x512xf32> to vector<8xf32>
    %broadcast_in_dim3A = vector.shape_cast %reduce_max3A_1353 : vector<8xf32> to vector<8x1xf32>
    %eq3A_1354 = vector.broadcast %broadcast_in_dim3A : vector<8x1xf32> to vector<8x512xf32>
    %eq3A_1355 = arith.cmpf oeq, %select_n3A_1348, %eq3A_1354 : vector<8x512xf32>
    %jit3A = arith.constant 16384 : i32
    %broadcast_in_dim3A_1356 = vector.broadcast %jit3A : i32 to vector<8x512xi32>
    %select_n3A_1357 = arith.select %eq3A_1355, %select_n3A_1349, %broadcast_in_dim3A_1356 : vector<8x512xi1>, vector<8x512xi32>
    %reduce_min3A = arith.constant dense<2147483647> : vector<8xi32>
    %reduce_min3A_1358 = vector.multi_reduction <minsi>, %select_n3A_1357, %reduce_min3A [1] : vector<8x512xi32> to vector<8xi32>
    %broadcast_in_dim3A_1359 = vector.shape_cast %reduce_min3A_1358 : vector<8xi32> to vector<8x1xi32>
    %eq3A_1360 = vector.broadcast %broadcast_in_dim3A_1359 : vector<8x1xi32> to vector<8x512xi32>
    %eq3A_1361 = arith.cmpi eq, %select_n3A_1357, %eq3A_1360 : vector<8x512xi32>
    %jit3A_1362 = arith.constant 0.000000e+00 : f32
    %broadcast_in_dim3A_1363 = vector.broadcast %jit3A_1362 : f32 to vector<8x512xf32>
    %select_n3A_1364 = arith.select %eq3A_1361, %select_n3A_1350, %broadcast_in_dim3A_1363 : vector<8x512xi1>, vector<8x512xf32>
    %reduce_sum3A = arith.constant dense<0.000000e+00> : vector<8xf32>
    %reduce_sum3A_1365 = vector.multi_reduction <add>, %select_n3A_1364, %reduce_sum3A [1] : vector<8x512xf32> to vector<8xf32>
    %broadcast_in_dim3A_1366 = vector.shape_cast %reduce_sum3A_1365 : vector<8xf32> to vector<8x1xf32>
    %swap3A_1367 = arith.constant 0 : index
    %swap3A_1368 = arith.constant 0 : index
    %swap3A_1369 = arith.constant 0 : index
    %swap3A_1370 = vector.load %arg7[%swap3A_1367, %swap3A_1368, %swap3A_1369] : memref<3x8x1xf32, #tpu.memory_space<vmem>>, vector<1x8x1xf32>
    %swap3A_1371 = vector.shape_cast %swap3A_1370 : vector<1x8x1xf32> to vector<8x1xf32>
    %swap3A_1372 = vector.shape_cast %broadcast_in_dim3A_1366 : vector<8x1xf32> to vector<1x8x1xf32>
    tpu.vector_store %arg7[%swap3A_1367, %swap3A_1368, %swap3A_1369], %swap3A_1372 {strides = array<i32>} : memref<3x8x1xf32, #tpu.memory_space<vmem>>, vector<1x8x1xf32>,
    %jit3A_1373 = arith.constant 0.000000e+00 : f32
    %broadcast_in_dim3A_1374 = vector.broadcast %jit3A_1373 : f32 to vector<8x512xf32>
    %select_n3A_1375 = arith.select %eq3A_1361, %select_n3A_1351, %broadcast_in_dim3A_1374 : vector<8x512xi1>, vector<8x512xf32>
    %reduce_sum3A_1376 = arith.constant dense<0.000000e+00> : vector<8xf32>
    %reduce_sum3A_1377 = vector.multi_reduction <add>, %select_n3A_1375, %reduce_sum3A_1376 [1] : vector<8x512xf32> to vector<8xf32>
    %broadcast_in_dim3A_1378 = vector.shape_cast %reduce_sum3A_1377 : vector<8xf32> to vector<8x1xf32>
    %swap3A_1379 = arith.constant 1 : index
    %swap3A_1380 = arith.constant 0 : index
    %swap3A_1381 = arith.constant 0 : index
    %swap3A_1382 = vector.load %arg7[%swap3A_1379, %swap3A_1380, %swap3A_1381] : memref<3x8x1xf32, #tpu.memory_space<vmem>>, vector<1x8x1xf32>
    %swap3A_1383 = vector.shape_cast %swap3A_1382 : vector<1x8x1xf32> to vector<8x1xf32>
    %swap3A_1384 = vector.shape_cast %broadcast_in_dim3A_1378 : vector<8x1xf32> to vector<1x8x1xf32>
    tpu.vector_store %arg7[%swap3A_1379, %swap3A_1380, %swap3A_1381], %swap3A_1384 {strides = array<i32>} : memref<3x8x1xf32, #tpu.memory_space<vmem>>, vector<1x8x1xf32>,
    %jit3A_1385 = arith.constant 0.000000e+00 : f32
    %broadcast_in_dim3A_1386 = vector.broadcast %jit3A_1385 : f32 to vector<8x512xf32>
    %select_n3A_1387 = arith.select %eq3A_1361, %select_n3A_1352, %broadcast_in_dim3A_1386 : vector<8x512xi1>, vector<8x512xf32>
    %reduce_sum3A_1388 = arith.constant dense<0.000000e+00> : vector<8xf32>
    %reduce_sum3A_1389 = vector.multi_reduction <add>, %select_n3A_1387, %reduce_sum3A_1388 [1] : vector<8x512xf32> to vector<8xf32>
    %broadcast_in_dim3A_1390 = vector.shape_cast %reduce_sum3A_1389 : vector<8xf32> to vector<8x1xf32>
    %swap3A_1391 = arith.constant 2 : index
    %swap3A_1392 = arith.constant 0 : index
    %swap3A_1393 = arith.constant 0 : index
    %swap3A_1394 = vector.load %arg7[%swap3A_1391, %swap3A_1392, %swap3A_1393] : memref<3x8x1xf32, #tpu.memory_space<vmem>>, vector<1x8x1xf32>
    %swap3A_1395 = vector.shape_cast %swap3A_1394 : vector<1x8x1xf32> to vector<8x1xf32>
    %swap3A_1396 = vector.shape_cast %broadcast_in_dim3A_1390 : vector<8x1xf32> to vector<1x8x1xf32>
    tpu.vector_store %arg7[%swap3A_1391, %swap3A_1392, %swap3A_1393], %swap3A_1396 {strides = array<i32>} : memref<3x8x1xf32, #tpu.memory_space<vmem>>, vector<1x8x1xf32>,
    %swap3A_1397 = arith.constant 0 : index
    %swap3A_1398 = arith.constant 0 : index
    %swap3A_1399 = vector.load %arg6[%swap3A_1397, %swap3A_1398] : memref<8x1xi32, #tpu.memory_space<vmem>>, vector<8x1xi32>
    tpu.vector_store %arg6[%swap3A_1397, %swap3A_1398], %broadcast_in_dim3A_1359 {strides = array<i32>} : memref<8x1xi32, #tpu.memory_space<vmem>>, vector<8x1xi32>,
    %get3A_1400 = arith.constant 0 : index
    %get3A_1401 = arith.constant 0 : index
    %get3A_1402 = vector.load %arg6[%get3A_1400, %get3A_1401] : memref<8x1xi32, #tpu.memory_space<vmem>>, vector<8x1xi32>
    %swap3A_1403 = arith.constant 1 : index
    %swap3A_1404 = arith.constant 0 : index
    %swap3A_1405 = arith.constant 0 : index
    %swap3A_1406 = vector.load %arg4[%swap3A_1403, %swap3A_1404, %swap3A_1405] : memref<4x8x1xi32, #tpu.memory_space<vmem>>, vector<1x8x1xi32>
    %swap3A_1407 = vector.shape_cast %swap3A_1406 : vector<1x8x1xi32> to vector<8x1xi32>
    %swap3A_1408 = vector.shape_cast %get3A_1402 : vector<8x1xi32> to vector<1x8x1xi32>
    tpu.vector_store %arg4[%swap3A_1403, %swap3A_1404, %swap3A_1405], %swap3A_1408 {strides = array<i32>} : memref<4x8x1xi32, #tpu.memory_space<vmem>>, vector<1x8x1xi32>,
    %get3A_1409 = arith.constant 0 : index
    %get3A_1410 = arith.constant 0 : index
    %get3A_1411 = arith.constant 0 : index
    %get3A_1412 = vector.load %arg7[%get3A_1409, %get3A_1410, %get3A_1411] : memref<3x8x1xf32, #tpu.memory_space<vmem>>, vector<1x8x1xf32>
    %get3A_1413 = vector.shape_cast %get3A_1412 : vector<1x8x1xf32> to vector<8x1xf32>
    %get3A_1414 = arith.constant 1 : index
    %get3A_1415 = arith.constant 0 : index
    %get3A_1416 = arith.constant 0 : index
    %get3A_1417 = vector.load %arg7[%get3A_1414, %get3A_1415, %get3A_1416] : memref<3x8x1xf32, #tpu.memory_space<vmem>>, vector<1x8x1xf32>
    %get3A_1418 = vector.shape_cast %get3A_1417 : vector<1x8x1xf32> to vector<8x1xf32>
    %get3A_1419 = arith.constant 2 : index
    %get3A_1420 = arith.constant 0 : index
    %get3A_1421 = arith.constant 0 : index
    %get3A_1422 = vector.load %arg7[%get3A_1419, %get3A_1420, %get3A_1421] : memref<3x8x1xf32, #tpu.memory_space<vmem>>, vector<1x8x1xf32>
    %get3A_1423 = vector.shape_cast %get3A_1422 : vector<1x8x1xf32> to vector<8x1xf32>
    %get3A_1424 = arith.constant 0 : index
    %get3A_1425 = arith.constant 0 : index
    %get3A_1426 = arith.constant 0 : index
    %get3A_1427 = vector.load %arg1[%get3A_1424, %get3A_1425, %get3A_1426] : memref<3x8x16384xf32, #tpu.memory_space<vmem>>, vector<1x8x512xf32>
    %get3A_1428 = vector.shape_cast %get3A_1427 : vector<1x8x512xf32> to vector<8x512xf32>
    %get3A_1429 = arith.constant 1 : index
    %get3A_1430 = arith.constant 0 : index
    %get3A_1431 = arith.constant 0 : index
    %get3A_1432 = vector.load %arg1[%get3A_1429, %get3A_1430, %get3A_1431] : memref<3x8x16384xf32, #tpu.memory_space<vmem>>, vector<1x8x512xf32>
    %get3A_1433 = vector.shape_cast %get3A_1432 : vector<1x8x512xf32> to vector<8x512xf32>
    %get3A_1434 = arith.constant 2 : index
    %get3A_1435 = arith.constant 0 : index
    %get3A_1436 = arith.constant 0 : index
    %get3A_1437 = vector.load %arg1[%get3A_1434, %get3A_1435, %get3A_1436] : memref<3x8x16384xf32, #tpu.memory_space<vmem>>, vector<1x8x512xf32>
    %get3A_1438 = vector.shape_cast %get3A_1437 : vector<1x8x512xf32> to vector<8x512xf32>
    %sub3A_1439 = vector.broadcast %get3A_1413 : vector<8x1xf32> to vector<8x512xf32>
    %sub3A_1440 = arith.subf %get3A_1428, %sub3A_1439 : vector<8x512xf32>
    %sub3A_1441 = vector.broadcast %get3A_1418 : vector<8x1xf32> to vector<8x512xf32>
    %sub3A_1442 = arith.subf %get3A_1433, %sub3A_1441 : vector<8x512xf32>
    %sub3A_1443 = vector.broadcast %get3A_1423 : vector<8x1xf32> to vector<8x512xf32>
    %sub3A_1444 = arith.subf %get3A_1438, %sub3A_1443 : vector<8x512xf32>
    %mul3A_1445 = arith.mulf %sub3A_1440, %sub3A_1440 : vector<8x512xf32>
    %mul3A_1446 = arith.mulf %sub3A_1444, %sub3A_1444 : vector<8x512xf32>
    %add3A_1447 = arith.addf %mul3A_1445, %mul3A_1446 : vector<8x512xf32>
    %mul3A_1448 = arith.mulf %sub3A_1442, %sub3A_1442 : vector<8x512xf32>
    %add3A_1449 = arith.addf %add3A_1447, %mul3A_1448 : vector<8x512xf32>
    %get3A_1450 = arith.constant 0 : index
    %get3A_1451 = arith.constant 0 : index
    %get3A_1452 = vector.load %arg5[%get3A_1450, %get3A_1451] : memref<8x16384xf32, #tpu.memory_space<vmem>>, vector<8x512xf32>
    %min3A_1453 = arith.minimumf %get3A_1452, %add3A_1449 : vector<8x512xf32>
    %swap3A_1454 = arith.constant 0 : index
    %swap3A_1455 = arith.constant 0 : index
    %swap3A_1456 = vector.load %arg5[%swap3A_1454, %swap3A_1455] : memref<8x16384xf32, #tpu.memory_space<vmem>>, vector<8x512xf32>
    tpu.vector_store %arg5[%swap3A_1454, %swap3A_1455], %min3A_1453 {strides = array<i32>} : memref<8x16384xf32, #tpu.memory_space<vmem>>, vector<8x512xf32>,
    %get3A_1457 = arith.constant 0 : index
    %get3A_1458 = arith.constant 0 : index
    %get3A_1459 = arith.constant 512 : index
    %get3A_1460 = vector.load %arg1[%get3A_1457, %get3A_1458, %get3A_1459] : memref<3x8x16384xf32, #tpu.memory_space<vmem>>, vector<1x8x512xf32>
    %get3A_1461 = vector.shape_cast %get3A_1460 : vector<1x8x512xf32> to vector<8x512xf32>
    %get3A_1462 = arith.constant 1 : index
    %get3A_1463 = arith.constant 0 : index
    %get3A_1464 = arith.constant 512 : index
    %get3A_1465 = vector.load %arg1[%get3A_1462, %get3A_1463, %get3A_1464] : memref<3x8x16384xf32, #tpu.memory_space<vmem>>, vector<1x8x512xf32>
    %get3A_1466 = vector.shape_cast %get3A_1465 : vector<1x8x512xf32> to vector<8x512xf32>
    %get3A_1467 = arith.constant 2 : index
    %get3A_1468 = arith.constant 0 : index
    %get3A_1469 = arith.constant 512 : index
    %get3A_1470 = vector.load %arg1[%get3A_1467, %get3A_1468, %get3A_1469] : memref<3x8x16384xf32, #tpu.memory_space<vmem>>, vector<1x8x512xf32>
    %get3A_1471 = vector.shape_cast %get3A_1470 : vector<1x8x512xf32> to vector<8x512xf32>
    %sub3A_1472 = vector.broadcast %get3A_1413 : vector<8x1xf32> to vector<8x512xf32>
    %sub3A_1473 = arith.subf %get3A_1461, %sub3A_1472 : vector<8x512xf32>
    %sub3A_1474 = vector.broadcast %get3A_1418 : vector<8x1xf32> to vector<8x512xf32>
    %sub3A_1475 = arith.subf %get3A_1466, %sub3A_1474 : vector<8x512xf32>
    %sub3A_1476 = vector.broadcast %get3A_1423 : vector<8x1xf32> to vector<8x512xf32>
    %sub3A_1477 = arith.subf %get3A_1471, %sub3A_1476 : vector<8x512xf32>
    %mul3A_1478 = arith.mulf %sub3A_1473, %sub3A_1473 : vector<8x512xf32>
    %mul3A_1479 = arith.mulf %sub3A_1477, %sub3A_1477 : vector<8x512xf32>
    %add3A_1480 = arith.addf %mul3A_1478, %mul3A_1479 : vector<8x512xf32>
    %mul3A_1481 = arith.mulf %sub3A_1475, %sub3A_1475 : vector<8x512xf32>
    %add3A_1482 = arith.addf %add3A_1480, %mul3A_1481 : vector<8x512xf32>
    %get3A_1483 = arith.constant 0 : index
    %get3A_1484 = arith.constant 512 : index
    %get3A_1485 = vector.load %arg5[%get3A_1483, %get3A_1484] : memref<8x16384xf32, #tpu.memory_space<vmem>>, vector<8x512xf32>
    %min3A_1486 = arith.minimumf %get3A_1485, %add3A_1482 : vector<8x512xf32>
    %swap3A_1487 = arith.constant 0 : index
    %swap3A_1488 = arith.constant 512 : index
    %swap3A_1489 = vector.load %arg5[%swap3A_1487, %swap3A_1488] : memref<8x16384xf32, #tpu.memory_space<vmem>>, vector<8x512xf32>
    tpu.vector_store %arg5[%swap3A_1487, %swap3A_1488], %min3A_1486 {strides = array<i32>} : memref<8x16384xf32, #tpu.memory_space<vmem>>, vector<8x512xf32>,
    %add3A_1490 = arith.constant 512 : i32
    %add3A_1491 = vector.broadcast %add3A_1490 : i32 to vector<8x512xi32>
    %add3A_1492 = arith.addi %iota3A, %add3A_1491 : vector<8x512xi32>
    %gt3A_1493 = arith.cmpf ogt, %min3A_1486, %min3A_1453 : vector<8x512xf32>
    %select_n3A_1494 = arith.select %gt3A_1493, %min3A_1486, %min3A_1453 : vector<8x512xi1>, vector<8x512xf32>
    %select_n3A_1495 = arith.select %gt3A_1493, %add3A_1492, %iota3A : vector<8x512xi1>, vector<8x512xi32>
    %select_n3A_1496 = arith.select %gt3A_1493, %get3A_1461, %get3A_1428 : vector<8x512xi1>, vector<8x512xf32>
    %select_n3A_1497 = arith.select %gt3A_1493, %get3A_1466, %get3A_1433 : vector<8x512xi1>, vector<8x512xf32>
    %select_n3A_1498 = arith.select %gt3A_1493, %get3A_1471, %get3A_1438 : vector<8x512xi1>, vector<8x512xf32>
    %get3A_1499 = arith.constant 0 : index
    %get3A_1500 = arith.constant 0 : index
    %get3A_1501 = arith.constant 1024 : index
    %get3A_1502 = vector.load %arg1[%get3A_1499, %get3A_1500, %get3A_1501] : memref<3x8x16384xf32, #tpu.memory_space<vmem>>, vector<1x8x512xf32>
    %get3A_1503 = vector.shape_cast %get3A_1502 : vector<1x8x512xf32> to vector<8x512xf32>
    %get3A_1504 = arith.constant 1 : index
    %get3A_1505 = arith.constant 0 : index
    %get3A_1506 = arith.constant 1024 : index
    %get3A_1507 = vector.load %arg1[%get3A_1504, %get3A_1505, %get3A_1506] : memref<3x8x16384xf32, #tpu.memory_space<vmem>>, vector<1x8x512xf32>
    %get3A_1508 = vector.shape_cast %get3A_1507 : vector<1x8x512xf32> to vector<8x512xf32>
    %get3A_1509 = arith.constant 2 : index
    %get3A_1510 = arith.constant 0 : index
    %get3A_1511 = arith.constant 1024 : index
    %get3A_1512 = vector.load %arg1[%get3A_1509, %get3A_1510, %get3A_1511] : memref<3x8x16384xf32, #tpu.memory_space<vmem>>, vector<1x8x512xf32>
    %get3A_1513 = vector.shape_cast %get3A_1512 : vector<1x8x512xf32> to vector<8x512xf32>
    %sub3A_1514 = vector.broadcast %get3A_1413 : vector<8x1xf32> to vector<8x512xf32>
    %sub3A_1515 = arith.subf %get3A_1503, %sub3A_1514 : vector<8x512xf32>
    %sub3A_1516 = vector.broadcast %get3A_1418 : vector<8x1xf32> to vector<8x512xf32>
    %sub3A_1517 = arith.subf %get3A_1508, %sub3A_1516 : vector<8x512xf32>
    %sub3A_1518 = vector.broadcast %get3A_1423 : vector<8x1xf32> to vector<8x512xf32>
    %sub3A_1519 = arith.subf %get3A_1513, %sub3A_1518 : vector<8x512xf32>
    %mul3A_1520 = arith.mulf %sub3A_1515, %sub3A_1515 : vector<8x512xf32>
    %mul3A_1521 = arith.mulf %sub3A_1519, %sub3A_1519 : vector<8x512xf32>
    %add3A_1522 = arith.addf %mul3A_1520, %mul3A_1521 : vector<8x512xf32>
    %mul3A_1523 = arith.mulf %sub3A_1517, %sub3A_1517 : vector<8x512xf32>
    %add3A_1524 = arith.addf %add3A_1522, %mul3A_1523 : vector<8x512xf32>
    %get3A_1525 = arith.constant 0 : index
    %get3A_1526 = arith.constant 1024 : index
    %get3A_1527 = vector.load %arg5[%get3A_1525, %get3A_1526] : memref<8x16384xf32, #tpu.memory_space<vmem>>, vector<8x512xf32>
    %min3A_1528 = arith.minimumf %get3A_1527, %add3A_1524 : vector<8x512xf32>
    %swap3A_1529 = arith.constant 0 : index
    %swap3A_1530 = arith.constant 1024 : index
    %swap3A_1531 = vector.load %arg5[%swap3A_1529, %swap3A_1530] : memref<8x16384xf32, #tpu.memory_space<vmem>>, vector<8x512xf32>
    tpu.vector_store %arg5[%swap3A_1529, %swap3A_1530], %min3A_1528 {strides = array<i32>} : memref<8x16384xf32, #tpu.memory_space<vmem>>, vector<8x512xf32>,
    %add3A_1532 = arith.constant 1024 : i32
    %add3A_1533 = vector.broadcast %add3A_1532 : i32 to vector<8x512xi32>
    %add3A_1534 = arith.addi %iota3A, %add3A_1533 : vector<8x512xi32>
    %gt3A_1535 = arith.cmpf ogt, %min3A_1528, %select_n3A_1494 : vector<8x512xf32>
    %select_n3A_1536 = arith.select %gt3A_1535, %min3A_1528, %select_n3A_1494 : vector<8x512xi1>, vector<8x512xf32>
    %select_n3A_1537 = arith.select %gt3A_1535, %add3A_1534, %select_n3A_1495 : vector<8x512xi1>, vector<8x512xi32>
    %select_n3A_1538 = arith.select %gt3A_1535, %get3A_1503, %select_n3A_1496 : vector<8x512xi1>, vector<8x512xf32>
    %select_n3A_1539 = arith.select %gt3A_1535, %get3A_1508, %select_n3A_1497 : vector<8x512xi1>, vector<8x512xf32>
    %select_n3A_1540 = arith.select %gt3A_1535, %get3A_1513, %select_n3A_1498 : vector<8x512xi1>, vector<8x512xf32>
    %get3A_1541 = arith.constant 0 : index
    %get3A_1542 = arith.constant 0 : index
    %get3A_1543 = arith.constant 1536 : index
    %get3A_1544 = vector.load %arg1[%get3A_1541, %get3A_1542, %get3A_1543] : memref<3x8x16384xf32, #tpu.memory_space<vmem>>, vector<1x8x512xf32>
    %get3A_1545 = vector.shape_cast %get3A_1544 : vector<1x8x512xf32> to vector<8x512xf32>
    %get3A_1546 = arith.constant 1 : index
    %get3A_1547 = arith.constant 0 : index
    %get3A_1548 = arith.constant 1536 : index
    %get3A_1549 = vector.load %arg1[%get3A_1546, %get3A_1547, %get3A_1548] : memref<3x8x16384xf32, #tpu.memory_space<vmem>>, vector<1x8x512xf32>
    %get3A_1550 = vector.shape_cast %get3A_1549 : vector<1x8x512xf32> to vector<8x512xf32>
    %get3A_1551 = arith.constant 2 : index
    %get3A_1552 = arith.constant 0 : index
    %get3A_1553 = arith.constant 1536 : index
    %get3A_1554 = vector.load %arg1[%get3A_1551, %get3A_1552, %get3A_1553] : memref<3x8x16384xf32, #tpu.memory_space<vmem>>, vector<1x8x512xf32>
    %get3A_1555 = vector.shape_cast %get3A_1554 : vector<1x8x512xf32> to vector<8x512xf32>
    %sub3A_1556 = vector.broadcast %get3A_1413 : vector<8x1xf32> to vector<8x512xf32>
    %sub3A_1557 = arith.subf %get3A_1545, %sub3A_1556 : vector<8x512xf32>
    %sub3A_1558 = vector.broadcast %get3A_1418 : vector<8x1xf32> to vector<8x512xf32>
    %sub3A_1559 = arith.subf %get3A_1550, %sub3A_1558 : vector<8x512xf32>
    %sub3A_1560 = vector.broadcast %get3A_1423 : vector<8x1xf32> to vector<8x512xf32>
    %sub3A_1561 = arith.subf %get3A_1555, %sub3A_1560 : vector<8x512xf32>
    %mul3A_1562 = arith.mulf %sub3A_1557, %sub3A_1557 : vector<8x512xf32>
    %mul3A_1563 = arith.mulf %sub3A_1561, %sub3A_1561 : vector<8x512xf32>
    %add3A_1564 = arith.addf %mul3A_1562, %mul3A_1563 : vector<8x512xf32>
    %mul3A_1565 = arith.mulf %sub3A_1559, %sub3A_1559 : vector<8x512xf32>
    %add3A_1566 = arith.addf %add3A_1564, %mul3A_1565 : vector<8x512xf32>
    %get3A_1567 = arith.constant 0 : index
    %get3A_1568 = arith.constant 1536 : index
    %get3A_1569 = vector.load %arg5[%get3A_1567, %get3A_1568] : memref<8x16384xf32, #tpu.memory_space<vmem>>, vector<8x512xf32>
    %min3A_1570 = arith.minimumf %get3A_1569, %add3A_1566 : vector<8x512xf32>
    %swap3A_1571 = arith.constant 0 : index
    %swap3A_1572 = arith.constant 1536 : index
    %swap3A_1573 = vector.load %arg5[%swap3A_1571, %swap3A_1572] : memref<8x16384xf32, #tpu.memory_space<vmem>>, vector<8x512xf32>
    tpu.vector_store %arg5[%swap3A_1571, %swap3A_1572], %min3A_1570 {strides = array<i32>} : memref<8x16384xf32, #tpu.memory_space<vmem>>, vector<8x512xf32>,
    %add3A_1574 = arith.constant 1536 : i32
    %add3A_1575 = vector.broadcast %add3A_1574 : i32 to vector<8x512xi32>
    %add3A_1576 = arith.addi %iota3A, %add3A_1575 : vector<8x512xi32>
    %gt3A_1577 = arith.cmpf ogt, %min3A_1570, %select_n3A_1536 : vector<8x512xf32>
    %select_n3A_1578 = arith.select %gt3A_1577, %min3A_1570, %select_n3A_1536 : vector<8x512xi1>, vector<8x512xf32>
    %select_n3A_1579 = arith.select %gt3A_1577, %add3A_1576, %select_n3A_1537 : vector<8x512xi1>, vector<8x512xi32>
    %select_n3A_1580 = arith.select %gt3A_1577, %get3A_1545, %select_n3A_1538 : vector<8x512xi1>, vector<8x512xf32>
    %select_n3A_1581 = arith.select %gt3A_1577, %get3A_1550, %select_n3A_1539 : vector<8x512xi1>, vector<8x512xf32>
    %select_n3A_1582 = arith.select %gt3A_1577, %get3A_1555, %select_n3A_1540 : vector<8x512xi1>, vector<8x512xf32>
    %get3A_1583 = arith.constant 0 : index
    %get3A_1584 = arith.constant 0 : index
    %get3A_1585 = arith.constant 2048 : index
    %get3A_1586 = vector.load %arg1[%get3A_1583, %get3A_1584, %get3A_1585] : memref<3x8x16384xf32, #tpu.memory_space<vmem>>, vector<1x8x512xf32>
    %get3A_1587 = vector.shape_cast %get3A_1586 : vector<1x8x512xf32> to vector<8x512xf32>
    %get3A_1588 = arith.constant 1 : index
    %get3A_1589 = arith.constant 0 : index
    %get3A_1590 = arith.constant 2048 : index
    %get3A_1591 = vector.load %arg1[%get3A_1588, %get3A_1589, %get3A_1590] : memref<3x8x16384xf32, #tpu.memory_space<vmem>>, vector<1x8x512xf32>
    %get3A_1592 = vector.shape_cast %get3A_1591 : vector<1x8x512xf32> to vector<8x512xf32>
    %get3A_1593 = arith.constant 2 : index
    %get3A_1594 = arith.constant 0 : index
    %get3A_1595 = arith.constant 2048 : index
    %get3A_1596 = vector.load %arg1[%get3A_1593, %get3A_1594, %get3A_1595] : memref<3x8x16384xf32, #tpu.memory_space<vmem>>, vector<1x8x512xf32>
    %get3A_1597 = vector.shape_cast %get3A_1596 : vector<1x8x512xf32> to vector<8x512xf32>
    %sub3A_1598 = vector.broadcast %get3A_1413 : vector<8x1xf32> to vector<8x512xf32>
    %sub3A_1599 = arith.subf %get3A_1587, %sub3A_1598 : vector<8x512xf32>
    %sub3A_1600 = vector.broadcast %get3A_1418 : vector<8x1xf32> to vector<8x512xf32>
    %sub3A_1601 = arith.subf %get3A_1592, %sub3A_1600 : vector<8x512xf32>
    %sub3A_1602 = vector.broadcast %get3A_1423 : vector<8x1xf32> to vector<8x512xf32>
    %sub3A_1603 = arith.subf %get3A_1597, %sub3A_1602 : vector<8x512xf32>
    %mul3A_1604 = arith.mulf %sub3A_1599, %sub3A_1599 : vector<8x512xf32>
    %mul3A_1605 = arith.mulf %sub3A_1603, %sub3A_1603 : vector<8x512xf32>
    %add3A_1606 = arith.addf %mul3A_1604, %mul3A_1605 : vector<8x512xf32>
    %mul3A_1607 = arith.mulf %sub3A_1601, %sub3A_1601 : vector<8x512xf32>
    %add3A_1608 = arith.addf %add3A_1606, %mul3A_1607 : vector<8x512xf32>
    %get3A_1609 = arith.constant 0 : index
    %get3A_1610 = arith.constant 2048 : index
    %get3A_1611 = vector.load %arg5[%get3A_1609, %get3A_1610] : memref<8x16384xf32, #tpu.memory_space<vmem>>, vector<8x512xf32>
    %min3A_1612 = arith.minimumf %get3A_1611, %add3A_1608 : vector<8x512xf32>
    %swap3A_1613 = arith.constant 0 : index
    %swap3A_1614 = arith.constant 2048 : index
    %swap3A_1615 = vector.load %arg5[%swap3A_1613, %swap3A_1614] : memref<8x16384xf32, #tpu.memory_space<vmem>>, vector<8x512xf32>
    tpu.vector_store %arg5[%swap3A_1613, %swap3A_1614], %min3A_1612 {strides = array<i32>} : memref<8x16384xf32, #tpu.memory_space<vmem>>, vector<8x512xf32>,
    %add3A_1616 = arith.constant 2048 : i32
    %add3A_1617 = vector.broadcast %add3A_1616 : i32 to vector<8x512xi32>
    %add3A_1618 = arith.addi %iota3A, %add3A_1617 : vector<8x512xi32>
    %gt3A_1619 = arith.cmpf ogt, %min3A_1612, %select_n3A_1578 : vector<8x512xf32>
    %select_n3A_1620 = arith.select %gt3A_1619, %min3A_1612, %select_n3A_1578 : vector<8x512xi1>, vector<8x512xf32>
    %select_n3A_1621 = arith.select %gt3A_1619, %add3A_1618, %select_n3A_1579 : vector<8x512xi1>, vector<8x512xi32>
    %select_n3A_1622 = arith.select %gt3A_1619, %get3A_1587, %select_n3A_1580 : vector<8x512xi1>, vector<8x512xf32>
    %select_n3A_1623 = arith.select %gt3A_1619, %get3A_1592, %select_n3A_1581 : vector<8x512xi1>, vector<8x512xf32>
    %select_n3A_1624 = arith.select %gt3A_1619, %get3A_1597, %select_n3A_1582 : vector<8x512xi1>, vector<8x512xf32>
    %get3A_1625 = arith.constant 0 : index
    %get3A_1626 = arith.constant 0 : index
    %get3A_1627 = arith.constant 2560 : index
    %get3A_1628 = vector.load %arg1[%get3A_1625, %get3A_1626, %get3A_1627] : memref<3x8x16384xf32, #tpu.memory_space<vmem>>, vector<1x8x512xf32>
    %get3A_1629 = vector.shape_cast %get3A_1628 : vector<1x8x512xf32> to vector<8x512xf32>
    %get3A_1630 = arith.constant 1 : index
    %get3A_1631 = arith.constant 0 : index
    %get3A_1632 = arith.constant 2560 : index
    %get3A_1633 = vector.load %arg1[%get3A_1630, %get3A_1631, %get3A_1632] : memref<3x8x16384xf32, #tpu.memory_space<vmem>>, vector<1x8x512xf32>
    %get3A_1634 = vector.shape_cast %get3A_1633 : vector<1x8x512xf32> to vector<8x512xf32>
    %get3A_1635 = arith.constant 2 : index
    %get3A_1636 = arith.constant 0 : index
    %get3A_1637 = arith.constant 2560 : index
    %get3A_1638 = vector.load %arg1[%get3A_1635, %get3A_1636, %get3A_1637] : memref<3x8x16384xf32, #tpu.memory_space<vmem>>, vector<1x8x512xf32>
    %get3A_1639 = vector.shape_cast %get3A_1638 : vector<1x8x512xf32> to vector<8x512xf32>
    %sub3A_1640 = vector.broadcast %get3A_1413 : vector<8x1xf32> to vector<8x512xf32>
    %sub3A_1641 = arith.subf %get3A_1629, %sub3A_1640 : vector<8x512xf32>
    %sub3A_1642 = vector.broadcast %get3A_1418 : vector<8x1xf32> to vector<8x512xf32>
    %sub3A_1643 = arith.subf %get3A_1634, %sub3A_1642 : vector<8x512xf32>
    %sub3A_1644 = vector.broadcast %get3A_1423 : vector<8x1xf32> to vector<8x512xf32>
    %sub3A_1645 = arith.subf %get3A_1639, %sub3A_1644 : vector<8x512xf32>
    %mul3A_1646 = arith.mulf %sub3A_1641, %sub3A_1641 : vector<8x512xf32>
    %mul3A_1647 = arith.mulf %sub3A_1645, %sub3A_1645 : vector<8x512xf32>
    %add3A_1648 = arith.addf %mul3A_1646, %mul3A_1647 : vector<8x512xf32>
    %mul3A_1649 = arith.mulf %sub3A_1643, %sub3A_1643 : vector<8x512xf32>
    %add3A_1650 = arith.addf %add3A_1648, %mul3A_1649 : vector<8x512xf32>
    %get3A_1651 = arith.constant 0 : index
    %get3A_1652 = arith.constant 2560 : index
    %get3A_1653 = vector.load %arg5[%get3A_1651, %get3A_1652] : memref<8x16384xf32, #tpu.memory_space<vmem>>, vector<8x512xf32>
    %min3A_1654 = arith.minimumf %get3A_1653, %add3A_1650 : vector<8x512xf32>
    %swap3A_1655 = arith.constant 0 : index
    %swap3A_1656 = arith.constant 2560 : index
    %swap3A_1657 = vector.load %arg5[%swap3A_1655, %swap3A_1656] : memref<8x16384xf32, #tpu.memory_space<vmem>>, vector<8x512xf32>
    tpu.vector_store %arg5[%swap3A_1655, %swap3A_1656], %min3A_1654 {strides = array<i32>} : memref<8x16384xf32, #tpu.memory_space<vmem>>, vector<8x512xf32>,
    %add3A_1658 = arith.constant 2560 : i32
    %add3A_1659 = vector.broadcast %add3A_1658 : i32 to vector<8x512xi32>
    %add3A_1660 = arith.addi %iota3A, %add3A_1659 : vector<8x512xi32>
    %gt3A_1661 = arith.cmpf ogt, %min3A_1654, %select_n3A_1620 : vector<8x512xf32>
    %select_n3A_1662 = arith.select %gt3A_1661, %min3A_1654, %select_n3A_1620 : vector<8x512xi1>, vector<8x512xf32>
    %select_n3A_1663 = arith.select %gt3A_1661, %add3A_1660, %select_n3A_1621 : vector<8x512xi1>, vector<8x512xi32>
    %select_n3A_1664 = arith.select %gt3A_1661, %get3A_1629, %select_n3A_1622 : vector<8x512xi1>, vector<8x512xf32>
    %select_n3A_1665 = arith.select %gt3A_1661, %get3A_1634, %select_n3A_1623 : vector<8x512xi1>, vector<8x512xf32>
    %select_n3A_1666 = arith.select %gt3A_1661, %get3A_1639, %select_n3A_1624 : vector<8x512xi1>, vector<8x512xf32>
    %get3A_1667 = arith.constant 0 : index
    %get3A_1668 = arith.constant 0 : index
    %get3A_1669 = arith.constant 3072 : index
    %get3A_1670 = vector.load %arg1[%get3A_1667, %get3A_1668, %get3A_1669] : memref<3x8x16384xf32, #tpu.memory_space<vmem>>, vector<1x8x512xf32>
    %get3A_1671 = vector.shape_cast %get3A_1670 : vector<1x8x512xf32> to vector<8x512xf32>
    %get3A_1672 = arith.constant 1 : index
    %get3A_1673 = arith.constant 0 : index
    %get3A_1674 = arith.constant 3072 : index
    %get3A_1675 = vector.load %arg1[%get3A_1672, %get3A_1673, %get3A_1674] : memref<3x8x16384xf32, #tpu.memory_space<vmem>>, vector<1x8x512xf32>
    %get3A_1676 = vector.shape_cast %get3A_1675 : vector<1x8x512xf32> to vector<8x512xf32>
    %get3A_1677 = arith.constant 2 : index
    %get3A_1678 = arith.constant 0 : index
    %get3A_1679 = arith.constant 3072 : index
    %get3A_1680 = vector.load %arg1[%get3A_1677, %get3A_1678, %get3A_1679] : memref<3x8x16384xf32, #tpu.memory_space<vmem>>, vector<1x8x512xf32>
    %get3A_1681 = vector.shape_cast %get3A_1680 : vector<1x8x512xf32> to vector<8x512xf32>
    %sub3A_1682 = vector.broadcast %get3A_1413 : vector<8x1xf32> to vector<8x512xf32>
    %sub3A_1683 = arith.subf %get3A_1671, %sub3A_1682 : vector<8x512xf32>
    %sub3A_1684 = vector.broadcast %get3A_1418 : vector<8x1xf32> to vector<8x512xf32>
    %sub3A_1685 = arith.subf %get3A_1676, %sub3A_1684 : vector<8x512xf32>
    %sub3A_1686 = vector.broadcast %get3A_1423 : vector<8x1xf32> to vector<8x512xf32>
    %sub3A_1687 = arith.subf %get3A_1681, %sub3A_1686 : vector<8x512xf32>
    %mul3A_1688 = arith.mulf %sub3A_1683, %sub3A_1683 : vector<8x512xf32>
    %mul3A_1689 = arith.mulf %sub3A_1687, %sub3A_1687 : vector<8x512xf32>
    %add3A_1690 = arith.addf %mul3A_1688, %mul3A_1689 : vector<8x512xf32>
    %mul3A_1691 = arith.mulf %sub3A_1685, %sub3A_1685 : vector<8x512xf32>
    %add3A_1692 = arith.addf %add3A_1690, %mul3A_1691 : vector<8x512xf32>
    %get3A_1693 = arith.constant 0 : index
    %get3A_1694 = arith.constant 3072 : index
    %get3A_1695 = vector.load %arg5[%get3A_1693, %get3A_1694] : memref<8x16384xf32, #tpu.memory_space<vmem>>, vector<8x512xf32>
    %min3A_1696 = arith.minimumf %get3A_1695, %add3A_1692 : vector<8x512xf32>
    %swap3A_1697 = arith.constant 0 : index
    %swap3A_1698 = arith.constant 3072 : index
    %swap3A_1699 = vector.load %arg5[%swap3A_1697, %swap3A_1698] : memref<8x16384xf32, #tpu.memory_space<vmem>>, vector<8x512xf32>
    tpu.vector_store %arg5[%swap3A_1697, %swap3A_1698], %min3A_1696 {strides = array<i32>} : memref<8x16384xf32, #tpu.memory_space<vmem>>, vector<8x512xf32>,
    %add3A_1700 = arith.constant 3072 : i32
    %add3A_1701 = vector.broadcast %add3A_1700 : i32 to vector<8x512xi32>
    %add3A_1702 = arith.addi %iota3A, %add3A_1701 : vector<8x512xi32>
    %gt3A_1703 = arith.cmpf ogt, %min3A_1696, %select_n3A_1662 : vector<8x512xf32>
    %select_n3A_1704 = arith.select %gt3A_1703, %min3A_1696, %select_n3A_1662 : vector<8x512xi1>, vector<8x512xf32>
    %select_n3A_1705 = arith.select %gt3A_1703, %add3A_1702, %select_n3A_1663 : vector<8x512xi1>, vector<8x512xi32>
    %select_n3A_1706 = arith.select %gt3A_1703, %get3A_1671, %select_n3A_1664 : vector<8x512xi1>, vector<8x512xf32>
    %select_n3A_1707 = arith.select %gt3A_1703, %get3A_1676, %select_n3A_1665 : vector<8x512xi1>, vector<8x512xf32>
    %select_n3A_1708 = arith.select %gt3A_1703, %get3A_1681, %select_n3A_1666 : vector<8x512xi1>, vector<8x512xf32>
    %get3A_1709 = arith.constant 0 : index
    %get3A_1710 = arith.constant 0 : index
    %get3A_1711 = arith.constant 3584 : index
    %get3A_1712 = vector.load %arg1[%get3A_1709, %get3A_1710, %get3A_1711] : memref<3x8x16384xf32, #tpu.memory_space<vmem>>, vector<1x8x512xf32>
    %get3A_1713 = vector.shape_cast %get3A_1712 : vector<1x8x512xf32> to vector<8x512xf32>
    %get3A_1714 = arith.constant 1 : index
    %get3A_1715 = arith.constant 0 : index
    %get3A_1716 = arith.constant 3584 : index
    %get3A_1717 = vector.load %arg1[%get3A_1714, %get3A_1715, %get3A_1716] : memref<3x8x16384xf32, #tpu.memory_space<vmem>>, vector<1x8x512xf32>
    %get3A_1718 = vector.shape_cast %get3A_1717 : vector<1x8x512xf32> to vector<8x512xf32>
    %get3A_1719 = arith.constant 2 : index
    %get3A_1720 = arith.constant 0 : index
    %get3A_1721 = arith.constant 3584 : index
    %get3A_1722 = vector.load %arg1[%get3A_1719, %get3A_1720, %get3A_1721] : memref<3x8x16384xf32, #tpu.memory_space<vmem>>, vector<1x8x512xf32>
    %get3A_1723 = vector.shape_cast %get3A_1722 : vector<1x8x512xf32> to vector<8x512xf32>
    %sub3A_1724 = vector.broadcast %get3A_1413 : vector<8x1xf32> to vector<8x512xf32>
    %sub3A_1725 = arith.subf %get3A_1713, %sub3A_1724 : vector<8x512xf32>
    %sub3A_1726 = vector.broadcast %get3A_1418 : vector<8x1xf32> to vector<8x512xf32>
    %sub3A_1727 = arith.subf %get3A_1718, %sub3A_1726 : vector<8x512xf32>
    %sub3A_1728 = vector.broadcast %get3A_1423 : vector<8x1xf32> to vector<8x512xf32>
    %sub3A_1729 = arith.subf %get3A_1723, %sub3A_1728 : vector<8x512xf32>
    %mul3A_1730 = arith.mulf %sub3A_1725, %sub3A_1725 : vector<8x512xf32>
    %mul3A_1731 = arith.mulf %sub3A_1729, %sub3A_1729 : vector<8x512xf32>
    %add3A_1732 = arith.addf %mul3A_1730, %mul3A_1731 : vector<8x512xf32>
    %mul3A_1733 = arith.mulf %sub3A_1727, %sub3A_1727 : vector<8x512xf32>
    %add3A_1734 = arith.addf %add3A_1732, %mul3A_1733 : vector<8x512xf32>
    %get3A_1735 = arith.constant 0 : index
    %get3A_1736 = arith.constant 3584 : index
    %get3A_1737 = vector.load %arg5[%get3A_1735, %get3A_1736] : memref<8x16384xf32, #tpu.memory_space<vmem>>, vector<8x512xf32>
    %min3A_1738 = arith.minimumf %get3A_1737, %add3A_1734 : vector<8x512xf32>
    %swap3A_1739 = arith.constant 0 : index
    %swap3A_1740 = arith.constant 3584 : index
    %swap3A_1741 = vector.load %arg5[%swap3A_1739, %swap3A_1740] : memref<8x16384xf32, #tpu.memory_space<vmem>>, vector<8x512xf32>
    tpu.vector_store %arg5[%swap3A_1739, %swap3A_1740], %min3A_1738 {strides = array<i32>} : memref<8x16384xf32, #tpu.memory_space<vmem>>, vector<8x512xf32>,
    %add3A_1742 = arith.constant 3584 : i32
    %add3A_1743 = vector.broadcast %add3A_1742 : i32 to vector<8x512xi32>
    %add3A_1744 = arith.addi %iota3A, %add3A_1743 : vector<8x512xi32>
    %gt3A_1745 = arith.cmpf ogt, %min3A_1738, %select_n3A_1704 : vector<8x512xf32>
    %select_n3A_1746 = arith.select %gt3A_1745, %min3A_1738, %select_n3A_1704 : vector<8x512xi1>, vector<8x512xf32>
    %select_n3A_1747 = arith.select %gt3A_1745, %add3A_1744, %select_n3A_1705 : vector<8x512xi1>, vector<8x512xi32>
    %select_n3A_1748 = arith.select %gt3A_1745, %get3A_1713, %select_n3A_1706 : vector<8x512xi1>, vector<8x512xf32>
    %select_n3A_1749 = arith.select %gt3A_1745, %get3A_1718, %select_n3A_1707 : vector<8x512xi1>, vector<8x512xf32>
    %select_n3A_1750 = arith.select %gt3A_1745, %get3A_1723, %select_n3A_1708 : vector<8x512xi1>, vector<8x512xf32>
    %get3A_1751 = arith.constant 0 : index
    %get3A_1752 = arith.constant 0 : index
    %get3A_1753 = arith.constant 4096 : index
    %get3A_1754 = vector.load %arg1[%get3A_1751, %get3A_1752, %get3A_1753] : memref<3x8x16384xf32, #tpu.memory_space<vmem>>, vector<1x8x512xf32>
    %get3A_1755 = vector.shape_cast %get3A_1754 : vector<1x8x512xf32> to vector<8x512xf32>
    %get3A_1756 = arith.constant 1 : index
    %get3A_1757 = arith.constant 0 : index
    %get3A_1758 = arith.constant 4096 : index
    %get3A_1759 = vector.load %arg1[%get3A_1756, %get3A_1757, %get3A_1758] : memref<3x8x16384xf32, #tpu.memory_space<vmem>>, vector<1x8x512xf32>
    %get3A_1760 = vector.shape_cast %get3A_1759 : vector<1x8x512xf32> to vector<8x512xf32>
    %get3A_1761 = arith.constant 2 : index
    %get3A_1762 = arith.constant 0 : index
    %get3A_1763 = arith.constant 4096 : index
    %get3A_1764 = vector.load %arg1[%get3A_1761, %get3A_1762, %get3A_1763] : memref<3x8x16384xf32, #tpu.memory_space<vmem>>, vector<1x8x512xf32>
    %get3A_1765 = vector.shape_cast %get3A_1764 : vector<1x8x512xf32> to vector<8x512xf32>
    %sub3A_1766 = vector.broadcast %get3A_1413 : vector<8x1xf32> to vector<8x512xf32>
    %sub3A_1767 = arith.subf %get3A_1755, %sub3A_1766 : vector<8x512xf32>
    %sub3A_1768 = vector.broadcast %get3A_1418 : vector<8x1xf32> to vector<8x512xf32>
    %sub3A_1769 = arith.subf %get3A_1760, %sub3A_1768 : vector<8x512xf32>
    %sub3A_1770 = vector.broadcast %get3A_1423 : vector<8x1xf32> to vector<8x512xf32>
    %sub3A_1771 = arith.subf %get3A_1765, %sub3A_1770 : vector<8x512xf32>
    %mul3A_1772 = arith.mulf %sub3A_1767, %sub3A_1767 : vector<8x512xf32>
    %mul3A_1773 = arith.mulf %sub3A_1771, %sub3A_1771 : vector<8x512xf32>
    %add3A_1774 = arith.addf %mul3A_1772, %mul3A_1773 : vector<8x512xf32>
    %mul3A_1775 = arith.mulf %sub3A_1769, %sub3A_1769 : vector<8x512xf32>
    %add3A_1776 = arith.addf %add3A_1774, %mul3A_1775 : vector<8x512xf32>
    %get3A_1777 = arith.constant 0 : index
    %get3A_1778 = arith.constant 4096 : index
    %get3A_1779 = vector.load %arg5[%get3A_1777, %get3A_1778] : memref<8x16384xf32, #tpu.memory_space<vmem>>, vector<8x512xf32>
    %min3A_1780 = arith.minimumf %get3A_1779, %add3A_1776 : vector<8x512xf32>
    %swap3A_1781 = arith.constant 0 : index
    %swap3A_1782 = arith.constant 4096 : index
    %swap3A_1783 = vector.load %arg5[%swap3A_1781, %swap3A_1782] : memref<8x16384xf32, #tpu.memory_space<vmem>>, vector<8x512xf32>
    tpu.vector_store %arg5[%swap3A_1781, %swap3A_1782], %min3A_1780 {strides = array<i32>} : memref<8x16384xf32, #tpu.memory_space<vmem>>, vector<8x512xf32>,
    %add3A_1784 = arith.constant 4096 : i32
    %add3A_1785 = vector.broadcast %add3A_1784 : i32 to vector<8x512xi32>
    %add3A_1786 = arith.addi %iota3A, %add3A_1785 : vector<8x512xi32>
    %gt3A_1787 = arith.cmpf ogt, %min3A_1780, %select_n3A_1746 : vector<8x512xf32>
    %select_n3A_1788 = arith.select %gt3A_1787, %min3A_1780, %select_n3A_1746 : vector<8x512xi1>, vector<8x512xf32>
    %select_n3A_1789 = arith.select %gt3A_1787, %add3A_1786, %select_n3A_1747 : vector<8x512xi1>, vector<8x512xi32>
    %select_n3A_1790 = arith.select %gt3A_1787, %get3A_1755, %select_n3A_1748 : vector<8x512xi1>, vector<8x512xf32>
    %select_n3A_1791 = arith.select %gt3A_1787, %get3A_1760, %select_n3A_1749 : vector<8x512xi1>, vector<8x512xf32>
    %select_n3A_1792 = arith.select %gt3A_1787, %get3A_1765, %select_n3A_1750 : vector<8x512xi1>, vector<8x512xf32>
    %get3A_1793 = arith.constant 0 : index
    %get3A_1794 = arith.constant 0 : index
    %get3A_1795 = arith.constant 4608 : index
    %get3A_1796 = vector.load %arg1[%get3A_1793, %get3A_1794, %get3A_1795] : memref<3x8x16384xf32, #tpu.memory_space<vmem>>, vector<1x8x512xf32>
    %get3A_1797 = vector.shape_cast %get3A_1796 : vector<1x8x512xf32> to vector<8x512xf32>
    %get3A_1798 = arith.constant 1 : index
    %get3A_1799 = arith.constant 0 : index
    %get3A_1800 = arith.constant 4608 : index
    %get3A_1801 = vector.load %arg1[%get3A_1798, %get3A_1799, %get3A_1800] : memref<3x8x16384xf32, #tpu.memory_space<vmem>>, vector<1x8x512xf32>
    %get3A_1802 = vector.shape_cast %get3A_1801 : vector<1x8x512xf32> to vector<8x512xf32>
    %get3A_1803 = arith.constant 2 : index
    %get3A_1804 = arith.constant 0 : index
    %get3A_1805 = arith.constant 4608 : index
    %get3A_1806 = vector.load %arg1[%get3A_1803, %get3A_1804, %get3A_1805] : memref<3x8x16384xf32, #tpu.memory_space<vmem>>, vector<1x8x512xf32>
    %get3A_1807 = vector.shape_cast %get3A_1806 : vector<1x8x512xf32> to vector<8x512xf32>
    %sub3A_1808 = vector.broadcast %get3A_1413 : vector<8x1xf32> to vector<8x512xf32>
    %sub3A_1809 = arith.subf %get3A_1797, %sub3A_1808 : vector<8x512xf32>
    %sub3A_1810 = vector.broadcast %get3A_1418 : vector<8x1xf32> to vector<8x512xf32>
    %sub3A_1811 = arith.subf %get3A_1802, %sub3A_1810 : vector<8x512xf32>
    %sub3A_1812 = vector.broadcast %get3A_1423 : vector<8x1xf32> to vector<8x512xf32>
    %sub3A_1813 = arith.subf %get3A_1807, %sub3A_1812 : vector<8x512xf32>
    %mul3A_1814 = arith.mulf %sub3A_1809, %sub3A_1809 : vector<8x512xf32>
    %mul3A_1815 = arith.mulf %sub3A_1813, %sub3A_1813 : vector<8x512xf32>
    %add3A_1816 = arith.addf %mul3A_1814, %mul3A_1815 : vector<8x512xf32>
    %mul3A_1817 = arith.mulf %sub3A_1811, %sub3A_1811 : vector<8x512xf32>
    %add3A_1818 = arith.addf %add3A_1816, %mul3A_1817 : vector<8x512xf32>
    %get3A_1819 = arith.constant 0 : index
    %get3A_1820 = arith.constant 4608 : index
    %get3A_1821 = vector.load %arg5[%get3A_1819, %get3A_1820] : memref<8x16384xf32, #tpu.memory_space<vmem>>, vector<8x512xf32>
    %min3A_1822 = arith.minimumf %get3A_1821, %add3A_1818 : vector<8x512xf32>
    %swap3A_1823 = arith.constant 0 : index
    %swap3A_1824 = arith.constant 4608 : index
    %swap3A_1825 = vector.load %arg5[%swap3A_1823, %swap3A_1824] : memref<8x16384xf32, #tpu.memory_space<vmem>>, vector<8x512xf32>
    tpu.vector_store %arg5[%swap3A_1823, %swap3A_1824], %min3A_1822 {strides = array<i32>} : memref<8x16384xf32, #tpu.memory_space<vmem>>, vector<8x512xf32>,
    %add3A_1826 = arith.constant 4608 : i32
    %add3A_1827 = vector.broadcast %add3A_1826 : i32 to vector<8x512xi32>
    %add3A_1828 = arith.addi %iota3A, %add3A_1827 : vector<8x512xi32>
    %gt3A_1829 = arith.cmpf ogt, %min3A_1822, %select_n3A_1788 : vector<8x512xf32>
    %select_n3A_1830 = arith.select %gt3A_1829, %min3A_1822, %select_n3A_1788 : vector<8x512xi1>, vector<8x512xf32>
    %select_n3A_1831 = arith.select %gt3A_1829, %add3A_1828, %select_n3A_1789 : vector<8x512xi1>, vector<8x512xi32>
    %select_n3A_1832 = arith.select %gt3A_1829, %get3A_1797, %select_n3A_1790 : vector<8x512xi1>, vector<8x512xf32>
    %select_n3A_1833 = arith.select %gt3A_1829, %get3A_1802, %select_n3A_1791 : vector<8x512xi1>, vector<8x512xf32>
    %select_n3A_1834 = arith.select %gt3A_1829, %get3A_1807, %select_n3A_1792 : vector<8x512xi1>, vector<8x512xf32>
    %get3A_1835 = arith.constant 0 : index
    %get3A_1836 = arith.constant 0 : index
    %get3A_1837 = arith.constant 5120 : index
    %get3A_1838 = vector.load %arg1[%get3A_1835, %get3A_1836, %get3A_1837] : memref<3x8x16384xf32, #tpu.memory_space<vmem>>, vector<1x8x512xf32>
    %get3A_1839 = vector.shape_cast %get3A_1838 : vector<1x8x512xf32> to vector<8x512xf32>
    %get3A_1840 = arith.constant 1 : index
    %get3A_1841 = arith.constant 0 : index
    %get3A_1842 = arith.constant 5120 : index
    %get3A_1843 = vector.load %arg1[%get3A_1840, %get3A_1841, %get3A_1842] : memref<3x8x16384xf32, #tpu.memory_space<vmem>>, vector<1x8x512xf32>
    %get3A_1844 = vector.shape_cast %get3A_1843 : vector<1x8x512xf32> to vector<8x512xf32>
    %get3A_1845 = arith.constant 2 : index
    %get3A_1846 = arith.constant 0 : index
    %get3A_1847 = arith.constant 5120 : index
    %get3A_1848 = vector.load %arg1[%get3A_1845, %get3A_1846, %get3A_1847] : memref<3x8x16384xf32, #tpu.memory_space<vmem>>, vector<1x8x512xf32>
    %get3A_1849 = vector.shape_cast %get3A_1848 : vector<1x8x512xf32> to vector<8x512xf32>
    %sub3A_1850 = vector.broadcast %get3A_1413 : vector<8x1xf32> to vector<8x512xf32>
    %sub3A_1851 = arith.subf %get3A_1839, %sub3A_1850 : vector<8x512xf32>
    %sub3A_1852 = vector.broadcast %get3A_1418 : vector<8x1xf32> to vector<8x512xf32>
    %sub3A_1853 = arith.subf %get3A_1844, %sub3A_1852 : vector<8x512xf32>
    %sub3A_1854 = vector.broadcast %get3A_1423 : vector<8x1xf32> to vector<8x512xf32>
    %sub3A_1855 = arith.subf %get3A_1849, %sub3A_1854 : vector<8x512xf32>
    %mul3A_1856 = arith.mulf %sub3A_1851, %sub3A_1851 : vector<8x512xf32>
    %mul3A_1857 = arith.mulf %sub3A_1855, %sub3A_1855 : vector<8x512xf32>
    %add3A_1858 = arith.addf %mul3A_1856, %mul3A_1857 : vector<8x512xf32>
    %mul3A_1859 = arith.mulf %sub3A_1853, %sub3A_1853 : vector<8x512xf32>
    %add3A_1860 = arith.addf %add3A_1858, %mul3A_1859 : vector<8x512xf32>
    %get3A_1861 = arith.constant 0 : index
    %get3A_1862 = arith.constant 5120 : index
    %get3A_1863 = vector.load %arg5[%get3A_1861, %get3A_1862] : memref<8x16384xf32, #tpu.memory_space<vmem>>, vector<8x512xf32>
    %min3A_1864 = arith.minimumf %get3A_1863, %add3A_1860 : vector<8x512xf32>
    %swap3A_1865 = arith.constant 0 : index
    %swap3A_1866 = arith.constant 5120 : index
    %swap3A_1867 = vector.load %arg5[%swap3A_1865, %swap3A_1866] : memref<8x16384xf32, #tpu.memory_space<vmem>>, vector<8x512xf32>
    tpu.vector_store %arg5[%swap3A_1865, %swap3A_1866], %min3A_1864 {strides = array<i32>} : memref<8x16384xf32, #tpu.memory_space<vmem>>, vector<8x512xf32>,
    %add3A_1868 = arith.constant 5120 : i32
    %add3A_1869 = vector.broadcast %add3A_1868 : i32 to vector<8x512xi32>
    %add3A_1870 = arith.addi %iota3A, %add3A_1869 : vector<8x512xi32>
    %gt3A_1871 = arith.cmpf ogt, %min3A_1864, %select_n3A_1830 : vector<8x512xf32>
    %select_n3A_1872 = arith.select %gt3A_1871, %min3A_1864, %select_n3A_1830 : vector<8x512xi1>, vector<8x512xf32>
    %select_n3A_1873 = arith.select %gt3A_1871, %add3A_1870, %select_n3A_1831 : vector<8x512xi1>, vector<8x512xi32>
    %select_n3A_1874 = arith.select %gt3A_1871, %get3A_1839, %select_n3A_1832 : vector<8x512xi1>, vector<8x512xf32>
    %select_n3A_1875 = arith.select %gt3A_1871, %get3A_1844, %select_n3A_1833 : vector<8x512xi1>, vector<8x512xf32>
    %select_n3A_1876 = arith.select %gt3A_1871, %get3A_1849, %select_n3A_1834 : vector<8x512xi1>, vector<8x512xf32>
    %get3A_1877 = arith.constant 0 : index
    %get3A_1878 = arith.constant 0 : index
    %get3A_1879 = arith.constant 5632 : index
    %get3A_1880 = vector.load %arg1[%get3A_1877, %get3A_1878, %get3A_1879] : memref<3x8x16384xf32, #tpu.memory_space<vmem>>, vector<1x8x512xf32>
    %get3A_1881 = vector.shape_cast %get3A_1880 : vector<1x8x512xf32> to vector<8x512xf32>
    %get3A_1882 = arith.constant 1 : index
    %get3A_1883 = arith.constant 0 : index
    %get3A_1884 = arith.constant 5632 : index
    %get3A_1885 = vector.load %arg1[%get3A_1882, %get3A_1883, %get3A_1884] : memref<3x8x16384xf32, #tpu.memory_space<vmem>>, vector<1x8x512xf32>
    %get3A_1886 = vector.shape_cast %get3A_1885 : vector<1x8x512xf32> to vector<8x512xf32>
    %get3A_1887 = arith.constant 2 : index
    %get3A_1888 = arith.constant 0 : index
    %get3A_1889 = arith.constant 5632 : index
    %get3A_1890 = vector.load %arg1[%get3A_1887, %get3A_1888, %get3A_1889] : memref<3x8x16384xf32, #tpu.memory_space<vmem>>, vector<1x8x512xf32>
    %get3A_1891 = vector.shape_cast %get3A_1890 : vector<1x8x512xf32> to vector<8x512xf32>
    %sub3A_1892 = vector.broadcast %get3A_1413 : vector<8x1xf32> to vector<8x512xf32>
    %sub3A_1893 = arith.subf %get3A_1881, %sub3A_1892 : vector<8x512xf32>
    %sub3A_1894 = vector.broadcast %get3A_1418 : vector<8x1xf32> to vector<8x512xf32>
    %sub3A_1895 = arith.subf %get3A_1886, %sub3A_1894 : vector<8x512xf32>
    %sub3A_1896 = vector.broadcast %get3A_1423 : vector<8x1xf32> to vector<8x512xf32>
    %sub3A_1897 = arith.subf %get3A_1891, %sub3A_1896 : vector<8x512xf32>
    %mul3A_1898 = arith.mulf %sub3A_1893, %sub3A_1893 : vector<8x512xf32>
    %mul3A_1899 = arith.mulf %sub3A_1897, %sub3A_1897 : vector<8x512xf32>
    %add3A_1900 = arith.addf %mul3A_1898, %mul3A_1899 : vector<8x512xf32>
    %mul3A_1901 = arith.mulf %sub3A_1895, %sub3A_1895 : vector<8x512xf32>
    %add3A_1902 = arith.addf %add3A_1900, %mul3A_1901 : vector<8x512xf32>
    %get3A_1903 = arith.constant 0 : index
    %get3A_1904 = arith.constant 5632 : index
    %get3A_1905 = vector.load %arg5[%get3A_1903, %get3A_1904] : memref<8x16384xf32, #tpu.memory_space<vmem>>, vector<8x512xf32>
    %min3A_1906 = arith.minimumf %get3A_1905, %add3A_1902 : vector<8x512xf32>
    %swap3A_1907 = arith.constant 0 : index
    %swap3A_1908 = arith.constant 5632 : index
    %swap3A_1909 = vector.load %arg5[%swap3A_1907, %swap3A_1908] : memref<8x16384xf32, #tpu.memory_space<vmem>>, vector<8x512xf32>
    tpu.vector_store %arg5[%swap3A_1907, %swap3A_1908], %min3A_1906 {strides = array<i32>} : memref<8x16384xf32, #tpu.memory_space<vmem>>, vector<8x512xf32>,
    %add3A_1910 = arith.constant 5632 : i32
    %add3A_1911 = vector.broadcast %add3A_1910 : i32 to vector<8x512xi32>
    %add3A_1912 = arith.addi %iota3A, %add3A_1911 : vector<8x512xi32>
    %gt3A_1913 = arith.cmpf ogt, %min3A_1906, %select_n3A_1872 : vector<8x512xf32>
    %select_n3A_1914 = arith.select %gt3A_1913, %min3A_1906, %select_n3A_1872 : vector<8x512xi1>, vector<8x512xf32>
    %select_n3A_1915 = arith.select %gt3A_1913, %add3A_1912, %select_n3A_1873 : vector<8x512xi1>, vector<8x512xi32>
    %select_n3A_1916 = arith.select %gt3A_1913, %get3A_1881, %select_n3A_1874 : vector<8x512xi1>, vector<8x512xf32>
    %select_n3A_1917 = arith.select %gt3A_1913, %get3A_1886, %select_n3A_1875 : vector<8x512xi1>, vector<8x512xf32>
    %select_n3A_1918 = arith.select %gt3A_1913, %get3A_1891, %select_n3A_1876 : vector<8x512xi1>, vector<8x512xf32>
    %get3A_1919 = arith.constant 0 : index
    %get3A_1920 = arith.constant 0 : index
    %get3A_1921 = arith.constant 6144 : index
    %get3A_1922 = vector.load %arg1[%get3A_1919, %get3A_1920, %get3A_1921] : memref<3x8x16384xf32, #tpu.memory_space<vmem>>, vector<1x8x512xf32>
    %get3A_1923 = vector.shape_cast %get3A_1922 : vector<1x8x512xf32> to vector<8x512xf32>
    %get3A_1924 = arith.constant 1 : index
    %get3A_1925 = arith.constant 0 : index
    %get3A_1926 = arith.constant 6144 : index
    %get3A_1927 = vector.load %arg1[%get3A_1924, %get3A_1925, %get3A_1926] : memref<3x8x16384xf32, #tpu.memory_space<vmem>>, vector<1x8x512xf32>
    %get3A_1928 = vector.shape_cast %get3A_1927 : vector<1x8x512xf32> to vector<8x512xf32>
    %get3A_1929 = arith.constant 2 : index
    %get3A_1930 = arith.constant 0 : index
    %get3A_1931 = arith.constant 6144 : index
    %get3A_1932 = vector.load %arg1[%get3A_1929, %get3A_1930, %get3A_1931] : memref<3x8x16384xf32, #tpu.memory_space<vmem>>, vector<1x8x512xf32>
    %get3A_1933 = vector.shape_cast %get3A_1932 : vector<1x8x512xf32> to vector<8x512xf32>
    %sub3A_1934 = vector.broadcast %get3A_1413 : vector<8x1xf32> to vector<8x512xf32>
    %sub3A_1935 = arith.subf %get3A_1923, %sub3A_1934 : vector<8x512xf32>
    %sub3A_1936 = vector.broadcast %get3A_1418 : vector<8x1xf32> to vector<8x512xf32>
    %sub3A_1937 = arith.subf %get3A_1928, %sub3A_1936 : vector<8x512xf32>
    %sub3A_1938 = vector.broadcast %get3A_1423 : vector<8x1xf32> to vector<8x512xf32>
    %sub3A_1939 = arith.subf %get3A_1933, %sub3A_1938 : vector<8x512xf32>
    %mul3A_1940 = arith.mulf %sub3A_1935, %sub3A_1935 : vector<8x512xf32>
    %mul3A_1941 = arith.mulf %sub3A_1939, %sub3A_1939 : vector<8x512xf32>
    %add3A_1942 = arith.addf %mul3A_1940, %mul3A_1941 : vector<8x512xf32>
    %mul3A_1943 = arith.mulf %sub3A_1937, %sub3A_1937 : vector<8x512xf32>
    %add3A_1944 = arith.addf %add3A_1942, %mul3A_1943 : vector<8x512xf32>
    %get3A_1945 = arith.constant 0 : index
    %get3A_1946 = arith.constant 6144 : index
    %get3A_1947 = vector.load %arg5[%get3A_1945, %get3A_1946] : memref<8x16384xf32, #tpu.memory_space<vmem>>, vector<8x512xf32>
    %min3A_1948 = arith.minimumf %get3A_1947, %add3A_1944 : vector<8x512xf32>
    %swap3A_1949 = arith.constant 0 : index
    %swap3A_1950 = arith.constant 6144 : index
    %swap3A_1951 = vector.load %arg5[%swap3A_1949, %swap3A_1950] : memref<8x16384xf32, #tpu.memory_space<vmem>>, vector<8x512xf32>
    tpu.vector_store %arg5[%swap3A_1949, %swap3A_1950], %min3A_1948 {strides = array<i32>} : memref<8x16384xf32, #tpu.memory_space<vmem>>, vector<8x512xf32>,
    %add3A_1952 = arith.constant 6144 : i32
    %add3A_1953 = vector.broadcast %add3A_1952 : i32 to vector<8x512xi32>
    %add3A_1954 = arith.addi %iota3A, %add3A_1953 : vector<8x512xi32>
    %gt3A_1955 = arith.cmpf ogt, %min3A_1948, %select_n3A_1914 : vector<8x512xf32>
    %select_n3A_1956 = arith.select %gt3A_1955, %min3A_1948, %select_n3A_1914 : vector<8x512xi1>, vector<8x512xf32>
    %select_n3A_1957 = arith.select %gt3A_1955, %add3A_1954, %select_n3A_1915 : vector<8x512xi1>, vector<8x512xi32>
    %select_n3A_1958 = arith.select %gt3A_1955, %get3A_1923, %select_n3A_1916 : vector<8x512xi1>, vector<8x512xf32>
    %select_n3A_1959 = arith.select %gt3A_1955, %get3A_1928, %select_n3A_1917 : vector<8x512xi1>, vector<8x512xf32>
    %select_n3A_1960 = arith.select %gt3A_1955, %get3A_1933, %select_n3A_1918 : vector<8x512xi1>, vector<8x512xf32>
    %get3A_1961 = arith.constant 0 : index
    %get3A_1962 = arith.constant 0 : index
    %get3A_1963 = arith.constant 6656 : index
    %get3A_1964 = vector.load %arg1[%get3A_1961, %get3A_1962, %get3A_1963] : memref<3x8x16384xf32, #tpu.memory_space<vmem>>, vector<1x8x512xf32>
    %get3A_1965 = vector.shape_cast %get3A_1964 : vector<1x8x512xf32> to vector<8x512xf32>
    %get3A_1966 = arith.constant 1 : index
    %get3A_1967 = arith.constant 0 : index
    %get3A_1968 = arith.constant 6656 : index
    %get3A_1969 = vector.load %arg1[%get3A_1966, %get3A_1967, %get3A_1968] : memref<3x8x16384xf32, #tpu.memory_space<vmem>>, vector<1x8x512xf32>
    %get3A_1970 = vector.shape_cast %get3A_1969 : vector<1x8x512xf32> to vector<8x512xf32>
    %get3A_1971 = arith.constant 2 : index
    %get3A_1972 = arith.constant 0 : index
    %get3A_1973 = arith.constant 6656 : index
    %get3A_1974 = vector.load %arg1[%get3A_1971, %get3A_1972, %get3A_1973] : memref<3x8x16384xf32, #tpu.memory_space<vmem>>, vector<1x8x512xf32>
    %get3A_1975 = vector.shape_cast %get3A_1974 : vector<1x8x512xf32> to vector<8x512xf32>
    %sub3A_1976 = vector.broadcast %get3A_1413 : vector<8x1xf32> to vector<8x512xf32>
    %sub3A_1977 = arith.subf %get3A_1965, %sub3A_1976 : vector<8x512xf32>
    %sub3A_1978 = vector.broadcast %get3A_1418 : vector<8x1xf32> to vector<8x512xf32>
    %sub3A_1979 = arith.subf %get3A_1970, %sub3A_1978 : vector<8x512xf32>
    %sub3A_1980 = vector.broadcast %get3A_1423 : vector<8x1xf32> to vector<8x512xf32>
    %sub3A_1981 = arith.subf %get3A_1975, %sub3A_1980 : vector<8x512xf32>
    %mul3A_1982 = arith.mulf %sub3A_1977, %sub3A_1977 : vector<8x512xf32>
    %mul3A_1983 = arith.mulf %sub3A_1981, %sub3A_1981 : vector<8x512xf32>
    %add3A_1984 = arith.addf %mul3A_1982, %mul3A_1983 : vector<8x512xf32>
    %mul3A_1985 = arith.mulf %sub3A_1979, %sub3A_1979 : vector<8x512xf32>
    %add3A_1986 = arith.addf %add3A_1984, %mul3A_1985 : vector<8x512xf32>
    %get3A_1987 = arith.constant 0 : index
    %get3A_1988 = arith.constant 6656 : index
    %get3A_1989 = vector.load %arg5[%get3A_1987, %get3A_1988] : memref<8x16384xf32, #tpu.memory_space<vmem>>, vector<8x512xf32>
    %min3A_1990 = arith.minimumf %get3A_1989, %add3A_1986 : vector<8x512xf32>
    %swap3A_1991 = arith.constant 0 : index
    %swap3A_1992 = arith.constant 6656 : index
    %swap3A_1993 = vector.load %arg5[%swap3A_1991, %swap3A_1992] : memref<8x16384xf32, #tpu.memory_space<vmem>>, vector<8x512xf32>
    tpu.vector_store %arg5[%swap3A_1991, %swap3A_1992], %min3A_1990 {strides = array<i32>} : memref<8x16384xf32, #tpu.memory_space<vmem>>, vector<8x512xf32>,
    %add3A_1994 = arith.constant 6656 : i32
    %add3A_1995 = vector.broadcast %add3A_1994 : i32 to vector<8x512xi32>
    %add3A_1996 = arith.addi %iota3A, %add3A_1995 : vector<8x512xi32>
    %gt3A_1997 = arith.cmpf ogt, %min3A_1990, %select_n3A_1956 : vector<8x512xf32>
    %select_n3A_1998 = arith.select %gt3A_1997, %min3A_1990, %select_n3A_1956 : vector<8x512xi1>, vector<8x512xf32>
    %select_n3A_1999 = arith.select %gt3A_1997, %add3A_1996, %select_n3A_1957 : vector<8x512xi1>, vector<8x512xi32>
    %select_n3A_2000 = arith.select %gt3A_1997, %get3A_1965, %select_n3A_1958 : vector<8x512xi1>, vector<8x512xf32>
    %select_n3A_2001 = arith.select %gt3A_1997, %get3A_1970, %select_n3A_1959 : vector<8x512xi1>, vector<8x512xf32>
    %select_n3A_2002 = arith.select %gt3A_1997, %get3A_1975, %select_n3A_1960 : vector<8x512xi1>, vector<8x512xf32>
    %get3A_2003 = arith.constant 0 : index
    %get3A_2004 = arith.constant 0 : index
    %get3A_2005 = arith.constant 7168 : index
    %get3A_2006 = vector.load %arg1[%get3A_2003, %get3A_2004, %get3A_2005] : memref<3x8x16384xf32, #tpu.memory_space<vmem>>, vector<1x8x512xf32>
    %get3A_2007 = vector.shape_cast %get3A_2006 : vector<1x8x512xf32> to vector<8x512xf32>
    %get3A_2008 = arith.constant 1 : index
    %get3A_2009 = arith.constant 0 : index
    %get3A_2010 = arith.constant 7168 : index
    %get3A_2011 = vector.load %arg1[%get3A_2008, %get3A_2009, %get3A_2010] : memref<3x8x16384xf32, #tpu.memory_space<vmem>>, vector<1x8x512xf32>
    %get3A_2012 = vector.shape_cast %get3A_2011 : vector<1x8x512xf32> to vector<8x512xf32>
    %get3A_2013 = arith.constant 2 : index
    %get3A_2014 = arith.constant 0 : index
    %get3A_2015 = arith.constant 7168 : index
    %get3A_2016 = vector.load %arg1[%get3A_2013, %get3A_2014, %get3A_2015] : memref<3x8x16384xf32, #tpu.memory_space<vmem>>, vector<1x8x512xf32>
    %get3A_2017 = vector.shape_cast %get3A_2016 : vector<1x8x512xf32> to vector<8x512xf32>
    %sub3A_2018 = vector.broadcast %get3A_1413 : vector<8x1xf32> to vector<8x512xf32>
    %sub3A_2019 = arith.subf %get3A_2007, %sub3A_2018 : vector<8x512xf32>
    %sub3A_2020 = vector.broadcast %get3A_1418 : vector<8x1xf32> to vector<8x512xf32>
    %sub3A_2021 = arith.subf %get3A_2012, %sub3A_2020 : vector<8x512xf32>
    %sub3A_2022 = vector.broadcast %get3A_1423 : vector<8x1xf32> to vector<8x512xf32>
    %sub3A_2023 = arith.subf %get3A_2017, %sub3A_2022 : vector<8x512xf32>
    %mul3A_2024 = arith.mulf %sub3A_2019, %sub3A_2019 : vector<8x512xf32>
    %mul3A_2025 = arith.mulf %sub3A_2023, %sub3A_2023 : vector<8x512xf32>
    %add3A_2026 = arith.addf %mul3A_2024, %mul3A_2025 : vector<8x512xf32>
    %mul3A_2027 = arith.mulf %sub3A_2021, %sub3A_2021 : vector<8x512xf32>
    %add3A_2028 = arith.addf %add3A_2026, %mul3A_2027 : vector<8x512xf32>
    %get3A_2029 = arith.constant 0 : index
    %get3A_2030 = arith.constant 7168 : index
    %get3A_2031 = vector.load %arg5[%get3A_2029, %get3A_2030] : memref<8x16384xf32, #tpu.memory_space<vmem>>, vector<8x512xf32>
    %min3A_2032 = arith.minimumf %get3A_2031, %add3A_2028 : vector<8x512xf32>
    %swap3A_2033 = arith.constant 0 : index
    %swap3A_2034 = arith.constant 7168 : index
    %swap3A_2035 = vector.load %arg5[%swap3A_2033, %swap3A_2034] : memref<8x16384xf32, #tpu.memory_space<vmem>>, vector<8x512xf32>
    tpu.vector_store %arg5[%swap3A_2033, %swap3A_2034], %min3A_2032 {strides = array<i32>} : memref<8x16384xf32, #tpu.memory_space<vmem>>, vector<8x512xf32>,
    %add3A_2036 = arith.constant 7168 : i32
    %add3A_2037 = vector.broadcast %add3A_2036 : i32 to vector<8x512xi32>
    %add3A_2038 = arith.addi %iota3A, %add3A_2037 : vector<8x512xi32>
    %gt3A_2039 = arith.cmpf ogt, %min3A_2032, %select_n3A_1998 : vector<8x512xf32>
    %select_n3A_2040 = arith.select %gt3A_2039, %min3A_2032, %select_n3A_1998 : vector<8x512xi1>, vector<8x512xf32>
    %select_n3A_2041 = arith.select %gt3A_2039, %add3A_2038, %select_n3A_1999 : vector<8x512xi1>, vector<8x512xi32>
    %select_n3A_2042 = arith.select %gt3A_2039, %get3A_2007, %select_n3A_2000 : vector<8x512xi1>, vector<8x512xf32>
    %select_n3A_2043 = arith.select %gt3A_2039, %get3A_2012, %select_n3A_2001 : vector<8x512xi1>, vector<8x512xf32>
    %select_n3A_2044 = arith.select %gt3A_2039, %get3A_2017, %select_n3A_2002 : vector<8x512xi1>, vector<8x512xf32>
    %get3A_2045 = arith.constant 0 : index
    %get3A_2046 = arith.constant 0 : index
    %get3A_2047 = arith.constant 7680 : index
    %get3A_2048 = vector.load %arg1[%get3A_2045, %get3A_2046, %get3A_2047] : memref<3x8x16384xf32, #tpu.memory_space<vmem>>, vector<1x8x512xf32>
    %get3A_2049 = vector.shape_cast %get3A_2048 : vector<1x8x512xf32> to vector<8x512xf32>
    %get3A_2050 = arith.constant 1 : index
    %get3A_2051 = arith.constant 0 : index
    %get3A_2052 = arith.constant 7680 : index
    %get3A_2053 = vector.load %arg1[%get3A_2050, %get3A_2051, %get3A_2052] : memref<3x8x16384xf32, #tpu.memory_space<vmem>>, vector<1x8x512xf32>
    %get3A_2054 = vector.shape_cast %get3A_2053 : vector<1x8x512xf32> to vector<8x512xf32>
    %get3A_2055 = arith.constant 2 : index
    %get3A_2056 = arith.constant 0 : index
    %get3A_2057 = arith.constant 7680 : index
    %get3A_2058 = vector.load %arg1[%get3A_2055, %get3A_2056, %get3A_2057] : memref<3x8x16384xf32, #tpu.memory_space<vmem>>, vector<1x8x512xf32>
    %get3A_2059 = vector.shape_cast %get3A_2058 : vector<1x8x512xf32> to vector<8x512xf32>
    %sub3A_2060 = vector.broadcast %get3A_1413 : vector<8x1xf32> to vector<8x512xf32>
    %sub3A_2061 = arith.subf %get3A_2049, %sub3A_2060 : vector<8x512xf32>
    %sub3A_2062 = vector.broadcast %get3A_1418 : vector<8x1xf32> to vector<8x512xf32>
    %sub3A_2063 = arith.subf %get3A_2054, %sub3A_2062 : vector<8x512xf32>
    %sub3A_2064 = vector.broadcast %get3A_1423 : vector<8x1xf32> to vector<8x512xf32>
    %sub3A_2065 = arith.subf %get3A_2059, %sub3A_2064 : vector<8x512xf32>
    %mul3A_2066 = arith.mulf %sub3A_2061, %sub3A_2061 : vector<8x512xf32>
    %mul3A_2067 = arith.mulf %sub3A_2065, %sub3A_2065 : vector<8x512xf32>
    %add3A_2068 = arith.addf %mul3A_2066, %mul3A_2067 : vector<8x512xf32>
    %mul3A_2069 = arith.mulf %sub3A_2063, %sub3A_2063 : vector<8x512xf32>
    %add3A_2070 = arith.addf %add3A_2068, %mul3A_2069 : vector<8x512xf32>
    %get3A_2071 = arith.constant 0 : index
    %get3A_2072 = arith.constant 7680 : index
    %get3A_2073 = vector.load %arg5[%get3A_2071, %get3A_2072] : memref<8x16384xf32, #tpu.memory_space<vmem>>, vector<8x512xf32>
    %min3A_2074 = arith.minimumf %get3A_2073, %add3A_2070 : vector<8x512xf32>
    %swap3A_2075 = arith.constant 0 : index
    %swap3A_2076 = arith.constant 7680 : index
    %swap3A_2077 = vector.load %arg5[%swap3A_2075, %swap3A_2076] : memref<8x16384xf32, #tpu.memory_space<vmem>>, vector<8x512xf32>
    tpu.vector_store %arg5[%swap3A_2075, %swap3A_2076], %min3A_2074 {strides = array<i32>} : memref<8x16384xf32, #tpu.memory_space<vmem>>, vector<8x512xf32>,
    %add3A_2078 = arith.constant 7680 : i32
    %add3A_2079 = vector.broadcast %add3A_2078 : i32 to vector<8x512xi32>
    %add3A_2080 = arith.addi %iota3A, %add3A_2079 : vector<8x512xi32>
    %gt3A_2081 = arith.cmpf ogt, %min3A_2074, %select_n3A_2040 : vector<8x512xf32>
    %select_n3A_2082 = arith.select %gt3A_2081, %min3A_2074, %select_n3A_2040 : vector<8x512xi1>, vector<8x512xf32>
    %select_n3A_2083 = arith.select %gt3A_2081, %add3A_2080, %select_n3A_2041 : vector<8x512xi1>, vector<8x512xi32>
    %select_n3A_2084 = arith.select %gt3A_2081, %get3A_2049, %select_n3A_2042 : vector<8x512xi1>, vector<8x512xf32>
    %select_n3A_2085 = arith.select %gt3A_2081, %get3A_2054, %select_n3A_2043 : vector<8x512xi1>, vector<8x512xf32>
    %select_n3A_2086 = arith.select %gt3A_2081, %get3A_2059, %select_n3A_2044 : vector<8x512xi1>, vector<8x512xf32>
    %get3A_2087 = arith.constant 0 : index
    %get3A_2088 = arith.constant 0 : index
    %get3A_2089 = arith.constant 8192 : index
    %get3A_2090 = vector.load %arg1[%get3A_2087, %get3A_2088, %get3A_2089] : memref<3x8x16384xf32, #tpu.memory_space<vmem>>, vector<1x8x512xf32>
    %get3A_2091 = vector.shape_cast %get3A_2090 : vector<1x8x512xf32> to vector<8x512xf32>
    %get3A_2092 = arith.constant 1 : index
    %get3A_2093 = arith.constant 0 : index
    %get3A_2094 = arith.constant 8192 : index
    %get3A_2095 = vector.load %arg1[%get3A_2092, %get3A_2093, %get3A_2094] : memref<3x8x16384xf32, #tpu.memory_space<vmem>>, vector<1x8x512xf32>
    %get3A_2096 = vector.shape_cast %get3A_2095 : vector<1x8x512xf32> to vector<8x512xf32>
    %get3A_2097 = arith.constant 2 : index
    %get3A_2098 = arith.constant 0 : index
    %get3A_2099 = arith.constant 8192 : index
    %get3A_2100 = vector.load %arg1[%get3A_2097, %get3A_2098, %get3A_2099] : memref<3x8x16384xf32, #tpu.memory_space<vmem>>, vector<1x8x512xf32>
    %get3A_2101 = vector.shape_cast %get3A_2100 : vector<1x8x512xf32> to vector<8x512xf32>
    %sub3A_2102 = vector.broadcast %get3A_1413 : vector<8x1xf32> to vector<8x512xf32>
    %sub3A_2103 = arith.subf %get3A_2091, %sub3A_2102 : vector<8x512xf32>
    %sub3A_2104 = vector.broadcast %get3A_1418 : vector<8x1xf32> to vector<8x512xf32>
    %sub3A_2105 = arith.subf %get3A_2096, %sub3A_2104 : vector<8x512xf32>
    %sub3A_2106 = vector.broadcast %get3A_1423 : vector<8x1xf32> to vector<8x512xf32>
    %sub3A_2107 = arith.subf %get3A_2101, %sub3A_2106 : vector<8x512xf32>
    %mul3A_2108 = arith.mulf %sub3A_2103, %sub3A_2103 : vector<8x512xf32>
    %mul3A_2109 = arith.mulf %sub3A_2107, %sub3A_2107 : vector<8x512xf32>
    %add3A_2110 = arith.addf %mul3A_2108, %mul3A_2109 : vector<8x512xf32>
    %mul3A_2111 = arith.mulf %sub3A_2105, %sub3A_2105 : vector<8x512xf32>
    %add3A_2112 = arith.addf %add3A_2110, %mul3A_2111 : vector<8x512xf32>
    %get3A_2113 = arith.constant 0 : index
    %get3A_2114 = arith.constant 8192 : index
    %get3A_2115 = vector.load %arg5[%get3A_2113, %get3A_2114] : memref<8x16384xf32, #tpu.memory_space<vmem>>, vector<8x512xf32>
    %min3A_2116 = arith.minimumf %get3A_2115, %add3A_2112 : vector<8x512xf32>
    %swap3A_2117 = arith.constant 0 : index
    %swap3A_2118 = arith.constant 8192 : index
    %swap3A_2119 = vector.load %arg5[%swap3A_2117, %swap3A_2118] : memref<8x16384xf32, #tpu.memory_space<vmem>>, vector<8x512xf32>
    tpu.vector_store %arg5[%swap3A_2117, %swap3A_2118], %min3A_2116 {strides = array<i32>} : memref<8x16384xf32, #tpu.memory_space<vmem>>, vector<8x512xf32>,
    %add3A_2120 = arith.constant 8192 : i32
    %add3A_2121 = vector.broadcast %add3A_2120 : i32 to vector<8x512xi32>
    %add3A_2122 = arith.addi %iota3A, %add3A_2121 : vector<8x512xi32>
    %gt3A_2123 = arith.cmpf ogt, %min3A_2116, %select_n3A_2082 : vector<8x512xf32>
    %select_n3A_2124 = arith.select %gt3A_2123, %min3A_2116, %select_n3A_2082 : vector<8x512xi1>, vector<8x512xf32>
    %select_n3A_2125 = arith.select %gt3A_2123, %add3A_2122, %select_n3A_2083 : vector<8x512xi1>, vector<8x512xi32>
    %select_n3A_2126 = arith.select %gt3A_2123, %get3A_2091, %select_n3A_2084 : vector<8x512xi1>, vector<8x512xf32>
    %select_n3A_2127 = arith.select %gt3A_2123, %get3A_2096, %select_n3A_2085 : vector<8x512xi1>, vector<8x512xf32>
    %select_n3A_2128 = arith.select %gt3A_2123, %get3A_2101, %select_n3A_2086 : vector<8x512xi1>, vector<8x512xf32>
    %get3A_2129 = arith.constant 0 : index
    %get3A_2130 = arith.constant 0 : index
    %get3A_2131 = arith.constant 8704 : index
    %get3A_2132 = vector.load %arg1[%get3A_2129, %get3A_2130, %get3A_2131] : memref<3x8x16384xf32, #tpu.memory_space<vmem>>, vector<1x8x512xf32>
    %get3A_2133 = vector.shape_cast %get3A_2132 : vector<1x8x512xf32> to vector<8x512xf32>
    %get3A_2134 = arith.constant 1 : index
    %get3A_2135 = arith.constant 0 : index
    %get3A_2136 = arith.constant 8704 : index
    %get3A_2137 = vector.load %arg1[%get3A_2134, %get3A_2135, %get3A_2136] : memref<3x8x16384xf32, #tpu.memory_space<vmem>>, vector<1x8x512xf32>
    %get3A_2138 = vector.shape_cast %get3A_2137 : vector<1x8x512xf32> to vector<8x512xf32>
    %get3A_2139 = arith.constant 2 : index
    %get3A_2140 = arith.constant 0 : index
    %get3A_2141 = arith.constant 8704 : index
    %get3A_2142 = vector.load %arg1[%get3A_2139, %get3A_2140, %get3A_2141] : memref<3x8x16384xf32, #tpu.memory_space<vmem>>, vector<1x8x512xf32>
    %get3A_2143 = vector.shape_cast %get3A_2142 : vector<1x8x512xf32> to vector<8x512xf32>
    %sub3A_2144 = vector.broadcast %get3A_1413 : vector<8x1xf32> to vector<8x512xf32>
    %sub3A_2145 = arith.subf %get3A_2133, %sub3A_2144 : vector<8x512xf32>
    %sub3A_2146 = vector.broadcast %get3A_1418 : vector<8x1xf32> to vector<8x512xf32>
    %sub3A_2147 = arith.subf %get3A_2138, %sub3A_2146 : vector<8x512xf32>
    %sub3A_2148 = vector.broadcast %get3A_1423 : vector<8x1xf32> to vector<8x512xf32>
    %sub3A_2149 = arith.subf %get3A_2143, %sub3A_2148 : vector<8x512xf32>
    %mul3A_2150 = arith.mulf %sub3A_2145, %sub3A_2145 : vector<8x512xf32>
    %mul3A_2151 = arith.mulf %sub3A_2149, %sub3A_2149 : vector<8x512xf32>
    %add3A_2152 = arith.addf %mul3A_2150, %mul3A_2151 : vector<8x512xf32>
    %mul3A_2153 = arith.mulf %sub3A_2147, %sub3A_2147 : vector<8x512xf32>
    %add3A_2154 = arith.addf %add3A_2152, %mul3A_2153 : vector<8x512xf32>
    %get3A_2155 = arith.constant 0 : index
    %get3A_2156 = arith.constant 8704 : index
    %get3A_2157 = vector.load %arg5[%get3A_2155, %get3A_2156] : memref<8x16384xf32, #tpu.memory_space<vmem>>, vector<8x512xf32>
    %min3A_2158 = arith.minimumf %get3A_2157, %add3A_2154 : vector<8x512xf32>
    %swap3A_2159 = arith.constant 0 : index
    %swap3A_2160 = arith.constant 8704 : index
    %swap3A_2161 = vector.load %arg5[%swap3A_2159, %swap3A_2160] : memref<8x16384xf32, #tpu.memory_space<vmem>>, vector<8x512xf32>
    tpu.vector_store %arg5[%swap3A_2159, %swap3A_2160], %min3A_2158 {strides = array<i32>} : memref<8x16384xf32, #tpu.memory_space<vmem>>, vector<8x512xf32>,
    %add3A_2162 = arith.constant 8704 : i32
    %add3A_2163 = vector.broadcast %add3A_2162 : i32 to vector<8x512xi32>
    %add3A_2164 = arith.addi %iota3A, %add3A_2163 : vector<8x512xi32>
    %gt3A_2165 = arith.cmpf ogt, %min3A_2158, %select_n3A_2124 : vector<8x512xf32>
    %select_n3A_2166 = arith.select %gt3A_2165, %min3A_2158, %select_n3A_2124 : vector<8x512xi1>, vector<8x512xf32>
    %select_n3A_2167 = arith.select %gt3A_2165, %add3A_2164, %select_n3A_2125 : vector<8x512xi1>, vector<8x512xi32>
    %select_n3A_2168 = arith.select %gt3A_2165, %get3A_2133, %select_n3A_2126 : vector<8x512xi1>, vector<8x512xf32>
    %select_n3A_2169 = arith.select %gt3A_2165, %get3A_2138, %select_n3A_2127 : vector<8x512xi1>, vector<8x512xf32>
    %select_n3A_2170 = arith.select %gt3A_2165, %get3A_2143, %select_n3A_2128 : vector<8x512xi1>, vector<8x512xf32>
    %get3A_2171 = arith.constant 0 : index
    %get3A_2172 = arith.constant 0 : index
    %get3A_2173 = arith.constant 9216 : index
    %get3A_2174 = vector.load %arg1[%get3A_2171, %get3A_2172, %get3A_2173] : memref<3x8x16384xf32, #tpu.memory_space<vmem>>, vector<1x8x512xf32>
    %get3A_2175 = vector.shape_cast %get3A_2174 : vector<1x8x512xf32> to vector<8x512xf32>
    %get3A_2176 = arith.constant 1 : index
    %get3A_2177 = arith.constant 0 : index
    %get3A_2178 = arith.constant 9216 : index
    %get3A_2179 = vector.load %arg1[%get3A_2176, %get3A_2177, %get3A_2178] : memref<3x8x16384xf32, #tpu.memory_space<vmem>>, vector<1x8x512xf32>
    %get3A_2180 = vector.shape_cast %get3A_2179 : vector<1x8x512xf32> to vector<8x512xf32>
    %get3A_2181 = arith.constant 2 : index
    %get3A_2182 = arith.constant 0 : index
    %get3A_2183 = arith.constant 9216 : index
    %get3A_2184 = vector.load %arg1[%get3A_2181, %get3A_2182, %get3A_2183] : memref<3x8x16384xf32, #tpu.memory_space<vmem>>, vector<1x8x512xf32>
    %get3A_2185 = vector.shape_cast %get3A_2184 : vector<1x8x512xf32> to vector<8x512xf32>
    %sub3A_2186 = vector.broadcast %get3A_1413 : vector<8x1xf32> to vector<8x512xf32>
    %sub3A_2187 = arith.subf %get3A_2175, %sub3A_2186 : vector<8x512xf32>
    %sub3A_2188 = vector.broadcast %get3A_1418 : vector<8x1xf32> to vector<8x512xf32>
    %sub3A_2189 = arith.subf %get3A_2180, %sub3A_2188 : vector<8x512xf32>
    %sub3A_2190 = vector.broadcast %get3A_1423 : vector<8x1xf32> to vector<8x512xf32>
    %sub3A_2191 = arith.subf %get3A_2185, %sub3A_2190 : vector<8x512xf32>
    %mul3A_2192 = arith.mulf %sub3A_2187, %sub3A_2187 : vector<8x512xf32>
    %mul3A_2193 = arith.mulf %sub3A_2191, %sub3A_2191 : vector<8x512xf32>
    %add3A_2194 = arith.addf %mul3A_2192, %mul3A_2193 : vector<8x512xf32>
    %mul3A_2195 = arith.mulf %sub3A_2189, %sub3A_2189 : vector<8x512xf32>
    %add3A_2196 = arith.addf %add3A_2194, %mul3A_2195 : vector<8x512xf32>
    %get3A_2197 = arith.constant 0 : index
    %get3A_2198 = arith.constant 9216 : index
    %get3A_2199 = vector.load %arg5[%get3A_2197, %get3A_2198] : memref<8x16384xf32, #tpu.memory_space<vmem>>, vector<8x512xf32>
    %min3A_2200 = arith.minimumf %get3A_2199, %add3A_2196 : vector<8x512xf32>
    %swap3A_2201 = arith.constant 0 : index
    %swap3A_2202 = arith.constant 9216 : index
    %swap3A_2203 = vector.load %arg5[%swap3A_2201, %swap3A_2202] : memref<8x16384xf32, #tpu.memory_space<vmem>>, vector<8x512xf32>
    tpu.vector_store %arg5[%swap3A_2201, %swap3A_2202], %min3A_2200 {strides = array<i32>} : memref<8x16384xf32, #tpu.memory_space<vmem>>, vector<8x512xf32>,
    %add3A_2204 = arith.constant 9216 : i32
    %add3A_2205 = vector.broadcast %add3A_2204 : i32 to vector<8x512xi32>
    %add3A_2206 = arith.addi %iota3A, %add3A_2205 : vector<8x512xi32>
    %gt3A_2207 = arith.cmpf ogt, %min3A_2200, %select_n3A_2166 : vector<8x512xf32>
    %select_n3A_2208 = arith.select %gt3A_2207, %min3A_2200, %select_n3A_2166 : vector<8x512xi1>, vector<8x512xf32>
    %select_n3A_2209 = arith.select %gt3A_2207, %add3A_2206, %select_n3A_2167 : vector<8x512xi1>, vector<8x512xi32>
    %select_n3A_2210 = arith.select %gt3A_2207, %get3A_2175, %select_n3A_2168 : vector<8x512xi1>, vector<8x512xf32>
    %select_n3A_2211 = arith.select %gt3A_2207, %get3A_2180, %select_n3A_2169 : vector<8x512xi1>, vector<8x512xf32>
    %select_n3A_2212 = arith.select %gt3A_2207, %get3A_2185, %select_n3A_2170 : vector<8x512xi1>, vector<8x512xf32>
    %get3A_2213 = arith.constant 0 : index
    %get3A_2214 = arith.constant 0 : index
    %get3A_2215 = arith.constant 9728 : index
    %get3A_2216 = vector.load %arg1[%get3A_2213, %get3A_2214, %get3A_2215] : memref<3x8x16384xf32, #tpu.memory_space<vmem>>, vector<1x8x512xf32>
    %get3A_2217 = vector.shape_cast %get3A_2216 : vector<1x8x512xf32> to vector<8x512xf32>
    %get3A_2218 = arith.constant 1 : index
    %get3A_2219 = arith.constant 0 : index
    %get3A_2220 = arith.constant 9728 : index
    %get3A_2221 = vector.load %arg1[%get3A_2218, %get3A_2219, %get3A_2220] : memref<3x8x16384xf32, #tpu.memory_space<vmem>>, vector<1x8x512xf32>
    %get3A_2222 = vector.shape_cast %get3A_2221 : vector<1x8x512xf32> to vector<8x512xf32>
    %get3A_2223 = arith.constant 2 : index
    %get3A_2224 = arith.constant 0 : index
    %get3A_2225 = arith.constant 9728 : index
    %get3A_2226 = vector.load %arg1[%get3A_2223, %get3A_2224, %get3A_2225] : memref<3x8x16384xf32, #tpu.memory_space<vmem>>, vector<1x8x512xf32>
    %get3A_2227 = vector.shape_cast %get3A_2226 : vector<1x8x512xf32> to vector<8x512xf32>
    %sub3A_2228 = vector.broadcast %get3A_1413 : vector<8x1xf32> to vector<8x512xf32>
    %sub3A_2229 = arith.subf %get3A_2217, %sub3A_2228 : vector<8x512xf32>
    %sub3A_2230 = vector.broadcast %get3A_1418 : vector<8x1xf32> to vector<8x512xf32>
    %sub3A_2231 = arith.subf %get3A_2222, %sub3A_2230 : vector<8x512xf32>
    %sub3A_2232 = vector.broadcast %get3A_1423 : vector<8x1xf32> to vector<8x512xf32>
    %sub3A_2233 = arith.subf %get3A_2227, %sub3A_2232 : vector<8x512xf32>
    %mul3A_2234 = arith.mulf %sub3A_2229, %sub3A_2229 : vector<8x512xf32>
    %mul3A_2235 = arith.mulf %sub3A_2233, %sub3A_2233 : vector<8x512xf32>
    %add3A_2236 = arith.addf %mul3A_2234, %mul3A_2235 : vector<8x512xf32>
    %mul3A_2237 = arith.mulf %sub3A_2231, %sub3A_2231 : vector<8x512xf32>
    %add3A_2238 = arith.addf %add3A_2236, %mul3A_2237 : vector<8x512xf32>
    %get3A_2239 = arith.constant 0 : index
    %get3A_2240 = arith.constant 9728 : index
    %get3A_2241 = vector.load %arg5[%get3A_2239, %get3A_2240] : memref<8x16384xf32, #tpu.memory_space<vmem>>, vector<8x512xf32>
    %min3A_2242 = arith.minimumf %get3A_2241, %add3A_2238 : vector<8x512xf32>
    %swap3A_2243 = arith.constant 0 : index
    %swap3A_2244 = arith.constant 9728 : index
    %swap3A_2245 = vector.load %arg5[%swap3A_2243, %swap3A_2244] : memref<8x16384xf32, #tpu.memory_space<vmem>>, vector<8x512xf32>
    tpu.vector_store %arg5[%swap3A_2243, %swap3A_2244], %min3A_2242 {strides = array<i32>} : memref<8x16384xf32, #tpu.memory_space<vmem>>, vector<8x512xf32>,
    %add3A_2246 = arith.constant 9728 : i32
    %add3A_2247 = vector.broadcast %add3A_2246 : i32 to vector<8x512xi32>
    %add3A_2248 = arith.addi %iota3A, %add3A_2247 : vector<8x512xi32>
    %gt3A_2249 = arith.cmpf ogt, %min3A_2242, %select_n3A_2208 : vector<8x512xf32>
    %select_n3A_2250 = arith.select %gt3A_2249, %min3A_2242, %select_n3A_2208 : vector<8x512xi1>, vector<8x512xf32>
    %select_n3A_2251 = arith.select %gt3A_2249, %add3A_2248, %select_n3A_2209 : vector<8x512xi1>, vector<8x512xi32>
    %select_n3A_2252 = arith.select %gt3A_2249, %get3A_2217, %select_n3A_2210 : vector<8x512xi1>, vector<8x512xf32>
    %select_n3A_2253 = arith.select %gt3A_2249, %get3A_2222, %select_n3A_2211 : vector<8x512xi1>, vector<8x512xf32>
    %select_n3A_2254 = arith.select %gt3A_2249, %get3A_2227, %select_n3A_2212 : vector<8x512xi1>, vector<8x512xf32>
    %get3A_2255 = arith.constant 0 : index
    %get3A_2256 = arith.constant 0 : index
    %get3A_2257 = arith.constant 10240 : index
    %get3A_2258 = vector.load %arg1[%get3A_2255, %get3A_2256, %get3A_2257] : memref<3x8x16384xf32, #tpu.memory_space<vmem>>, vector<1x8x512xf32>
    %get3A_2259 = vector.shape_cast %get3A_2258 : vector<1x8x512xf32> to vector<8x512xf32>
    %get3A_2260 = arith.constant 1 : index
    %get3A_2261 = arith.constant 0 : index
    %get3A_2262 = arith.constant 10240 : index
    %get3A_2263 = vector.load %arg1[%get3A_2260, %get3A_2261, %get3A_2262] : memref<3x8x16384xf32, #tpu.memory_space<vmem>>, vector<1x8x512xf32>
    %get3A_2264 = vector.shape_cast %get3A_2263 : vector<1x8x512xf32> to vector<8x512xf32>
    %get3A_2265 = arith.constant 2 : index
    %get3A_2266 = arith.constant 0 : index
    %get3A_2267 = arith.constant 10240 : index
    %get3A_2268 = vector.load %arg1[%get3A_2265, %get3A_2266, %get3A_2267] : memref<3x8x16384xf32, #tpu.memory_space<vmem>>, vector<1x8x512xf32>
    %get3A_2269 = vector.shape_cast %get3A_2268 : vector<1x8x512xf32> to vector<8x512xf32>
    %sub3A_2270 = vector.broadcast %get3A_1413 : vector<8x1xf32> to vector<8x512xf32>
    %sub3A_2271 = arith.subf %get3A_2259, %sub3A_2270 : vector<8x512xf32>
    %sub3A_2272 = vector.broadcast %get3A_1418 : vector<8x1xf32> to vector<8x512xf32>
    %sub3A_2273 = arith.subf %get3A_2264, %sub3A_2272 : vector<8x512xf32>
    %sub3A_2274 = vector.broadcast %get3A_1423 : vector<8x1xf32> to vector<8x512xf32>
    %sub3A_2275 = arith.subf %get3A_2269, %sub3A_2274 : vector<8x512xf32>
    %mul3A_2276 = arith.mulf %sub3A_2271, %sub3A_2271 : vector<8x512xf32>
    %mul3A_2277 = arith.mulf %sub3A_2275, %sub3A_2275 : vector<8x512xf32>
    %add3A_2278 = arith.addf %mul3A_2276, %mul3A_2277 : vector<8x512xf32>
    %mul3A_2279 = arith.mulf %sub3A_2273, %sub3A_2273 : vector<8x512xf32>
    %add3A_2280 = arith.addf %add3A_2278, %mul3A_2279 : vector<8x512xf32>
    %get3A_2281 = arith.constant 0 : index
    %get3A_2282 = arith.constant 10240 : index
    %get3A_2283 = vector.load %arg5[%get3A_2281, %get3A_2282] : memref<8x16384xf32, #tpu.memory_space<vmem>>, vector<8x512xf32>
    %min3A_2284 = arith.minimumf %get3A_2283, %add3A_2280 : vector<8x512xf32>
    %swap3A_2285 = arith.constant 0 : index
    %swap3A_2286 = arith.constant 10240 : index
    %swap3A_2287 = vector.load %arg5[%swap3A_2285, %swap3A_2286] : memref<8x16384xf32, #tpu.memory_space<vmem>>, vector<8x512xf32>
    tpu.vector_store %arg5[%swap3A_2285, %swap3A_2286], %min3A_2284 {strides = array<i32>} : memref<8x16384xf32, #tpu.memory_space<vmem>>, vector<8x512xf32>,
    %add3A_2288 = arith.constant 10240 : i32
    %add3A_2289 = vector.broadcast %add3A_2288 : i32 to vector<8x512xi32>
    %add3A_2290 = arith.addi %iota3A, %add3A_2289 : vector<8x512xi32>
    %gt3A_2291 = arith.cmpf ogt, %min3A_2284, %select_n3A_2250 : vector<8x512xf32>
    %select_n3A_2292 = arith.select %gt3A_2291, %min3A_2284, %select_n3A_2250 : vector<8x512xi1>, vector<8x512xf32>
    %select_n3A_2293 = arith.select %gt3A_2291, %add3A_2290, %select_n3A_2251 : vector<8x512xi1>, vector<8x512xi32>
    %select_n3A_2294 = arith.select %gt3A_2291, %get3A_2259, %select_n3A_2252 : vector<8x512xi1>, vector<8x512xf32>
    %select_n3A_2295 = arith.select %gt3A_2291, %get3A_2264, %select_n3A_2253 : vector<8x512xi1>, vector<8x512xf32>
    %select_n3A_2296 = arith.select %gt3A_2291, %get3A_2269, %select_n3A_2254 : vector<8x512xi1>, vector<8x512xf32>
    %get3A_2297 = arith.constant 0 : index
    %get3A_2298 = arith.constant 0 : index
    %get3A_2299 = arith.constant 10752 : index
    %get3A_2300 = vector.load %arg1[%get3A_2297, %get3A_2298, %get3A_2299] : memref<3x8x16384xf32, #tpu.memory_space<vmem>>, vector<1x8x512xf32>
    %get3A_2301 = vector.shape_cast %get3A_2300 : vector<1x8x512xf32> to vector<8x512xf32>
    %get3A_2302 = arith.constant 1 : index
    %get3A_2303 = arith.constant 0 : index
    %get3A_2304 = arith.constant 10752 : index
    %get3A_2305 = vector.load %arg1[%get3A_2302, %get3A_2303, %get3A_2304] : memref<3x8x16384xf32, #tpu.memory_space<vmem>>, vector<1x8x512xf32>
    %get3A_2306 = vector.shape_cast %get3A_2305 : vector<1x8x512xf32> to vector<8x512xf32>
    %get3A_2307 = arith.constant 2 : index
    %get3A_2308 = arith.constant 0 : index
    %get3A_2309 = arith.constant 10752 : index
    %get3A_2310 = vector.load %arg1[%get3A_2307, %get3A_2308, %get3A_2309] : memref<3x8x16384xf32, #tpu.memory_space<vmem>>, vector<1x8x512xf32>
    %get3A_2311 = vector.shape_cast %get3A_2310 : vector<1x8x512xf32> to vector<8x512xf32>
    %sub3A_2312 = vector.broadcast %get3A_1413 : vector<8x1xf32> to vector<8x512xf32>
    %sub3A_2313 = arith.subf %get3A_2301, %sub3A_2312 : vector<8x512xf32>
    %sub3A_2314 = vector.broadcast %get3A_1418 : vector<8x1xf32> to vector<8x512xf32>
    %sub3A_2315 = arith.subf %get3A_2306, %sub3A_2314 : vector<8x512xf32>
    %sub3A_2316 = vector.broadcast %get3A_1423 : vector<8x1xf32> to vector<8x512xf32>
    %sub3A_2317 = arith.subf %get3A_2311, %sub3A_2316 : vector<8x512xf32>
    %mul3A_2318 = arith.mulf %sub3A_2313, %sub3A_2313 : vector<8x512xf32>
    %mul3A_2319 = arith.mulf %sub3A_2317, %sub3A_2317 : vector<8x512xf32>
    %add3A_2320 = arith.addf %mul3A_2318, %mul3A_2319 : vector<8x512xf32>
    %mul3A_2321 = arith.mulf %sub3A_2315, %sub3A_2315 : vector<8x512xf32>
    %add3A_2322 = arith.addf %add3A_2320, %mul3A_2321 : vector<8x512xf32>
    %get3A_2323 = arith.constant 0 : index
    %get3A_2324 = arith.constant 10752 : index
    %get3A_2325 = vector.load %arg5[%get3A_2323, %get3A_2324] : memref<8x16384xf32, #tpu.memory_space<vmem>>, vector<8x512xf32>
    %min3A_2326 = arith.minimumf %get3A_2325, %add3A_2322 : vector<8x512xf32>
    %swap3A_2327 = arith.constant 0 : index
    %swap3A_2328 = arith.constant 10752 : index
    %swap3A_2329 = vector.load %arg5[%swap3A_2327, %swap3A_2328] : memref<8x16384xf32, #tpu.memory_space<vmem>>, vector<8x512xf32>
    tpu.vector_store %arg5[%swap3A_2327, %swap3A_2328], %min3A_2326 {strides = array<i32>} : memref<8x16384xf32, #tpu.memory_space<vmem>>, vector<8x512xf32>,
    %add3A_2330 = arith.constant 10752 : i32
    %add3A_2331 = vector.broadcast %add3A_2330 : i32 to vector<8x512xi32>
    %add3A_2332 = arith.addi %iota3A, %add3A_2331 : vector<8x512xi32>
    %gt3A_2333 = arith.cmpf ogt, %min3A_2326, %select_n3A_2292 : vector<8x512xf32>
    %select_n3A_2334 = arith.select %gt3A_2333, %min3A_2326, %select_n3A_2292 : vector<8x512xi1>, vector<8x512xf32>
    %select_n3A_2335 = arith.select %gt3A_2333, %add3A_2332, %select_n3A_2293 : vector<8x512xi1>, vector<8x512xi32>
    %select_n3A_2336 = arith.select %gt3A_2333, %get3A_2301, %select_n3A_2294 : vector<8x512xi1>, vector<8x512xf32>
    %select_n3A_2337 = arith.select %gt3A_2333, %get3A_2306, %select_n3A_2295 : vector<8x512xi1>, vector<8x512xf32>
    %select_n3A_2338 = arith.select %gt3A_2333, %get3A_2311, %select_n3A_2296 : vector<8x512xi1>, vector<8x512xf32>
    %get3A_2339 = arith.constant 0 : index
    %get3A_2340 = arith.constant 0 : index
    %get3A_2341 = arith.constant 11264 : index
    %get3A_2342 = vector.load %arg1[%get3A_2339, %get3A_2340, %get3A_2341] : memref<3x8x16384xf32, #tpu.memory_space<vmem>>, vector<1x8x512xf32>
    %get3A_2343 = vector.shape_cast %get3A_2342 : vector<1x8x512xf32> to vector<8x512xf32>
    %get3A_2344 = arith.constant 1 : index
    %get3A_2345 = arith.constant 0 : index
    %get3A_2346 = arith.constant 11264 : index
    %get3A_2347 = vector.load %arg1[%get3A_2344, %get3A_2345, %get3A_2346] : memref<3x8x16384xf32, #tpu.memory_space<vmem>>, vector<1x8x512xf32>
    %get3A_2348 = vector.shape_cast %get3A_2347 : vector<1x8x512xf32> to vector<8x512xf32>
    %get3A_2349 = arith.constant 2 : index
    %get3A_2350 = arith.constant 0 : index
    %get3A_2351 = arith.constant 11264 : index
    %get3A_2352 = vector.load %arg1[%get3A_2349, %get3A_2350, %get3A_2351] : memref<3x8x16384xf32, #tpu.memory_space<vmem>>, vector<1x8x512xf32>
    %get3A_2353 = vector.shape_cast %get3A_2352 : vector<1x8x512xf32> to vector<8x512xf32>
    %sub3A_2354 = vector.broadcast %get3A_1413 : vector<8x1xf32> to vector<8x512xf32>
    %sub3A_2355 = arith.subf %get3A_2343, %sub3A_2354 : vector<8x512xf32>
    %sub3A_2356 = vector.broadcast %get3A_1418 : vector<8x1xf32> to vector<8x512xf32>
    %sub3A_2357 = arith.subf %get3A_2348, %sub3A_2356 : vector<8x512xf32>
    %sub3A_2358 = vector.broadcast %get3A_1423 : vector<8x1xf32> to vector<8x512xf32>
    %sub3A_2359 = arith.subf %get3A_2353, %sub3A_2358 : vector<8x512xf32>
    %mul3A_2360 = arith.mulf %sub3A_2355, %sub3A_2355 : vector<8x512xf32>
    %mul3A_2361 = arith.mulf %sub3A_2359, %sub3A_2359 : vector<8x512xf32>
    %add3A_2362 = arith.addf %mul3A_2360, %mul3A_2361 : vector<8x512xf32>
    %mul3A_2363 = arith.mulf %sub3A_2357, %sub3A_2357 : vector<8x512xf32>
    %add3A_2364 = arith.addf %add3A_2362, %mul3A_2363 : vector<8x512xf32>
    %get3A_2365 = arith.constant 0 : index
    %get3A_2366 = arith.constant 11264 : index
    %get3A_2367 = vector.load %arg5[%get3A_2365, %get3A_2366] : memref<8x16384xf32, #tpu.memory_space<vmem>>, vector<8x512xf32>
    %min3A_2368 = arith.minimumf %get3A_2367, %add3A_2364 : vector<8x512xf32>
    %swap3A_2369 = arith.constant 0 : index
    %swap3A_2370 = arith.constant 11264 : index
    %swap3A_2371 = vector.load %arg5[%swap3A_2369, %swap3A_2370] : memref<8x16384xf32, #tpu.memory_space<vmem>>, vector<8x512xf32>
    tpu.vector_store %arg5[%swap3A_2369, %swap3A_2370], %min3A_2368 {strides = array<i32>} : memref<8x16384xf32, #tpu.memory_space<vmem>>, vector<8x512xf32>,
    %add3A_2372 = arith.constant 11264 : i32
    %add3A_2373 = vector.broadcast %add3A_2372 : i32 to vector<8x512xi32>
    %add3A_2374 = arith.addi %iota3A, %add3A_2373 : vector<8x512xi32>
    %gt3A_2375 = arith.cmpf ogt, %min3A_2368, %select_n3A_2334 : vector<8x512xf32>
    %select_n3A_2376 = arith.select %gt3A_2375, %min3A_2368, %select_n3A_2334 : vector<8x512xi1>, vector<8x512xf32>
    %select_n3A_2377 = arith.select %gt3A_2375, %add3A_2374, %select_n3A_2335 : vector<8x512xi1>, vector<8x512xi32>
    %select_n3A_2378 = arith.select %gt3A_2375, %get3A_2343, %select_n3A_2336 : vector<8x512xi1>, vector<8x512xf32>
    %select_n3A_2379 = arith.select %gt3A_2375, %get3A_2348, %select_n3A_2337 : vector<8x512xi1>, vector<8x512xf32>
    %select_n3A_2380 = arith.select %gt3A_2375, %get3A_2353, %select_n3A_2338 : vector<8x512xi1>, vector<8x512xf32>
    %get3A_2381 = arith.constant 0 : index
    %get3A_2382 = arith.constant 0 : index
    %get3A_2383 = arith.constant 11776 : index
    %get3A_2384 = vector.load %arg1[%get3A_2381, %get3A_2382, %get3A_2383] : memref<3x8x16384xf32, #tpu.memory_space<vmem>>, vector<1x8x512xf32>
    %get3A_2385 = vector.shape_cast %get3A_2384 : vector<1x8x512xf32> to vector<8x512xf32>
    %get3A_2386 = arith.constant 1 : index
    %get3A_2387 = arith.constant 0 : index
    %get3A_2388 = arith.constant 11776 : index
    %get3A_2389 = vector.load %arg1[%get3A_2386, %get3A_2387, %get3A_2388] : memref<3x8x16384xf32, #tpu.memory_space<vmem>>, vector<1x8x512xf32>
    %get3A_2390 = vector.shape_cast %get3A_2389 : vector<1x8x512xf32> to vector<8x512xf32>
    %get3A_2391 = arith.constant 2 : index
    %get3A_2392 = arith.constant 0 : index
    %get3A_2393 = arith.constant 11776 : index
    %get3A_2394 = vector.load %arg1[%get3A_2391, %get3A_2392, %get3A_2393] : memref<3x8x16384xf32, #tpu.memory_space<vmem>>, vector<1x8x512xf32>
    %get3A_2395 = vector.shape_cast %get3A_2394 : vector<1x8x512xf32> to vector<8x512xf32>
    %sub3A_2396 = vector.broadcast %get3A_1413 : vector<8x1xf32> to vector<8x512xf32>
    %sub3A_2397 = arith.subf %get3A_2385, %sub3A_2396 : vector<8x512xf32>
    %sub3A_2398 = vector.broadcast %get3A_1418 : vector<8x1xf32> to vector<8x512xf32>
    %sub3A_2399 = arith.subf %get3A_2390, %sub3A_2398 : vector<8x512xf32>
    %sub3A_2400 = vector.broadcast %get3A_1423 : vector<8x1xf32> to vector<8x512xf32>
    %sub3A_2401 = arith.subf %get3A_2395, %sub3A_2400 : vector<8x512xf32>
    %mul3A_2402 = arith.mulf %sub3A_2397, %sub3A_2397 : vector<8x512xf32>
    %mul3A_2403 = arith.mulf %sub3A_2401, %sub3A_2401 : vector<8x512xf32>
    %add3A_2404 = arith.addf %mul3A_2402, %mul3A_2403 : vector<8x512xf32>
    %mul3A_2405 = arith.mulf %sub3A_2399, %sub3A_2399 : vector<8x512xf32>
    %add3A_2406 = arith.addf %add3A_2404, %mul3A_2405 : vector<8x512xf32>
    %get3A_2407 = arith.constant 0 : index
    %get3A_2408 = arith.constant 11776 : index
    %get3A_2409 = vector.load %arg5[%get3A_2407, %get3A_2408] : memref<8x16384xf32, #tpu.memory_space<vmem>>, vector<8x512xf32>
    %min3A_2410 = arith.minimumf %get3A_2409, %add3A_2406 : vector<8x512xf32>
    %swap3A_2411 = arith.constant 0 : index
    %swap3A_2412 = arith.constant 11776 : index
    %swap3A_2413 = vector.load %arg5[%swap3A_2411, %swap3A_2412] : memref<8x16384xf32, #tpu.memory_space<vmem>>, vector<8x512xf32>
    tpu.vector_store %arg5[%swap3A_2411, %swap3A_2412], %min3A_2410 {strides = array<i32>} : memref<8x16384xf32, #tpu.memory_space<vmem>>, vector<8x512xf32>,
    %add3A_2414 = arith.constant 11776 : i32
    %add3A_2415 = vector.broadcast %add3A_2414 : i32 to vector<8x512xi32>
    %add3A_2416 = arith.addi %iota3A, %add3A_2415 : vector<8x512xi32>
    %gt3A_2417 = arith.cmpf ogt, %min3A_2410, %select_n3A_2376 : vector<8x512xf32>
    %select_n3A_2418 = arith.select %gt3A_2417, %min3A_2410, %select_n3A_2376 : vector<8x512xi1>, vector<8x512xf32>
    %select_n3A_2419 = arith.select %gt3A_2417, %add3A_2416, %select_n3A_2377 : vector<8x512xi1>, vector<8x512xi32>
    %select_n3A_2420 = arith.select %gt3A_2417, %get3A_2385, %select_n3A_2378 : vector<8x512xi1>, vector<8x512xf32>
    %select_n3A_2421 = arith.select %gt3A_2417, %get3A_2390, %select_n3A_2379 : vector<8x512xi1>, vector<8x512xf32>
    %select_n3A_2422 = arith.select %gt3A_2417, %get3A_2395, %select_n3A_2380 : vector<8x512xi1>, vector<8x512xf32>
    %get3A_2423 = arith.constant 0 : index
    %get3A_2424 = arith.constant 0 : index
    %get3A_2425 = arith.constant 12288 : index
    %get3A_2426 = vector.load %arg1[%get3A_2423, %get3A_2424, %get3A_2425] : memref<3x8x16384xf32, #tpu.memory_space<vmem>>, vector<1x8x512xf32>
    %get3A_2427 = vector.shape_cast %get3A_2426 : vector<1x8x512xf32> to vector<8x512xf32>
    %get3A_2428 = arith.constant 1 : index
    %get3A_2429 = arith.constant 0 : index
    %get3A_2430 = arith.constant 12288 : index
    %get3A_2431 = vector.load %arg1[%get3A_2428, %get3A_2429, %get3A_2430] : memref<3x8x16384xf32, #tpu.memory_space<vmem>>, vector<1x8x512xf32>
    %get3A_2432 = vector.shape_cast %get3A_2431 : vector<1x8x512xf32> to vector<8x512xf32>
    %get3A_2433 = arith.constant 2 : index
    %get3A_2434 = arith.constant 0 : index
    %get3A_2435 = arith.constant 12288 : index
    %get3A_2436 = vector.load %arg1[%get3A_2433, %get3A_2434, %get3A_2435] : memref<3x8x16384xf32, #tpu.memory_space<vmem>>, vector<1x8x512xf32>
    %get3A_2437 = vector.shape_cast %get3A_2436 : vector<1x8x512xf32> to vector<8x512xf32>
    %sub3A_2438 = vector.broadcast %get3A_1413 : vector<8x1xf32> to vector<8x512xf32>
    %sub3A_2439 = arith.subf %get3A_2427, %sub3A_2438 : vector<8x512xf32>
    %sub3A_2440 = vector.broadcast %get3A_1418 : vector<8x1xf32> to vector<8x512xf32>
    %sub3A_2441 = arith.subf %get3A_2432, %sub3A_2440 : vector<8x512xf32>
    %sub3A_2442 = vector.broadcast %get3A_1423 : vector<8x1xf32> to vector<8x512xf32>
    %sub3A_2443 = arith.subf %get3A_2437, %sub3A_2442 : vector<8x512xf32>
    %mul3A_2444 = arith.mulf %sub3A_2439, %sub3A_2439 : vector<8x512xf32>
    %mul3A_2445 = arith.mulf %sub3A_2443, %sub3A_2443 : vector<8x512xf32>
    %add3A_2446 = arith.addf %mul3A_2444, %mul3A_2445 : vector<8x512xf32>
    %mul3A_2447 = arith.mulf %sub3A_2441, %sub3A_2441 : vector<8x512xf32>
    %add3A_2448 = arith.addf %add3A_2446, %mul3A_2447 : vector<8x512xf32>
    %get3A_2449 = arith.constant 0 : index
    %get3A_2450 = arith.constant 12288 : index
    %get3A_2451 = vector.load %arg5[%get3A_2449, %get3A_2450] : memref<8x16384xf32, #tpu.memory_space<vmem>>, vector<8x512xf32>
    %min3A_2452 = arith.minimumf %get3A_2451, %add3A_2448 : vector<8x512xf32>
    %swap3A_2453 = arith.constant 0 : index
    %swap3A_2454 = arith.constant 12288 : index
    %swap3A_2455 = vector.load %arg5[%swap3A_2453, %swap3A_2454] : memref<8x16384xf32, #tpu.memory_space<vmem>>, vector<8x512xf32>
    tpu.vector_store %arg5[%swap3A_2453, %swap3A_2454], %min3A_2452 {strides = array<i32>} : memref<8x16384xf32, #tpu.memory_space<vmem>>, vector<8x512xf32>,
    %add3A_2456 = arith.constant 12288 : i32
    %add3A_2457 = vector.broadcast %add3A_2456 : i32 to vector<8x512xi32>
    %add3A_2458 = arith.addi %iota3A, %add3A_2457 : vector<8x512xi32>
    %gt3A_2459 = arith.cmpf ogt, %min3A_2452, %select_n3A_2418 : vector<8x512xf32>
    %select_n3A_2460 = arith.select %gt3A_2459, %min3A_2452, %select_n3A_2418 : vector<8x512xi1>, vector<8x512xf32>
    %select_n3A_2461 = arith.select %gt3A_2459, %add3A_2458, %select_n3A_2419 : vector<8x512xi1>, vector<8x512xi32>
    %select_n3A_2462 = arith.select %gt3A_2459, %get3A_2427, %select_n3A_2420 : vector<8x512xi1>, vector<8x512xf32>
    %select_n3A_2463 = arith.select %gt3A_2459, %get3A_2432, %select_n3A_2421 : vector<8x512xi1>, vector<8x512xf32>
    %select_n3A_2464 = arith.select %gt3A_2459, %get3A_2437, %select_n3A_2422 : vector<8x512xi1>, vector<8x512xf32>
    %get3A_2465 = arith.constant 0 : index
    %get3A_2466 = arith.constant 0 : index
    %get3A_2467 = arith.constant 12800 : index
    %get3A_2468 = vector.load %arg1[%get3A_2465, %get3A_2466, %get3A_2467] : memref<3x8x16384xf32, #tpu.memory_space<vmem>>, vector<1x8x512xf32>
    %get3A_2469 = vector.shape_cast %get3A_2468 : vector<1x8x512xf32> to vector<8x512xf32>
    %get3A_2470 = arith.constant 1 : index
    %get3A_2471 = arith.constant 0 : index
    %get3A_2472 = arith.constant 12800 : index
    %get3A_2473 = vector.load %arg1[%get3A_2470, %get3A_2471, %get3A_2472] : memref<3x8x16384xf32, #tpu.memory_space<vmem>>, vector<1x8x512xf32>
    %get3A_2474 = vector.shape_cast %get3A_2473 : vector<1x8x512xf32> to vector<8x512xf32>
    %get3A_2475 = arith.constant 2 : index
    %get3A_2476 = arith.constant 0 : index
    %get3A_2477 = arith.constant 12800 : index
    %get3A_2478 = vector.load %arg1[%get3A_2475, %get3A_2476, %get3A_2477] : memref<3x8x16384xf32, #tpu.memory_space<vmem>>, vector<1x8x512xf32>
    %get3A_2479 = vector.shape_cast %get3A_2478 : vector<1x8x512xf32> to vector<8x512xf32>
    %sub3A_2480 = vector.broadcast %get3A_1413 : vector<8x1xf32> to vector<8x512xf32>
    %sub3A_2481 = arith.subf %get3A_2469, %sub3A_2480 : vector<8x512xf32>
    %sub3A_2482 = vector.broadcast %get3A_1418 : vector<8x1xf32> to vector<8x512xf32>
    %sub3A_2483 = arith.subf %get3A_2474, %sub3A_2482 : vector<8x512xf32>
    %sub3A_2484 = vector.broadcast %get3A_1423 : vector<8x1xf32> to vector<8x512xf32>
    %sub3A_2485 = arith.subf %get3A_2479, %sub3A_2484 : vector<8x512xf32>
    %mul3A_2486 = arith.mulf %sub3A_2481, %sub3A_2481 : vector<8x512xf32>
    %mul3A_2487 = arith.mulf %sub3A_2485, %sub3A_2485 : vector<8x512xf32>
    %add3A_2488 = arith.addf %mul3A_2486, %mul3A_2487 : vector<8x512xf32>
    %mul3A_2489 = arith.mulf %sub3A_2483, %sub3A_2483 : vector<8x512xf32>
    %add3A_2490 = arith.addf %add3A_2488, %mul3A_2489 : vector<8x512xf32>
    %get3A_2491 = arith.constant 0 : index
    %get3A_2492 = arith.constant 12800 : index
    %get3A_2493 = vector.load %arg5[%get3A_2491, %get3A_2492] : memref<8x16384xf32, #tpu.memory_space<vmem>>, vector<8x512xf32>
    %min3A_2494 = arith.minimumf %get3A_2493, %add3A_2490 : vector<8x512xf32>
    %swap3A_2495 = arith.constant 0 : index
    %swap3A_2496 = arith.constant 12800 : index
    %swap3A_2497 = vector.load %arg5[%swap3A_2495, %swap3A_2496] : memref<8x16384xf32, #tpu.memory_space<vmem>>, vector<8x512xf32>
    tpu.vector_store %arg5[%swap3A_2495, %swap3A_2496], %min3A_2494 {strides = array<i32>} : memref<8x16384xf32, #tpu.memory_space<vmem>>, vector<8x512xf32>,
    %add3A_2498 = arith.constant 12800 : i32
    %add3A_2499 = vector.broadcast %add3A_2498 : i32 to vector<8x512xi32>
    %add3A_2500 = arith.addi %iota3A, %add3A_2499 : vector<8x512xi32>
    %gt3A_2501 = arith.cmpf ogt, %min3A_2494, %select_n3A_2460 : vector<8x512xf32>
    %select_n3A_2502 = arith.select %gt3A_2501, %min3A_2494, %select_n3A_2460 : vector<8x512xi1>, vector<8x512xf32>
    %select_n3A_2503 = arith.select %gt3A_2501, %add3A_2500, %select_n3A_2461 : vector<8x512xi1>, vector<8x512xi32>
    %select_n3A_2504 = arith.select %gt3A_2501, %get3A_2469, %select_n3A_2462 : vector<8x512xi1>, vector<8x512xf32>
    %select_n3A_2505 = arith.select %gt3A_2501, %get3A_2474, %select_n3A_2463 : vector<8x512xi1>, vector<8x512xf32>
    %select_n3A_2506 = arith.select %gt3A_2501, %get3A_2479, %select_n3A_2464 : vector<8x512xi1>, vector<8x512xf32>
    %get3A_2507 = arith.constant 0 : index
    %get3A_2508 = arith.constant 0 : index
    %get3A_2509 = arith.constant 13312 : index
    %get3A_2510 = vector.load %arg1[%get3A_2507, %get3A_2508, %get3A_2509] : memref<3x8x16384xf32, #tpu.memory_space<vmem>>, vector<1x8x512xf32>
    %get3A_2511 = vector.shape_cast %get3A_2510 : vector<1x8x512xf32> to vector<8x512xf32>
    %get3A_2512 = arith.constant 1 : index
    %get3A_2513 = arith.constant 0 : index
    %get3A_2514 = arith.constant 13312 : index
    %get3A_2515 = vector.load %arg1[%get3A_2512, %get3A_2513, %get3A_2514] : memref<3x8x16384xf32, #tpu.memory_space<vmem>>, vector<1x8x512xf32>
    %get3A_2516 = vector.shape_cast %get3A_2515 : vector<1x8x512xf32> to vector<8x512xf32>
    %get3A_2517 = arith.constant 2 : index
    %get3A_2518 = arith.constant 0 : index
    %get3A_2519 = arith.constant 13312 : index
    %get3A_2520 = vector.load %arg1[%get3A_2517, %get3A_2518, %get3A_2519] : memref<3x8x16384xf32, #tpu.memory_space<vmem>>, vector<1x8x512xf32>
    %get3A_2521 = vector.shape_cast %get3A_2520 : vector<1x8x512xf32> to vector<8x512xf32>
    %sub3A_2522 = vector.broadcast %get3A_1413 : vector<8x1xf32> to vector<8x512xf32>
    %sub3A_2523 = arith.subf %get3A_2511, %sub3A_2522 : vector<8x512xf32>
    %sub3A_2524 = vector.broadcast %get3A_1418 : vector<8x1xf32> to vector<8x512xf32>
    %sub3A_2525 = arith.subf %get3A_2516, %sub3A_2524 : vector<8x512xf32>
    %sub3A_2526 = vector.broadcast %get3A_1423 : vector<8x1xf32> to vector<8x512xf32>
    %sub3A_2527 = arith.subf %get3A_2521, %sub3A_2526 : vector<8x512xf32>
    %mul3A_2528 = arith.mulf %sub3A_2523, %sub3A_2523 : vector<8x512xf32>
    %mul3A_2529 = arith.mulf %sub3A_2527, %sub3A_2527 : vector<8x512xf32>
    %add3A_2530 = arith.addf %mul3A_2528, %mul3A_2529 : vector<8x512xf32>
    %mul3A_2531 = arith.mulf %sub3A_2525, %sub3A_2525 : vector<8x512xf32>
    %add3A_2532 = arith.addf %add3A_2530, %mul3A_2531 : vector<8x512xf32>
    %get3A_2533 = arith.constant 0 : index
    %get3A_2534 = arith.constant 13312 : index
    %get3A_2535 = vector.load %arg5[%get3A_2533, %get3A_2534] : memref<8x16384xf32, #tpu.memory_space<vmem>>, vector<8x512xf32>
    %min3A_2536 = arith.minimumf %get3A_2535, %add3A_2532 : vector<8x512xf32>
    %swap3A_2537 = arith.constant 0 : index
    %swap3A_2538 = arith.constant 13312 : index
    %swap3A_2539 = vector.load %arg5[%swap3A_2537, %swap3A_2538] : memref<8x16384xf32, #tpu.memory_space<vmem>>, vector<8x512xf32>
    tpu.vector_store %arg5[%swap3A_2537, %swap3A_2538], %min3A_2536 {strides = array<i32>} : memref<8x16384xf32, #tpu.memory_space<vmem>>, vector<8x512xf32>,
    %add3A_2540 = arith.constant 13312 : i32
    %add3A_2541 = vector.broadcast %add3A_2540 : i32 to vector<8x512xi32>
    %add3A_2542 = arith.addi %iota3A, %add3A_2541 : vector<8x512xi32>
    %gt3A_2543 = arith.cmpf ogt, %min3A_2536, %select_n3A_2502 : vector<8x512xf32>
    %select_n3A_2544 = arith.select %gt3A_2543, %min3A_2536, %select_n3A_2502 : vector<8x512xi1>, vector<8x512xf32>
    %select_n3A_2545 = arith.select %gt3A_2543, %add3A_2542, %select_n3A_2503 : vector<8x512xi1>, vector<8x512xi32>
    %select_n3A_2546 = arith.select %gt3A_2543, %get3A_2511, %select_n3A_2504 : vector<8x512xi1>, vector<8x512xf32>
    %select_n3A_2547 = arith.select %gt3A_2543, %get3A_2516, %select_n3A_2505 : vector<8x512xi1>, vector<8x512xf32>
    %select_n3A_2548 = arith.select %gt3A_2543, %get3A_2521, %select_n3A_2506 : vector<8x512xi1>, vector<8x512xf32>
    %get3A_2549 = arith.constant 0 : index
    %get3A_2550 = arith.constant 0 : index
    %get3A_2551 = arith.constant 13824 : index
    %get3A_2552 = vector.load %arg1[%get3A_2549, %get3A_2550, %get3A_2551] : memref<3x8x16384xf32, #tpu.memory_space<vmem>>, vector<1x8x512xf32>
    %get3A_2553 = vector.shape_cast %get3A_2552 : vector<1x8x512xf32> to vector<8x512xf32>
    %get3A_2554 = arith.constant 1 : index
    %get3A_2555 = arith.constant 0 : index
    %get3A_2556 = arith.constant 13824 : index
    %get3A_2557 = vector.load %arg1[%get3A_2554, %get3A_2555, %get3A_2556] : memref<3x8x16384xf32, #tpu.memory_space<vmem>>, vector<1x8x512xf32>
    %get3A_2558 = vector.shape_cast %get3A_2557 : vector<1x8x512xf32> to vector<8x512xf32>
    %get3A_2559 = arith.constant 2 : index
    %get3A_2560 = arith.constant 0 : index
    %get3A_2561 = arith.constant 13824 : index
    %get3A_2562 = vector.load %arg1[%get3A_2559, %get3A_2560, %get3A_2561] : memref<3x8x16384xf32, #tpu.memory_space<vmem>>, vector<1x8x512xf32>
    %get3A_2563 = vector.shape_cast %get3A_2562 : vector<1x8x512xf32> to vector<8x512xf32>
    %sub3A_2564 = vector.broadcast %get3A_1413 : vector<8x1xf32> to vector<8x512xf32>
    %sub3A_2565 = arith.subf %get3A_2553, %sub3A_2564 : vector<8x512xf32>
    %sub3A_2566 = vector.broadcast %get3A_1418 : vector<8x1xf32> to vector<8x512xf32>
    %sub3A_2567 = arith.subf %get3A_2558, %sub3A_2566 : vector<8x512xf32>
    %sub3A_2568 = vector.broadcast %get3A_1423 : vector<8x1xf32> to vector<8x512xf32>
    %sub3A_2569 = arith.subf %get3A_2563, %sub3A_2568 : vector<8x512xf32>
    %mul3A_2570 = arith.mulf %sub3A_2565, %sub3A_2565 : vector<8x512xf32>
    %mul3A_2571 = arith.mulf %sub3A_2569, %sub3A_2569 : vector<8x512xf32>
    %add3A_2572 = arith.addf %mul3A_2570, %mul3A_2571 : vector<8x512xf32>
    %mul3A_2573 = arith.mulf %sub3A_2567, %sub3A_2567 : vector<8x512xf32>
    %add3A_2574 = arith.addf %add3A_2572, %mul3A_2573 : vector<8x512xf32>
    %get3A_2575 = arith.constant 0 : index
    %get3A_2576 = arith.constant 13824 : index
    %get3A_2577 = vector.load %arg5[%get3A_2575, %get3A_2576] : memref<8x16384xf32, #tpu.memory_space<vmem>>, vector<8x512xf32>
    %min3A_2578 = arith.minimumf %get3A_2577, %add3A_2574 : vector<8x512xf32>
    %swap3A_2579 = arith.constant 0 : index
    %swap3A_2580 = arith.constant 13824 : index
    %swap3A_2581 = vector.load %arg5[%swap3A_2579, %swap3A_2580] : memref<8x16384xf32, #tpu.memory_space<vmem>>, vector<8x512xf32>
    tpu.vector_store %arg5[%swap3A_2579, %swap3A_2580], %min3A_2578 {strides = array<i32>} : memref<8x16384xf32, #tpu.memory_space<vmem>>, vector<8x512xf32>,
    %add3A_2582 = arith.constant 13824 : i32
    %add3A_2583 = vector.broadcast %add3A_2582 : i32 to vector<8x512xi32>
    %add3A_2584 = arith.addi %iota3A, %add3A_2583 : vector<8x512xi32>
    %gt3A_2585 = arith.cmpf ogt, %min3A_2578, %select_n3A_2544 : vector<8x512xf32>
    %select_n3A_2586 = arith.select %gt3A_2585, %min3A_2578, %select_n3A_2544 : vector<8x512xi1>, vector<8x512xf32>
    %select_n3A_2587 = arith.select %gt3A_2585, %add3A_2584, %select_n3A_2545 : vector<8x512xi1>, vector<8x512xi32>
    %select_n3A_2588 = arith.select %gt3A_2585, %get3A_2553, %select_n3A_2546 : vector<8x512xi1>, vector<8x512xf32>
    %select_n3A_2589 = arith.select %gt3A_2585, %get3A_2558, %select_n3A_2547 : vector<8x512xi1>, vector<8x512xf32>
    %select_n3A_2590 = arith.select %gt3A_2585, %get3A_2563, %select_n3A_2548 : vector<8x512xi1>, vector<8x512xf32>
    %get3A_2591 = arith.constant 0 : index
    %get3A_2592 = arith.constant 0 : index
    %get3A_2593 = arith.constant 14336 : index
    %get3A_2594 = vector.load %arg1[%get3A_2591, %get3A_2592, %get3A_2593] : memref<3x8x16384xf32, #tpu.memory_space<vmem>>, vector<1x8x512xf32>
    %get3A_2595 = vector.shape_cast %get3A_2594 : vector<1x8x512xf32> to vector<8x512xf32>
    %get3A_2596 = arith.constant 1 : index
    %get3A_2597 = arith.constant 0 : index
    %get3A_2598 = arith.constant 14336 : index
    %get3A_2599 = vector.load %arg1[%get3A_2596, %get3A_2597, %get3A_2598] : memref<3x8x16384xf32, #tpu.memory_space<vmem>>, vector<1x8x512xf32>
    %get3A_2600 = vector.shape_cast %get3A_2599 : vector<1x8x512xf32> to vector<8x512xf32>
    %get3A_2601 = arith.constant 2 : index
    %get3A_2602 = arith.constant 0 : index
    %get3A_2603 = arith.constant 14336 : index
    %get3A_2604 = vector.load %arg1[%get3A_2601, %get3A_2602, %get3A_2603] : memref<3x8x16384xf32, #tpu.memory_space<vmem>>, vector<1x8x512xf32>
    %get3A_2605 = vector.shape_cast %get3A_2604 : vector<1x8x512xf32> to vector<8x512xf32>
    %sub3A_2606 = vector.broadcast %get3A_1413 : vector<8x1xf32> to vector<8x512xf32>
    %sub3A_2607 = arith.subf %get3A_2595, %sub3A_2606 : vector<8x512xf32>
    %sub3A_2608 = vector.broadcast %get3A_1418 : vector<8x1xf32> to vector<8x512xf32>
    %sub3A_2609 = arith.subf %get3A_2600, %sub3A_2608 : vector<8x512xf32>
    %sub3A_2610 = vector.broadcast %get3A_1423 : vector<8x1xf32> to vector<8x512xf32>
    %sub3A_2611 = arith.subf %get3A_2605, %sub3A_2610 : vector<8x512xf32>
    %mul3A_2612 = arith.mulf %sub3A_2607, %sub3A_2607 : vector<8x512xf32>
    %mul3A_2613 = arith.mulf %sub3A_2611, %sub3A_2611 : vector<8x512xf32>
    %add3A_2614 = arith.addf %mul3A_2612, %mul3A_2613 : vector<8x512xf32>
    %mul3A_2615 = arith.mulf %sub3A_2609, %sub3A_2609 : vector<8x512xf32>
    %add3A_2616 = arith.addf %add3A_2614, %mul3A_2615 : vector<8x512xf32>
    %get3A_2617 = arith.constant 0 : index
    %get3A_2618 = arith.constant 14336 : index
    %get3A_2619 = vector.load %arg5[%get3A_2617, %get3A_2618] : memref<8x16384xf32, #tpu.memory_space<vmem>>, vector<8x512xf32>
    %min3A_2620 = arith.minimumf %get3A_2619, %add3A_2616 : vector<8x512xf32>
    %swap3A_2621 = arith.constant 0 : index
    %swap3A_2622 = arith.constant 14336 : index
    %swap3A_2623 = vector.load %arg5[%swap3A_2621, %swap3A_2622] : memref<8x16384xf32, #tpu.memory_space<vmem>>, vector<8x512xf32>
    tpu.vector_store %arg5[%swap3A_2621, %swap3A_2622], %min3A_2620 {strides = array<i32>} : memref<8x16384xf32, #tpu.memory_space<vmem>>, vector<8x512xf32>,
    %add3A_2624 = arith.constant 14336 : i32
    %add3A_2625 = vector.broadcast %add3A_2624 : i32 to vector<8x512xi32>
    %add3A_2626 = arith.addi %iota3A, %add3A_2625 : vector<8x512xi32>
    %gt3A_2627 = arith.cmpf ogt, %min3A_2620, %select_n3A_2586 : vector<8x512xf32>
    %select_n3A_2628 = arith.select %gt3A_2627, %min3A_2620, %select_n3A_2586 : vector<8x512xi1>, vector<8x512xf32>
    %select_n3A_2629 = arith.select %gt3A_2627, %add3A_2626, %select_n3A_2587 : vector<8x512xi1>, vector<8x512xi32>
    %select_n3A_2630 = arith.select %gt3A_2627, %get3A_2595, %select_n3A_2588 : vector<8x512xi1>, vector<8x512xf32>
    %select_n3A_2631 = arith.select %gt3A_2627, %get3A_2600, %select_n3A_2589 : vector<8x512xi1>, vector<8x512xf32>
    %select_n3A_2632 = arith.select %gt3A_2627, %get3A_2605, %select_n3A_2590 : vector<8x512xi1>, vector<8x512xf32>
    %get3A_2633 = arith.constant 0 : index
    %get3A_2634 = arith.constant 0 : index
    %get3A_2635 = arith.constant 14848 : index
    %get3A_2636 = vector.load %arg1[%get3A_2633, %get3A_2634, %get3A_2635] : memref<3x8x16384xf32, #tpu.memory_space<vmem>>, vector<1x8x512xf32>
    %get3A_2637 = vector.shape_cast %get3A_2636 : vector<1x8x512xf32> to vector<8x512xf32>
    %get3A_2638 = arith.constant 1 : index
    %get3A_2639 = arith.constant 0 : index
    %get3A_2640 = arith.constant 14848 : index
    %get3A_2641 = vector.load %arg1[%get3A_2638, %get3A_2639, %get3A_2640] : memref<3x8x16384xf32, #tpu.memory_space<vmem>>, vector<1x8x512xf32>
    %get3A_2642 = vector.shape_cast %get3A_2641 : vector<1x8x512xf32> to vector<8x512xf32>
    %get3A_2643 = arith.constant 2 : index
    %get3A_2644 = arith.constant 0 : index
    %get3A_2645 = arith.constant 14848 : index
    %get3A_2646 = vector.load %arg1[%get3A_2643, %get3A_2644, %get3A_2645] : memref<3x8x16384xf32, #tpu.memory_space<vmem>>, vector<1x8x512xf32>
    %get3A_2647 = vector.shape_cast %get3A_2646 : vector<1x8x512xf32> to vector<8x512xf32>
    %sub3A_2648 = vector.broadcast %get3A_1413 : vector<8x1xf32> to vector<8x512xf32>
    %sub3A_2649 = arith.subf %get3A_2637, %sub3A_2648 : vector<8x512xf32>
    %sub3A_2650 = vector.broadcast %get3A_1418 : vector<8x1xf32> to vector<8x512xf32>
    %sub3A_2651 = arith.subf %get3A_2642, %sub3A_2650 : vector<8x512xf32>
    %sub3A_2652 = vector.broadcast %get3A_1423 : vector<8x1xf32> to vector<8x512xf32>
    %sub3A_2653 = arith.subf %get3A_2647, %sub3A_2652 : vector<8x512xf32>
    %mul3A_2654 = arith.mulf %sub3A_2649, %sub3A_2649 : vector<8x512xf32>
    %mul3A_2655 = arith.mulf %sub3A_2653, %sub3A_2653 : vector<8x512xf32>
    %add3A_2656 = arith.addf %mul3A_2654, %mul3A_2655 : vector<8x512xf32>
    %mul3A_2657 = arith.mulf %sub3A_2651, %sub3A_2651 : vector<8x512xf32>
    %add3A_2658 = arith.addf %add3A_2656, %mul3A_2657 : vector<8x512xf32>
    %get3A_2659 = arith.constant 0 : index
    %get3A_2660 = arith.constant 14848 : index
    %get3A_2661 = vector.load %arg5[%get3A_2659, %get3A_2660] : memref<8x16384xf32, #tpu.memory_space<vmem>>, vector<8x512xf32>
    %min3A_2662 = arith.minimumf %get3A_2661, %add3A_2658 : vector<8x512xf32>
    %swap3A_2663 = arith.constant 0 : index
    %swap3A_2664 = arith.constant 14848 : index
    %swap3A_2665 = vector.load %arg5[%swap3A_2663, %swap3A_2664] : memref<8x16384xf32, #tpu.memory_space<vmem>>, vector<8x512xf32>
    tpu.vector_store %arg5[%swap3A_2663, %swap3A_2664], %min3A_2662 {strides = array<i32>} : memref<8x16384xf32, #tpu.memory_space<vmem>>, vector<8x512xf32>,
    %add3A_2666 = arith.constant 14848 : i32
    %add3A_2667 = vector.broadcast %add3A_2666 : i32 to vector<8x512xi32>
    %add3A_2668 = arith.addi %iota3A, %add3A_2667 : vector<8x512xi32>
    %gt3A_2669 = arith.cmpf ogt, %min3A_2662, %select_n3A_2628 : vector<8x512xf32>
    %select_n3A_2670 = arith.select %gt3A_2669, %min3A_2662, %select_n3A_2628 : vector<8x512xi1>, vector<8x512xf32>
    %select_n3A_2671 = arith.select %gt3A_2669, %add3A_2668, %select_n3A_2629 : vector<8x512xi1>, vector<8x512xi32>
    %select_n3A_2672 = arith.select %gt3A_2669, %get3A_2637, %select_n3A_2630 : vector<8x512xi1>, vector<8x512xf32>
    %select_n3A_2673 = arith.select %gt3A_2669, %get3A_2642, %select_n3A_2631 : vector<8x512xi1>, vector<8x512xf32>
    %select_n3A_2674 = arith.select %gt3A_2669, %get3A_2647, %select_n3A_2632 : vector<8x512xi1>, vector<8x512xf32>
    %get3A_2675 = arith.constant 0 : index
    %get3A_2676 = arith.constant 0 : index
    %get3A_2677 = arith.constant 15360 : index
    %get3A_2678 = vector.load %arg1[%get3A_2675, %get3A_2676, %get3A_2677] : memref<3x8x16384xf32, #tpu.memory_space<vmem>>, vector<1x8x512xf32>
    %get3A_2679 = vector.shape_cast %get3A_2678 : vector<1x8x512xf32> to vector<8x512xf32>
    %get3A_2680 = arith.constant 1 : index
    %get3A_2681 = arith.constant 0 : index
    %get3A_2682 = arith.constant 15360 : index
    %get3A_2683 = vector.load %arg1[%get3A_2680, %get3A_2681, %get3A_2682] : memref<3x8x16384xf32, #tpu.memory_space<vmem>>, vector<1x8x512xf32>
    %get3A_2684 = vector.shape_cast %get3A_2683 : vector<1x8x512xf32> to vector<8x512xf32>
    %get3A_2685 = arith.constant 2 : index
    %get3A_2686 = arith.constant 0 : index
    %get3A_2687 = arith.constant 15360 : index
    %get3A_2688 = vector.load %arg1[%get3A_2685, %get3A_2686, %get3A_2687] : memref<3x8x16384xf32, #tpu.memory_space<vmem>>, vector<1x8x512xf32>
    %get3A_2689 = vector.shape_cast %get3A_2688 : vector<1x8x512xf32> to vector<8x512xf32>
    %sub3A_2690 = vector.broadcast %get3A_1413 : vector<8x1xf32> to vector<8x512xf32>
    %sub3A_2691 = arith.subf %get3A_2679, %sub3A_2690 : vector<8x512xf32>
    %sub3A_2692 = vector.broadcast %get3A_1418 : vector<8x1xf32> to vector<8x512xf32>
    %sub3A_2693 = arith.subf %get3A_2684, %sub3A_2692 : vector<8x512xf32>
    %sub3A_2694 = vector.broadcast %get3A_1423 : vector<8x1xf32> to vector<8x512xf32>
    %sub3A_2695 = arith.subf %get3A_2689, %sub3A_2694 : vector<8x512xf32>
    %mul3A_2696 = arith.mulf %sub3A_2691, %sub3A_2691 : vector<8x512xf32>
    %mul3A_2697 = arith.mulf %sub3A_2695, %sub3A_2695 : vector<8x512xf32>
    %add3A_2698 = arith.addf %mul3A_2696, %mul3A_2697 : vector<8x512xf32>
    %mul3A_2699 = arith.mulf %sub3A_2693, %sub3A_2693 : vector<8x512xf32>
    %add3A_2700 = arith.addf %add3A_2698, %mul3A_2699 : vector<8x512xf32>
    %get3A_2701 = arith.constant 0 : index
    %get3A_2702 = arith.constant 15360 : index
    %get3A_2703 = vector.load %arg5[%get3A_2701, %get3A_2702] : memref<8x16384xf32, #tpu.memory_space<vmem>>, vector<8x512xf32>
    %min3A_2704 = arith.minimumf %get3A_2703, %add3A_2700 : vector<8x512xf32>
    %swap3A_2705 = arith.constant 0 : index
    %swap3A_2706 = arith.constant 15360 : index
    %swap3A_2707 = vector.load %arg5[%swap3A_2705, %swap3A_2706] : memref<8x16384xf32, #tpu.memory_space<vmem>>, vector<8x512xf32>
    tpu.vector_store %arg5[%swap3A_2705, %swap3A_2706], %min3A_2704 {strides = array<i32>} : memref<8x16384xf32, #tpu.memory_space<vmem>>, vector<8x512xf32>,
    %add3A_2708 = arith.constant 15360 : i32
    %add3A_2709 = vector.broadcast %add3A_2708 : i32 to vector<8x512xi32>
    %add3A_2710 = arith.addi %iota3A, %add3A_2709 : vector<8x512xi32>
    %gt3A_2711 = arith.cmpf ogt, %min3A_2704, %select_n3A_2670 : vector<8x512xf32>
    %select_n3A_2712 = arith.select %gt3A_2711, %min3A_2704, %select_n3A_2670 : vector<8x512xi1>, vector<8x512xf32>
    %select_n3A_2713 = arith.select %gt3A_2711, %add3A_2710, %select_n3A_2671 : vector<8x512xi1>, vector<8x512xi32>
    %select_n3A_2714 = arith.select %gt3A_2711, %get3A_2679, %select_n3A_2672 : vector<8x512xi1>, vector<8x512xf32>
    %select_n3A_2715 = arith.select %gt3A_2711, %get3A_2684, %select_n3A_2673 : vector<8x512xi1>, vector<8x512xf32>
    %select_n3A_2716 = arith.select %gt3A_2711, %get3A_2689, %select_n3A_2674 : vector<8x512xi1>, vector<8x512xf32>
    %get3A_2717 = arith.constant 0 : index
    %get3A_2718 = arith.constant 0 : index
    %get3A_2719 = arith.constant 15872 : index
    %get3A_2720 = vector.load %arg1[%get3A_2717, %get3A_2718, %get3A_2719] : memref<3x8x16384xf32, #tpu.memory_space<vmem>>, vector<1x8x512xf32>
    %get3A_2721 = vector.shape_cast %get3A_2720 : vector<1x8x512xf32> to vector<8x512xf32>
    %get3A_2722 = arith.constant 1 : index
    %get3A_2723 = arith.constant 0 : index
    %get3A_2724 = arith.constant 15872 : index
    %get3A_2725 = vector.load %arg1[%get3A_2722, %get3A_2723, %get3A_2724] : memref<3x8x16384xf32, #tpu.memory_space<vmem>>, vector<1x8x512xf32>
    %get3A_2726 = vector.shape_cast %get3A_2725 : vector<1x8x512xf32> to vector<8x512xf32>
    %get3A_2727 = arith.constant 2 : index
    %get3A_2728 = arith.constant 0 : index
    %get3A_2729 = arith.constant 15872 : index
    %get3A_2730 = vector.load %arg1[%get3A_2727, %get3A_2728, %get3A_2729] : memref<3x8x16384xf32, #tpu.memory_space<vmem>>, vector<1x8x512xf32>
    %get3A_2731 = vector.shape_cast %get3A_2730 : vector<1x8x512xf32> to vector<8x512xf32>
    %sub3A_2732 = vector.broadcast %get3A_1413 : vector<8x1xf32> to vector<8x512xf32>
    %sub3A_2733 = arith.subf %get3A_2721, %sub3A_2732 : vector<8x512xf32>
    %sub3A_2734 = vector.broadcast %get3A_1418 : vector<8x1xf32> to vector<8x512xf32>
    %sub3A_2735 = arith.subf %get3A_2726, %sub3A_2734 : vector<8x512xf32>
    %sub3A_2736 = vector.broadcast %get3A_1423 : vector<8x1xf32> to vector<8x512xf32>
    %sub3A_2737 = arith.subf %get3A_2731, %sub3A_2736 : vector<8x512xf32>
    %mul3A_2738 = arith.mulf %sub3A_2733, %sub3A_2733 : vector<8x512xf32>
    %mul3A_2739 = arith.mulf %sub3A_2737, %sub3A_2737 : vector<8x512xf32>
    %add3A_2740 = arith.addf %mul3A_2738, %mul3A_2739 : vector<8x512xf32>
    %mul3A_2741 = arith.mulf %sub3A_2735, %sub3A_2735 : vector<8x512xf32>
    %add3A_2742 = arith.addf %add3A_2740, %mul3A_2741 : vector<8x512xf32>
    %get3A_2743 = arith.constant 0 : index
    %get3A_2744 = arith.constant 15872 : index
    %get3A_2745 = vector.load %arg5[%get3A_2743, %get3A_2744] : memref<8x16384xf32, #tpu.memory_space<vmem>>, vector<8x512xf32>
    %min3A_2746 = arith.minimumf %get3A_2745, %add3A_2742 : vector<8x512xf32>
    %swap3A_2747 = arith.constant 0 : index
    %swap3A_2748 = arith.constant 15872 : index
    %swap3A_2749 = vector.load %arg5[%swap3A_2747, %swap3A_2748] : memref<8x16384xf32, #tpu.memory_space<vmem>>, vector<8x512xf32>
    tpu.vector_store %arg5[%swap3A_2747, %swap3A_2748], %min3A_2746 {strides = array<i32>} : memref<8x16384xf32, #tpu.memory_space<vmem>>, vector<8x512xf32>,
    %add3A_2750 = arith.constant 15872 : i32
    %add3A_2751 = vector.broadcast %add3A_2750 : i32 to vector<8x512xi32>
    %add3A_2752 = arith.addi %iota3A, %add3A_2751 : vector<8x512xi32>
    %gt3A_2753 = arith.cmpf ogt, %min3A_2746, %select_n3A_2712 : vector<8x512xf32>
    %select_n3A_2754 = arith.select %gt3A_2753, %min3A_2746, %select_n3A_2712 : vector<8x512xi1>, vector<8x512xf32>
    %select_n3A_2755 = arith.select %gt3A_2753, %add3A_2752, %select_n3A_2713 : vector<8x512xi1>, vector<8x512xi32>
    %select_n3A_2756 = arith.select %gt3A_2753, %get3A_2721, %select_n3A_2714 : vector<8x512xi1>, vector<8x512xf32>
    %select_n3A_2757 = arith.select %gt3A_2753, %get3A_2726, %select_n3A_2715 : vector<8x512xi1>, vector<8x512xf32>
    %select_n3A_2758 = arith.select %gt3A_2753, %get3A_2731, %select_n3A_2716 : vector<8x512xi1>, vector<8x512xf32>
    %reduce_max3A_2759 = arith.constant dense<0xFF800000> : vector<8xf32>
    %reduce_max3A_2760 = vector.multi_reduction <maximumf>, %select_n3A_2754, %reduce_max3A_2759 [1] : vector<8x512xf32> to vector<8xf32>
    %broadcast_in_dim3A_2761 = vector.shape_cast %reduce_max3A_2760 : vector<8xf32> to vector<8x1xf32>
    %eq3A_2762 = vector.broadcast %broadcast_in_dim3A_2761 : vector<8x1xf32> to vector<8x512xf32>
    %eq3A_2763 = arith.cmpf oeq, %select_n3A_2754, %eq3A_2762 : vector<8x512xf32>
    %jit3A_2764 = arith.constant 16384 : i32
    %broadcast_in_dim3A_2765 = vector.broadcast %jit3A_2764 : i32 to vector<8x512xi32>
    %select_n3A_2766 = arith.select %eq3A_2763, %select_n3A_2755, %broadcast_in_dim3A_2765 : vector<8x512xi1>, vector<8x512xi32>
    %reduce_min3A_2767 = arith.constant dense<2147483647> : vector<8xi32>
    %reduce_min3A_2768 = vector.multi_reduction <minsi>, %select_n3A_2766, %reduce_min3A_2767 [1] : vector<8x512xi32> to vector<8xi32>
    %broadcast_in_dim3A_2769 = vector.shape_cast %reduce_min3A_2768 : vector<8xi32> to vector<8x1xi32>
    %eq3A_2770 = vector.broadcast %broadcast_in_dim3A_2769 : vector<8x1xi32> to vector<8x512xi32>
    %eq3A_2771 = arith.cmpi eq, %select_n3A_2766, %eq3A_2770 : vector<8x512xi32>
    %jit3A_2772 = arith.constant 0.000000e+00 : f32
    %broadcast_in_dim3A_2773 = vector.broadcast %jit3A_2772 : f32 to vector<8x512xf32>
    %select_n3A_2774 = arith.select %eq3A_2771, %select_n3A_2756, %broadcast_in_dim3A_2773 : vector<8x512xi1>, vector<8x512xf32>
    %reduce_sum3A_2775 = arith.constant dense<0.000000e+00> : vector<8xf32>
    %reduce_sum3A_2776 = vector.multi_reduction <add>, %select_n3A_2774, %reduce_sum3A_2775 [1] : vector<8x512xf32> to vector<8xf32>
    %broadcast_in_dim3A_2777 = vector.shape_cast %reduce_sum3A_2776 : vector<8xf32> to vector<8x1xf32>
    %swap3A_2778 = arith.constant 0 : index
    %swap3A_2779 = arith.constant 0 : index
    %swap3A_2780 = arith.constant 0 : index
    %swap3A_2781 = vector.load %arg7[%swap3A_2778, %swap3A_2779, %swap3A_2780] : memref<3x8x1xf32, #tpu.memory_space<vmem>>, vector<1x8x1xf32>
    %swap3A_2782 = vector.shape_cast %swap3A_2781 : vector<1x8x1xf32> to vector<8x1xf32>
    %swap3A_2783 = vector.shape_cast %broadcast_in_dim3A_2777 : vector<8x1xf32> to vector<1x8x1xf32>
    tpu.vector_store %arg7[%swap3A_2778, %swap3A_2779, %swap3A_2780], %swap3A_2783 {strides = array<i32>} : memref<3x8x1xf32, #tpu.memory_space<vmem>>, vector<1x8x1xf32>,
    %jit3A_2784 = arith.constant 0.000000e+00 : f32
    %broadcast_in_dim3A_2785 = vector.broadcast %jit3A_2784 : f32 to vector<8x512xf32>
    %select_n3A_2786 = arith.select %eq3A_2771, %select_n3A_2757, %broadcast_in_dim3A_2785 : vector<8x512xi1>, vector<8x512xf32>
    %reduce_sum3A_2787 = arith.constant dense<0.000000e+00> : vector<8xf32>
    %reduce_sum3A_2788 = vector.multi_reduction <add>, %select_n3A_2786, %reduce_sum3A_2787 [1] : vector<8x512xf32> to vector<8xf32>
    %broadcast_in_dim3A_2789 = vector.shape_cast %reduce_sum3A_2788 : vector<8xf32> to vector<8x1xf32>
    %swap3A_2790 = arith.constant 1 : index
    %swap3A_2791 = arith.constant 0 : index
    %swap3A_2792 = arith.constant 0 : index
    %swap3A_2793 = vector.load %arg7[%swap3A_2790, %swap3A_2791, %swap3A_2792] : memref<3x8x1xf32, #tpu.memory_space<vmem>>, vector<1x8x1xf32>
    %swap3A_2794 = vector.shape_cast %swap3A_2793 : vector<1x8x1xf32> to vector<8x1xf32>
    %swap3A_2795 = vector.shape_cast %broadcast_in_dim3A_2789 : vector<8x1xf32> to vector<1x8x1xf32>
    tpu.vector_store %arg7[%swap3A_2790, %swap3A_2791, %swap3A_2792], %swap3A_2795 {strides = array<i32>} : memref<3x8x1xf32, #tpu.memory_space<vmem>>, vector<1x8x1xf32>,
    %jit3A_2796 = arith.constant 0.000000e+00 : f32
    %broadcast_in_dim3A_2797 = vector.broadcast %jit3A_2796 : f32 to vector<8x512xf32>
    %select_n3A_2798 = arith.select %eq3A_2771, %select_n3A_2758, %broadcast_in_dim3A_2797 : vector<8x512xi1>, vector<8x512xf32>
    %reduce_sum3A_2799 = arith.constant dense<0.000000e+00> : vector<8xf32>
    %reduce_sum3A_2800 = vector.multi_reduction <add>, %select_n3A_2798, %reduce_sum3A_2799 [1] : vector<8x512xf32> to vector<8xf32>
    %broadcast_in_dim3A_2801 = vector.shape_cast %reduce_sum3A_2800 : vector<8xf32> to vector<8x1xf32>
    %swap3A_2802 = arith.constant 2 : index
    %swap3A_2803 = arith.constant 0 : index
    %swap3A_2804 = arith.constant 0 : index
    %swap3A_2805 = vector.load %arg7[%swap3A_2802, %swap3A_2803, %swap3A_2804] : memref<3x8x1xf32, #tpu.memory_space<vmem>>, vector<1x8x1xf32>
    %swap3A_2806 = vector.shape_cast %swap3A_2805 : vector<1x8x1xf32> to vector<8x1xf32>
    %swap3A_2807 = vector.shape_cast %broadcast_in_dim3A_2801 : vector<8x1xf32> to vector<1x8x1xf32>
    tpu.vector_store %arg7[%swap3A_2802, %swap3A_2803, %swap3A_2804], %swap3A_2807 {strides = array<i32>} : memref<3x8x1xf32, #tpu.memory_space<vmem>>, vector<1x8x1xf32>,
    %swap3A_2808 = arith.constant 0 : index
    %swap3A_2809 = arith.constant 0 : index
    %swap3A_2810 = vector.load %arg6[%swap3A_2808, %swap3A_2809] : memref<8x1xi32, #tpu.memory_space<vmem>>, vector<8x1xi32>
    tpu.vector_store %arg6[%swap3A_2808, %swap3A_2809], %broadcast_in_dim3A_2769 {strides = array<i32>} : memref<8x1xi32, #tpu.memory_space<vmem>>, vector<8x1xi32>,
    %get3A_2811 = arith.constant 0 : index
    %get3A_2812 = arith.constant 0 : index
    %get3A_2813 = vector.load %arg6[%get3A_2811, %get3A_2812] : memref<8x1xi32, #tpu.memory_space<vmem>>, vector<8x1xi32>
    %swap3A_2814 = arith.constant 2 : index
    %swap3A_2815 = arith.constant 0 : index
    %swap3A_2816 = arith.constant 0 : index
    %swap3A_2817 = vector.load %arg4[%swap3A_2814, %swap3A_2815, %swap3A_2816] : memref<4x8x1xi32, #tpu.memory_space<vmem>>, vector<1x8x1xi32>
    %swap3A_2818 = vector.shape_cast %swap3A_2817 : vector<1x8x1xi32> to vector<8x1xi32>
    %swap3A_2819 = vector.shape_cast %get3A_2813 : vector<8x1xi32> to vector<1x8x1xi32>
    tpu.vector_store %arg4[%swap3A_2814, %swap3A_2815, %swap3A_2816], %swap3A_2819 {strides = array<i32>} : memref<4x8x1xi32, #tpu.memory_space<vmem>>, vector<1x8x1xi32>,
    %get3A_2820 = arith.constant 0 : index
    %get3A_2821 = arith.constant 0 : index
    %get3A_2822 = arith.constant 0 : index
    %get3A_2823 = vector.load %arg7[%get3A_2820, %get3A_2821, %get3A_2822] : memref<3x8x1xf32, #tpu.memory_space<vmem>>, vector<1x8x1xf32>
    %get3A_2824 = vector.shape_cast %get3A_2823 : vector<1x8x1xf32> to vector<8x1xf32>
    %get3A_2825 = arith.constant 1 : index
    %get3A_2826 = arith.constant 0 : index
    %get3A_2827 = arith.constant 0 : index
    %get3A_2828 = vector.load %arg7[%get3A_2825, %get3A_2826, %get3A_2827] : memref<3x8x1xf32, #tpu.memory_space<vmem>>, vector<1x8x1xf32>
    %get3A_2829 = vector.shape_cast %get3A_2828 : vector<1x8x1xf32> to vector<8x1xf32>
    %get3A_2830 = arith.constant 2 : index
    %get3A_2831 = arith.constant 0 : index
    %get3A_2832 = arith.constant 0 : index
    %get3A_2833 = vector.load %arg7[%get3A_2830, %get3A_2831, %get3A_2832] : memref<3x8x1xf32, #tpu.memory_space<vmem>>, vector<1x8x1xf32>
    %get3A_2834 = vector.shape_cast %get3A_2833 : vector<1x8x1xf32> to vector<8x1xf32>
    %get3A_2835 = arith.constant 0 : index
    %get3A_2836 = arith.constant 0 : index
    %get3A_2837 = arith.constant 0 : index
    %get3A_2838 = vector.load %arg1[%get3A_2835, %get3A_2836, %get3A_2837] : memref<3x8x16384xf32, #tpu.memory_space<vmem>>, vector<1x8x512xf32>
    %get3A_2839 = vector.shape_cast %get3A_2838 : vector<1x8x512xf32> to vector<8x512xf32>
    %get3A_2840 = arith.constant 1 : index
    %get3A_2841 = arith.constant 0 : index
    %get3A_2842 = arith.constant 0 : index
    %get3A_2843 = vector.load %arg1[%get3A_2840, %get3A_2841, %get3A_2842] : memref<3x8x16384xf32, #tpu.memory_space<vmem>>, vector<1x8x512xf32>
    %get3A_2844 = vector.shape_cast %get3A_2843 : vector<1x8x512xf32> to vector<8x512xf32>
    %get3A_2845 = arith.constant 2 : index
    %get3A_2846 = arith.constant 0 : index
    %get3A_2847 = arith.constant 0 : index
    %get3A_2848 = vector.load %arg1[%get3A_2845, %get3A_2846, %get3A_2847] : memref<3x8x16384xf32, #tpu.memory_space<vmem>>, vector<1x8x512xf32>
    %get3A_2849 = vector.shape_cast %get3A_2848 : vector<1x8x512xf32> to vector<8x512xf32>
    %sub3A_2850 = vector.broadcast %get3A_2824 : vector<8x1xf32> to vector<8x512xf32>
    %sub3A_2851 = arith.subf %get3A_2839, %sub3A_2850 : vector<8x512xf32>
    %sub3A_2852 = vector.broadcast %get3A_2829 : vector<8x1xf32> to vector<8x512xf32>
    %sub3A_2853 = arith.subf %get3A_2844, %sub3A_2852 : vector<8x512xf32>
    %sub3A_2854 = vector.broadcast %get3A_2834 : vector<8x1xf32> to vector<8x512xf32>
    %sub3A_2855 = arith.subf %get3A_2849, %sub3A_2854 : vector<8x512xf32>
    %mul3A_2856 = arith.mulf %sub3A_2851, %sub3A_2851 : vector<8x512xf32>
    %mul3A_2857 = arith.mulf %sub3A_2855, %sub3A_2855 : vector<8x512xf32>
    %add3A_2858 = arith.addf %mul3A_2856, %mul3A_2857 : vector<8x512xf32>
    %mul3A_2859 = arith.mulf %sub3A_2853, %sub3A_2853 : vector<8x512xf32>
    %add3A_2860 = arith.addf %add3A_2858, %mul3A_2859 : vector<8x512xf32>
    %get3A_2861 = arith.constant 0 : index
    %get3A_2862 = arith.constant 0 : index
    %get3A_2863 = vector.load %arg5[%get3A_2861, %get3A_2862] : memref<8x16384xf32, #tpu.memory_space<vmem>>, vector<8x512xf32>
    %min3A_2864 = arith.minimumf %get3A_2863, %add3A_2860 : vector<8x512xf32>
    %swap3A_2865 = arith.constant 0 : index
    %swap3A_2866 = arith.constant 0 : index
    %swap3A_2867 = vector.load %arg5[%swap3A_2865, %swap3A_2866] : memref<8x16384xf32, #tpu.memory_space<vmem>>, vector<8x512xf32>
    tpu.vector_store %arg5[%swap3A_2865, %swap3A_2866], %min3A_2864 {strides = array<i32>} : memref<8x16384xf32, #tpu.memory_space<vmem>>, vector<8x512xf32>,
    %get3A_2868 = arith.constant 0 : index
    %get3A_2869 = arith.constant 0 : index
    %get3A_2870 = arith.constant 512 : index
    %get3A_2871 = vector.load %arg1[%get3A_2868, %get3A_2869, %get3A_2870] : memref<3x8x16384xf32, #tpu.memory_space<vmem>>, vector<1x8x512xf32>
    %get3A_2872 = vector.shape_cast %get3A_2871 : vector<1x8x512xf32> to vector<8x512xf32>
    %get3A_2873 = arith.constant 1 : index
    %get3A_2874 = arith.constant 0 : index
    %get3A_2875 = arith.constant 512 : index
    %get3A_2876 = vector.load %arg1[%get3A_2873, %get3A_2874, %get3A_2875] : memref<3x8x16384xf32, #tpu.memory_space<vmem>>, vector<1x8x512xf32>
    %get3A_2877 = vector.shape_cast %get3A_2876 : vector<1x8x512xf32> to vector<8x512xf32>
    %get3A_2878 = arith.constant 2 : index
    %get3A_2879 = arith.constant 0 : index
    %get3A_2880 = arith.constant 512 : index
    %get3A_2881 = vector.load %arg1[%get3A_2878, %get3A_2879, %get3A_2880] : memref<3x8x16384xf32, #tpu.memory_space<vmem>>, vector<1x8x512xf32>
    %get3A_2882 = vector.shape_cast %get3A_2881 : vector<1x8x512xf32> to vector<8x512xf32>
    %sub3A_2883 = vector.broadcast %get3A_2824 : vector<8x1xf32> to vector<8x512xf32>
    %sub3A_2884 = arith.subf %get3A_2872, %sub3A_2883 : vector<8x512xf32>
    %sub3A_2885 = vector.broadcast %get3A_2829 : vector<8x1xf32> to vector<8x512xf32>
    %sub3A_2886 = arith.subf %get3A_2877, %sub3A_2885 : vector<8x512xf32>
    %sub3A_2887 = vector.broadcast %get3A_2834 : vector<8x1xf32> to vector<8x512xf32>
    %sub3A_2888 = arith.subf %get3A_2882, %sub3A_2887 : vector<8x512xf32>
    %mul3A_2889 = arith.mulf %sub3A_2884, %sub3A_2884 : vector<8x512xf32>
    %mul3A_2890 = arith.mulf %sub3A_2888, %sub3A_2888 : vector<8x512xf32>
    %add3A_2891 = arith.addf %mul3A_2889, %mul3A_2890 : vector<8x512xf32>
    %mul3A_2892 = arith.mulf %sub3A_2886, %sub3A_2886 : vector<8x512xf32>
    %add3A_2893 = arith.addf %add3A_2891, %mul3A_2892 : vector<8x512xf32>
    %get3A_2894 = arith.constant 0 : index
    %get3A_2895 = arith.constant 512 : index
    %get3A_2896 = vector.load %arg5[%get3A_2894, %get3A_2895] : memref<8x16384xf32, #tpu.memory_space<vmem>>, vector<8x512xf32>
    %min3A_2897 = arith.minimumf %get3A_2896, %add3A_2893 : vector<8x512xf32>
    %swap3A_2898 = arith.constant 0 : index
    %swap3A_2899 = arith.constant 512 : index
    %swap3A_2900 = vector.load %arg5[%swap3A_2898, %swap3A_2899] : memref<8x16384xf32, #tpu.memory_space<vmem>>, vector<8x512xf32>
    tpu.vector_store %arg5[%swap3A_2898, %swap3A_2899], %min3A_2897 {strides = array<i32>} : memref<8x16384xf32, #tpu.memory_space<vmem>>, vector<8x512xf32>,
    %add3A_2901 = arith.constant 512 : i32
    %add3A_2902 = vector.broadcast %add3A_2901 : i32 to vector<8x512xi32>
    %add3A_2903 = arith.addi %iota3A, %add3A_2902 : vector<8x512xi32>
    %gt3A_2904 = arith.cmpf ogt, %min3A_2897, %min3A_2864 : vector<8x512xf32>
    %select_n3A_2905 = arith.select %gt3A_2904, %min3A_2897, %min3A_2864 : vector<8x512xi1>, vector<8x512xf32>
    %select_n3A_2906 = arith.select %gt3A_2904, %add3A_2903, %iota3A : vector<8x512xi1>, vector<8x512xi32>
    %select_n3A_2907 = arith.select %gt3A_2904, %get3A_2872, %get3A_2839 : vector<8x512xi1>, vector<8x512xf32>
    %select_n3A_2908 = arith.select %gt3A_2904, %get3A_2877, %get3A_2844 : vector<8x512xi1>, vector<8x512xf32>
    %select_n3A_2909 = arith.select %gt3A_2904, %get3A_2882, %get3A_2849 : vector<8x512xi1>, vector<8x512xf32>
    %get3A_2910 = arith.constant 0 : index
    %get3A_2911 = arith.constant 0 : index
    %get3A_2912 = arith.constant 1024 : index
    %get3A_2913 = vector.load %arg1[%get3A_2910, %get3A_2911, %get3A_2912] : memref<3x8x16384xf32, #tpu.memory_space<vmem>>, vector<1x8x512xf32>
    %get3A_2914 = vector.shape_cast %get3A_2913 : vector<1x8x512xf32> to vector<8x512xf32>
    %get3A_2915 = arith.constant 1 : index
    %get3A_2916 = arith.constant 0 : index
    %get3A_2917 = arith.constant 1024 : index
    %get3A_2918 = vector.load %arg1[%get3A_2915, %get3A_2916, %get3A_2917] : memref<3x8x16384xf32, #tpu.memory_space<vmem>>, vector<1x8x512xf32>
    %get3A_2919 = vector.shape_cast %get3A_2918 : vector<1x8x512xf32> to vector<8x512xf32>
    %get3A_2920 = arith.constant 2 : index
    %get3A_2921 = arith.constant 0 : index
    %get3A_2922 = arith.constant 1024 : index
    %get3A_2923 = vector.load %arg1[%get3A_2920, %get3A_2921, %get3A_2922] : memref<3x8x16384xf32, #tpu.memory_space<vmem>>, vector<1x8x512xf32>
    %get3A_2924 = vector.shape_cast %get3A_2923 : vector<1x8x512xf32> to vector<8x512xf32>
    %sub3A_2925 = vector.broadcast %get3A_2824 : vector<8x1xf32> to vector<8x512xf32>
    %sub3A_2926 = arith.subf %get3A_2914, %sub3A_2925 : vector<8x512xf32>
    %sub3A_2927 = vector.broadcast %get3A_2829 : vector<8x1xf32> to vector<8x512xf32>
    %sub3A_2928 = arith.subf %get3A_2919, %sub3A_2927 : vector<8x512xf32>
    %sub3A_2929 = vector.broadcast %get3A_2834 : vector<8x1xf32> to vector<8x512xf32>
    %sub3A_2930 = arith.subf %get3A_2924, %sub3A_2929 : vector<8x512xf32>
    %mul3A_2931 = arith.mulf %sub3A_2926, %sub3A_2926 : vector<8x512xf32>
    %mul3A_2932 = arith.mulf %sub3A_2930, %sub3A_2930 : vector<8x512xf32>
    %add3A_2933 = arith.addf %mul3A_2931, %mul3A_2932 : vector<8x512xf32>
    %mul3A_2934 = arith.mulf %sub3A_2928, %sub3A_2928 : vector<8x512xf32>
    %add3A_2935 = arith.addf %add3A_2933, %mul3A_2934 : vector<8x512xf32>
    %get3A_2936 = arith.constant 0 : index
    %get3A_2937 = arith.constant 1024 : index
    %get3A_2938 = vector.load %arg5[%get3A_2936, %get3A_2937] : memref<8x16384xf32, #tpu.memory_space<vmem>>, vector<8x512xf32>
    %min3A_2939 = arith.minimumf %get3A_2938, %add3A_2935 : vector<8x512xf32>
    %swap3A_2940 = arith.constant 0 : index
    %swap3A_2941 = arith.constant 1024 : index
    %swap3A_2942 = vector.load %arg5[%swap3A_2940, %swap3A_2941] : memref<8x16384xf32, #tpu.memory_space<vmem>>, vector<8x512xf32>
    tpu.vector_store %arg5[%swap3A_2940, %swap3A_2941], %min3A_2939 {strides = array<i32>} : memref<8x16384xf32, #tpu.memory_space<vmem>>, vector<8x512xf32>,
    %add3A_2943 = arith.constant 1024 : i32
    %add3A_2944 = vector.broadcast %add3A_2943 : i32 to vector<8x512xi32>
    %add3A_2945 = arith.addi %iota3A, %add3A_2944 : vector<8x512xi32>
    %gt3A_2946 = arith.cmpf ogt, %min3A_2939, %select_n3A_2905 : vector<8x512xf32>
    %select_n3A_2947 = arith.select %gt3A_2946, %min3A_2939, %select_n3A_2905 : vector<8x512xi1>, vector<8x512xf32>
    %select_n3A_2948 = arith.select %gt3A_2946, %add3A_2945, %select_n3A_2906 : vector<8x512xi1>, vector<8x512xi32>
    %select_n3A_2949 = arith.select %gt3A_2946, %get3A_2914, %select_n3A_2907 : vector<8x512xi1>, vector<8x512xf32>
    %select_n3A_2950 = arith.select %gt3A_2946, %get3A_2919, %select_n3A_2908 : vector<8x512xi1>, vector<8x512xf32>
    %select_n3A_2951 = arith.select %gt3A_2946, %get3A_2924, %select_n3A_2909 : vector<8x512xi1>, vector<8x512xf32>
    %get3A_2952 = arith.constant 0 : index
    %get3A_2953 = arith.constant 0 : index
    %get3A_2954 = arith.constant 1536 : index
    %get3A_2955 = vector.load %arg1[%get3A_2952, %get3A_2953, %get3A_2954] : memref<3x8x16384xf32, #tpu.memory_space<vmem>>, vector<1x8x512xf32>
    %get3A_2956 = vector.shape_cast %get3A_2955 : vector<1x8x512xf32> to vector<8x512xf32>
    %get3A_2957 = arith.constant 1 : index
    %get3A_2958 = arith.constant 0 : index
    %get3A_2959 = arith.constant 1536 : index
    %get3A_2960 = vector.load %arg1[%get3A_2957, %get3A_2958, %get3A_2959] : memref<3x8x16384xf32, #tpu.memory_space<vmem>>, vector<1x8x512xf32>
    %get3A_2961 = vector.shape_cast %get3A_2960 : vector<1x8x512xf32> to vector<8x512xf32>
    %get3A_2962 = arith.constant 2 : index
    %get3A_2963 = arith.constant 0 : index
    %get3A_2964 = arith.constant 1536 : index
    %get3A_2965 = vector.load %arg1[%get3A_2962, %get3A_2963, %get3A_2964] : memref<3x8x16384xf32, #tpu.memory_space<vmem>>, vector<1x8x512xf32>
    %get3A_2966 = vector.shape_cast %get3A_2965 : vector<1x8x512xf32> to vector<8x512xf32>
    %sub3A_2967 = vector.broadcast %get3A_2824 : vector<8x1xf32> to vector<8x512xf32>
    %sub3A_2968 = arith.subf %get3A_2956, %sub3A_2967 : vector<8x512xf32>
    %sub3A_2969 = vector.broadcast %get3A_2829 : vector<8x1xf32> to vector<8x512xf32>
    %sub3A_2970 = arith.subf %get3A_2961, %sub3A_2969 : vector<8x512xf32>
    %sub3A_2971 = vector.broadcast %get3A_2834 : vector<8x1xf32> to vector<8x512xf32>
    %sub3A_2972 = arith.subf %get3A_2966, %sub3A_2971 : vector<8x512xf32>
    %mul3A_2973 = arith.mulf %sub3A_2968, %sub3A_2968 : vector<8x512xf32>
    %mul3A_2974 = arith.mulf %sub3A_2972, %sub3A_2972 : vector<8x512xf32>
    %add3A_2975 = arith.addf %mul3A_2973, %mul3A_2974 : vector<8x512xf32>
    %mul3A_2976 = arith.mulf %sub3A_2970, %sub3A_2970 : vector<8x512xf32>
    %add3A_2977 = arith.addf %add3A_2975, %mul3A_2976 : vector<8x512xf32>
    %get3A_2978 = arith.constant 0 : index
    %get3A_2979 = arith.constant 1536 : index
    %get3A_2980 = vector.load %arg5[%get3A_2978, %get3A_2979] : memref<8x16384xf32, #tpu.memory_space<vmem>>, vector<8x512xf32>
    %min3A_2981 = arith.minimumf %get3A_2980, %add3A_2977 : vector<8x512xf32>
    %swap3A_2982 = arith.constant 0 : index
    %swap3A_2983 = arith.constant 1536 : index
    %swap3A_2984 = vector.load %arg5[%swap3A_2982, %swap3A_2983] : memref<8x16384xf32, #tpu.memory_space<vmem>>, vector<8x512xf32>
    tpu.vector_store %arg5[%swap3A_2982, %swap3A_2983], %min3A_2981 {strides = array<i32>} : memref<8x16384xf32, #tpu.memory_space<vmem>>, vector<8x512xf32>,
    %add3A_2985 = arith.constant 1536 : i32
    %add3A_2986 = vector.broadcast %add3A_2985 : i32 to vector<8x512xi32>
    %add3A_2987 = arith.addi %iota3A, %add3A_2986 : vector<8x512xi32>
    %gt3A_2988 = arith.cmpf ogt, %min3A_2981, %select_n3A_2947 : vector<8x512xf32>
    %select_n3A_2989 = arith.select %gt3A_2988, %min3A_2981, %select_n3A_2947 : vector<8x512xi1>, vector<8x512xf32>
    %select_n3A_2990 = arith.select %gt3A_2988, %add3A_2987, %select_n3A_2948 : vector<8x512xi1>, vector<8x512xi32>
    %select_n3A_2991 = arith.select %gt3A_2988, %get3A_2956, %select_n3A_2949 : vector<8x512xi1>, vector<8x512xf32>
    %select_n3A_2992 = arith.select %gt3A_2988, %get3A_2961, %select_n3A_2950 : vector<8x512xi1>, vector<8x512xf32>
    %select_n3A_2993 = arith.select %gt3A_2988, %get3A_2966, %select_n3A_2951 : vector<8x512xi1>, vector<8x512xf32>
    %get3A_2994 = arith.constant 0 : index
    %get3A_2995 = arith.constant 0 : index
    %get3A_2996 = arith.constant 2048 : index
    %get3A_2997 = vector.load %arg1[%get3A_2994, %get3A_2995, %get3A_2996] : memref<3x8x16384xf32, #tpu.memory_space<vmem>>, vector<1x8x512xf32>
    %get3A_2998 = vector.shape_cast %get3A_2997 : vector<1x8x512xf32> to vector<8x512xf32>
    %get3A_2999 = arith.constant 1 : index
    %get3A_3000 = arith.constant 0 : index
    %get3A_3001 = arith.constant 2048 : index
    %get3A_3002 = vector.load %arg1[%get3A_2999, %get3A_3000, %get3A_3001] : memref<3x8x16384xf32, #tpu.memory_space<vmem>>, vector<1x8x512xf32>
    %get3A_3003 = vector.shape_cast %get3A_3002 : vector<1x8x512xf32> to vector<8x512xf32>
    %get3A_3004 = arith.constant 2 : index
    %get3A_3005 = arith.constant 0 : index
    %get3A_3006 = arith.constant 2048 : index
    %get3A_3007 = vector.load %arg1[%get3A_3004, %get3A_3005, %get3A_3006] : memref<3x8x16384xf32, #tpu.memory_space<vmem>>, vector<1x8x512xf32>
    %get3A_3008 = vector.shape_cast %get3A_3007 : vector<1x8x512xf32> to vector<8x512xf32>
    %sub3A_3009 = vector.broadcast %get3A_2824 : vector<8x1xf32> to vector<8x512xf32>
    %sub3A_3010 = arith.subf %get3A_2998, %sub3A_3009 : vector<8x512xf32>
    %sub3A_3011 = vector.broadcast %get3A_2829 : vector<8x1xf32> to vector<8x512xf32>
    %sub3A_3012 = arith.subf %get3A_3003, %sub3A_3011 : vector<8x512xf32>
    %sub3A_3013 = vector.broadcast %get3A_2834 : vector<8x1xf32> to vector<8x512xf32>
    %sub3A_3014 = arith.subf %get3A_3008, %sub3A_3013 : vector<8x512xf32>
    %mul3A_3015 = arith.mulf %sub3A_3010, %sub3A_3010 : vector<8x512xf32>
    %mul3A_3016 = arith.mulf %sub3A_3014, %sub3A_3014 : vector<8x512xf32>
    %add3A_3017 = arith.addf %mul3A_3015, %mul3A_3016 : vector<8x512xf32>
    %mul3A_3018 = arith.mulf %sub3A_3012, %sub3A_3012 : vector<8x512xf32>
    %add3A_3019 = arith.addf %add3A_3017, %mul3A_3018 : vector<8x512xf32>
    %get3A_3020 = arith.constant 0 : index
    %get3A_3021 = arith.constant 2048 : index
    %get3A_3022 = vector.load %arg5[%get3A_3020, %get3A_3021] : memref<8x16384xf32, #tpu.memory_space<vmem>>, vector<8x512xf32>
    %min3A_3023 = arith.minimumf %get3A_3022, %add3A_3019 : vector<8x512xf32>
    %swap3A_3024 = arith.constant 0 : index
    %swap3A_3025 = arith.constant 2048 : index
    %swap3A_3026 = vector.load %arg5[%swap3A_3024, %swap3A_3025] : memref<8x16384xf32, #tpu.memory_space<vmem>>, vector<8x512xf32>
    tpu.vector_store %arg5[%swap3A_3024, %swap3A_3025], %min3A_3023 {strides = array<i32>} : memref<8x16384xf32, #tpu.memory_space<vmem>>, vector<8x512xf32>,
    %add3A_3027 = arith.constant 2048 : i32
    %add3A_3028 = vector.broadcast %add3A_3027 : i32 to vector<8x512xi32>
    %add3A_3029 = arith.addi %iota3A, %add3A_3028 : vector<8x512xi32>
    %gt3A_3030 = arith.cmpf ogt, %min3A_3023, %select_n3A_2989 : vector<8x512xf32>
    %select_n3A_3031 = arith.select %gt3A_3030, %min3A_3023, %select_n3A_2989 : vector<8x512xi1>, vector<8x512xf32>
    %select_n3A_3032 = arith.select %gt3A_3030, %add3A_3029, %select_n3A_2990 : vector<8x512xi1>, vector<8x512xi32>
    %select_n3A_3033 = arith.select %gt3A_3030, %get3A_2998, %select_n3A_2991 : vector<8x512xi1>, vector<8x512xf32>
    %select_n3A_3034 = arith.select %gt3A_3030, %get3A_3003, %select_n3A_2992 : vector<8x512xi1>, vector<8x512xf32>
    %select_n3A_3035 = arith.select %gt3A_3030, %get3A_3008, %select_n3A_2993 : vector<8x512xi1>, vector<8x512xf32>
    %get3A_3036 = arith.constant 0 : index
    %get3A_3037 = arith.constant 0 : index
    %get3A_3038 = arith.constant 2560 : index
    %get3A_3039 = vector.load %arg1[%get3A_3036, %get3A_3037, %get3A_3038] : memref<3x8x16384xf32, #tpu.memory_space<vmem>>, vector<1x8x512xf32>
    %get3A_3040 = vector.shape_cast %get3A_3039 : vector<1x8x512xf32> to vector<8x512xf32>
    %get3A_3041 = arith.constant 1 : index
    %get3A_3042 = arith.constant 0 : index
    %get3A_3043 = arith.constant 2560 : index
    %get3A_3044 = vector.load %arg1[%get3A_3041, %get3A_3042, %get3A_3043] : memref<3x8x16384xf32, #tpu.memory_space<vmem>>, vector<1x8x512xf32>
    %get3A_3045 = vector.shape_cast %get3A_3044 : vector<1x8x512xf32> to vector<8x512xf32>
    %get3A_3046 = arith.constant 2 : index
    %get3A_3047 = arith.constant 0 : index
    %get3A_3048 = arith.constant 2560 : index
    %get3A_3049 = vector.load %arg1[%get3A_3046, %get3A_3047, %get3A_3048] : memref<3x8x16384xf32, #tpu.memory_space<vmem>>, vector<1x8x512xf32>
    %get3A_3050 = vector.shape_cast %get3A_3049 : vector<1x8x512xf32> to vector<8x512xf32>
    %sub3A_3051 = vector.broadcast %get3A_2824 : vector<8x1xf32> to vector<8x512xf32>
    %sub3A_3052 = arith.subf %get3A_3040, %sub3A_3051 : vector<8x512xf32>
    %sub3A_3053 = vector.broadcast %get3A_2829 : vector<8x1xf32> to vector<8x512xf32>
    %sub3A_3054 = arith.subf %get3A_3045, %sub3A_3053 : vector<8x512xf32>
    %sub3A_3055 = vector.broadcast %get3A_2834 : vector<8x1xf32> to vector<8x512xf32>
    %sub3A_3056 = arith.subf %get3A_3050, %sub3A_3055 : vector<8x512xf32>
    %mul3A_3057 = arith.mulf %sub3A_3052, %sub3A_3052 : vector<8x512xf32>
    %mul3A_3058 = arith.mulf %sub3A_3056, %sub3A_3056 : vector<8x512xf32>
    %add3A_3059 = arith.addf %mul3A_3057, %mul3A_3058 : vector<8x512xf32>
    %mul3A_3060 = arith.mulf %sub3A_3054, %sub3A_3054 : vector<8x512xf32>
    %add3A_3061 = arith.addf %add3A_3059, %mul3A_3060 : vector<8x512xf32>
    %get3A_3062 = arith.constant 0 : index
    %get3A_3063 = arith.constant 2560 : index
    %get3A_3064 = vector.load %arg5[%get3A_3062, %get3A_3063] : memref<8x16384xf32, #tpu.memory_space<vmem>>, vector<8x512xf32>
    %min3A_3065 = arith.minimumf %get3A_3064, %add3A_3061 : vector<8x512xf32>
    %swap3A_3066 = arith.constant 0 : index
    %swap3A_3067 = arith.constant 2560 : index
    %swap3A_3068 = vector.load %arg5[%swap3A_3066, %swap3A_3067] : memref<8x16384xf32, #tpu.memory_space<vmem>>, vector<8x512xf32>
    tpu.vector_store %arg5[%swap3A_3066, %swap3A_3067], %min3A_3065 {strides = array<i32>} : memref<8x16384xf32, #tpu.memory_space<vmem>>, vector<8x512xf32>,
    %add3A_3069 = arith.constant 2560 : i32
    %add3A_3070 = vector.broadcast %add3A_3069 : i32 to vector<8x512xi32>
    %add3A_3071 = arith.addi %iota3A, %add3A_3070 : vector<8x512xi32>
    %gt3A_3072 = arith.cmpf ogt, %min3A_3065, %select_n3A_3031 : vector<8x512xf32>
    %select_n3A_3073 = arith.select %gt3A_3072, %min3A_3065, %select_n3A_3031 : vector<8x512xi1>, vector<8x512xf32>
    %select_n3A_3074 = arith.select %gt3A_3072, %add3A_3071, %select_n3A_3032 : vector<8x512xi1>, vector<8x512xi32>
    %select_n3A_3075 = arith.select %gt3A_3072, %get3A_3040, %select_n3A_3033 : vector<8x512xi1>, vector<8x512xf32>
    %select_n3A_3076 = arith.select %gt3A_3072, %get3A_3045, %select_n3A_3034 : vector<8x512xi1>, vector<8x512xf32>
    %select_n3A_3077 = arith.select %gt3A_3072, %get3A_3050, %select_n3A_3035 : vector<8x512xi1>, vector<8x512xf32>
    %get3A_3078 = arith.constant 0 : index
    %get3A_3079 = arith.constant 0 : index
    %get3A_3080 = arith.constant 3072 : index
    %get3A_3081 = vector.load %arg1[%get3A_3078, %get3A_3079, %get3A_3080] : memref<3x8x16384xf32, #tpu.memory_space<vmem>>, vector<1x8x512xf32>
    %get3A_3082 = vector.shape_cast %get3A_3081 : vector<1x8x512xf32> to vector<8x512xf32>
    %get3A_3083 = arith.constant 1 : index
    %get3A_3084 = arith.constant 0 : index
    %get3A_3085 = arith.constant 3072 : index
    %get3A_3086 = vector.load %arg1[%get3A_3083, %get3A_3084, %get3A_3085] : memref<3x8x16384xf32, #tpu.memory_space<vmem>>, vector<1x8x512xf32>
    %get3A_3087 = vector.shape_cast %get3A_3086 : vector<1x8x512xf32> to vector<8x512xf32>
    %get3A_3088 = arith.constant 2 : index
    %get3A_3089 = arith.constant 0 : index
    %get3A_3090 = arith.constant 3072 : index
    %get3A_3091 = vector.load %arg1[%get3A_3088, %get3A_3089, %get3A_3090] : memref<3x8x16384xf32, #tpu.memory_space<vmem>>, vector<1x8x512xf32>
    %get3A_3092 = vector.shape_cast %get3A_3091 : vector<1x8x512xf32> to vector<8x512xf32>
    %sub3A_3093 = vector.broadcast %get3A_2824 : vector<8x1xf32> to vector<8x512xf32>
    %sub3A_3094 = arith.subf %get3A_3082, %sub3A_3093 : vector<8x512xf32>
    %sub3A_3095 = vector.broadcast %get3A_2829 : vector<8x1xf32> to vector<8x512xf32>
    %sub3A_3096 = arith.subf %get3A_3087, %sub3A_3095 : vector<8x512xf32>
    %sub3A_3097 = vector.broadcast %get3A_2834 : vector<8x1xf32> to vector<8x512xf32>
    %sub3A_3098 = arith.subf %get3A_3092, %sub3A_3097 : vector<8x512xf32>
    %mul3A_3099 = arith.mulf %sub3A_3094, %sub3A_3094 : vector<8x512xf32>
    %mul3A_3100 = arith.mulf %sub3A_3098, %sub3A_3098 : vector<8x512xf32>
    %add3A_3101 = arith.addf %mul3A_3099, %mul3A_3100 : vector<8x512xf32>
    %mul3A_3102 = arith.mulf %sub3A_3096, %sub3A_3096 : vector<8x512xf32>
    %add3A_3103 = arith.addf %add3A_3101, %mul3A_3102 : vector<8x512xf32>
    %get3A_3104 = arith.constant 0 : index
    %get3A_3105 = arith.constant 3072 : index
    %get3A_3106 = vector.load %arg5[%get3A_3104, %get3A_3105] : memref<8x16384xf32, #tpu.memory_space<vmem>>, vector<8x512xf32>
    %min3A_3107 = arith.minimumf %get3A_3106, %add3A_3103 : vector<8x512xf32>
    %swap3A_3108 = arith.constant 0 : index
    %swap3A_3109 = arith.constant 3072 : index
    %swap3A_3110 = vector.load %arg5[%swap3A_3108, %swap3A_3109] : memref<8x16384xf32, #tpu.memory_space<vmem>>, vector<8x512xf32>
    tpu.vector_store %arg5[%swap3A_3108, %swap3A_3109], %min3A_3107 {strides = array<i32>} : memref<8x16384xf32, #tpu.memory_space<vmem>>, vector<8x512xf32>,
    %add3A_3111 = arith.constant 3072 : i32
    %add3A_3112 = vector.broadcast %add3A_3111 : i32 to vector<8x512xi32>
    %add3A_3113 = arith.addi %iota3A, %add3A_3112 : vector<8x512xi32>
    %gt3A_3114 = arith.cmpf ogt, %min3A_3107, %select_n3A_3073 : vector<8x512xf32>
    %select_n3A_3115 = arith.select %gt3A_3114, %min3A_3107, %select_n3A_3073 : vector<8x512xi1>, vector<8x512xf32>
    %select_n3A_3116 = arith.select %gt3A_3114, %add3A_3113, %select_n3A_3074 : vector<8x512xi1>, vector<8x512xi32>
    %select_n3A_3117 = arith.select %gt3A_3114, %get3A_3082, %select_n3A_3075 : vector<8x512xi1>, vector<8x512xf32>
    %select_n3A_3118 = arith.select %gt3A_3114, %get3A_3087, %select_n3A_3076 : vector<8x512xi1>, vector<8x512xf32>
    %select_n3A_3119 = arith.select %gt3A_3114, %get3A_3092, %select_n3A_3077 : vector<8x512xi1>, vector<8x512xf32>
    %get3A_3120 = arith.constant 0 : index
    %get3A_3121 = arith.constant 0 : index
    %get3A_3122 = arith.constant 3584 : index
    %get3A_3123 = vector.load %arg1[%get3A_3120, %get3A_3121, %get3A_3122] : memref<3x8x16384xf32, #tpu.memory_space<vmem>>, vector<1x8x512xf32>
    %get3A_3124 = vector.shape_cast %get3A_3123 : vector<1x8x512xf32> to vector<8x512xf32>
    %get3A_3125 = arith.constant 1 : index
    %get3A_3126 = arith.constant 0 : index
    %get3A_3127 = arith.constant 3584 : index
    %get3A_3128 = vector.load %arg1[%get3A_3125, %get3A_3126, %get3A_3127] : memref<3x8x16384xf32, #tpu.memory_space<vmem>>, vector<1x8x512xf32>
    %get3A_3129 = vector.shape_cast %get3A_3128 : vector<1x8x512xf32> to vector<8x512xf32>
    %get3A_3130 = arith.constant 2 : index
    %get3A_3131 = arith.constant 0 : index
    %get3A_3132 = arith.constant 3584 : index
    %get3A_3133 = vector.load %arg1[%get3A_3130, %get3A_3131, %get3A_3132] : memref<3x8x16384xf32, #tpu.memory_space<vmem>>, vector<1x8x512xf32>
    %get3A_3134 = vector.shape_cast %get3A_3133 : vector<1x8x512xf32> to vector<8x512xf32>
    %sub3A_3135 = vector.broadcast %get3A_2824 : vector<8x1xf32> to vector<8x512xf32>
    %sub3A_3136 = arith.subf %get3A_3124, %sub3A_3135 : vector<8x512xf32>
    %sub3A_3137 = vector.broadcast %get3A_2829 : vector<8x1xf32> to vector<8x512xf32>
    %sub3A_3138 = arith.subf %get3A_3129, %sub3A_3137 : vector<8x512xf32>
    %sub3A_3139 = vector.broadcast %get3A_2834 : vector<8x1xf32> to vector<8x512xf32>
    %sub3A_3140 = arith.subf %get3A_3134, %sub3A_3139 : vector<8x512xf32>
    %mul3A_3141 = arith.mulf %sub3A_3136, %sub3A_3136 : vector<8x512xf32>
    %mul3A_3142 = arith.mulf %sub3A_3140, %sub3A_3140 : vector<8x512xf32>
    %add3A_3143 = arith.addf %mul3A_3141, %mul3A_3142 : vector<8x512xf32>
    %mul3A_3144 = arith.mulf %sub3A_3138, %sub3A_3138 : vector<8x512xf32>
    %add3A_3145 = arith.addf %add3A_3143, %mul3A_3144 : vector<8x512xf32>
    %get3A_3146 = arith.constant 0 : index
    %get3A_3147 = arith.constant 3584 : index
    %get3A_3148 = vector.load %arg5[%get3A_3146, %get3A_3147] : memref<8x16384xf32, #tpu.memory_space<vmem>>, vector<8x512xf32>
    %min3A_3149 = arith.minimumf %get3A_3148, %add3A_3145 : vector<8x512xf32>
    %swap3A_3150 = arith.constant 0 : index
    %swap3A_3151 = arith.constant 3584 : index
    %swap3A_3152 = vector.load %arg5[%swap3A_3150, %swap3A_3151] : memref<8x16384xf32, #tpu.memory_space<vmem>>, vector<8x512xf32>
    tpu.vector_store %arg5[%swap3A_3150, %swap3A_3151], %min3A_3149 {strides = array<i32>} : memref<8x16384xf32, #tpu.memory_space<vmem>>, vector<8x512xf32>,
    %add3A_3153 = arith.constant 3584 : i32
    %add3A_3154 = vector.broadcast %add3A_3153 : i32 to vector<8x512xi32>
    %add3A_3155 = arith.addi %iota3A, %add3A_3154 : vector<8x512xi32>
    %gt3A_3156 = arith.cmpf ogt, %min3A_3149, %select_n3A_3115 : vector<8x512xf32>
    %select_n3A_3157 = arith.select %gt3A_3156, %min3A_3149, %select_n3A_3115 : vector<8x512xi1>, vector<8x512xf32>
    %select_n3A_3158 = arith.select %gt3A_3156, %add3A_3155, %select_n3A_3116 : vector<8x512xi1>, vector<8x512xi32>
    %select_n3A_3159 = arith.select %gt3A_3156, %get3A_3124, %select_n3A_3117 : vector<8x512xi1>, vector<8x512xf32>
    %select_n3A_3160 = arith.select %gt3A_3156, %get3A_3129, %select_n3A_3118 : vector<8x512xi1>, vector<8x512xf32>
    %select_n3A_3161 = arith.select %gt3A_3156, %get3A_3134, %select_n3A_3119 : vector<8x512xi1>, vector<8x512xf32>
    %get3A_3162 = arith.constant 0 : index
    %get3A_3163 = arith.constant 0 : index
    %get3A_3164 = arith.constant 4096 : index
    %get3A_3165 = vector.load %arg1[%get3A_3162, %get3A_3163, %get3A_3164] : memref<3x8x16384xf32, #tpu.memory_space<vmem>>, vector<1x8x512xf32>
    %get3A_3166 = vector.shape_cast %get3A_3165 : vector<1x8x512xf32> to vector<8x512xf32>
    %get3A_3167 = arith.constant 1 : index
    %get3A_3168 = arith.constant 0 : index
    %get3A_3169 = arith.constant 4096 : index
    %get3A_3170 = vector.load %arg1[%get3A_3167, %get3A_3168, %get3A_3169] : memref<3x8x16384xf32, #tpu.memory_space<vmem>>, vector<1x8x512xf32>
    %get3A_3171 = vector.shape_cast %get3A_3170 : vector<1x8x512xf32> to vector<8x512xf32>
    %get3A_3172 = arith.constant 2 : index
    %get3A_3173 = arith.constant 0 : index
    %get3A_3174 = arith.constant 4096 : index
    %get3A_3175 = vector.load %arg1[%get3A_3172, %get3A_3173, %get3A_3174] : memref<3x8x16384xf32, #tpu.memory_space<vmem>>, vector<1x8x512xf32>
    %get3A_3176 = vector.shape_cast %get3A_3175 : vector<1x8x512xf32> to vector<8x512xf32>
    %sub3A_3177 = vector.broadcast %get3A_2824 : vector<8x1xf32> to vector<8x512xf32>
    %sub3A_3178 = arith.subf %get3A_3166, %sub3A_3177 : vector<8x512xf32>
    %sub3A_3179 = vector.broadcast %get3A_2829 : vector<8x1xf32> to vector<8x512xf32>
    %sub3A_3180 = arith.subf %get3A_3171, %sub3A_3179 : vector<8x512xf32>
    %sub3A_3181 = vector.broadcast %get3A_2834 : vector<8x1xf32> to vector<8x512xf32>
    %sub3A_3182 = arith.subf %get3A_3176, %sub3A_3181 : vector<8x512xf32>
    %mul3A_3183 = arith.mulf %sub3A_3178, %sub3A_3178 : vector<8x512xf32>
    %mul3A_3184 = arith.mulf %sub3A_3182, %sub3A_3182 : vector<8x512xf32>
    %add3A_3185 = arith.addf %mul3A_3183, %mul3A_3184 : vector<8x512xf32>
    %mul3A_3186 = arith.mulf %sub3A_3180, %sub3A_3180 : vector<8x512xf32>
    %add3A_3187 = arith.addf %add3A_3185, %mul3A_3186 : vector<8x512xf32>
    %get3A_3188 = arith.constant 0 : index
    %get3A_3189 = arith.constant 4096 : index
    %get3A_3190 = vector.load %arg5[%get3A_3188, %get3A_3189] : memref<8x16384xf32, #tpu.memory_space<vmem>>, vector<8x512xf32>
    %min3A_3191 = arith.minimumf %get3A_3190, %add3A_3187 : vector<8x512xf32>
    %swap3A_3192 = arith.constant 0 : index
    %swap3A_3193 = arith.constant 4096 : index
    %swap3A_3194 = vector.load %arg5[%swap3A_3192, %swap3A_3193] : memref<8x16384xf32, #tpu.memory_space<vmem>>, vector<8x512xf32>
    tpu.vector_store %arg5[%swap3A_3192, %swap3A_3193], %min3A_3191 {strides = array<i32>} : memref<8x16384xf32, #tpu.memory_space<vmem>>, vector<8x512xf32>,
    %add3A_3195 = arith.constant 4096 : i32
    %add3A_3196 = vector.broadcast %add3A_3195 : i32 to vector<8x512xi32>
    %add3A_3197 = arith.addi %iota3A, %add3A_3196 : vector<8x512xi32>
    %gt3A_3198 = arith.cmpf ogt, %min3A_3191, %select_n3A_3157 : vector<8x512xf32>
    %select_n3A_3199 = arith.select %gt3A_3198, %min3A_3191, %select_n3A_3157 : vector<8x512xi1>, vector<8x512xf32>
    %select_n3A_3200 = arith.select %gt3A_3198, %add3A_3197, %select_n3A_3158 : vector<8x512xi1>, vector<8x512xi32>
    %select_n3A_3201 = arith.select %gt3A_3198, %get3A_3166, %select_n3A_3159 : vector<8x512xi1>, vector<8x512xf32>
    %select_n3A_3202 = arith.select %gt3A_3198, %get3A_3171, %select_n3A_3160 : vector<8x512xi1>, vector<8x512xf32>
    %select_n3A_3203 = arith.select %gt3A_3198, %get3A_3176, %select_n3A_3161 : vector<8x512xi1>, vector<8x512xf32>
    %get3A_3204 = arith.constant 0 : index
    %get3A_3205 = arith.constant 0 : index
    %get3A_3206 = arith.constant 4608 : index
    %get3A_3207 = vector.load %arg1[%get3A_3204, %get3A_3205, %get3A_3206] : memref<3x8x16384xf32, #tpu.memory_space<vmem>>, vector<1x8x512xf32>
    %get3A_3208 = vector.shape_cast %get3A_3207 : vector<1x8x512xf32> to vector<8x512xf32>
    %get3A_3209 = arith.constant 1 : index
    %get3A_3210 = arith.constant 0 : index
    %get3A_3211 = arith.constant 4608 : index
    %get3A_3212 = vector.load %arg1[%get3A_3209, %get3A_3210, %get3A_3211] : memref<3x8x16384xf32, #tpu.memory_space<vmem>>, vector<1x8x512xf32>
    %get3A_3213 = vector.shape_cast %get3A_3212 : vector<1x8x512xf32> to vector<8x512xf32>
    %get3A_3214 = arith.constant 2 : index
    %get3A_3215 = arith.constant 0 : index
    %get3A_3216 = arith.constant 4608 : index
    %get3A_3217 = vector.load %arg1[%get3A_3214, %get3A_3215, %get3A_3216] : memref<3x8x16384xf32, #tpu.memory_space<vmem>>, vector<1x8x512xf32>
    %get3A_3218 = vector.shape_cast %get3A_3217 : vector<1x8x512xf32> to vector<8x512xf32>
    %sub3A_3219 = vector.broadcast %get3A_2824 : vector<8x1xf32> to vector<8x512xf32>
    %sub3A_3220 = arith.subf %get3A_3208, %sub3A_3219 : vector<8x512xf32>
    %sub3A_3221 = vector.broadcast %get3A_2829 : vector<8x1xf32> to vector<8x512xf32>
    %sub3A_3222 = arith.subf %get3A_3213, %sub3A_3221 : vector<8x512xf32>
    %sub3A_3223 = vector.broadcast %get3A_2834 : vector<8x1xf32> to vector<8x512xf32>
    %sub3A_3224 = arith.subf %get3A_3218, %sub3A_3223 : vector<8x512xf32>
    %mul3A_3225 = arith.mulf %sub3A_3220, %sub3A_3220 : vector<8x512xf32>
    %mul3A_3226 = arith.mulf %sub3A_3224, %sub3A_3224 : vector<8x512xf32>
    %add3A_3227 = arith.addf %mul3A_3225, %mul3A_3226 : vector<8x512xf32>
    %mul3A_3228 = arith.mulf %sub3A_3222, %sub3A_3222 : vector<8x512xf32>
    %add3A_3229 = arith.addf %add3A_3227, %mul3A_3228 : vector<8x512xf32>
    %get3A_3230 = arith.constant 0 : index
    %get3A_3231 = arith.constant 4608 : index
    %get3A_3232 = vector.load %arg5[%get3A_3230, %get3A_3231] : memref<8x16384xf32, #tpu.memory_space<vmem>>, vector<8x512xf32>
    %min3A_3233 = arith.minimumf %get3A_3232, %add3A_3229 : vector<8x512xf32>
    %swap3A_3234 = arith.constant 0 : index
    %swap3A_3235 = arith.constant 4608 : index
    %swap3A_3236 = vector.load %arg5[%swap3A_3234, %swap3A_3235] : memref<8x16384xf32, #tpu.memory_space<vmem>>, vector<8x512xf32>
    tpu.vector_store %arg5[%swap3A_3234, %swap3A_3235], %min3A_3233 {strides = array<i32>} : memref<8x16384xf32, #tpu.memory_space<vmem>>, vector<8x512xf32>,
    %add3A_3237 = arith.constant 4608 : i32
    %add3A_3238 = vector.broadcast %add3A_3237 : i32 to vector<8x512xi32>
    %add3A_3239 = arith.addi %iota3A, %add3A_3238 : vector<8x512xi32>
    %gt3A_3240 = arith.cmpf ogt, %min3A_3233, %select_n3A_3199 : vector<8x512xf32>
    %select_n3A_3241 = arith.select %gt3A_3240, %min3A_3233, %select_n3A_3199 : vector<8x512xi1>, vector<8x512xf32>
    %select_n3A_3242 = arith.select %gt3A_3240, %add3A_3239, %select_n3A_3200 : vector<8x512xi1>, vector<8x512xi32>
    %select_n3A_3243 = arith.select %gt3A_3240, %get3A_3208, %select_n3A_3201 : vector<8x512xi1>, vector<8x512xf32>
    %select_n3A_3244 = arith.select %gt3A_3240, %get3A_3213, %select_n3A_3202 : vector<8x512xi1>, vector<8x512xf32>
    %select_n3A_3245 = arith.select %gt3A_3240, %get3A_3218, %select_n3A_3203 : vector<8x512xi1>, vector<8x512xf32>
    %get3A_3246 = arith.constant 0 : index
    %get3A_3247 = arith.constant 0 : index
    %get3A_3248 = arith.constant 5120 : index
    %get3A_3249 = vector.load %arg1[%get3A_3246, %get3A_3247, %get3A_3248] : memref<3x8x16384xf32, #tpu.memory_space<vmem>>, vector<1x8x512xf32>
    %get3A_3250 = vector.shape_cast %get3A_3249 : vector<1x8x512xf32> to vector<8x512xf32>
    %get3A_3251 = arith.constant 1 : index
    %get3A_3252 = arith.constant 0 : index
    %get3A_3253 = arith.constant 5120 : index
    %get3A_3254 = vector.load %arg1[%get3A_3251, %get3A_3252, %get3A_3253] : memref<3x8x16384xf32, #tpu.memory_space<vmem>>, vector<1x8x512xf32>
    %get3A_3255 = vector.shape_cast %get3A_3254 : vector<1x8x512xf32> to vector<8x512xf32>
    %get3A_3256 = arith.constant 2 : index
    %get3A_3257 = arith.constant 0 : index
    %get3A_3258 = arith.constant 5120 : index
    %get3A_3259 = vector.load %arg1[%get3A_3256, %get3A_3257, %get3A_3258] : memref<3x8x16384xf32, #tpu.memory_space<vmem>>, vector<1x8x512xf32>
    %get3A_3260 = vector.shape_cast %get3A_3259 : vector<1x8x512xf32> to vector<8x512xf32>
    %sub3A_3261 = vector.broadcast %get3A_2824 : vector<8x1xf32> to vector<8x512xf32>
    %sub3A_3262 = arith.subf %get3A_3250, %sub3A_3261 : vector<8x512xf32>
    %sub3A_3263 = vector.broadcast %get3A_2829 : vector<8x1xf32> to vector<8x512xf32>
    %sub3A_3264 = arith.subf %get3A_3255, %sub3A_3263 : vector<8x512xf32>
    %sub3A_3265 = vector.broadcast %get3A_2834 : vector<8x1xf32> to vector<8x512xf32>
    %sub3A_3266 = arith.subf %get3A_3260, %sub3A_3265 : vector<8x512xf32>
    %mul3A_3267 = arith.mulf %sub3A_3262, %sub3A_3262 : vector<8x512xf32>
    %mul3A_3268 = arith.mulf %sub3A_3266, %sub3A_3266 : vector<8x512xf32>
    %add3A_3269 = arith.addf %mul3A_3267, %mul3A_3268 : vector<8x512xf32>
    %mul3A_3270 = arith.mulf %sub3A_3264, %sub3A_3264 : vector<8x512xf32>
    %add3A_3271 = arith.addf %add3A_3269, %mul3A_3270 : vector<8x512xf32>
    %get3A_3272 = arith.constant 0 : index
    %get3A_3273 = arith.constant 5120 : index
    %get3A_3274 = vector.load %arg5[%get3A_3272, %get3A_3273] : memref<8x16384xf32, #tpu.memory_space<vmem>>, vector<8x512xf32>
    %min3A_3275 = arith.minimumf %get3A_3274, %add3A_3271 : vector<8x512xf32>
    %swap3A_3276 = arith.constant 0 : index
    %swap3A_3277 = arith.constant 5120 : index
    %swap3A_3278 = vector.load %arg5[%swap3A_3276, %swap3A_3277] : memref<8x16384xf32, #tpu.memory_space<vmem>>, vector<8x512xf32>
    tpu.vector_store %arg5[%swap3A_3276, %swap3A_3277], %min3A_3275 {strides = array<i32>} : memref<8x16384xf32, #tpu.memory_space<vmem>>, vector<8x512xf32>,
    %add3A_3279 = arith.constant 5120 : i32
    %add3A_3280 = vector.broadcast %add3A_3279 : i32 to vector<8x512xi32>
    %add3A_3281 = arith.addi %iota3A, %add3A_3280 : vector<8x512xi32>
    %gt3A_3282 = arith.cmpf ogt, %min3A_3275, %select_n3A_3241 : vector<8x512xf32>
    %select_n3A_3283 = arith.select %gt3A_3282, %min3A_3275, %select_n3A_3241 : vector<8x512xi1>, vector<8x512xf32>
    %select_n3A_3284 = arith.select %gt3A_3282, %add3A_3281, %select_n3A_3242 : vector<8x512xi1>, vector<8x512xi32>
    %select_n3A_3285 = arith.select %gt3A_3282, %get3A_3250, %select_n3A_3243 : vector<8x512xi1>, vector<8x512xf32>
    %select_n3A_3286 = arith.select %gt3A_3282, %get3A_3255, %select_n3A_3244 : vector<8x512xi1>, vector<8x512xf32>
    %select_n3A_3287 = arith.select %gt3A_3282, %get3A_3260, %select_n3A_3245 : vector<8x512xi1>, vector<8x512xf32>
    %get3A_3288 = arith.constant 0 : index
    %get3A_3289 = arith.constant 0 : index
    %get3A_3290 = arith.constant 5632 : index
    %get3A_3291 = vector.load %arg1[%get3A_3288, %get3A_3289, %get3A_3290] : memref<3x8x16384xf32, #tpu.memory_space<vmem>>, vector<1x8x512xf32>
    %get3A_3292 = vector.shape_cast %get3A_3291 : vector<1x8x512xf32> to vector<8x512xf32>
    %get3A_3293 = arith.constant 1 : index
    %get3A_3294 = arith.constant 0 : index
    %get3A_3295 = arith.constant 5632 : index
    %get3A_3296 = vector.load %arg1[%get3A_3293, %get3A_3294, %get3A_3295] : memref<3x8x16384xf32, #tpu.memory_space<vmem>>, vector<1x8x512xf32>
    %get3A_3297 = vector.shape_cast %get3A_3296 : vector<1x8x512xf32> to vector<8x512xf32>
    %get3A_3298 = arith.constant 2 : index
    %get3A_3299 = arith.constant 0 : index
    %get3A_3300 = arith.constant 5632 : index
    %get3A_3301 = vector.load %arg1[%get3A_3298, %get3A_3299, %get3A_3300] : memref<3x8x16384xf32, #tpu.memory_space<vmem>>, vector<1x8x512xf32>
    %get3A_3302 = vector.shape_cast %get3A_3301 : vector<1x8x512xf32> to vector<8x512xf32>
    %sub3A_3303 = vector.broadcast %get3A_2824 : vector<8x1xf32> to vector<8x512xf32>
    %sub3A_3304 = arith.subf %get3A_3292, %sub3A_3303 : vector<8x512xf32>
    %sub3A_3305 = vector.broadcast %get3A_2829 : vector<8x1xf32> to vector<8x512xf32>
    %sub3A_3306 = arith.subf %get3A_3297, %sub3A_3305 : vector<8x512xf32>
    %sub3A_3307 = vector.broadcast %get3A_2834 : vector<8x1xf32> to vector<8x512xf32>
    %sub3A_3308 = arith.subf %get3A_3302, %sub3A_3307 : vector<8x512xf32>
    %mul3A_3309 = arith.mulf %sub3A_3304, %sub3A_3304 : vector<8x512xf32>
    %mul3A_3310 = arith.mulf %sub3A_3308, %sub3A_3308 : vector<8x512xf32>
    %add3A_3311 = arith.addf %mul3A_3309, %mul3A_3310 : vector<8x512xf32>
    %mul3A_3312 = arith.mulf %sub3A_3306, %sub3A_3306 : vector<8x512xf32>
    %add3A_3313 = arith.addf %add3A_3311, %mul3A_3312 : vector<8x512xf32>
    %get3A_3314 = arith.constant 0 : index
    %get3A_3315 = arith.constant 5632 : index
    %get3A_3316 = vector.load %arg5[%get3A_3314, %get3A_3315] : memref<8x16384xf32, #tpu.memory_space<vmem>>, vector<8x512xf32>
    %min3A_3317 = arith.minimumf %get3A_3316, %add3A_3313 : vector<8x512xf32>
    %swap3A_3318 = arith.constant 0 : index
    %swap3A_3319 = arith.constant 5632 : index
    %swap3A_3320 = vector.load %arg5[%swap3A_3318, %swap3A_3319] : memref<8x16384xf32, #tpu.memory_space<vmem>>, vector<8x512xf32>
    tpu.vector_store %arg5[%swap3A_3318, %swap3A_3319], %min3A_3317 {strides = array<i32>} : memref<8x16384xf32, #tpu.memory_space<vmem>>, vector<8x512xf32>,
    %add3A_3321 = arith.constant 5632 : i32
    %add3A_3322 = vector.broadcast %add3A_3321 : i32 to vector<8x512xi32>
    %add3A_3323 = arith.addi %iota3A, %add3A_3322 : vector<8x512xi32>
    %gt3A_3324 = arith.cmpf ogt, %min3A_3317, %select_n3A_3283 : vector<8x512xf32>
    %select_n3A_3325 = arith.select %gt3A_3324, %min3A_3317, %select_n3A_3283 : vector<8x512xi1>, vector<8x512xf32>
    %select_n3A_3326 = arith.select %gt3A_3324, %add3A_3323, %select_n3A_3284 : vector<8x512xi1>, vector<8x512xi32>
    %select_n3A_3327 = arith.select %gt3A_3324, %get3A_3292, %select_n3A_3285 : vector<8x512xi1>, vector<8x512xf32>
    %select_n3A_3328 = arith.select %gt3A_3324, %get3A_3297, %select_n3A_3286 : vector<8x512xi1>, vector<8x512xf32>
    %select_n3A_3329 = arith.select %gt3A_3324, %get3A_3302, %select_n3A_3287 : vector<8x512xi1>, vector<8x512xf32>
    %get3A_3330 = arith.constant 0 : index
    %get3A_3331 = arith.constant 0 : index
    %get3A_3332 = arith.constant 6144 : index
    %get3A_3333 = vector.load %arg1[%get3A_3330, %get3A_3331, %get3A_3332] : memref<3x8x16384xf32, #tpu.memory_space<vmem>>, vector<1x8x512xf32>
    %get3A_3334 = vector.shape_cast %get3A_3333 : vector<1x8x512xf32> to vector<8x512xf32>
    %get3A_3335 = arith.constant 1 : index
    %get3A_3336 = arith.constant 0 : index
    %get3A_3337 = arith.constant 6144 : index
    %get3A_3338 = vector.load %arg1[%get3A_3335, %get3A_3336, %get3A_3337] : memref<3x8x16384xf32, #tpu.memory_space<vmem>>, vector<1x8x512xf32>
    %get3A_3339 = vector.shape_cast %get3A_3338 : vector<1x8x512xf32> to vector<8x512xf32>
    %get3A_3340 = arith.constant 2 : index
    %get3A_3341 = arith.constant 0 : index
    %get3A_3342 = arith.constant 6144 : index
    %get3A_3343 = vector.load %arg1[%get3A_3340, %get3A_3341, %get3A_3342] : memref<3x8x16384xf32, #tpu.memory_space<vmem>>, vector<1x8x512xf32>
    %get3A_3344 = vector.shape_cast %get3A_3343 : vector<1x8x512xf32> to vector<8x512xf32>
    %sub3A_3345 = vector.broadcast %get3A_2824 : vector<8x1xf32> to vector<8x512xf32>
    %sub3A_3346 = arith.subf %get3A_3334, %sub3A_3345 : vector<8x512xf32>
    %sub3A_3347 = vector.broadcast %get3A_2829 : vector<8x1xf32> to vector<8x512xf32>
    %sub3A_3348 = arith.subf %get3A_3339, %sub3A_3347 : vector<8x512xf32>
    %sub3A_3349 = vector.broadcast %get3A_2834 : vector<8x1xf32> to vector<8x512xf32>
    %sub3A_3350 = arith.subf %get3A_3344, %sub3A_3349 : vector<8x512xf32>
    %mul3A_3351 = arith.mulf %sub3A_3346, %sub3A_3346 : vector<8x512xf32>
    %mul3A_3352 = arith.mulf %sub3A_3350, %sub3A_3350 : vector<8x512xf32>
    %add3A_3353 = arith.addf %mul3A_3351, %mul3A_3352 : vector<8x512xf32>
    %mul3A_3354 = arith.mulf %sub3A_3348, %sub3A_3348 : vector<8x512xf32>
    %add3A_3355 = arith.addf %add3A_3353, %mul3A_3354 : vector<8x512xf32>
    %get3A_3356 = arith.constant 0 : index
    %get3A_3357 = arith.constant 6144 : index
    %get3A_3358 = vector.load %arg5[%get3A_3356, %get3A_3357] : memref<8x16384xf32, #tpu.memory_space<vmem>>, vector<8x512xf32>
    %min3A_3359 = arith.minimumf %get3A_3358, %add3A_3355 : vector<8x512xf32>
    %swap3A_3360 = arith.constant 0 : index
    %swap3A_3361 = arith.constant 6144 : index
    %swap3A_3362 = vector.load %arg5[%swap3A_3360, %swap3A_3361] : memref<8x16384xf32, #tpu.memory_space<vmem>>, vector<8x512xf32>
    tpu.vector_store %arg5[%swap3A_3360, %swap3A_3361], %min3A_3359 {strides = array<i32>} : memref<8x16384xf32, #tpu.memory_space<vmem>>, vector<8x512xf32>,
    %add3A_3363 = arith.constant 6144 : i32
    %add3A_3364 = vector.broadcast %add3A_3363 : i32 to vector<8x512xi32>
    %add3A_3365 = arith.addi %iota3A, %add3A_3364 : vector<8x512xi32>
    %gt3A_3366 = arith.cmpf ogt, %min3A_3359, %select_n3A_3325 : vector<8x512xf32>
    %select_n3A_3367 = arith.select %gt3A_3366, %min3A_3359, %select_n3A_3325 : vector<8x512xi1>, vector<8x512xf32>
    %select_n3A_3368 = arith.select %gt3A_3366, %add3A_3365, %select_n3A_3326 : vector<8x512xi1>, vector<8x512xi32>
    %select_n3A_3369 = arith.select %gt3A_3366, %get3A_3334, %select_n3A_3327 : vector<8x512xi1>, vector<8x512xf32>
    %select_n3A_3370 = arith.select %gt3A_3366, %get3A_3339, %select_n3A_3328 : vector<8x512xi1>, vector<8x512xf32>
    %select_n3A_3371 = arith.select %gt3A_3366, %get3A_3344, %select_n3A_3329 : vector<8x512xi1>, vector<8x512xf32>
    %get3A_3372 = arith.constant 0 : index
    %get3A_3373 = arith.constant 0 : index
    %get3A_3374 = arith.constant 6656 : index
    %get3A_3375 = vector.load %arg1[%get3A_3372, %get3A_3373, %get3A_3374] : memref<3x8x16384xf32, #tpu.memory_space<vmem>>, vector<1x8x512xf32>
    %get3A_3376 = vector.shape_cast %get3A_3375 : vector<1x8x512xf32> to vector<8x512xf32>
    %get3A_3377 = arith.constant 1 : index
    %get3A_3378 = arith.constant 0 : index
    %get3A_3379 = arith.constant 6656 : index
    %get3A_3380 = vector.load %arg1[%get3A_3377, %get3A_3378, %get3A_3379] : memref<3x8x16384xf32, #tpu.memory_space<vmem>>, vector<1x8x512xf32>
    %get3A_3381 = vector.shape_cast %get3A_3380 : vector<1x8x512xf32> to vector<8x512xf32>
    %get3A_3382 = arith.constant 2 : index
    %get3A_3383 = arith.constant 0 : index
    %get3A_3384 = arith.constant 6656 : index
    %get3A_3385 = vector.load %arg1[%get3A_3382, %get3A_3383, %get3A_3384] : memref<3x8x16384xf32, #tpu.memory_space<vmem>>, vector<1x8x512xf32>
    %get3A_3386 = vector.shape_cast %get3A_3385 : vector<1x8x512xf32> to vector<8x512xf32>
    %sub3A_3387 = vector.broadcast %get3A_2824 : vector<8x1xf32> to vector<8x512xf32>
    %sub3A_3388 = arith.subf %get3A_3376, %sub3A_3387 : vector<8x512xf32>
    %sub3A_3389 = vector.broadcast %get3A_2829 : vector<8x1xf32> to vector<8x512xf32>
    %sub3A_3390 = arith.subf %get3A_3381, %sub3A_3389 : vector<8x512xf32>
    %sub3A_3391 = vector.broadcast %get3A_2834 : vector<8x1xf32> to vector<8x512xf32>
    %sub3A_3392 = arith.subf %get3A_3386, %sub3A_3391 : vector<8x512xf32>
    %mul3A_3393 = arith.mulf %sub3A_3388, %sub3A_3388 : vector<8x512xf32>
    %mul3A_3394 = arith.mulf %sub3A_3392, %sub3A_3392 : vector<8x512xf32>
    %add3A_3395 = arith.addf %mul3A_3393, %mul3A_3394 : vector<8x512xf32>
    %mul3A_3396 = arith.mulf %sub3A_3390, %sub3A_3390 : vector<8x512xf32>
    %add3A_3397 = arith.addf %add3A_3395, %mul3A_3396 : vector<8x512xf32>
    %get3A_3398 = arith.constant 0 : index
    %get3A_3399 = arith.constant 6656 : index
    %get3A_3400 = vector.load %arg5[%get3A_3398, %get3A_3399] : memref<8x16384xf32, #tpu.memory_space<vmem>>, vector<8x512xf32>
    %min3A_3401 = arith.minimumf %get3A_3400, %add3A_3397 : vector<8x512xf32>
    %swap3A_3402 = arith.constant 0 : index
    %swap3A_3403 = arith.constant 6656 : index
    %swap3A_3404 = vector.load %arg5[%swap3A_3402, %swap3A_3403] : memref<8x16384xf32, #tpu.memory_space<vmem>>, vector<8x512xf32>
    tpu.vector_store %arg5[%swap3A_3402, %swap3A_3403], %min3A_3401 {strides = array<i32>} : memref<8x16384xf32, #tpu.memory_space<vmem>>, vector<8x512xf32>,
    %add3A_3405 = arith.constant 6656 : i32
    %add3A_3406 = vector.broadcast %add3A_3405 : i32 to vector<8x512xi32>
    %add3A_3407 = arith.addi %iota3A, %add3A_3406 : vector<8x512xi32>
    %gt3A_3408 = arith.cmpf ogt, %min3A_3401, %select_n3A_3367 : vector<8x512xf32>
    %select_n3A_3409 = arith.select %gt3A_3408, %min3A_3401, %select_n3A_3367 : vector<8x512xi1>, vector<8x512xf32>
    %select_n3A_3410 = arith.select %gt3A_3408, %add3A_3407, %select_n3A_3368 : vector<8x512xi1>, vector<8x512xi32>
    %select_n3A_3411 = arith.select %gt3A_3408, %get3A_3376, %select_n3A_3369 : vector<8x512xi1>, vector<8x512xf32>
    %select_n3A_3412 = arith.select %gt3A_3408, %get3A_3381, %select_n3A_3370 : vector<8x512xi1>, vector<8x512xf32>
    %select_n3A_3413 = arith.select %gt3A_3408, %get3A_3386, %select_n3A_3371 : vector<8x512xi1>, vector<8x512xf32>
    %get3A_3414 = arith.constant 0 : index
    %get3A_3415 = arith.constant 0 : index
    %get3A_3416 = arith.constant 7168 : index
    %get3A_3417 = vector.load %arg1[%get3A_3414, %get3A_3415, %get3A_3416] : memref<3x8x16384xf32, #tpu.memory_space<vmem>>, vector<1x8x512xf32>
    %get3A_3418 = vector.shape_cast %get3A_3417 : vector<1x8x512xf32> to vector<8x512xf32>
    %get3A_3419 = arith.constant 1 : index
    %get3A_3420 = arith.constant 0 : index
    %get3A_3421 = arith.constant 7168 : index
    %get3A_3422 = vector.load %arg1[%get3A_3419, %get3A_3420, %get3A_3421] : memref<3x8x16384xf32, #tpu.memory_space<vmem>>, vector<1x8x512xf32>
    %get3A_3423 = vector.shape_cast %get3A_3422 : vector<1x8x512xf32> to vector<8x512xf32>
    %get3A_3424 = arith.constant 2 : index
    %get3A_3425 = arith.constant 0 : index
    %get3A_3426 = arith.constant 7168 : index
    %get3A_3427 = vector.load %arg1[%get3A_3424, %get3A_3425, %get3A_3426] : memref<3x8x16384xf32, #tpu.memory_space<vmem>>, vector<1x8x512xf32>
    %get3A_3428 = vector.shape_cast %get3A_3427 : vector<1x8x512xf32> to vector<8x512xf32>
    %sub3A_3429 = vector.broadcast %get3A_2824 : vector<8x1xf32> to vector<8x512xf32>
    %sub3A_3430 = arith.subf %get3A_3418, %sub3A_3429 : vector<8x512xf32>
    %sub3A_3431 = vector.broadcast %get3A_2829 : vector<8x1xf32> to vector<8x512xf32>
    %sub3A_3432 = arith.subf %get3A_3423, %sub3A_3431 : vector<8x512xf32>
    %sub3A_3433 = vector.broadcast %get3A_2834 : vector<8x1xf32> to vector<8x512xf32>
    %sub3A_3434 = arith.subf %get3A_3428, %sub3A_3433 : vector<8x512xf32>
    %mul3A_3435 = arith.mulf %sub3A_3430, %sub3A_3430 : vector<8x512xf32>
    %mul3A_3436 = arith.mulf %sub3A_3434, %sub3A_3434 : vector<8x512xf32>
    %add3A_3437 = arith.addf %mul3A_3435, %mul3A_3436 : vector<8x512xf32>
    %mul3A_3438 = arith.mulf %sub3A_3432, %sub3A_3432 : vector<8x512xf32>
    %add3A_3439 = arith.addf %add3A_3437, %mul3A_3438 : vector<8x512xf32>
    %get3A_3440 = arith.constant 0 : index
    %get3A_3441 = arith.constant 7168 : index
    %get3A_3442 = vector.load %arg5[%get3A_3440, %get3A_3441] : memref<8x16384xf32, #tpu.memory_space<vmem>>, vector<8x512xf32>
    %min3A_3443 = arith.minimumf %get3A_3442, %add3A_3439 : vector<8x512xf32>
    %swap3A_3444 = arith.constant 0 : index
    %swap3A_3445 = arith.constant 7168 : index
    %swap3A_3446 = vector.load %arg5[%swap3A_3444, %swap3A_3445] : memref<8x16384xf32, #tpu.memory_space<vmem>>, vector<8x512xf32>
    tpu.vector_store %arg5[%swap3A_3444, %swap3A_3445], %min3A_3443 {strides = array<i32>} : memref<8x16384xf32, #tpu.memory_space<vmem>>, vector<8x512xf32>,
    %add3A_3447 = arith.constant 7168 : i32
    %add3A_3448 = vector.broadcast %add3A_3447 : i32 to vector<8x512xi32>
    %add3A_3449 = arith.addi %iota3A, %add3A_3448 : vector<8x512xi32>
    %gt3A_3450 = arith.cmpf ogt, %min3A_3443, %select_n3A_3409 : vector<8x512xf32>
    %select_n3A_3451 = arith.select %gt3A_3450, %min3A_3443, %select_n3A_3409 : vector<8x512xi1>, vector<8x512xf32>
    %select_n3A_3452 = arith.select %gt3A_3450, %add3A_3449, %select_n3A_3410 : vector<8x512xi1>, vector<8x512xi32>
    %select_n3A_3453 = arith.select %gt3A_3450, %get3A_3418, %select_n3A_3411 : vector<8x512xi1>, vector<8x512xf32>
    %select_n3A_3454 = arith.select %gt3A_3450, %get3A_3423, %select_n3A_3412 : vector<8x512xi1>, vector<8x512xf32>
    %select_n3A_3455 = arith.select %gt3A_3450, %get3A_3428, %select_n3A_3413 : vector<8x512xi1>, vector<8x512xf32>
    %get3A_3456 = arith.constant 0 : index
    %get3A_3457 = arith.constant 0 : index
    %get3A_3458 = arith.constant 7680 : index
    %get3A_3459 = vector.load %arg1[%get3A_3456, %get3A_3457, %get3A_3458] : memref<3x8x16384xf32, #tpu.memory_space<vmem>>, vector<1x8x512xf32>
    %get3A_3460 = vector.shape_cast %get3A_3459 : vector<1x8x512xf32> to vector<8x512xf32>
    %get3A_3461 = arith.constant 1 : index
    %get3A_3462 = arith.constant 0 : index
    %get3A_3463 = arith.constant 7680 : index
    %get3A_3464 = vector.load %arg1[%get3A_3461, %get3A_3462, %get3A_3463] : memref<3x8x16384xf32, #tpu.memory_space<vmem>>, vector<1x8x512xf32>
    %get3A_3465 = vector.shape_cast %get3A_3464 : vector<1x8x512xf32> to vector<8x512xf32>
    %get3A_3466 = arith.constant 2 : index
    %get3A_3467 = arith.constant 0 : index
    %get3A_3468 = arith.constant 7680 : index
    %get3A_3469 = vector.load %arg1[%get3A_3466, %get3A_3467, %get3A_3468] : memref<3x8x16384xf32, #tpu.memory_space<vmem>>, vector<1x8x512xf32>
    %get3A_3470 = vector.shape_cast %get3A_3469 : vector<1x8x512xf32> to vector<8x512xf32>
    %sub3A_3471 = vector.broadcast %get3A_2824 : vector<8x1xf32> to vector<8x512xf32>
    %sub3A_3472 = arith.subf %get3A_3460, %sub3A_3471 : vector<8x512xf32>
    %sub3A_3473 = vector.broadcast %get3A_2829 : vector<8x1xf32> to vector<8x512xf32>
    %sub3A_3474 = arith.subf %get3A_3465, %sub3A_3473 : vector<8x512xf32>
    %sub3A_3475 = vector.broadcast %get3A_2834 : vector<8x1xf32> to vector<8x512xf32>
    %sub3A_3476 = arith.subf %get3A_3470, %sub3A_3475 : vector<8x512xf32>
    %mul3A_3477 = arith.mulf %sub3A_3472, %sub3A_3472 : vector<8x512xf32>
    %mul3A_3478 = arith.mulf %sub3A_3476, %sub3A_3476 : vector<8x512xf32>
    %add3A_3479 = arith.addf %mul3A_3477, %mul3A_3478 : vector<8x512xf32>
    %mul3A_3480 = arith.mulf %sub3A_3474, %sub3A_3474 : vector<8x512xf32>
    %add3A_3481 = arith.addf %add3A_3479, %mul3A_3480 : vector<8x512xf32>
    %get3A_3482 = arith.constant 0 : index
    %get3A_3483 = arith.constant 7680 : index
    %get3A_3484 = vector.load %arg5[%get3A_3482, %get3A_3483] : memref<8x16384xf32, #tpu.memory_space<vmem>>, vector<8x512xf32>
    %min3A_3485 = arith.minimumf %get3A_3484, %add3A_3481 : vector<8x512xf32>
    %swap3A_3486 = arith.constant 0 : index
    %swap3A_3487 = arith.constant 7680 : index
    %swap3A_3488 = vector.load %arg5[%swap3A_3486, %swap3A_3487] : memref<8x16384xf32, #tpu.memory_space<vmem>>, vector<8x512xf32>
    tpu.vector_store %arg5[%swap3A_3486, %swap3A_3487], %min3A_3485 {strides = array<i32>} : memref<8x16384xf32, #tpu.memory_space<vmem>>, vector<8x512xf32>,
    %add3A_3489 = arith.constant 7680 : i32
    %add3A_3490 = vector.broadcast %add3A_3489 : i32 to vector<8x512xi32>
    %add3A_3491 = arith.addi %iota3A, %add3A_3490 : vector<8x512xi32>
    %gt3A_3492 = arith.cmpf ogt, %min3A_3485, %select_n3A_3451 : vector<8x512xf32>
    %select_n3A_3493 = arith.select %gt3A_3492, %min3A_3485, %select_n3A_3451 : vector<8x512xi1>, vector<8x512xf32>
    %select_n3A_3494 = arith.select %gt3A_3492, %add3A_3491, %select_n3A_3452 : vector<8x512xi1>, vector<8x512xi32>
    %select_n3A_3495 = arith.select %gt3A_3492, %get3A_3460, %select_n3A_3453 : vector<8x512xi1>, vector<8x512xf32>
    %select_n3A_3496 = arith.select %gt3A_3492, %get3A_3465, %select_n3A_3454 : vector<8x512xi1>, vector<8x512xf32>
    %select_n3A_3497 = arith.select %gt3A_3492, %get3A_3470, %select_n3A_3455 : vector<8x512xi1>, vector<8x512xf32>
    %get3A_3498 = arith.constant 0 : index
    %get3A_3499 = arith.constant 0 : index
    %get3A_3500 = arith.constant 8192 : index
    %get3A_3501 = vector.load %arg1[%get3A_3498, %get3A_3499, %get3A_3500] : memref<3x8x16384xf32, #tpu.memory_space<vmem>>, vector<1x8x512xf32>
    %get3A_3502 = vector.shape_cast %get3A_3501 : vector<1x8x512xf32> to vector<8x512xf32>
    %get3A_3503 = arith.constant 1 : index
    %get3A_3504 = arith.constant 0 : index
    %get3A_3505 = arith.constant 8192 : index
    %get3A_3506 = vector.load %arg1[%get3A_3503, %get3A_3504, %get3A_3505] : memref<3x8x16384xf32, #tpu.memory_space<vmem>>, vector<1x8x512xf32>
    %get3A_3507 = vector.shape_cast %get3A_3506 : vector<1x8x512xf32> to vector<8x512xf32>
    %get3A_3508 = arith.constant 2 : index
    %get3A_3509 = arith.constant 0 : index
    %get3A_3510 = arith.constant 8192 : index
    %get3A_3511 = vector.load %arg1[%get3A_3508, %get3A_3509, %get3A_3510] : memref<3x8x16384xf32, #tpu.memory_space<vmem>>, vector<1x8x512xf32>
    %get3A_3512 = vector.shape_cast %get3A_3511 : vector<1x8x512xf32> to vector<8x512xf32>
    %sub3A_3513 = vector.broadcast %get3A_2824 : vector<8x1xf32> to vector<8x512xf32>
    %sub3A_3514 = arith.subf %get3A_3502, %sub3A_3513 : vector<8x512xf32>
    %sub3A_3515 = vector.broadcast %get3A_2829 : vector<8x1xf32> to vector<8x512xf32>
    %sub3A_3516 = arith.subf %get3A_3507, %sub3A_3515 : vector<8x512xf32>
    %sub3A_3517 = vector.broadcast %get3A_2834 : vector<8x1xf32> to vector<8x512xf32>
    %sub3A_3518 = arith.subf %get3A_3512, %sub3A_3517 : vector<8x512xf32>
    %mul3A_3519 = arith.mulf %sub3A_3514, %sub3A_3514 : vector<8x512xf32>
    %mul3A_3520 = arith.mulf %sub3A_3518, %sub3A_3518 : vector<8x512xf32>
    %add3A_3521 = arith.addf %mul3A_3519, %mul3A_3520 : vector<8x512xf32>
    %mul3A_3522 = arith.mulf %sub3A_3516, %sub3A_3516 : vector<8x512xf32>
    %add3A_3523 = arith.addf %add3A_3521, %mul3A_3522 : vector<8x512xf32>
    %get3A_3524 = arith.constant 0 : index
    %get3A_3525 = arith.constant 8192 : index
    %get3A_3526 = vector.load %arg5[%get3A_3524, %get3A_3525] : memref<8x16384xf32, #tpu.memory_space<vmem>>, vector<8x512xf32>
    %min3A_3527 = arith.minimumf %get3A_3526, %add3A_3523 : vector<8x512xf32>
    %swap3A_3528 = arith.constant 0 : index
    %swap3A_3529 = arith.constant 8192 : index
    %swap3A_3530 = vector.load %arg5[%swap3A_3528, %swap3A_3529] : memref<8x16384xf32, #tpu.memory_space<vmem>>, vector<8x512xf32>
    tpu.vector_store %arg5[%swap3A_3528, %swap3A_3529], %min3A_3527 {strides = array<i32>} : memref<8x16384xf32, #tpu.memory_space<vmem>>, vector<8x512xf32>,
    %add3A_3531 = arith.constant 8192 : i32
    %add3A_3532 = vector.broadcast %add3A_3531 : i32 to vector<8x512xi32>
    %add3A_3533 = arith.addi %iota3A, %add3A_3532 : vector<8x512xi32>
    %gt3A_3534 = arith.cmpf ogt, %min3A_3527, %select_n3A_3493 : vector<8x512xf32>
    %select_n3A_3535 = arith.select %gt3A_3534, %min3A_3527, %select_n3A_3493 : vector<8x512xi1>, vector<8x512xf32>
    %select_n3A_3536 = arith.select %gt3A_3534, %add3A_3533, %select_n3A_3494 : vector<8x512xi1>, vector<8x512xi32>
    %select_n3A_3537 = arith.select %gt3A_3534, %get3A_3502, %select_n3A_3495 : vector<8x512xi1>, vector<8x512xf32>
    %select_n3A_3538 = arith.select %gt3A_3534, %get3A_3507, %select_n3A_3496 : vector<8x512xi1>, vector<8x512xf32>
    %select_n3A_3539 = arith.select %gt3A_3534, %get3A_3512, %select_n3A_3497 : vector<8x512xi1>, vector<8x512xf32>
    %get3A_3540 = arith.constant 0 : index
    %get3A_3541 = arith.constant 0 : index
    %get3A_3542 = arith.constant 8704 : index
    %get3A_3543 = vector.load %arg1[%get3A_3540, %get3A_3541, %get3A_3542] : memref<3x8x16384xf32, #tpu.memory_space<vmem>>, vector<1x8x512xf32>
    %get3A_3544 = vector.shape_cast %get3A_3543 : vector<1x8x512xf32> to vector<8x512xf32>
    %get3A_3545 = arith.constant 1 : index
    %get3A_3546 = arith.constant 0 : index
    %get3A_3547 = arith.constant 8704 : index
    %get3A_3548 = vector.load %arg1[%get3A_3545, %get3A_3546, %get3A_3547] : memref<3x8x16384xf32, #tpu.memory_space<vmem>>, vector<1x8x512xf32>
    %get3A_3549 = vector.shape_cast %get3A_3548 : vector<1x8x512xf32> to vector<8x512xf32>
    %get3A_3550 = arith.constant 2 : index
    %get3A_3551 = arith.constant 0 : index
    %get3A_3552 = arith.constant 8704 : index
    %get3A_3553 = vector.load %arg1[%get3A_3550, %get3A_3551, %get3A_3552] : memref<3x8x16384xf32, #tpu.memory_space<vmem>>, vector<1x8x512xf32>
    %get3A_3554 = vector.shape_cast %get3A_3553 : vector<1x8x512xf32> to vector<8x512xf32>
    %sub3A_3555 = vector.broadcast %get3A_2824 : vector<8x1xf32> to vector<8x512xf32>
    %sub3A_3556 = arith.subf %get3A_3544, %sub3A_3555 : vector<8x512xf32>
    %sub3A_3557 = vector.broadcast %get3A_2829 : vector<8x1xf32> to vector<8x512xf32>
    %sub3A_3558 = arith.subf %get3A_3549, %sub3A_3557 : vector<8x512xf32>
    %sub3A_3559 = vector.broadcast %get3A_2834 : vector<8x1xf32> to vector<8x512xf32>
    %sub3A_3560 = arith.subf %get3A_3554, %sub3A_3559 : vector<8x512xf32>
    %mul3A_3561 = arith.mulf %sub3A_3556, %sub3A_3556 : vector<8x512xf32>
    %mul3A_3562 = arith.mulf %sub3A_3560, %sub3A_3560 : vector<8x512xf32>
    %add3A_3563 = arith.addf %mul3A_3561, %mul3A_3562 : vector<8x512xf32>
    %mul3A_3564 = arith.mulf %sub3A_3558, %sub3A_3558 : vector<8x512xf32>
    %add3A_3565 = arith.addf %add3A_3563, %mul3A_3564 : vector<8x512xf32>
    %get3A_3566 = arith.constant 0 : index
    %get3A_3567 = arith.constant 8704 : index
    %get3A_3568 = vector.load %arg5[%get3A_3566, %get3A_3567] : memref<8x16384xf32, #tpu.memory_space<vmem>>, vector<8x512xf32>
    %min3A_3569 = arith.minimumf %get3A_3568, %add3A_3565 : vector<8x512xf32>
    %swap3A_3570 = arith.constant 0 : index
    %swap3A_3571 = arith.constant 8704 : index
    %swap3A_3572 = vector.load %arg5[%swap3A_3570, %swap3A_3571] : memref<8x16384xf32, #tpu.memory_space<vmem>>, vector<8x512xf32>
    tpu.vector_store %arg5[%swap3A_3570, %swap3A_3571], %min3A_3569 {strides = array<i32>} : memref<8x16384xf32, #tpu.memory_space<vmem>>, vector<8x512xf32>,
    %add3A_3573 = arith.constant 8704 : i32
    %add3A_3574 = vector.broadcast %add3A_3573 : i32 to vector<8x512xi32>
    %add3A_3575 = arith.addi %iota3A, %add3A_3574 : vector<8x512xi32>
    %gt3A_3576 = arith.cmpf ogt, %min3A_3569, %select_n3A_3535 : vector<8x512xf32>
    %select_n3A_3577 = arith.select %gt3A_3576, %min3A_3569, %select_n3A_3535 : vector<8x512xi1>, vector<8x512xf32>
    %select_n3A_3578 = arith.select %gt3A_3576, %add3A_3575, %select_n3A_3536 : vector<8x512xi1>, vector<8x512xi32>
    %select_n3A_3579 = arith.select %gt3A_3576, %get3A_3544, %select_n3A_3537 : vector<8x512xi1>, vector<8x512xf32>
    %select_n3A_3580 = arith.select %gt3A_3576, %get3A_3549, %select_n3A_3538 : vector<8x512xi1>, vector<8x512xf32>
    %select_n3A_3581 = arith.select %gt3A_3576, %get3A_3554, %select_n3A_3539 : vector<8x512xi1>, vector<8x512xf32>
    %get3A_3582 = arith.constant 0 : index
    %get3A_3583 = arith.constant 0 : index
    %get3A_3584 = arith.constant 9216 : index
    %get3A_3585 = vector.load %arg1[%get3A_3582, %get3A_3583, %get3A_3584] : memref<3x8x16384xf32, #tpu.memory_space<vmem>>, vector<1x8x512xf32>
    %get3A_3586 = vector.shape_cast %get3A_3585 : vector<1x8x512xf32> to vector<8x512xf32>
    %get3A_3587 = arith.constant 1 : index
    %get3A_3588 = arith.constant 0 : index
    %get3A_3589 = arith.constant 9216 : index
    %get3A_3590 = vector.load %arg1[%get3A_3587, %get3A_3588, %get3A_3589] : memref<3x8x16384xf32, #tpu.memory_space<vmem>>, vector<1x8x512xf32>
    %get3A_3591 = vector.shape_cast %get3A_3590 : vector<1x8x512xf32> to vector<8x512xf32>
    %get3A_3592 = arith.constant 2 : index
    %get3A_3593 = arith.constant 0 : index
    %get3A_3594 = arith.constant 9216 : index
    %get3A_3595 = vector.load %arg1[%get3A_3592, %get3A_3593, %get3A_3594] : memref<3x8x16384xf32, #tpu.memory_space<vmem>>, vector<1x8x512xf32>
    %get3A_3596 = vector.shape_cast %get3A_3595 : vector<1x8x512xf32> to vector<8x512xf32>
    %sub3A_3597 = vector.broadcast %get3A_2824 : vector<8x1xf32> to vector<8x512xf32>
    %sub3A_3598 = arith.subf %get3A_3586, %sub3A_3597 : vector<8x512xf32>
    %sub3A_3599 = vector.broadcast %get3A_2829 : vector<8x1xf32> to vector<8x512xf32>
    %sub3A_3600 = arith.subf %get3A_3591, %sub3A_3599 : vector<8x512xf32>
    %sub3A_3601 = vector.broadcast %get3A_2834 : vector<8x1xf32> to vector<8x512xf32>
    %sub3A_3602 = arith.subf %get3A_3596, %sub3A_3601 : vector<8x512xf32>
    %mul3A_3603 = arith.mulf %sub3A_3598, %sub3A_3598 : vector<8x512xf32>
    %mul3A_3604 = arith.mulf %sub3A_3602, %sub3A_3602 : vector<8x512xf32>
    %add3A_3605 = arith.addf %mul3A_3603, %mul3A_3604 : vector<8x512xf32>
    %mul3A_3606 = arith.mulf %sub3A_3600, %sub3A_3600 : vector<8x512xf32>
    %add3A_3607 = arith.addf %add3A_3605, %mul3A_3606 : vector<8x512xf32>
    %get3A_3608 = arith.constant 0 : index
    %get3A_3609 = arith.constant 9216 : index
    %get3A_3610 = vector.load %arg5[%get3A_3608, %get3A_3609] : memref<8x16384xf32, #tpu.memory_space<vmem>>, vector<8x512xf32>
    %min3A_3611 = arith.minimumf %get3A_3610, %add3A_3607 : vector<8x512xf32>
    %swap3A_3612 = arith.constant 0 : index
    %swap3A_3613 = arith.constant 9216 : index
    %swap3A_3614 = vector.load %arg5[%swap3A_3612, %swap3A_3613] : memref<8x16384xf32, #tpu.memory_space<vmem>>, vector<8x512xf32>
    tpu.vector_store %arg5[%swap3A_3612, %swap3A_3613], %min3A_3611 {strides = array<i32>} : memref<8x16384xf32, #tpu.memory_space<vmem>>, vector<8x512xf32>,
    %add3A_3615 = arith.constant 9216 : i32
    %add3A_3616 = vector.broadcast %add3A_3615 : i32 to vector<8x512xi32>
    %add3A_3617 = arith.addi %iota3A, %add3A_3616 : vector<8x512xi32>
    %gt3A_3618 = arith.cmpf ogt, %min3A_3611, %select_n3A_3577 : vector<8x512xf32>
    %select_n3A_3619 = arith.select %gt3A_3618, %min3A_3611, %select_n3A_3577 : vector<8x512xi1>, vector<8x512xf32>
    %select_n3A_3620 = arith.select %gt3A_3618, %add3A_3617, %select_n3A_3578 : vector<8x512xi1>, vector<8x512xi32>
    %select_n3A_3621 = arith.select %gt3A_3618, %get3A_3586, %select_n3A_3579 : vector<8x512xi1>, vector<8x512xf32>
    %select_n3A_3622 = arith.select %gt3A_3618, %get3A_3591, %select_n3A_3580 : vector<8x512xi1>, vector<8x512xf32>
    %select_n3A_3623 = arith.select %gt3A_3618, %get3A_3596, %select_n3A_3581 : vector<8x512xi1>, vector<8x512xf32>
    %get3A_3624 = arith.constant 0 : index
    %get3A_3625 = arith.constant 0 : index
    %get3A_3626 = arith.constant 9728 : index
    %get3A_3627 = vector.load %arg1[%get3A_3624, %get3A_3625, %get3A_3626] : memref<3x8x16384xf32, #tpu.memory_space<vmem>>, vector<1x8x512xf32>
    %get3A_3628 = vector.shape_cast %get3A_3627 : vector<1x8x512xf32> to vector<8x512xf32>
    %get3A_3629 = arith.constant 1 : index
    %get3A_3630 = arith.constant 0 : index
    %get3A_3631 = arith.constant 9728 : index
    %get3A_3632 = vector.load %arg1[%get3A_3629, %get3A_3630, %get3A_3631] : memref<3x8x16384xf32, #tpu.memory_space<vmem>>, vector<1x8x512xf32>
    %get3A_3633 = vector.shape_cast %get3A_3632 : vector<1x8x512xf32> to vector<8x512xf32>
    %get3A_3634 = arith.constant 2 : index
    %get3A_3635 = arith.constant 0 : index
    %get3A_3636 = arith.constant 9728 : index
    %get3A_3637 = vector.load %arg1[%get3A_3634, %get3A_3635, %get3A_3636] : memref<3x8x16384xf32, #tpu.memory_space<vmem>>, vector<1x8x512xf32>
    %get3A_3638 = vector.shape_cast %get3A_3637 : vector<1x8x512xf32> to vector<8x512xf32>
    %sub3A_3639 = vector.broadcast %get3A_2824 : vector<8x1xf32> to vector<8x512xf32>
    %sub3A_3640 = arith.subf %get3A_3628, %sub3A_3639 : vector<8x512xf32>
    %sub3A_3641 = vector.broadcast %get3A_2829 : vector<8x1xf32> to vector<8x512xf32>
    %sub3A_3642 = arith.subf %get3A_3633, %sub3A_3641 : vector<8x512xf32>
    %sub3A_3643 = vector.broadcast %get3A_2834 : vector<8x1xf32> to vector<8x512xf32>
    %sub3A_3644 = arith.subf %get3A_3638, %sub3A_3643 : vector<8x512xf32>
    %mul3A_3645 = arith.mulf %sub3A_3640, %sub3A_3640 : vector<8x512xf32>
    %mul3A_3646 = arith.mulf %sub3A_3644, %sub3A_3644 : vector<8x512xf32>
    %add3A_3647 = arith.addf %mul3A_3645, %mul3A_3646 : vector<8x512xf32>
    %mul3A_3648 = arith.mulf %sub3A_3642, %sub3A_3642 : vector<8x512xf32>
    %add3A_3649 = arith.addf %add3A_3647, %mul3A_3648 : vector<8x512xf32>
    %get3A_3650 = arith.constant 0 : index
    %get3A_3651 = arith.constant 9728 : index
    %get3A_3652 = vector.load %arg5[%get3A_3650, %get3A_3651] : memref<8x16384xf32, #tpu.memory_space<vmem>>, vector<8x512xf32>
    %min3A_3653 = arith.minimumf %get3A_3652, %add3A_3649 : vector<8x512xf32>
    %swap3A_3654 = arith.constant 0 : index
    %swap3A_3655 = arith.constant 9728 : index
    %swap3A_3656 = vector.load %arg5[%swap3A_3654, %swap3A_3655] : memref<8x16384xf32, #tpu.memory_space<vmem>>, vector<8x512xf32>
    tpu.vector_store %arg5[%swap3A_3654, %swap3A_3655], %min3A_3653 {strides = array<i32>} : memref<8x16384xf32, #tpu.memory_space<vmem>>, vector<8x512xf32>,
    %add3A_3657 = arith.constant 9728 : i32
    %add3A_3658 = vector.broadcast %add3A_3657 : i32 to vector<8x512xi32>
    %add3A_3659 = arith.addi %iota3A, %add3A_3658 : vector<8x512xi32>
    %gt3A_3660 = arith.cmpf ogt, %min3A_3653, %select_n3A_3619 : vector<8x512xf32>
    %select_n3A_3661 = arith.select %gt3A_3660, %min3A_3653, %select_n3A_3619 : vector<8x512xi1>, vector<8x512xf32>
    %select_n3A_3662 = arith.select %gt3A_3660, %add3A_3659, %select_n3A_3620 : vector<8x512xi1>, vector<8x512xi32>
    %select_n3A_3663 = arith.select %gt3A_3660, %get3A_3628, %select_n3A_3621 : vector<8x512xi1>, vector<8x512xf32>
    %select_n3A_3664 = arith.select %gt3A_3660, %get3A_3633, %select_n3A_3622 : vector<8x512xi1>, vector<8x512xf32>
    %select_n3A_3665 = arith.select %gt3A_3660, %get3A_3638, %select_n3A_3623 : vector<8x512xi1>, vector<8x512xf32>
    %get3A_3666 = arith.constant 0 : index
    %get3A_3667 = arith.constant 0 : index
    %get3A_3668 = arith.constant 10240 : index
    %get3A_3669 = vector.load %arg1[%get3A_3666, %get3A_3667, %get3A_3668] : memref<3x8x16384xf32, #tpu.memory_space<vmem>>, vector<1x8x512xf32>
    %get3A_3670 = vector.shape_cast %get3A_3669 : vector<1x8x512xf32> to vector<8x512xf32>
    %get3A_3671 = arith.constant 1 : index
    %get3A_3672 = arith.constant 0 : index
    %get3A_3673 = arith.constant 10240 : index
    %get3A_3674 = vector.load %arg1[%get3A_3671, %get3A_3672, %get3A_3673] : memref<3x8x16384xf32, #tpu.memory_space<vmem>>, vector<1x8x512xf32>
    %get3A_3675 = vector.shape_cast %get3A_3674 : vector<1x8x512xf32> to vector<8x512xf32>
    %get3A_3676 = arith.constant 2 : index
    %get3A_3677 = arith.constant 0 : index
    %get3A_3678 = arith.constant 10240 : index
    %get3A_3679 = vector.load %arg1[%get3A_3676, %get3A_3677, %get3A_3678] : memref<3x8x16384xf32, #tpu.memory_space<vmem>>, vector<1x8x512xf32>
    %get3A_3680 = vector.shape_cast %get3A_3679 : vector<1x8x512xf32> to vector<8x512xf32>
    %sub3A_3681 = vector.broadcast %get3A_2824 : vector<8x1xf32> to vector<8x512xf32>
    %sub3A_3682 = arith.subf %get3A_3670, %sub3A_3681 : vector<8x512xf32>
    %sub3A_3683 = vector.broadcast %get3A_2829 : vector<8x1xf32> to vector<8x512xf32>
    %sub3A_3684 = arith.subf %get3A_3675, %sub3A_3683 : vector<8x512xf32>
    %sub3A_3685 = vector.broadcast %get3A_2834 : vector<8x1xf32> to vector<8x512xf32>
    %sub3A_3686 = arith.subf %get3A_3680, %sub3A_3685 : vector<8x512xf32>
    %mul3A_3687 = arith.mulf %sub3A_3682, %sub3A_3682 : vector<8x512xf32>
    %mul3A_3688 = arith.mulf %sub3A_3686, %sub3A_3686 : vector<8x512xf32>
    %add3A_3689 = arith.addf %mul3A_3687, %mul3A_3688 : vector<8x512xf32>
    %mul3A_3690 = arith.mulf %sub3A_3684, %sub3A_3684 : vector<8x512xf32>
    %add3A_3691 = arith.addf %add3A_3689, %mul3A_3690 : vector<8x512xf32>
    %get3A_3692 = arith.constant 0 : index
    %get3A_3693 = arith.constant 10240 : index
    %get3A_3694 = vector.load %arg5[%get3A_3692, %get3A_3693] : memref<8x16384xf32, #tpu.memory_space<vmem>>, vector<8x512xf32>
    %min3A_3695 = arith.minimumf %get3A_3694, %add3A_3691 : vector<8x512xf32>
    %swap3A_3696 = arith.constant 0 : index
    %swap3A_3697 = arith.constant 10240 : index
    %swap3A_3698 = vector.load %arg5[%swap3A_3696, %swap3A_3697] : memref<8x16384xf32, #tpu.memory_space<vmem>>, vector<8x512xf32>
    tpu.vector_store %arg5[%swap3A_3696, %swap3A_3697], %min3A_3695 {strides = array<i32>} : memref<8x16384xf32, #tpu.memory_space<vmem>>, vector<8x512xf32>,
    %add3A_3699 = arith.constant 10240 : i32
    %add3A_3700 = vector.broadcast %add3A_3699 : i32 to vector<8x512xi32>
    %add3A_3701 = arith.addi %iota3A, %add3A_3700 : vector<8x512xi32>
    %gt3A_3702 = arith.cmpf ogt, %min3A_3695, %select_n3A_3661 : vector<8x512xf32>
    %select_n3A_3703 = arith.select %gt3A_3702, %min3A_3695, %select_n3A_3661 : vector<8x512xi1>, vector<8x512xf32>
    %select_n3A_3704 = arith.select %gt3A_3702, %add3A_3701, %select_n3A_3662 : vector<8x512xi1>, vector<8x512xi32>
    %select_n3A_3705 = arith.select %gt3A_3702, %get3A_3670, %select_n3A_3663 : vector<8x512xi1>, vector<8x512xf32>
    %select_n3A_3706 = arith.select %gt3A_3702, %get3A_3675, %select_n3A_3664 : vector<8x512xi1>, vector<8x512xf32>
    %select_n3A_3707 = arith.select %gt3A_3702, %get3A_3680, %select_n3A_3665 : vector<8x512xi1>, vector<8x512xf32>
    %get3A_3708 = arith.constant 0 : index
    %get3A_3709 = arith.constant 0 : index
    %get3A_3710 = arith.constant 10752 : index
    %get3A_3711 = vector.load %arg1[%get3A_3708, %get3A_3709, %get3A_3710] : memref<3x8x16384xf32, #tpu.memory_space<vmem>>, vector<1x8x512xf32>
    %get3A_3712 = vector.shape_cast %get3A_3711 : vector<1x8x512xf32> to vector<8x512xf32>
    %get3A_3713 = arith.constant 1 : index
    %get3A_3714 = arith.constant 0 : index
    %get3A_3715 = arith.constant 10752 : index
    %get3A_3716 = vector.load %arg1[%get3A_3713, %get3A_3714, %get3A_3715] : memref<3x8x16384xf32, #tpu.memory_space<vmem>>, vector<1x8x512xf32>
    %get3A_3717 = vector.shape_cast %get3A_3716 : vector<1x8x512xf32> to vector<8x512xf32>
    %get3A_3718 = arith.constant 2 : index
    %get3A_3719 = arith.constant 0 : index
    %get3A_3720 = arith.constant 10752 : index
    %get3A_3721 = vector.load %arg1[%get3A_3718, %get3A_3719, %get3A_3720] : memref<3x8x16384xf32, #tpu.memory_space<vmem>>, vector<1x8x512xf32>
    %get3A_3722 = vector.shape_cast %get3A_3721 : vector<1x8x512xf32> to vector<8x512xf32>
    %sub3A_3723 = vector.broadcast %get3A_2824 : vector<8x1xf32> to vector<8x512xf32>
    %sub3A_3724 = arith.subf %get3A_3712, %sub3A_3723 : vector<8x512xf32>
    %sub3A_3725 = vector.broadcast %get3A_2829 : vector<8x1xf32> to vector<8x512xf32>
    %sub3A_3726 = arith.subf %get3A_3717, %sub3A_3725 : vector<8x512xf32>
    %sub3A_3727 = vector.broadcast %get3A_2834 : vector<8x1xf32> to vector<8x512xf32>
    %sub3A_3728 = arith.subf %get3A_3722, %sub3A_3727 : vector<8x512xf32>
    %mul3A_3729 = arith.mulf %sub3A_3724, %sub3A_3724 : vector<8x512xf32>
    %mul3A_3730 = arith.mulf %sub3A_3728, %sub3A_3728 : vector<8x512xf32>
    %add3A_3731 = arith.addf %mul3A_3729, %mul3A_3730 : vector<8x512xf32>
    %mul3A_3732 = arith.mulf %sub3A_3726, %sub3A_3726 : vector<8x512xf32>
    %add3A_3733 = arith.addf %add3A_3731, %mul3A_3732 : vector<8x512xf32>
    %get3A_3734 = arith.constant 0 : index
    %get3A_3735 = arith.constant 10752 : index
    %get3A_3736 = vector.load %arg5[%get3A_3734, %get3A_3735] : memref<8x16384xf32, #tpu.memory_space<vmem>>, vector<8x512xf32>
    %min3A_3737 = arith.minimumf %get3A_3736, %add3A_3733 : vector<8x512xf32>
    %swap3A_3738 = arith.constant 0 : index
    %swap3A_3739 = arith.constant 10752 : index
    %swap3A_3740 = vector.load %arg5[%swap3A_3738, %swap3A_3739] : memref<8x16384xf32, #tpu.memory_space<vmem>>, vector<8x512xf32>
    tpu.vector_store %arg5[%swap3A_3738, %swap3A_3739], %min3A_3737 {strides = array<i32>} : memref<8x16384xf32, #tpu.memory_space<vmem>>, vector<8x512xf32>,
    %add3A_3741 = arith.constant 10752 : i32
    %add3A_3742 = vector.broadcast %add3A_3741 : i32 to vector<8x512xi32>
    %add3A_3743 = arith.addi %iota3A, %add3A_3742 : vector<8x512xi32>
    %gt3A_3744 = arith.cmpf ogt, %min3A_3737, %select_n3A_3703 : vector<8x512xf32>
    %select_n3A_3745 = arith.select %gt3A_3744, %min3A_3737, %select_n3A_3703 : vector<8x512xi1>, vector<8x512xf32>
    %select_n3A_3746 = arith.select %gt3A_3744, %add3A_3743, %select_n3A_3704 : vector<8x512xi1>, vector<8x512xi32>
    %select_n3A_3747 = arith.select %gt3A_3744, %get3A_3712, %select_n3A_3705 : vector<8x512xi1>, vector<8x512xf32>
    %select_n3A_3748 = arith.select %gt3A_3744, %get3A_3717, %select_n3A_3706 : vector<8x512xi1>, vector<8x512xf32>
    %select_n3A_3749 = arith.select %gt3A_3744, %get3A_3722, %select_n3A_3707 : vector<8x512xi1>, vector<8x512xf32>
    %get3A_3750 = arith.constant 0 : index
    %get3A_3751 = arith.constant 0 : index
    %get3A_3752 = arith.constant 11264 : index
    %get3A_3753 = vector.load %arg1[%get3A_3750, %get3A_3751, %get3A_3752] : memref<3x8x16384xf32, #tpu.memory_space<vmem>>, vector<1x8x512xf32>
    %get3A_3754 = vector.shape_cast %get3A_3753 : vector<1x8x512xf32> to vector<8x512xf32>
    %get3A_3755 = arith.constant 1 : index
    %get3A_3756 = arith.constant 0 : index
    %get3A_3757 = arith.constant 11264 : index
    %get3A_3758 = vector.load %arg1[%get3A_3755, %get3A_3756, %get3A_3757] : memref<3x8x16384xf32, #tpu.memory_space<vmem>>, vector<1x8x512xf32>
    %get3A_3759 = vector.shape_cast %get3A_3758 : vector<1x8x512xf32> to vector<8x512xf32>
    %get3A_3760 = arith.constant 2 : index
    %get3A_3761 = arith.constant 0 : index
    %get3A_3762 = arith.constant 11264 : index
    %get3A_3763 = vector.load %arg1[%get3A_3760, %get3A_3761, %get3A_3762] : memref<3x8x16384xf32, #tpu.memory_space<vmem>>, vector<1x8x512xf32>
    %get3A_3764 = vector.shape_cast %get3A_3763 : vector<1x8x512xf32> to vector<8x512xf32>
    %sub3A_3765 = vector.broadcast %get3A_2824 : vector<8x1xf32> to vector<8x512xf32>
    %sub3A_3766 = arith.subf %get3A_3754, %sub3A_3765 : vector<8x512xf32>
    %sub3A_3767 = vector.broadcast %get3A_2829 : vector<8x1xf32> to vector<8x512xf32>
    %sub3A_3768 = arith.subf %get3A_3759, %sub3A_3767 : vector<8x512xf32>
    %sub3A_3769 = vector.broadcast %get3A_2834 : vector<8x1xf32> to vector<8x512xf32>
    %sub3A_3770 = arith.subf %get3A_3764, %sub3A_3769 : vector<8x512xf32>
    %mul3A_3771 = arith.mulf %sub3A_3766, %sub3A_3766 : vector<8x512xf32>
    %mul3A_3772 = arith.mulf %sub3A_3770, %sub3A_3770 : vector<8x512xf32>
    %add3A_3773 = arith.addf %mul3A_3771, %mul3A_3772 : vector<8x512xf32>
    %mul3A_3774 = arith.mulf %sub3A_3768, %sub3A_3768 : vector<8x512xf32>
    %add3A_3775 = arith.addf %add3A_3773, %mul3A_3774 : vector<8x512xf32>
    %get3A_3776 = arith.constant 0 : index
    %get3A_3777 = arith.constant 11264 : index
    %get3A_3778 = vector.load %arg5[%get3A_3776, %get3A_3777] : memref<8x16384xf32, #tpu.memory_space<vmem>>, vector<8x512xf32>
    %min3A_3779 = arith.minimumf %get3A_3778, %add3A_3775 : vector<8x512xf32>
    %swap3A_3780 = arith.constant 0 : index
    %swap3A_3781 = arith.constant 11264 : index
    %swap3A_3782 = vector.load %arg5[%swap3A_3780, %swap3A_3781] : memref<8x16384xf32, #tpu.memory_space<vmem>>, vector<8x512xf32>
    tpu.vector_store %arg5[%swap3A_3780, %swap3A_3781], %min3A_3779 {strides = array<i32>} : memref<8x16384xf32, #tpu.memory_space<vmem>>, vector<8x512xf32>,
    %add3A_3783 = arith.constant 11264 : i32
    %add3A_3784 = vector.broadcast %add3A_3783 : i32 to vector<8x512xi32>
    %add3A_3785 = arith.addi %iota3A, %add3A_3784 : vector<8x512xi32>
    %gt3A_3786 = arith.cmpf ogt, %min3A_3779, %select_n3A_3745 : vector<8x512xf32>
    %select_n3A_3787 = arith.select %gt3A_3786, %min3A_3779, %select_n3A_3745 : vector<8x512xi1>, vector<8x512xf32>
    %select_n3A_3788 = arith.select %gt3A_3786, %add3A_3785, %select_n3A_3746 : vector<8x512xi1>, vector<8x512xi32>
    %select_n3A_3789 = arith.select %gt3A_3786, %get3A_3754, %select_n3A_3747 : vector<8x512xi1>, vector<8x512xf32>
    %select_n3A_3790 = arith.select %gt3A_3786, %get3A_3759, %select_n3A_3748 : vector<8x512xi1>, vector<8x512xf32>
    %select_n3A_3791 = arith.select %gt3A_3786, %get3A_3764, %select_n3A_3749 : vector<8x512xi1>, vector<8x512xf32>
    %get3A_3792 = arith.constant 0 : index
    %get3A_3793 = arith.constant 0 : index
    %get3A_3794 = arith.constant 11776 : index
    %get3A_3795 = vector.load %arg1[%get3A_3792, %get3A_3793, %get3A_3794] : memref<3x8x16384xf32, #tpu.memory_space<vmem>>, vector<1x8x512xf32>
    %get3A_3796 = vector.shape_cast %get3A_3795 : vector<1x8x512xf32> to vector<8x512xf32>
    %get3A_3797 = arith.constant 1 : index
    %get3A_3798 = arith.constant 0 : index
    %get3A_3799 = arith.constant 11776 : index
    %get3A_3800 = vector.load %arg1[%get3A_3797, %get3A_3798, %get3A_3799] : memref<3x8x16384xf32, #tpu.memory_space<vmem>>, vector<1x8x512xf32>
    %get3A_3801 = vector.shape_cast %get3A_3800 : vector<1x8x512xf32> to vector<8x512xf32>
    %get3A_3802 = arith.constant 2 : index
    %get3A_3803 = arith.constant 0 : index
    %get3A_3804 = arith.constant 11776 : index
    %get3A_3805 = vector.load %arg1[%get3A_3802, %get3A_3803, %get3A_3804] : memref<3x8x16384xf32, #tpu.memory_space<vmem>>, vector<1x8x512xf32>
    %get3A_3806 = vector.shape_cast %get3A_3805 : vector<1x8x512xf32> to vector<8x512xf32>
    %sub3A_3807 = vector.broadcast %get3A_2824 : vector<8x1xf32> to vector<8x512xf32>
    %sub3A_3808 = arith.subf %get3A_3796, %sub3A_3807 : vector<8x512xf32>
    %sub3A_3809 = vector.broadcast %get3A_2829 : vector<8x1xf32> to vector<8x512xf32>
    %sub3A_3810 = arith.subf %get3A_3801, %sub3A_3809 : vector<8x512xf32>
    %sub3A_3811 = vector.broadcast %get3A_2834 : vector<8x1xf32> to vector<8x512xf32>
    %sub3A_3812 = arith.subf %get3A_3806, %sub3A_3811 : vector<8x512xf32>
    %mul3A_3813 = arith.mulf %sub3A_3808, %sub3A_3808 : vector<8x512xf32>
    %mul3A_3814 = arith.mulf %sub3A_3812, %sub3A_3812 : vector<8x512xf32>
    %add3A_3815 = arith.addf %mul3A_3813, %mul3A_3814 : vector<8x512xf32>
    %mul3A_3816 = arith.mulf %sub3A_3810, %sub3A_3810 : vector<8x512xf32>
    %add3A_3817 = arith.addf %add3A_3815, %mul3A_3816 : vector<8x512xf32>
    %get3A_3818 = arith.constant 0 : index
    %get3A_3819 = arith.constant 11776 : index
    %get3A_3820 = vector.load %arg5[%get3A_3818, %get3A_3819] : memref<8x16384xf32, #tpu.memory_space<vmem>>, vector<8x512xf32>
    %min3A_3821 = arith.minimumf %get3A_3820, %add3A_3817 : vector<8x512xf32>
    %swap3A_3822 = arith.constant 0 : index
    %swap3A_3823 = arith.constant 11776 : index
    %swap3A_3824 = vector.load %arg5[%swap3A_3822, %swap3A_3823] : memref<8x16384xf32, #tpu.memory_space<vmem>>, vector<8x512xf32>
    tpu.vector_store %arg5[%swap3A_3822, %swap3A_3823], %min3A_3821 {strides = array<i32>} : memref<8x16384xf32, #tpu.memory_space<vmem>>, vector<8x512xf32>,
    %add3A_3825 = arith.constant 11776 : i32
    %add3A_3826 = vector.broadcast %add3A_3825 : i32 to vector<8x512xi32>
    %add3A_3827 = arith.addi %iota3A, %add3A_3826 : vector<8x512xi32>
    %gt3A_3828 = arith.cmpf ogt, %min3A_3821, %select_n3A_3787 : vector<8x512xf32>
    %select_n3A_3829 = arith.select %gt3A_3828, %min3A_3821, %select_n3A_3787 : vector<8x512xi1>, vector<8x512xf32>
    %select_n3A_3830 = arith.select %gt3A_3828, %add3A_3827, %select_n3A_3788 : vector<8x512xi1>, vector<8x512xi32>
    %select_n3A_3831 = arith.select %gt3A_3828, %get3A_3796, %select_n3A_3789 : vector<8x512xi1>, vector<8x512xf32>
    %select_n3A_3832 = arith.select %gt3A_3828, %get3A_3801, %select_n3A_3790 : vector<8x512xi1>, vector<8x512xf32>
    %select_n3A_3833 = arith.select %gt3A_3828, %get3A_3806, %select_n3A_3791 : vector<8x512xi1>, vector<8x512xf32>
    %get3A_3834 = arith.constant 0 : index
    %get3A_3835 = arith.constant 0 : index
    %get3A_3836 = arith.constant 12288 : index
    %get3A_3837 = vector.load %arg1[%get3A_3834, %get3A_3835, %get3A_3836] : memref<3x8x16384xf32, #tpu.memory_space<vmem>>, vector<1x8x512xf32>
    %get3A_3838 = vector.shape_cast %get3A_3837 : vector<1x8x512xf32> to vector<8x512xf32>
    %get3A_3839 = arith.constant 1 : index
    %get3A_3840 = arith.constant 0 : index
    %get3A_3841 = arith.constant 12288 : index
    %get3A_3842 = vector.load %arg1[%get3A_3839, %get3A_3840, %get3A_3841] : memref<3x8x16384xf32, #tpu.memory_space<vmem>>, vector<1x8x512xf32>
    %get3A_3843 = vector.shape_cast %get3A_3842 : vector<1x8x512xf32> to vector<8x512xf32>
    %get3A_3844 = arith.constant 2 : index
    %get3A_3845 = arith.constant 0 : index
    %get3A_3846 = arith.constant 12288 : index
    %get3A_3847 = vector.load %arg1[%get3A_3844, %get3A_3845, %get3A_3846] : memref<3x8x16384xf32, #tpu.memory_space<vmem>>, vector<1x8x512xf32>
    %get3A_3848 = vector.shape_cast %get3A_3847 : vector<1x8x512xf32> to vector<8x512xf32>
    %sub3A_3849 = vector.broadcast %get3A_2824 : vector<8x1xf32> to vector<8x512xf32>
    %sub3A_3850 = arith.subf %get3A_3838, %sub3A_3849 : vector<8x512xf32>
    %sub3A_3851 = vector.broadcast %get3A_2829 : vector<8x1xf32> to vector<8x512xf32>
    %sub3A_3852 = arith.subf %get3A_3843, %sub3A_3851 : vector<8x512xf32>
    %sub3A_3853 = vector.broadcast %get3A_2834 : vector<8x1xf32> to vector<8x512xf32>
    %sub3A_3854 = arith.subf %get3A_3848, %sub3A_3853 : vector<8x512xf32>
    %mul3A_3855 = arith.mulf %sub3A_3850, %sub3A_3850 : vector<8x512xf32>
    %mul3A_3856 = arith.mulf %sub3A_3854, %sub3A_3854 : vector<8x512xf32>
    %add3A_3857 = arith.addf %mul3A_3855, %mul3A_3856 : vector<8x512xf32>
    %mul3A_3858 = arith.mulf %sub3A_3852, %sub3A_3852 : vector<8x512xf32>
    %add3A_3859 = arith.addf %add3A_3857, %mul3A_3858 : vector<8x512xf32>
    %get3A_3860 = arith.constant 0 : index
    %get3A_3861 = arith.constant 12288 : index
    %get3A_3862 = vector.load %arg5[%get3A_3860, %get3A_3861] : memref<8x16384xf32, #tpu.memory_space<vmem>>, vector<8x512xf32>
    %min3A_3863 = arith.minimumf %get3A_3862, %add3A_3859 : vector<8x512xf32>
    %swap3A_3864 = arith.constant 0 : index
    %swap3A_3865 = arith.constant 12288 : index
    %swap3A_3866 = vector.load %arg5[%swap3A_3864, %swap3A_3865] : memref<8x16384xf32, #tpu.memory_space<vmem>>, vector<8x512xf32>
    tpu.vector_store %arg5[%swap3A_3864, %swap3A_3865], %min3A_3863 {strides = array<i32>} : memref<8x16384xf32, #tpu.memory_space<vmem>>, vector<8x512xf32>,
    %add3A_3867 = arith.constant 12288 : i32
    %add3A_3868 = vector.broadcast %add3A_3867 : i32 to vector<8x512xi32>
    %add3A_3869 = arith.addi %iota3A, %add3A_3868 : vector<8x512xi32>
    %gt3A_3870 = arith.cmpf ogt, %min3A_3863, %select_n3A_3829 : vector<8x512xf32>
    %select_n3A_3871 = arith.select %gt3A_3870, %min3A_3863, %select_n3A_3829 : vector<8x512xi1>, vector<8x512xf32>
    %select_n3A_3872 = arith.select %gt3A_3870, %add3A_3869, %select_n3A_3830 : vector<8x512xi1>, vector<8x512xi32>
    %select_n3A_3873 = arith.select %gt3A_3870, %get3A_3838, %select_n3A_3831 : vector<8x512xi1>, vector<8x512xf32>
    %select_n3A_3874 = arith.select %gt3A_3870, %get3A_3843, %select_n3A_3832 : vector<8x512xi1>, vector<8x512xf32>
    %select_n3A_3875 = arith.select %gt3A_3870, %get3A_3848, %select_n3A_3833 : vector<8x512xi1>, vector<8x512xf32>
    %get3A_3876 = arith.constant 0 : index
    %get3A_3877 = arith.constant 0 : index
    %get3A_3878 = arith.constant 12800 : index
    %get3A_3879 = vector.load %arg1[%get3A_3876, %get3A_3877, %get3A_3878] : memref<3x8x16384xf32, #tpu.memory_space<vmem>>, vector<1x8x512xf32>
    %get3A_3880 = vector.shape_cast %get3A_3879 : vector<1x8x512xf32> to vector<8x512xf32>
    %get3A_3881 = arith.constant 1 : index
    %get3A_3882 = arith.constant 0 : index
    %get3A_3883 = arith.constant 12800 : index
    %get3A_3884 = vector.load %arg1[%get3A_3881, %get3A_3882, %get3A_3883] : memref<3x8x16384xf32, #tpu.memory_space<vmem>>, vector<1x8x512xf32>
    %get3A_3885 = vector.shape_cast %get3A_3884 : vector<1x8x512xf32> to vector<8x512xf32>
    %get3A_3886 = arith.constant 2 : index
    %get3A_3887 = arith.constant 0 : index
    %get3A_3888 = arith.constant 12800 : index
    %get3A_3889 = vector.load %arg1[%get3A_3886, %get3A_3887, %get3A_3888] : memref<3x8x16384xf32, #tpu.memory_space<vmem>>, vector<1x8x512xf32>
    %get3A_3890 = vector.shape_cast %get3A_3889 : vector<1x8x512xf32> to vector<8x512xf32>
    %sub3A_3891 = vector.broadcast %get3A_2824 : vector<8x1xf32> to vector<8x512xf32>
    %sub3A_3892 = arith.subf %get3A_3880, %sub3A_3891 : vector<8x512xf32>
    %sub3A_3893 = vector.broadcast %get3A_2829 : vector<8x1xf32> to vector<8x512xf32>
    %sub3A_3894 = arith.subf %get3A_3885, %sub3A_3893 : vector<8x512xf32>
    %sub3A_3895 = vector.broadcast %get3A_2834 : vector<8x1xf32> to vector<8x512xf32>
    %sub3A_3896 = arith.subf %get3A_3890, %sub3A_3895 : vector<8x512xf32>
    %mul3A_3897 = arith.mulf %sub3A_3892, %sub3A_3892 : vector<8x512xf32>
    %mul3A_3898 = arith.mulf %sub3A_3896, %sub3A_3896 : vector<8x512xf32>
    %add3A_3899 = arith.addf %mul3A_3897, %mul3A_3898 : vector<8x512xf32>
    %mul3A_3900 = arith.mulf %sub3A_3894, %sub3A_3894 : vector<8x512xf32>
    %add3A_3901 = arith.addf %add3A_3899, %mul3A_3900 : vector<8x512xf32>
    %get3A_3902 = arith.constant 0 : index
    %get3A_3903 = arith.constant 12800 : index
    %get3A_3904 = vector.load %arg5[%get3A_3902, %get3A_3903] : memref<8x16384xf32, #tpu.memory_space<vmem>>, vector<8x512xf32>
    %min3A_3905 = arith.minimumf %get3A_3904, %add3A_3901 : vector<8x512xf32>
    %swap3A_3906 = arith.constant 0 : index
    %swap3A_3907 = arith.constant 12800 : index
    %swap3A_3908 = vector.load %arg5[%swap3A_3906, %swap3A_3907] : memref<8x16384xf32, #tpu.memory_space<vmem>>, vector<8x512xf32>
    tpu.vector_store %arg5[%swap3A_3906, %swap3A_3907], %min3A_3905 {strides = array<i32>} : memref<8x16384xf32, #tpu.memory_space<vmem>>, vector<8x512xf32>,
    %add3A_3909 = arith.constant 12800 : i32
    %add3A_3910 = vector.broadcast %add3A_3909 : i32 to vector<8x512xi32>
    %add3A_3911 = arith.addi %iota3A, %add3A_3910 : vector<8x512xi32>
    %gt3A_3912 = arith.cmpf ogt, %min3A_3905, %select_n3A_3871 : vector<8x512xf32>
    %select_n3A_3913 = arith.select %gt3A_3912, %min3A_3905, %select_n3A_3871 : vector<8x512xi1>, vector<8x512xf32>
    %select_n3A_3914 = arith.select %gt3A_3912, %add3A_3911, %select_n3A_3872 : vector<8x512xi1>, vector<8x512xi32>
    %select_n3A_3915 = arith.select %gt3A_3912, %get3A_3880, %select_n3A_3873 : vector<8x512xi1>, vector<8x512xf32>
    %select_n3A_3916 = arith.select %gt3A_3912, %get3A_3885, %select_n3A_3874 : vector<8x512xi1>, vector<8x512xf32>
    %select_n3A_3917 = arith.select %gt3A_3912, %get3A_3890, %select_n3A_3875 : vector<8x512xi1>, vector<8x512xf32>
    %get3A_3918 = arith.constant 0 : index
    %get3A_3919 = arith.constant 0 : index
    %get3A_3920 = arith.constant 13312 : index
    %get3A_3921 = vector.load %arg1[%get3A_3918, %get3A_3919, %get3A_3920] : memref<3x8x16384xf32, #tpu.memory_space<vmem>>, vector<1x8x512xf32>
    %get3A_3922 = vector.shape_cast %get3A_3921 : vector<1x8x512xf32> to vector<8x512xf32>
    %get3A_3923 = arith.constant 1 : index
    %get3A_3924 = arith.constant 0 : index
    %get3A_3925 = arith.constant 13312 : index
    %get3A_3926 = vector.load %arg1[%get3A_3923, %get3A_3924, %get3A_3925] : memref<3x8x16384xf32, #tpu.memory_space<vmem>>, vector<1x8x512xf32>
    %get3A_3927 = vector.shape_cast %get3A_3926 : vector<1x8x512xf32> to vector<8x512xf32>
    %get3A_3928 = arith.constant 2 : index
    %get3A_3929 = arith.constant 0 : index
    %get3A_3930 = arith.constant 13312 : index
    %get3A_3931 = vector.load %arg1[%get3A_3928, %get3A_3929, %get3A_3930] : memref<3x8x16384xf32, #tpu.memory_space<vmem>>, vector<1x8x512xf32>
    %get3A_3932 = vector.shape_cast %get3A_3931 : vector<1x8x512xf32> to vector<8x512xf32>
    %sub3A_3933 = vector.broadcast %get3A_2824 : vector<8x1xf32> to vector<8x512xf32>
    %sub3A_3934 = arith.subf %get3A_3922, %sub3A_3933 : vector<8x512xf32>
    %sub3A_3935 = vector.broadcast %get3A_2829 : vector<8x1xf32> to vector<8x512xf32>
    %sub3A_3936 = arith.subf %get3A_3927, %sub3A_3935 : vector<8x512xf32>
    %sub3A_3937 = vector.broadcast %get3A_2834 : vector<8x1xf32> to vector<8x512xf32>
    %sub3A_3938 = arith.subf %get3A_3932, %sub3A_3937 : vector<8x512xf32>
    %mul3A_3939 = arith.mulf %sub3A_3934, %sub3A_3934 : vector<8x512xf32>
    %mul3A_3940 = arith.mulf %sub3A_3938, %sub3A_3938 : vector<8x512xf32>
    %add3A_3941 = arith.addf %mul3A_3939, %mul3A_3940 : vector<8x512xf32>
    %mul3A_3942 = arith.mulf %sub3A_3936, %sub3A_3936 : vector<8x512xf32>
    %add3A_3943 = arith.addf %add3A_3941, %mul3A_3942 : vector<8x512xf32>
    %get3A_3944 = arith.constant 0 : index
    %get3A_3945 = arith.constant 13312 : index
    %get3A_3946 = vector.load %arg5[%get3A_3944, %get3A_3945] : memref<8x16384xf32, #tpu.memory_space<vmem>>, vector<8x512xf32>
    %min3A_3947 = arith.minimumf %get3A_3946, %add3A_3943 : vector<8x512xf32>
    %swap3A_3948 = arith.constant 0 : index
    %swap3A_3949 = arith.constant 13312 : index
    %swap3A_3950 = vector.load %arg5[%swap3A_3948, %swap3A_3949] : memref<8x16384xf32, #tpu.memory_space<vmem>>, vector<8x512xf32>
    tpu.vector_store %arg5[%swap3A_3948, %swap3A_3949], %min3A_3947 {strides = array<i32>} : memref<8x16384xf32, #tpu.memory_space<vmem>>, vector<8x512xf32>,
    %add3A_3951 = arith.constant 13312 : i32
    %add3A_3952 = vector.broadcast %add3A_3951 : i32 to vector<8x512xi32>
    %add3A_3953 = arith.addi %iota3A, %add3A_3952 : vector<8x512xi32>
    %gt3A_3954 = arith.cmpf ogt, %min3A_3947, %select_n3A_3913 : vector<8x512xf32>
    %select_n3A_3955 = arith.select %gt3A_3954, %min3A_3947, %select_n3A_3913 : vector<8x512xi1>, vector<8x512xf32>
    %select_n3A_3956 = arith.select %gt3A_3954, %add3A_3953, %select_n3A_3914 : vector<8x512xi1>, vector<8x512xi32>
    %select_n3A_3957 = arith.select %gt3A_3954, %get3A_3922, %select_n3A_3915 : vector<8x512xi1>, vector<8x512xf32>
    %select_n3A_3958 = arith.select %gt3A_3954, %get3A_3927, %select_n3A_3916 : vector<8x512xi1>, vector<8x512xf32>
    %select_n3A_3959 = arith.select %gt3A_3954, %get3A_3932, %select_n3A_3917 : vector<8x512xi1>, vector<8x512xf32>
    %get3A_3960 = arith.constant 0 : index
    %get3A_3961 = arith.constant 0 : index
    %get3A_3962 = arith.constant 13824 : index
    %get3A_3963 = vector.load %arg1[%get3A_3960, %get3A_3961, %get3A_3962] : memref<3x8x16384xf32, #tpu.memory_space<vmem>>, vector<1x8x512xf32>
    %get3A_3964 = vector.shape_cast %get3A_3963 : vector<1x8x512xf32> to vector<8x512xf32>
    %get3A_3965 = arith.constant 1 : index
    %get3A_3966 = arith.constant 0 : index
    %get3A_3967 = arith.constant 13824 : index
    %get3A_3968 = vector.load %arg1[%get3A_3965, %get3A_3966, %get3A_3967] : memref<3x8x16384xf32, #tpu.memory_space<vmem>>, vector<1x8x512xf32>
    %get3A_3969 = vector.shape_cast %get3A_3968 : vector<1x8x512xf32> to vector<8x512xf32>
    %get3A_3970 = arith.constant 2 : index
    %get3A_3971 = arith.constant 0 : index
    %get3A_3972 = arith.constant 13824 : index
    %get3A_3973 = vector.load %arg1[%get3A_3970, %get3A_3971, %get3A_3972] : memref<3x8x16384xf32, #tpu.memory_space<vmem>>, vector<1x8x512xf32>
    %get3A_3974 = vector.shape_cast %get3A_3973 : vector<1x8x512xf32> to vector<8x512xf32>
    %sub3A_3975 = vector.broadcast %get3A_2824 : vector<8x1xf32> to vector<8x512xf32>
    %sub3A_3976 = arith.subf %get3A_3964, %sub3A_3975 : vector<8x512xf32>
    %sub3A_3977 = vector.broadcast %get3A_2829 : vector<8x1xf32> to vector<8x512xf32>
    %sub3A_3978 = arith.subf %get3A_3969, %sub3A_3977 : vector<8x512xf32>
    %sub3A_3979 = vector.broadcast %get3A_2834 : vector<8x1xf32> to vector<8x512xf32>
    %sub3A_3980 = arith.subf %get3A_3974, %sub3A_3979 : vector<8x512xf32>
    %mul3A_3981 = arith.mulf %sub3A_3976, %sub3A_3976 : vector<8x512xf32>
    %mul3A_3982 = arith.mulf %sub3A_3980, %sub3A_3980 : vector<8x512xf32>
    %add3A_3983 = arith.addf %mul3A_3981, %mul3A_3982 : vector<8x512xf32>
    %mul3A_3984 = arith.mulf %sub3A_3978, %sub3A_3978 : vector<8x512xf32>
    %add3A_3985 = arith.addf %add3A_3983, %mul3A_3984 : vector<8x512xf32>
    %get3A_3986 = arith.constant 0 : index
    %get3A_3987 = arith.constant 13824 : index
    %get3A_3988 = vector.load %arg5[%get3A_3986, %get3A_3987] : memref<8x16384xf32, #tpu.memory_space<vmem>>, vector<8x512xf32>
    %min3A_3989 = arith.minimumf %get3A_3988, %add3A_3985 : vector<8x512xf32>
    %swap3A_3990 = arith.constant 0 : index
    %swap3A_3991 = arith.constant 13824 : index
    %swap3A_3992 = vector.load %arg5[%swap3A_3990, %swap3A_3991] : memref<8x16384xf32, #tpu.memory_space<vmem>>, vector<8x512xf32>
    tpu.vector_store %arg5[%swap3A_3990, %swap3A_3991], %min3A_3989 {strides = array<i32>} : memref<8x16384xf32, #tpu.memory_space<vmem>>, vector<8x512xf32>,
    %add3A_3993 = arith.constant 13824 : i32
    %add3A_3994 = vector.broadcast %add3A_3993 : i32 to vector<8x512xi32>
    %add3A_3995 = arith.addi %iota3A, %add3A_3994 : vector<8x512xi32>
    %gt3A_3996 = arith.cmpf ogt, %min3A_3989, %select_n3A_3955 : vector<8x512xf32>
    %select_n3A_3997 = arith.select %gt3A_3996, %min3A_3989, %select_n3A_3955 : vector<8x512xi1>, vector<8x512xf32>
    %select_n3A_3998 = arith.select %gt3A_3996, %add3A_3995, %select_n3A_3956 : vector<8x512xi1>, vector<8x512xi32>
    %select_n3A_3999 = arith.select %gt3A_3996, %get3A_3964, %select_n3A_3957 : vector<8x512xi1>, vector<8x512xf32>
    %select_n3A_4000 = arith.select %gt3A_3996, %get3A_3969, %select_n3A_3958 : vector<8x512xi1>, vector<8x512xf32>
    %select_n3A_4001 = arith.select %gt3A_3996, %get3A_3974, %select_n3A_3959 : vector<8x512xi1>, vector<8x512xf32>
    %get3A_4002 = arith.constant 0 : index
    %get3A_4003 = arith.constant 0 : index
    %get3A_4004 = arith.constant 14336 : index
    %get3A_4005 = vector.load %arg1[%get3A_4002, %get3A_4003, %get3A_4004] : memref<3x8x16384xf32, #tpu.memory_space<vmem>>, vector<1x8x512xf32>
    %get3A_4006 = vector.shape_cast %get3A_4005 : vector<1x8x512xf32> to vector<8x512xf32>
    %get3A_4007 = arith.constant 1 : index
    %get3A_4008 = arith.constant 0 : index
    %get3A_4009 = arith.constant 14336 : index
    %get3A_4010 = vector.load %arg1[%get3A_4007, %get3A_4008, %get3A_4009] : memref<3x8x16384xf32, #tpu.memory_space<vmem>>, vector<1x8x512xf32>
    %get3A_4011 = vector.shape_cast %get3A_4010 : vector<1x8x512xf32> to vector<8x512xf32>
    %get3A_4012 = arith.constant 2 : index
    %get3A_4013 = arith.constant 0 : index
    %get3A_4014 = arith.constant 14336 : index
    %get3A_4015 = vector.load %arg1[%get3A_4012, %get3A_4013, %get3A_4014] : memref<3x8x16384xf32, #tpu.memory_space<vmem>>, vector<1x8x512xf32>
    %get3A_4016 = vector.shape_cast %get3A_4015 : vector<1x8x512xf32> to vector<8x512xf32>
    %sub3A_4017 = vector.broadcast %get3A_2824 : vector<8x1xf32> to vector<8x512xf32>
    %sub3A_4018 = arith.subf %get3A_4006, %sub3A_4017 : vector<8x512xf32>
    %sub3A_4019 = vector.broadcast %get3A_2829 : vector<8x1xf32> to vector<8x512xf32>
    %sub3A_4020 = arith.subf %get3A_4011, %sub3A_4019 : vector<8x512xf32>
    %sub3A_4021 = vector.broadcast %get3A_2834 : vector<8x1xf32> to vector<8x512xf32>
    %sub3A_4022 = arith.subf %get3A_4016, %sub3A_4021 : vector<8x512xf32>
    %mul3A_4023 = arith.mulf %sub3A_4018, %sub3A_4018 : vector<8x512xf32>
    %mul3A_4024 = arith.mulf %sub3A_4022, %sub3A_4022 : vector<8x512xf32>
    %add3A_4025 = arith.addf %mul3A_4023, %mul3A_4024 : vector<8x512xf32>
    %mul3A_4026 = arith.mulf %sub3A_4020, %sub3A_4020 : vector<8x512xf32>
    %add3A_4027 = arith.addf %add3A_4025, %mul3A_4026 : vector<8x512xf32>
    %get3A_4028 = arith.constant 0 : index
    %get3A_4029 = arith.constant 14336 : index
    %get3A_4030 = vector.load %arg5[%get3A_4028, %get3A_4029] : memref<8x16384xf32, #tpu.memory_space<vmem>>, vector<8x512xf32>
    %min3A_4031 = arith.minimumf %get3A_4030, %add3A_4027 : vector<8x512xf32>
    %swap3A_4032 = arith.constant 0 : index
    %swap3A_4033 = arith.constant 14336 : index
    %swap3A_4034 = vector.load %arg5[%swap3A_4032, %swap3A_4033] : memref<8x16384xf32, #tpu.memory_space<vmem>>, vector<8x512xf32>
    tpu.vector_store %arg5[%swap3A_4032, %swap3A_4033], %min3A_4031 {strides = array<i32>} : memref<8x16384xf32, #tpu.memory_space<vmem>>, vector<8x512xf32>,
    %add3A_4035 = arith.constant 14336 : i32
    %add3A_4036 = vector.broadcast %add3A_4035 : i32 to vector<8x512xi32>
    %add3A_4037 = arith.addi %iota3A, %add3A_4036 : vector<8x512xi32>
    %gt3A_4038 = arith.cmpf ogt, %min3A_4031, %select_n3A_3997 : vector<8x512xf32>
    %select_n3A_4039 = arith.select %gt3A_4038, %min3A_4031, %select_n3A_3997 : vector<8x512xi1>, vector<8x512xf32>
    %select_n3A_4040 = arith.select %gt3A_4038, %add3A_4037, %select_n3A_3998 : vector<8x512xi1>, vector<8x512xi32>
    %select_n3A_4041 = arith.select %gt3A_4038, %get3A_4006, %select_n3A_3999 : vector<8x512xi1>, vector<8x512xf32>
    %select_n3A_4042 = arith.select %gt3A_4038, %get3A_4011, %select_n3A_4000 : vector<8x512xi1>, vector<8x512xf32>
    %select_n3A_4043 = arith.select %gt3A_4038, %get3A_4016, %select_n3A_4001 : vector<8x512xi1>, vector<8x512xf32>
    %get3A_4044 = arith.constant 0 : index
    %get3A_4045 = arith.constant 0 : index
    %get3A_4046 = arith.constant 14848 : index
    %get3A_4047 = vector.load %arg1[%get3A_4044, %get3A_4045, %get3A_4046] : memref<3x8x16384xf32, #tpu.memory_space<vmem>>, vector<1x8x512xf32>
    %get3A_4048 = vector.shape_cast %get3A_4047 : vector<1x8x512xf32> to vector<8x512xf32>
    %get3A_4049 = arith.constant 1 : index
    %get3A_4050 = arith.constant 0 : index
    %get3A_4051 = arith.constant 14848 : index
    %get3A_4052 = vector.load %arg1[%get3A_4049, %get3A_4050, %get3A_4051] : memref<3x8x16384xf32, #tpu.memory_space<vmem>>, vector<1x8x512xf32>
    %get3A_4053 = vector.shape_cast %get3A_4052 : vector<1x8x512xf32> to vector<8x512xf32>
    %get3A_4054 = arith.constant 2 : index
    %get3A_4055 = arith.constant 0 : index
    %get3A_4056 = arith.constant 14848 : index
    %get3A_4057 = vector.load %arg1[%get3A_4054, %get3A_4055, %get3A_4056] : memref<3x8x16384xf32, #tpu.memory_space<vmem>>, vector<1x8x512xf32>
    %get3A_4058 = vector.shape_cast %get3A_4057 : vector<1x8x512xf32> to vector<8x512xf32>
    %sub3A_4059 = vector.broadcast %get3A_2824 : vector<8x1xf32> to vector<8x512xf32>
    %sub3A_4060 = arith.subf %get3A_4048, %sub3A_4059 : vector<8x512xf32>
    %sub3A_4061 = vector.broadcast %get3A_2829 : vector<8x1xf32> to vector<8x512xf32>
    %sub3A_4062 = arith.subf %get3A_4053, %sub3A_4061 : vector<8x512xf32>
    %sub3A_4063 = vector.broadcast %get3A_2834 : vector<8x1xf32> to vector<8x512xf32>
    %sub3A_4064 = arith.subf %get3A_4058, %sub3A_4063 : vector<8x512xf32>
    %mul3A_4065 = arith.mulf %sub3A_4060, %sub3A_4060 : vector<8x512xf32>
    %mul3A_4066 = arith.mulf %sub3A_4064, %sub3A_4064 : vector<8x512xf32>
    %add3A_4067 = arith.addf %mul3A_4065, %mul3A_4066 : vector<8x512xf32>
    %mul3A_4068 = arith.mulf %sub3A_4062, %sub3A_4062 : vector<8x512xf32>
    %add3A_4069 = arith.addf %add3A_4067, %mul3A_4068 : vector<8x512xf32>
    %get3A_4070 = arith.constant 0 : index
    %get3A_4071 = arith.constant 14848 : index
    %get3A_4072 = vector.load %arg5[%get3A_4070, %get3A_4071] : memref<8x16384xf32, #tpu.memory_space<vmem>>, vector<8x512xf32>
    %min3A_4073 = arith.minimumf %get3A_4072, %add3A_4069 : vector<8x512xf32>
    %swap3A_4074 = arith.constant 0 : index
    %swap3A_4075 = arith.constant 14848 : index
    %swap3A_4076 = vector.load %arg5[%swap3A_4074, %swap3A_4075] : memref<8x16384xf32, #tpu.memory_space<vmem>>, vector<8x512xf32>
    tpu.vector_store %arg5[%swap3A_4074, %swap3A_4075], %min3A_4073 {strides = array<i32>} : memref<8x16384xf32, #tpu.memory_space<vmem>>, vector<8x512xf32>,
    %add3A_4077 = arith.constant 14848 : i32
    %add3A_4078 = vector.broadcast %add3A_4077 : i32 to vector<8x512xi32>
    %add3A_4079 = arith.addi %iota3A, %add3A_4078 : vector<8x512xi32>
    %gt3A_4080 = arith.cmpf ogt, %min3A_4073, %select_n3A_4039 : vector<8x512xf32>
    %select_n3A_4081 = arith.select %gt3A_4080, %min3A_4073, %select_n3A_4039 : vector<8x512xi1>, vector<8x512xf32>
    %select_n3A_4082 = arith.select %gt3A_4080, %add3A_4079, %select_n3A_4040 : vector<8x512xi1>, vector<8x512xi32>
    %select_n3A_4083 = arith.select %gt3A_4080, %get3A_4048, %select_n3A_4041 : vector<8x512xi1>, vector<8x512xf32>
    %select_n3A_4084 = arith.select %gt3A_4080, %get3A_4053, %select_n3A_4042 : vector<8x512xi1>, vector<8x512xf32>
    %select_n3A_4085 = arith.select %gt3A_4080, %get3A_4058, %select_n3A_4043 : vector<8x512xi1>, vector<8x512xf32>
    %get3A_4086 = arith.constant 0 : index
    %get3A_4087 = arith.constant 0 : index
    %get3A_4088 = arith.constant 15360 : index
    %get3A_4089 = vector.load %arg1[%get3A_4086, %get3A_4087, %get3A_4088] : memref<3x8x16384xf32, #tpu.memory_space<vmem>>, vector<1x8x512xf32>
    %get3A_4090 = vector.shape_cast %get3A_4089 : vector<1x8x512xf32> to vector<8x512xf32>
    %get3A_4091 = arith.constant 1 : index
    %get3A_4092 = arith.constant 0 : index
    %get3A_4093 = arith.constant 15360 : index
    %get3A_4094 = vector.load %arg1[%get3A_4091, %get3A_4092, %get3A_4093] : memref<3x8x16384xf32, #tpu.memory_space<vmem>>, vector<1x8x512xf32>
    %get3A_4095 = vector.shape_cast %get3A_4094 : vector<1x8x512xf32> to vector<8x512xf32>
    %get3A_4096 = arith.constant 2 : index
    %get3A_4097 = arith.constant 0 : index
    %get3A_4098 = arith.constant 15360 : index
    %get3A_4099 = vector.load %arg1[%get3A_4096, %get3A_4097, %get3A_4098] : memref<3x8x16384xf32, #tpu.memory_space<vmem>>, vector<1x8x512xf32>
    %get3A_4100 = vector.shape_cast %get3A_4099 : vector<1x8x512xf32> to vector<8x512xf32>
    %sub3A_4101 = vector.broadcast %get3A_2824 : vector<8x1xf32> to vector<8x512xf32>
    %sub3A_4102 = arith.subf %get3A_4090, %sub3A_4101 : vector<8x512xf32>
    %sub3A_4103 = vector.broadcast %get3A_2829 : vector<8x1xf32> to vector<8x512xf32>
    %sub3A_4104 = arith.subf %get3A_4095, %sub3A_4103 : vector<8x512xf32>
    %sub3A_4105 = vector.broadcast %get3A_2834 : vector<8x1xf32> to vector<8x512xf32>
    %sub3A_4106 = arith.subf %get3A_4100, %sub3A_4105 : vector<8x512xf32>
    %mul3A_4107 = arith.mulf %sub3A_4102, %sub3A_4102 : vector<8x512xf32>
    %mul3A_4108 = arith.mulf %sub3A_4106, %sub3A_4106 : vector<8x512xf32>
    %add3A_4109 = arith.addf %mul3A_4107, %mul3A_4108 : vector<8x512xf32>
    %mul3A_4110 = arith.mulf %sub3A_4104, %sub3A_4104 : vector<8x512xf32>
    %add3A_4111 = arith.addf %add3A_4109, %mul3A_4110 : vector<8x512xf32>
    %get3A_4112 = arith.constant 0 : index
    %get3A_4113 = arith.constant 15360 : index
    %get3A_4114 = vector.load %arg5[%get3A_4112, %get3A_4113] : memref<8x16384xf32, #tpu.memory_space<vmem>>, vector<8x512xf32>
    %min3A_4115 = arith.minimumf %get3A_4114, %add3A_4111 : vector<8x512xf32>
    %swap3A_4116 = arith.constant 0 : index
    %swap3A_4117 = arith.constant 15360 : index
    %swap3A_4118 = vector.load %arg5[%swap3A_4116, %swap3A_4117] : memref<8x16384xf32, #tpu.memory_space<vmem>>, vector<8x512xf32>
    tpu.vector_store %arg5[%swap3A_4116, %swap3A_4117], %min3A_4115 {strides = array<i32>} : memref<8x16384xf32, #tpu.memory_space<vmem>>, vector<8x512xf32>,
    %add3A_4119 = arith.constant 15360 : i32
    %add3A_4120 = vector.broadcast %add3A_4119 : i32 to vector<8x512xi32>
    %add3A_4121 = arith.addi %iota3A, %add3A_4120 : vector<8x512xi32>
    %gt3A_4122 = arith.cmpf ogt, %min3A_4115, %select_n3A_4081 : vector<8x512xf32>
    %select_n3A_4123 = arith.select %gt3A_4122, %min3A_4115, %select_n3A_4081 : vector<8x512xi1>, vector<8x512xf32>
    %select_n3A_4124 = arith.select %gt3A_4122, %add3A_4121, %select_n3A_4082 : vector<8x512xi1>, vector<8x512xi32>
    %select_n3A_4125 = arith.select %gt3A_4122, %get3A_4090, %select_n3A_4083 : vector<8x512xi1>, vector<8x512xf32>
    %select_n3A_4126 = arith.select %gt3A_4122, %get3A_4095, %select_n3A_4084 : vector<8x512xi1>, vector<8x512xf32>
    %select_n3A_4127 = arith.select %gt3A_4122, %get3A_4100, %select_n3A_4085 : vector<8x512xi1>, vector<8x512xf32>
    %get3A_4128 = arith.constant 0 : index
    %get3A_4129 = arith.constant 0 : index
    %get3A_4130 = arith.constant 15872 : index
    %get3A_4131 = vector.load %arg1[%get3A_4128, %get3A_4129, %get3A_4130] : memref<3x8x16384xf32, #tpu.memory_space<vmem>>, vector<1x8x512xf32>
    %get3A_4132 = vector.shape_cast %get3A_4131 : vector<1x8x512xf32> to vector<8x512xf32>
    %get3A_4133 = arith.constant 1 : index
    %get3A_4134 = arith.constant 0 : index
    %get3A_4135 = arith.constant 15872 : index
    %get3A_4136 = vector.load %arg1[%get3A_4133, %get3A_4134, %get3A_4135] : memref<3x8x16384xf32, #tpu.memory_space<vmem>>, vector<1x8x512xf32>
    %get3A_4137 = vector.shape_cast %get3A_4136 : vector<1x8x512xf32> to vector<8x512xf32>
    %get3A_4138 = arith.constant 2 : index
    %get3A_4139 = arith.constant 0 : index
    %get3A_4140 = arith.constant 15872 : index
    %get3A_4141 = vector.load %arg1[%get3A_4138, %get3A_4139, %get3A_4140] : memref<3x8x16384xf32, #tpu.memory_space<vmem>>, vector<1x8x512xf32>
    %get3A_4142 = vector.shape_cast %get3A_4141 : vector<1x8x512xf32> to vector<8x512xf32>
    %sub3A_4143 = vector.broadcast %get3A_2824 : vector<8x1xf32> to vector<8x512xf32>
    %sub3A_4144 = arith.subf %get3A_4132, %sub3A_4143 : vector<8x512xf32>
    %sub3A_4145 = vector.broadcast %get3A_2829 : vector<8x1xf32> to vector<8x512xf32>
    %sub3A_4146 = arith.subf %get3A_4137, %sub3A_4145 : vector<8x512xf32>
    %sub3A_4147 = vector.broadcast %get3A_2834 : vector<8x1xf32> to vector<8x512xf32>
    %sub3A_4148 = arith.subf %get3A_4142, %sub3A_4147 : vector<8x512xf32>
    %mul3A_4149 = arith.mulf %sub3A_4144, %sub3A_4144 : vector<8x512xf32>
    %mul3A_4150 = arith.mulf %sub3A_4148, %sub3A_4148 : vector<8x512xf32>
    %add3A_4151 = arith.addf %mul3A_4149, %mul3A_4150 : vector<8x512xf32>
    %mul3A_4152 = arith.mulf %sub3A_4146, %sub3A_4146 : vector<8x512xf32>
    %add3A_4153 = arith.addf %add3A_4151, %mul3A_4152 : vector<8x512xf32>
    %get3A_4154 = arith.constant 0 : index
    %get3A_4155 = arith.constant 15872 : index
    %get3A_4156 = vector.load %arg5[%get3A_4154, %get3A_4155] : memref<8x16384xf32, #tpu.memory_space<vmem>>, vector<8x512xf32>
    %min3A_4157 = arith.minimumf %get3A_4156, %add3A_4153 : vector<8x512xf32>
    %swap3A_4158 = arith.constant 0 : index
    %swap3A_4159 = arith.constant 15872 : index
    %swap3A_4160 = vector.load %arg5[%swap3A_4158, %swap3A_4159] : memref<8x16384xf32, #tpu.memory_space<vmem>>, vector<8x512xf32>
    tpu.vector_store %arg5[%swap3A_4158, %swap3A_4159], %min3A_4157 {strides = array<i32>} : memref<8x16384xf32, #tpu.memory_space<vmem>>, vector<8x512xf32>,
    %add3A_4161 = arith.constant 15872 : i32
    %add3A_4162 = vector.broadcast %add3A_4161 : i32 to vector<8x512xi32>
    %add3A_4163 = arith.addi %iota3A, %add3A_4162 : vector<8x512xi32>
    %gt3A_4164 = arith.cmpf ogt, %min3A_4157, %select_n3A_4123 : vector<8x512xf32>
    %select_n3A_4165 = arith.select %gt3A_4164, %min3A_4157, %select_n3A_4123 : vector<8x512xi1>, vector<8x512xf32>
    %select_n3A_4166 = arith.select %gt3A_4164, %add3A_4163, %select_n3A_4124 : vector<8x512xi1>, vector<8x512xi32>
    %select_n3A_4167 = arith.select %gt3A_4164, %get3A_4132, %select_n3A_4125 : vector<8x512xi1>, vector<8x512xf32>
    %select_n3A_4168 = arith.select %gt3A_4164, %get3A_4137, %select_n3A_4126 : vector<8x512xi1>, vector<8x512xf32>
    %select_n3A_4169 = arith.select %gt3A_4164, %get3A_4142, %select_n3A_4127 : vector<8x512xi1>, vector<8x512xf32>
    %reduce_max3A_4170 = arith.constant dense<0xFF800000> : vector<8xf32>
    %reduce_max3A_4171 = vector.multi_reduction <maximumf>, %select_n3A_4165, %reduce_max3A_4170 [1] : vector<8x512xf32> to vector<8xf32>
    %broadcast_in_dim3A_4172 = vector.shape_cast %reduce_max3A_4171 : vector<8xf32> to vector<8x1xf32>
    %eq3A_4173 = vector.broadcast %broadcast_in_dim3A_4172 : vector<8x1xf32> to vector<8x512xf32>
    %eq3A_4174 = arith.cmpf oeq, %select_n3A_4165, %eq3A_4173 : vector<8x512xf32>
    %jit3A_4175 = arith.constant 16384 : i32
    %broadcast_in_dim3A_4176 = vector.broadcast %jit3A_4175 : i32 to vector<8x512xi32>
    %select_n3A_4177 = arith.select %eq3A_4174, %select_n3A_4166, %broadcast_in_dim3A_4176 : vector<8x512xi1>, vector<8x512xi32>
    %reduce_min3A_4178 = arith.constant dense<2147483647> : vector<8xi32>
    %reduce_min3A_4179 = vector.multi_reduction <minsi>, %select_n3A_4177, %reduce_min3A_4178 [1] : vector<8x512xi32> to vector<8xi32>
    %broadcast_in_dim3A_4180 = vector.shape_cast %reduce_min3A_4179 : vector<8xi32> to vector<8x1xi32>
    %eq3A_4181 = vector.broadcast %broadcast_in_dim3A_4180 : vector<8x1xi32> to vector<8x512xi32>
    %eq3A_4182 = arith.cmpi eq, %select_n3A_4177, %eq3A_4181 : vector<8x512xi32>
    %jit3A_4183 = arith.constant 0.000000e+00 : f32
    %broadcast_in_dim3A_4184 = vector.broadcast %jit3A_4183 : f32 to vector<8x512xf32>
    %select_n3A_4185 = arith.select %eq3A_4182, %select_n3A_4167, %broadcast_in_dim3A_4184 : vector<8x512xi1>, vector<8x512xf32>
    %reduce_sum3A_4186 = arith.constant dense<0.000000e+00> : vector<8xf32>
    %reduce_sum3A_4187 = vector.multi_reduction <add>, %select_n3A_4185, %reduce_sum3A_4186 [1] : vector<8x512xf32> to vector<8xf32>
    %broadcast_in_dim3A_4188 = vector.shape_cast %reduce_sum3A_4187 : vector<8xf32> to vector<8x1xf32>
    %swap3A_4189 = arith.constant 0 : index
    %swap3A_4190 = arith.constant 0 : index
    %swap3A_4191 = arith.constant 0 : index
    %swap3A_4192 = vector.load %arg7[%swap3A_4189, %swap3A_4190, %swap3A_4191] : memref<3x8x1xf32, #tpu.memory_space<vmem>>, vector<1x8x1xf32>
    %swap3A_4193 = vector.shape_cast %swap3A_4192 : vector<1x8x1xf32> to vector<8x1xf32>
    %swap3A_4194 = vector.shape_cast %broadcast_in_dim3A_4188 : vector<8x1xf32> to vector<1x8x1xf32>
    tpu.vector_store %arg7[%swap3A_4189, %swap3A_4190, %swap3A_4191], %swap3A_4194 {strides = array<i32>} : memref<3x8x1xf32, #tpu.memory_space<vmem>>, vector<1x8x1xf32>,
    %jit3A_4195 = arith.constant 0.000000e+00 : f32
    %broadcast_in_dim3A_4196 = vector.broadcast %jit3A_4195 : f32 to vector<8x512xf32>
    %select_n3A_4197 = arith.select %eq3A_4182, %select_n3A_4168, %broadcast_in_dim3A_4196 : vector<8x512xi1>, vector<8x512xf32>
    %reduce_sum3A_4198 = arith.constant dense<0.000000e+00> : vector<8xf32>
    %reduce_sum3A_4199 = vector.multi_reduction <add>, %select_n3A_4197, %reduce_sum3A_4198 [1] : vector<8x512xf32> to vector<8xf32>
    %broadcast_in_dim3A_4200 = vector.shape_cast %reduce_sum3A_4199 : vector<8xf32> to vector<8x1xf32>
    %swap3A_4201 = arith.constant 1 : index
    %swap3A_4202 = arith.constant 0 : index
    %swap3A_4203 = arith.constant 0 : index
    %swap3A_4204 = vector.load %arg7[%swap3A_4201, %swap3A_4202, %swap3A_4203] : memref<3x8x1xf32, #tpu.memory_space<vmem>>, vector<1x8x1xf32>
    %swap3A_4205 = vector.shape_cast %swap3A_4204 : vector<1x8x1xf32> to vector<8x1xf32>
    %swap3A_4206 = vector.shape_cast %broadcast_in_dim3A_4200 : vector<8x1xf32> to vector<1x8x1xf32>
    tpu.vector_store %arg7[%swap3A_4201, %swap3A_4202, %swap3A_4203], %swap3A_4206 {strides = array<i32>} : memref<3x8x1xf32, #tpu.memory_space<vmem>>, vector<1x8x1xf32>,
    %jit3A_4207 = arith.constant 0.000000e+00 : f32
    %broadcast_in_dim3A_4208 = vector.broadcast %jit3A_4207 : f32 to vector<8x512xf32>
    %select_n3A_4209 = arith.select %eq3A_4182, %select_n3A_4169, %broadcast_in_dim3A_4208 : vector<8x512xi1>, vector<8x512xf32>
    %reduce_sum3A_4210 = arith.constant dense<0.000000e+00> : vector<8xf32>
    %reduce_sum3A_4211 = vector.multi_reduction <add>, %select_n3A_4209, %reduce_sum3A_4210 [1] : vector<8x512xf32> to vector<8xf32>
    %broadcast_in_dim3A_4212 = vector.shape_cast %reduce_sum3A_4211 : vector<8xf32> to vector<8x1xf32>
    %swap3A_4213 = arith.constant 2 : index
    %swap3A_4214 = arith.constant 0 : index
    %swap3A_4215 = arith.constant 0 : index
    %swap3A_4216 = vector.load %arg7[%swap3A_4213, %swap3A_4214, %swap3A_4215] : memref<3x8x1xf32, #tpu.memory_space<vmem>>, vector<1x8x1xf32>
    %swap3A_4217 = vector.shape_cast %swap3A_4216 : vector<1x8x1xf32> to vector<8x1xf32>
    %swap3A_4218 = vector.shape_cast %broadcast_in_dim3A_4212 : vector<8x1xf32> to vector<1x8x1xf32>
    tpu.vector_store %arg7[%swap3A_4213, %swap3A_4214, %swap3A_4215], %swap3A_4218 {strides = array<i32>} : memref<3x8x1xf32, #tpu.memory_space<vmem>>, vector<1x8x1xf32>,
    %swap3A_4219 = arith.constant 0 : index
    %swap3A_4220 = arith.constant 0 : index
    %swap3A_4221 = vector.load %arg6[%swap3A_4219, %swap3A_4220] : memref<8x1xi32, #tpu.memory_space<vmem>>, vector<8x1xi32>
    tpu.vector_store %arg6[%swap3A_4219, %swap3A_4220], %broadcast_in_dim3A_4180 {strides = array<i32>} : memref<8x1xi32, #tpu.memory_space<vmem>>, vector<8x1xi32>,
    %get3A_4222 = arith.constant 0 : index
    %get3A_4223 = arith.constant 0 : index
    %get3A_4224 = vector.load %arg6[%get3A_4222, %get3A_4223] : memref<8x1xi32, #tpu.memory_space<vmem>>, vector<8x1xi32>
    %swap3A_4225 = arith.constant 3 : index
    %swap3A_4226 = arith.constant 0 : index
    %swap3A_4227 = arith.constant 0 : index
    %swap3A_4228 = vector.load %arg4[%swap3A_4225, %swap3A_4226, %swap3A_4227] : memref<4x8x1xi32, #tpu.memory_space<vmem>>, vector<1x8x1xi32>
    %swap3A_4229 = vector.shape_cast %swap3A_4228 : vector<1x8x1xi32> to vector<8x1xi32>
    %swap3A_4230 = vector.shape_cast %get3A_4224 : vector<8x1xi32> to vector<1x8x1xi32>
    tpu.vector_store %arg4[%swap3A_4225, %swap3A_4226, %swap3A_4227], %swap3A_4230 {strides = array<i32>} : memref<4x8x1xi32, #tpu.memory_space<vmem>>, vector<1x8x1xi32>,
    %get3A_4231 = arith.constant 0 : index
    %get3A_4232 = arith.constant 0 : index
    %get3A_4233 = arith.constant 0 : index
    %get3A_4234 = vector.load %arg7[%get3A_4231, %get3A_4232, %get3A_4233] : memref<3x8x1xf32, #tpu.memory_space<vmem>>, vector<1x8x1xf32>
    %get3A_4235 = vector.shape_cast %get3A_4234 : vector<1x8x1xf32> to vector<8x1xf32>
    %get3A_4236 = arith.constant 1 : index
    %get3A_4237 = arith.constant 0 : index
    %get3A_4238 = arith.constant 0 : index
    %get3A_4239 = vector.load %arg7[%get3A_4236, %get3A_4237, %get3A_4238] : memref<3x8x1xf32, #tpu.memory_space<vmem>>, vector<1x8x1xf32>
    %get3A_4240 = vector.shape_cast %get3A_4239 : vector<1x8x1xf32> to vector<8x1xf32>
    %get3A_4241 = arith.constant 2 : index
    %get3A_4242 = arith.constant 0 : index
    %get3A_4243 = arith.constant 0 : index
    %get3A_4244 = vector.load %arg7[%get3A_4241, %get3A_4242, %get3A_4243] : memref<3x8x1xf32, #tpu.memory_space<vmem>>, vector<1x8x1xf32>
    %get3A_4245 = vector.shape_cast %get3A_4244 : vector<1x8x1xf32> to vector<8x1xf32>
    %get3A_4246 = arith.constant 0 : index
    %get3A_4247 = arith.constant 0 : index
    %get3A_4248 = arith.constant 0 : index
    %get3A_4249 = vector.load %arg1[%get3A_4246, %get3A_4247, %get3A_4248] : memref<3x8x16384xf32, #tpu.memory_space<vmem>>, vector<1x8x512xf32>
    %get3A_4250 = vector.shape_cast %get3A_4249 : vector<1x8x512xf32> to vector<8x512xf32>
    %get3A_4251 = arith.constant 1 : index
    %get3A_4252 = arith.constant 0 : index
    %get3A_4253 = arith.constant 0 : index
    %get3A_4254 = vector.load %arg1[%get3A_4251, %get3A_4252, %get3A_4253] : memref<3x8x16384xf32, #tpu.memory_space<vmem>>, vector<1x8x512xf32>
    %get3A_4255 = vector.shape_cast %get3A_4254 : vector<1x8x512xf32> to vector<8x512xf32>
    %get3A_4256 = arith.constant 2 : index
    %get3A_4257 = arith.constant 0 : index
    %get3A_4258 = arith.constant 0 : index
    %get3A_4259 = vector.load %arg1[%get3A_4256, %get3A_4257, %get3A_4258] : memref<3x8x16384xf32, #tpu.memory_space<vmem>>, vector<1x8x512xf32>
    %get3A_4260 = vector.shape_cast %get3A_4259 : vector<1x8x512xf32> to vector<8x512xf32>
    %sub3A_4261 = vector.broadcast %get3A_4235 : vector<8x1xf32> to vector<8x512xf32>
    %sub3A_4262 = arith.subf %get3A_4250, %sub3A_4261 : vector<8x512xf32>
    %sub3A_4263 = vector.broadcast %get3A_4240 : vector<8x1xf32> to vector<8x512xf32>
    %sub3A_4264 = arith.subf %get3A_4255, %sub3A_4263 : vector<8x512xf32>
    %sub3A_4265 = vector.broadcast %get3A_4245 : vector<8x1xf32> to vector<8x512xf32>
    %sub3A_4266 = arith.subf %get3A_4260, %sub3A_4265 : vector<8x512xf32>
    %mul3A_4267 = arith.mulf %sub3A_4262, %sub3A_4262 : vector<8x512xf32>
    %mul3A_4268 = arith.mulf %sub3A_4266, %sub3A_4266 : vector<8x512xf32>
    %add3A_4269 = arith.addf %mul3A_4267, %mul3A_4268 : vector<8x512xf32>
    %mul3A_4270 = arith.mulf %sub3A_4264, %sub3A_4264 : vector<8x512xf32>
    %add3A_4271 = arith.addf %add3A_4269, %mul3A_4270 : vector<8x512xf32>
    %get3A_4272 = arith.constant 0 : index
    %get3A_4273 = arith.constant 0 : index
    %get3A_4274 = vector.load %arg5[%get3A_4272, %get3A_4273] : memref<8x16384xf32, #tpu.memory_space<vmem>>, vector<8x512xf32>
    %min3A_4275 = arith.minimumf %get3A_4274, %add3A_4271 : vector<8x512xf32>
    %swap3A_4276 = arith.constant 0 : index
    %swap3A_4277 = arith.constant 0 : index
    %swap3A_4278 = vector.load %arg5[%swap3A_4276, %swap3A_4277] : memref<8x16384xf32, #tpu.memory_space<vmem>>, vector<8x512xf32>
    tpu.vector_store %arg5[%swap3A_4276, %swap3A_4277], %min3A_4275 {strides = array<i32>} : memref<8x16384xf32, #tpu.memory_space<vmem>>, vector<8x512xf32>,
    %get3A_4279 = arith.constant 0 : index
    %get3A_4280 = arith.constant 0 : index
    %get3A_4281 = arith.constant 512 : index
    %get3A_4282 = vector.load %arg1[%get3A_4279, %get3A_4280, %get3A_4281] : memref<3x8x16384xf32, #tpu.memory_space<vmem>>, vector<1x8x512xf32>
    %get3A_4283 = vector.shape_cast %get3A_4282 : vector<1x8x512xf32> to vector<8x512xf32>
    %get3A_4284 = arith.constant 1 : index
    %get3A_4285 = arith.constant 0 : index
    %get3A_4286 = arith.constant 512 : index
    %get3A_4287 = vector.load %arg1[%get3A_4284, %get3A_4285, %get3A_4286] : memref<3x8x16384xf32, #tpu.memory_space<vmem>>, vector<1x8x512xf32>
    %get3A_4288 = vector.shape_cast %get3A_4287 : vector<1x8x512xf32> to vector<8x512xf32>
    %get3A_4289 = arith.constant 2 : index
    %get3A_4290 = arith.constant 0 : index
    %get3A_4291 = arith.constant 512 : index
    %get3A_4292 = vector.load %arg1[%get3A_4289, %get3A_4290, %get3A_4291] : memref<3x8x16384xf32, #tpu.memory_space<vmem>>, vector<1x8x512xf32>
    %get3A_4293 = vector.shape_cast %get3A_4292 : vector<1x8x512xf32> to vector<8x512xf32>
    %sub3A_4294 = vector.broadcast %get3A_4235 : vector<8x1xf32> to vector<8x512xf32>
    %sub3A_4295 = arith.subf %get3A_4283, %sub3A_4294 : vector<8x512xf32>
    %sub3A_4296 = vector.broadcast %get3A_4240 : vector<8x1xf32> to vector<8x512xf32>
    %sub3A_4297 = arith.subf %get3A_4288, %sub3A_4296 : vector<8x512xf32>
    %sub3A_4298 = vector.broadcast %get3A_4245 : vector<8x1xf32> to vector<8x512xf32>
    %sub3A_4299 = arith.subf %get3A_4293, %sub3A_4298 : vector<8x512xf32>
    %mul3A_4300 = arith.mulf %sub3A_4295, %sub3A_4295 : vector<8x512xf32>
    %mul3A_4301 = arith.mulf %sub3A_4299, %sub3A_4299 : vector<8x512xf32>
    %add3A_4302 = arith.addf %mul3A_4300, %mul3A_4301 : vector<8x512xf32>
    %mul3A_4303 = arith.mulf %sub3A_4297, %sub3A_4297 : vector<8x512xf32>
    %add3A_4304 = arith.addf %add3A_4302, %mul3A_4303 : vector<8x512xf32>
    %get3A_4305 = arith.constant 0 : index
    %get3A_4306 = arith.constant 512 : index
    %get3A_4307 = vector.load %arg5[%get3A_4305, %get3A_4306] : memref<8x16384xf32, #tpu.memory_space<vmem>>, vector<8x512xf32>
    %min3A_4308 = arith.minimumf %get3A_4307, %add3A_4304 : vector<8x512xf32>
    %swap3A_4309 = arith.constant 0 : index
    %swap3A_4310 = arith.constant 512 : index
    %swap3A_4311 = vector.load %arg5[%swap3A_4309, %swap3A_4310] : memref<8x16384xf32, #tpu.memory_space<vmem>>, vector<8x512xf32>
    tpu.vector_store %arg5[%swap3A_4309, %swap3A_4310], %min3A_4308 {strides = array<i32>} : memref<8x16384xf32, #tpu.memory_space<vmem>>, vector<8x512xf32>,
    %add3A_4312 = arith.constant 512 : i32
    %add3A_4313 = vector.broadcast %add3A_4312 : i32 to vector<8x512xi32>
    %add3A_4314 = arith.addi %iota3A, %add3A_4313 : vector<8x512xi32>
    %gt3A_4315 = arith.cmpf ogt, %min3A_4308, %min3A_4275 : vector<8x512xf32>
    %select_n3A_4316 = arith.select %gt3A_4315, %min3A_4308, %min3A_4275 : vector<8x512xi1>, vector<8x512xf32>
    %select_n3A_4317 = arith.select %gt3A_4315, %add3A_4314, %iota3A : vector<8x512xi1>, vector<8x512xi32>
    %select_n3A_4318 = arith.select %gt3A_4315, %get3A_4283, %get3A_4250 : vector<8x512xi1>, vector<8x512xf32>
    %select_n3A_4319 = arith.select %gt3A_4315, %get3A_4288, %get3A_4255 : vector<8x512xi1>, vector<8x512xf32>
    %select_n3A_4320 = arith.select %gt3A_4315, %get3A_4293, %get3A_4260 : vector<8x512xi1>, vector<8x512xf32>
    %get3A_4321 = arith.constant 0 : index
    %get3A_4322 = arith.constant 0 : index
    %get3A_4323 = arith.constant 1024 : index
    %get3A_4324 = vector.load %arg1[%get3A_4321, %get3A_4322, %get3A_4323] : memref<3x8x16384xf32, #tpu.memory_space<vmem>>, vector<1x8x512xf32>
    %get3A_4325 = vector.shape_cast %get3A_4324 : vector<1x8x512xf32> to vector<8x512xf32>
    %get3A_4326 = arith.constant 1 : index
    %get3A_4327 = arith.constant 0 : index
    %get3A_4328 = arith.constant 1024 : index
    %get3A_4329 = vector.load %arg1[%get3A_4326, %get3A_4327, %get3A_4328] : memref<3x8x16384xf32, #tpu.memory_space<vmem>>, vector<1x8x512xf32>
    %get3A_4330 = vector.shape_cast %get3A_4329 : vector<1x8x512xf32> to vector<8x512xf32>
    %get3A_4331 = arith.constant 2 : index
    %get3A_4332 = arith.constant 0 : index
    %get3A_4333 = arith.constant 1024 : index
    %get3A_4334 = vector.load %arg1[%get3A_4331, %get3A_4332, %get3A_4333] : memref<3x8x16384xf32, #tpu.memory_space<vmem>>, vector<1x8x512xf32>
    %get3A_4335 = vector.shape_cast %get3A_4334 : vector<1x8x512xf32> to vector<8x512xf32>
    %sub3A_4336 = vector.broadcast %get3A_4235 : vector<8x1xf32> to vector<8x512xf32>
    %sub3A_4337 = arith.subf %get3A_4325, %sub3A_4336 : vector<8x512xf32>
    %sub3A_4338 = vector.broadcast %get3A_4240 : vector<8x1xf32> to vector<8x512xf32>
    %sub3A_4339 = arith.subf %get3A_4330, %sub3A_4338 : vector<8x512xf32>
    %sub3A_4340 = vector.broadcast %get3A_4245 : vector<8x1xf32> to vector<8x512xf32>
    %sub3A_4341 = arith.subf %get3A_4335, %sub3A_4340 : vector<8x512xf32>
    %mul3A_4342 = arith.mulf %sub3A_4337, %sub3A_4337 : vector<8x512xf32>
    %mul3A_4343 = arith.mulf %sub3A_4341, %sub3A_4341 : vector<8x512xf32>
    %add3A_4344 = arith.addf %mul3A_4342, %mul3A_4343 : vector<8x512xf32>
    %mul3A_4345 = arith.mulf %sub3A_4339, %sub3A_4339 : vector<8x512xf32>
    %add3A_4346 = arith.addf %add3A_4344, %mul3A_4345 : vector<8x512xf32>
    %get3A_4347 = arith.constant 0 : index
    %get3A_4348 = arith.constant 1024 : index
    %get3A_4349 = vector.load %arg5[%get3A_4347, %get3A_4348] : memref<8x16384xf32, #tpu.memory_space<vmem>>, vector<8x512xf32>
    %min3A_4350 = arith.minimumf %get3A_4349, %add3A_4346 : vector<8x512xf32>
    %swap3A_4351 = arith.constant 0 : index
    %swap3A_4352 = arith.constant 1024 : index
    %swap3A_4353 = vector.load %arg5[%swap3A_4351, %swap3A_4352] : memref<8x16384xf32, #tpu.memory_space<vmem>>, vector<8x512xf32>
    tpu.vector_store %arg5[%swap3A_4351, %swap3A_4352], %min3A_4350 {strides = array<i32>} : memref<8x16384xf32, #tpu.memory_space<vmem>>, vector<8x512xf32>,
    %add3A_4354 = arith.constant 1024 : i32
    %add3A_4355 = vector.broadcast %add3A_4354 : i32 to vector<8x512xi32>
    %add3A_4356 = arith.addi %iota3A, %add3A_4355 : vector<8x512xi32>
    %gt3A_4357 = arith.cmpf ogt, %min3A_4350, %select_n3A_4316 : vector<8x512xf32>
    %select_n3A_4358 = arith.select %gt3A_4357, %min3A_4350, %select_n3A_4316 : vector<8x512xi1>, vector<8x512xf32>
    %select_n3A_4359 = arith.select %gt3A_4357, %add3A_4356, %select_n3A_4317 : vector<8x512xi1>, vector<8x512xi32>
    %select_n3A_4360 = arith.select %gt3A_4357, %get3A_4325, %select_n3A_4318 : vector<8x512xi1>, vector<8x512xf32>
    %select_n3A_4361 = arith.select %gt3A_4357, %get3A_4330, %select_n3A_4319 : vector<8x512xi1>, vector<8x512xf32>
    %select_n3A_4362 = arith.select %gt3A_4357, %get3A_4335, %select_n3A_4320 : vector<8x512xi1>, vector<8x512xf32>
    %get3A_4363 = arith.constant 0 : index
    %get3A_4364 = arith.constant 0 : index
    %get3A_4365 = arith.constant 1536 : index
    %get3A_4366 = vector.load %arg1[%get3A_4363, %get3A_4364, %get3A_4365] : memref<3x8x16384xf32, #tpu.memory_space<vmem>>, vector<1x8x512xf32>
    %get3A_4367 = vector.shape_cast %get3A_4366 : vector<1x8x512xf32> to vector<8x512xf32>
    %get3A_4368 = arith.constant 1 : index
    %get3A_4369 = arith.constant 0 : index
    %get3A_4370 = arith.constant 1536 : index
    %get3A_4371 = vector.load %arg1[%get3A_4368, %get3A_4369, %get3A_4370] : memref<3x8x16384xf32, #tpu.memory_space<vmem>>, vector<1x8x512xf32>
    %get3A_4372 = vector.shape_cast %get3A_4371 : vector<1x8x512xf32> to vector<8x512xf32>
    %get3A_4373 = arith.constant 2 : index
    %get3A_4374 = arith.constant 0 : index
    %get3A_4375 = arith.constant 1536 : index
    %get3A_4376 = vector.load %arg1[%get3A_4373, %get3A_4374, %get3A_4375] : memref<3x8x16384xf32, #tpu.memory_space<vmem>>, vector<1x8x512xf32>
    %get3A_4377 = vector.shape_cast %get3A_4376 : vector<1x8x512xf32> to vector<8x512xf32>
    %sub3A_4378 = vector.broadcast %get3A_4235 : vector<8x1xf32> to vector<8x512xf32>
    %sub3A_4379 = arith.subf %get3A_4367, %sub3A_4378 : vector<8x512xf32>
    %sub3A_4380 = vector.broadcast %get3A_4240 : vector<8x1xf32> to vector<8x512xf32>
    %sub3A_4381 = arith.subf %get3A_4372, %sub3A_4380 : vector<8x512xf32>
    %sub3A_4382 = vector.broadcast %get3A_4245 : vector<8x1xf32> to vector<8x512xf32>
    %sub3A_4383 = arith.subf %get3A_4377, %sub3A_4382 : vector<8x512xf32>
    %mul3A_4384 = arith.mulf %sub3A_4379, %sub3A_4379 : vector<8x512xf32>
    %mul3A_4385 = arith.mulf %sub3A_4383, %sub3A_4383 : vector<8x512xf32>
    %add3A_4386 = arith.addf %mul3A_4384, %mul3A_4385 : vector<8x512xf32>
    %mul3A_4387 = arith.mulf %sub3A_4381, %sub3A_4381 : vector<8x512xf32>
    %add3A_4388 = arith.addf %add3A_4386, %mul3A_4387 : vector<8x512xf32>
    %get3A_4389 = arith.constant 0 : index
    %get3A_4390 = arith.constant 1536 : index
    %get3A_4391 = vector.load %arg5[%get3A_4389, %get3A_4390] : memref<8x16384xf32, #tpu.memory_space<vmem>>, vector<8x512xf32>
    %min3A_4392 = arith.minimumf %get3A_4391, %add3A_4388 : vector<8x512xf32>
    %swap3A_4393 = arith.constant 0 : index
    %swap3A_4394 = arith.constant 1536 : index
    %swap3A_4395 = vector.load %arg5[%swap3A_4393, %swap3A_4394] : memref<8x16384xf32, #tpu.memory_space<vmem>>, vector<8x512xf32>
    tpu.vector_store %arg5[%swap3A_4393, %swap3A_4394], %min3A_4392 {strides = array<i32>} : memref<8x16384xf32, #tpu.memory_space<vmem>>, vector<8x512xf32>,
    %add3A_4396 = arith.constant 1536 : i32
    %add3A_4397 = vector.broadcast %add3A_4396 : i32 to vector<8x512xi32>
    %add3A_4398 = arith.addi %iota3A, %add3A_4397 : vector<8x512xi32>
    %gt3A_4399 = arith.cmpf ogt, %min3A_4392, %select_n3A_4358 : vector<8x512xf32>
    %select_n3A_4400 = arith.select %gt3A_4399, %min3A_4392, %select_n3A_4358 : vector<8x512xi1>, vector<8x512xf32>
    %select_n3A_4401 = arith.select %gt3A_4399, %add3A_4398, %select_n3A_4359 : vector<8x512xi1>, vector<8x512xi32>
    %select_n3A_4402 = arith.select %gt3A_4399, %get3A_4367, %select_n3A_4360 : vector<8x512xi1>, vector<8x512xf32>
    %select_n3A_4403 = arith.select %gt3A_4399, %get3A_4372, %select_n3A_4361 : vector<8x512xi1>, vector<8x512xf32>
    %select_n3A_4404 = arith.select %gt3A_4399, %get3A_4377, %select_n3A_4362 : vector<8x512xi1>, vector<8x512xf32>
    %get3A_4405 = arith.constant 0 : index
    %get3A_4406 = arith.constant 0 : index
    %get3A_4407 = arith.constant 2048 : index
    %get3A_4408 = vector.load %arg1[%get3A_4405, %get3A_4406, %get3A_4407] : memref<3x8x16384xf32, #tpu.memory_space<vmem>>, vector<1x8x512xf32>
    %get3A_4409 = vector.shape_cast %get3A_4408 : vector<1x8x512xf32> to vector<8x512xf32>
    %get3A_4410 = arith.constant 1 : index
    %get3A_4411 = arith.constant 0 : index
    %get3A_4412 = arith.constant 2048 : index
    %get3A_4413 = vector.load %arg1[%get3A_4410, %get3A_4411, %get3A_4412] : memref<3x8x16384xf32, #tpu.memory_space<vmem>>, vector<1x8x512xf32>
    %get3A_4414 = vector.shape_cast %get3A_4413 : vector<1x8x512xf32> to vector<8x512xf32>
    %get3A_4415 = arith.constant 2 : index
    %get3A_4416 = arith.constant 0 : index
    %get3A_4417 = arith.constant 2048 : index
    %get3A_4418 = vector.load %arg1[%get3A_4415, %get3A_4416, %get3A_4417] : memref<3x8x16384xf32, #tpu.memory_space<vmem>>, vector<1x8x512xf32>
    %get3A_4419 = vector.shape_cast %get3A_4418 : vector<1x8x512xf32> to vector<8x512xf32>
    %sub3A_4420 = vector.broadcast %get3A_4235 : vector<8x1xf32> to vector<8x512xf32>
    %sub3A_4421 = arith.subf %get3A_4409, %sub3A_4420 : vector<8x512xf32>
    %sub3A_4422 = vector.broadcast %get3A_4240 : vector<8x1xf32> to vector<8x512xf32>
    %sub3A_4423 = arith.subf %get3A_4414, %sub3A_4422 : vector<8x512xf32>
    %sub3A_4424 = vector.broadcast %get3A_4245 : vector<8x1xf32> to vector<8x512xf32>
    %sub3A_4425 = arith.subf %get3A_4419, %sub3A_4424 : vector<8x512xf32>
    %mul3A_4426 = arith.mulf %sub3A_4421, %sub3A_4421 : vector<8x512xf32>
    %mul3A_4427 = arith.mulf %sub3A_4425, %sub3A_4425 : vector<8x512xf32>
    %add3A_4428 = arith.addf %mul3A_4426, %mul3A_4427 : vector<8x512xf32>
    %mul3A_4429 = arith.mulf %sub3A_4423, %sub3A_4423 : vector<8x512xf32>
    %add3A_4430 = arith.addf %add3A_4428, %mul3A_4429 : vector<8x512xf32>
    %get3A_4431 = arith.constant 0 : index
    %get3A_4432 = arith.constant 2048 : index
    %get3A_4433 = vector.load %arg5[%get3A_4431, %get3A_4432] : memref<8x16384xf32, #tpu.memory_space<vmem>>, vector<8x512xf32>
    %min3A_4434 = arith.minimumf %get3A_4433, %add3A_4430 : vector<8x512xf32>
    %swap3A_4435 = arith.constant 0 : index
    %swap3A_4436 = arith.constant 2048 : index
    %swap3A_4437 = vector.load %arg5[%swap3A_4435, %swap3A_4436] : memref<8x16384xf32, #tpu.memory_space<vmem>>, vector<8x512xf32>
    tpu.vector_store %arg5[%swap3A_4435, %swap3A_4436], %min3A_4434 {strides = array<i32>} : memref<8x16384xf32, #tpu.memory_space<vmem>>, vector<8x512xf32>,
    %add3A_4438 = arith.constant 2048 : i32
    %add3A_4439 = vector.broadcast %add3A_4438 : i32 to vector<8x512xi32>
    %add3A_4440 = arith.addi %iota3A, %add3A_4439 : vector<8x512xi32>
    %gt3A_4441 = arith.cmpf ogt, %min3A_4434, %select_n3A_4400 : vector<8x512xf32>
    %select_n3A_4442 = arith.select %gt3A_4441, %min3A_4434, %select_n3A_4400 : vector<8x512xi1>, vector<8x512xf32>
    %select_n3A_4443 = arith.select %gt3A_4441, %add3A_4440, %select_n3A_4401 : vector<8x512xi1>, vector<8x512xi32>
    %select_n3A_4444 = arith.select %gt3A_4441, %get3A_4409, %select_n3A_4402 : vector<8x512xi1>, vector<8x512xf32>
    %select_n3A_4445 = arith.select %gt3A_4441, %get3A_4414, %select_n3A_4403 : vector<8x512xi1>, vector<8x512xf32>
    %select_n3A_4446 = arith.select %gt3A_4441, %get3A_4419, %select_n3A_4404 : vector<8x512xi1>, vector<8x512xf32>
    %get3A_4447 = arith.constant 0 : index
    %get3A_4448 = arith.constant 0 : index
    %get3A_4449 = arith.constant 2560 : index
    %get3A_4450 = vector.load %arg1[%get3A_4447, %get3A_4448, %get3A_4449] : memref<3x8x16384xf32, #tpu.memory_space<vmem>>, vector<1x8x512xf32>
    %get3A_4451 = vector.shape_cast %get3A_4450 : vector<1x8x512xf32> to vector<8x512xf32>
    %get3A_4452 = arith.constant 1 : index
    %get3A_4453 = arith.constant 0 : index
    %get3A_4454 = arith.constant 2560 : index
    %get3A_4455 = vector.load %arg1[%get3A_4452, %get3A_4453, %get3A_4454] : memref<3x8x16384xf32, #tpu.memory_space<vmem>>, vector<1x8x512xf32>
    %get3A_4456 = vector.shape_cast %get3A_4455 : vector<1x8x512xf32> to vector<8x512xf32>
    %get3A_4457 = arith.constant 2 : index
    %get3A_4458 = arith.constant 0 : index
    %get3A_4459 = arith.constant 2560 : index
    %get3A_4460 = vector.load %arg1[%get3A_4457, %get3A_4458, %get3A_4459] : memref<3x8x16384xf32, #tpu.memory_space<vmem>>, vector<1x8x512xf32>
    %get3A_4461 = vector.shape_cast %get3A_4460 : vector<1x8x512xf32> to vector<8x512xf32>
    %sub3A_4462 = vector.broadcast %get3A_4235 : vector<8x1xf32> to vector<8x512xf32>
    %sub3A_4463 = arith.subf %get3A_4451, %sub3A_4462 : vector<8x512xf32>
    %sub3A_4464 = vector.broadcast %get3A_4240 : vector<8x1xf32> to vector<8x512xf32>
    %sub3A_4465 = arith.subf %get3A_4456, %sub3A_4464 : vector<8x512xf32>
    %sub3A_4466 = vector.broadcast %get3A_4245 : vector<8x1xf32> to vector<8x512xf32>
    %sub3A_4467 = arith.subf %get3A_4461, %sub3A_4466 : vector<8x512xf32>
    %mul3A_4468 = arith.mulf %sub3A_4463, %sub3A_4463 : vector<8x512xf32>
    %mul3A_4469 = arith.mulf %sub3A_4467, %sub3A_4467 : vector<8x512xf32>
    %add3A_4470 = arith.addf %mul3A_4468, %mul3A_4469 : vector<8x512xf32>
    %mul3A_4471 = arith.mulf %sub3A_4465, %sub3A_4465 : vector<8x512xf32>
    %add3A_4472 = arith.addf %add3A_4470, %mul3A_4471 : vector<8x512xf32>
    %get3A_4473 = arith.constant 0 : index
    %get3A_4474 = arith.constant 2560 : index
    %get3A_4475 = vector.load %arg5[%get3A_4473, %get3A_4474] : memref<8x16384xf32, #tpu.memory_space<vmem>>, vector<8x512xf32>
    %min3A_4476 = arith.minimumf %get3A_4475, %add3A_4472 : vector<8x512xf32>
    %swap3A_4477 = arith.constant 0 : index
    %swap3A_4478 = arith.constant 2560 : index
    %swap3A_4479 = vector.load %arg5[%swap3A_4477, %swap3A_4478] : memref<8x16384xf32, #tpu.memory_space<vmem>>, vector<8x512xf32>
    tpu.vector_store %arg5[%swap3A_4477, %swap3A_4478], %min3A_4476 {strides = array<i32>} : memref<8x16384xf32, #tpu.memory_space<vmem>>, vector<8x512xf32>,
    %add3A_4480 = arith.constant 2560 : i32
    %add3A_4481 = vector.broadcast %add3A_4480 : i32 to vector<8x512xi32>
    %add3A_4482 = arith.addi %iota3A, %add3A_4481 : vector<8x512xi32>
    %gt3A_4483 = arith.cmpf ogt, %min3A_4476, %select_n3A_4442 : vector<8x512xf32>
    %select_n3A_4484 = arith.select %gt3A_4483, %min3A_4476, %select_n3A_4442 : vector<8x512xi1>, vector<8x512xf32>
    %select_n3A_4485 = arith.select %gt3A_4483, %add3A_4482, %select_n3A_4443 : vector<8x512xi1>, vector<8x512xi32>
    %select_n3A_4486 = arith.select %gt3A_4483, %get3A_4451, %select_n3A_4444 : vector<8x512xi1>, vector<8x512xf32>
    %select_n3A_4487 = arith.select %gt3A_4483, %get3A_4456, %select_n3A_4445 : vector<8x512xi1>, vector<8x512xf32>
    %select_n3A_4488 = arith.select %gt3A_4483, %get3A_4461, %select_n3A_4446 : vector<8x512xi1>, vector<8x512xf32>
    %get3A_4489 = arith.constant 0 : index
    %get3A_4490 = arith.constant 0 : index
    %get3A_4491 = arith.constant 3072 : index
    %get3A_4492 = vector.load %arg1[%get3A_4489, %get3A_4490, %get3A_4491] : memref<3x8x16384xf32, #tpu.memory_space<vmem>>, vector<1x8x512xf32>
    %get3A_4493 = vector.shape_cast %get3A_4492 : vector<1x8x512xf32> to vector<8x512xf32>
    %get3A_4494 = arith.constant 1 : index
    %get3A_4495 = arith.constant 0 : index
    %get3A_4496 = arith.constant 3072 : index
    %get3A_4497 = vector.load %arg1[%get3A_4494, %get3A_4495, %get3A_4496] : memref<3x8x16384xf32, #tpu.memory_space<vmem>>, vector<1x8x512xf32>
    %get3A_4498 = vector.shape_cast %get3A_4497 : vector<1x8x512xf32> to vector<8x512xf32>
    %get3A_4499 = arith.constant 2 : index
    %get3A_4500 = arith.constant 0 : index
    %get3A_4501 = arith.constant 3072 : index
    %get3A_4502 = vector.load %arg1[%get3A_4499, %get3A_4500, %get3A_4501] : memref<3x8x16384xf32, #tpu.memory_space<vmem>>, vector<1x8x512xf32>
    %get3A_4503 = vector.shape_cast %get3A_4502 : vector<1x8x512xf32> to vector<8x512xf32>
    %sub3A_4504 = vector.broadcast %get3A_4235 : vector<8x1xf32> to vector<8x512xf32>
    %sub3A_4505 = arith.subf %get3A_4493, %sub3A_4504 : vector<8x512xf32>
    %sub3A_4506 = vector.broadcast %get3A_4240 : vector<8x1xf32> to vector<8x512xf32>
    %sub3A_4507 = arith.subf %get3A_4498, %sub3A_4506 : vector<8x512xf32>
    %sub3A_4508 = vector.broadcast %get3A_4245 : vector<8x1xf32> to vector<8x512xf32>
    %sub3A_4509 = arith.subf %get3A_4503, %sub3A_4508 : vector<8x512xf32>
    %mul3A_4510 = arith.mulf %sub3A_4505, %sub3A_4505 : vector<8x512xf32>
    %mul3A_4511 = arith.mulf %sub3A_4509, %sub3A_4509 : vector<8x512xf32>
    %add3A_4512 = arith.addf %mul3A_4510, %mul3A_4511 : vector<8x512xf32>
    %mul3A_4513 = arith.mulf %sub3A_4507, %sub3A_4507 : vector<8x512xf32>
    %add3A_4514 = arith.addf %add3A_4512, %mul3A_4513 : vector<8x512xf32>
    %get3A_4515 = arith.constant 0 : index
    %get3A_4516 = arith.constant 3072 : index
    %get3A_4517 = vector.load %arg5[%get3A_4515, %get3A_4516] : memref<8x16384xf32, #tpu.memory_space<vmem>>, vector<8x512xf32>
    %min3A_4518 = arith.minimumf %get3A_4517, %add3A_4514 : vector<8x512xf32>
    %swap3A_4519 = arith.constant 0 : index
    %swap3A_4520 = arith.constant 3072 : index
    %swap3A_4521 = vector.load %arg5[%swap3A_4519, %swap3A_4520] : memref<8x16384xf32, #tpu.memory_space<vmem>>, vector<8x512xf32>
    tpu.vector_store %arg5[%swap3A_4519, %swap3A_4520], %min3A_4518 {strides = array<i32>} : memref<8x16384xf32, #tpu.memory_space<vmem>>, vector<8x512xf32>,
    %add3A_4522 = arith.constant 3072 : i32
    %add3A_4523 = vector.broadcast %add3A_4522 : i32 to vector<8x512xi32>
    %add3A_4524 = arith.addi %iota3A, %add3A_4523 : vector<8x512xi32>
    %gt3A_4525 = arith.cmpf ogt, %min3A_4518, %select_n3A_4484 : vector<8x512xf32>
    %select_n3A_4526 = arith.select %gt3A_4525, %min3A_4518, %select_n3A_4484 : vector<8x512xi1>, vector<8x512xf32>
    %select_n3A_4527 = arith.select %gt3A_4525, %add3A_4524, %select_n3A_4485 : vector<8x512xi1>, vector<8x512xi32>
    %select_n3A_4528 = arith.select %gt3A_4525, %get3A_4493, %select_n3A_4486 : vector<8x512xi1>, vector<8x512xf32>
    %select_n3A_4529 = arith.select %gt3A_4525, %get3A_4498, %select_n3A_4487 : vector<8x512xi1>, vector<8x512xf32>
    %select_n3A_4530 = arith.select %gt3A_4525, %get3A_4503, %select_n3A_4488 : vector<8x512xi1>, vector<8x512xf32>
    %get3A_4531 = arith.constant 0 : index
    %get3A_4532 = arith.constant 0 : index
    %get3A_4533 = arith.constant 3584 : index
    %get3A_4534 = vector.load %arg1[%get3A_4531, %get3A_4532, %get3A_4533] : memref<3x8x16384xf32, #tpu.memory_space<vmem>>, vector<1x8x512xf32>
    %get3A_4535 = vector.shape_cast %get3A_4534 : vector<1x8x512xf32> to vector<8x512xf32>
    %get3A_4536 = arith.constant 1 : index
    %get3A_4537 = arith.constant 0 : index
    %get3A_4538 = arith.constant 3584 : index
    %get3A_4539 = vector.load %arg1[%get3A_4536, %get3A_4537, %get3A_4538] : memref<3x8x16384xf32, #tpu.memory_space<vmem>>, vector<1x8x512xf32>
    %get3A_4540 = vector.shape_cast %get3A_4539 : vector<1x8x512xf32> to vector<8x512xf32>
    %get3A_4541 = arith.constant 2 : index
    %get3A_4542 = arith.constant 0 : index
    %get3A_4543 = arith.constant 3584 : index
    %get3A_4544 = vector.load %arg1[%get3A_4541, %get3A_4542, %get3A_4543] : memref<3x8x16384xf32, #tpu.memory_space<vmem>>, vector<1x8x512xf32>
    %get3A_4545 = vector.shape_cast %get3A_4544 : vector<1x8x512xf32> to vector<8x512xf32>
    %sub3A_4546 = vector.broadcast %get3A_4235 : vector<8x1xf32> to vector<8x512xf32>
    %sub3A_4547 = arith.subf %get3A_4535, %sub3A_4546 : vector<8x512xf32>
    %sub3A_4548 = vector.broadcast %get3A_4240 : vector<8x1xf32> to vector<8x512xf32>
    %sub3A_4549 = arith.subf %get3A_4540, %sub3A_4548 : vector<8x512xf32>
    %sub3A_4550 = vector.broadcast %get3A_4245 : vector<8x1xf32> to vector<8x512xf32>
    %sub3A_4551 = arith.subf %get3A_4545, %sub3A_4550 : vector<8x512xf32>
    %mul3A_4552 = arith.mulf %sub3A_4547, %sub3A_4547 : vector<8x512xf32>
    %mul3A_4553 = arith.mulf %sub3A_4551, %sub3A_4551 : vector<8x512xf32>
    %add3A_4554 = arith.addf %mul3A_4552, %mul3A_4553 : vector<8x512xf32>
    %mul3A_4555 = arith.mulf %sub3A_4549, %sub3A_4549 : vector<8x512xf32>
    %add3A_4556 = arith.addf %add3A_4554, %mul3A_4555 : vector<8x512xf32>
    %get3A_4557 = arith.constant 0 : index
    %get3A_4558 = arith.constant 3584 : index
    %get3A_4559 = vector.load %arg5[%get3A_4557, %get3A_4558] : memref<8x16384xf32, #tpu.memory_space<vmem>>, vector<8x512xf32>
    %min3A_4560 = arith.minimumf %get3A_4559, %add3A_4556 : vector<8x512xf32>
    %swap3A_4561 = arith.constant 0 : index
    %swap3A_4562 = arith.constant 3584 : index
    %swap3A_4563 = vector.load %arg5[%swap3A_4561, %swap3A_4562] : memref<8x16384xf32, #tpu.memory_space<vmem>>, vector<8x512xf32>
    tpu.vector_store %arg5[%swap3A_4561, %swap3A_4562], %min3A_4560 {strides = array<i32>} : memref<8x16384xf32, #tpu.memory_space<vmem>>, vector<8x512xf32>,
    %add3A_4564 = arith.constant 3584 : i32
    %add3A_4565 = vector.broadcast %add3A_4564 : i32 to vector<8x512xi32>
    %add3A_4566 = arith.addi %iota3A, %add3A_4565 : vector<8x512xi32>
    %gt3A_4567 = arith.cmpf ogt, %min3A_4560, %select_n3A_4526 : vector<8x512xf32>
    %select_n3A_4568 = arith.select %gt3A_4567, %min3A_4560, %select_n3A_4526 : vector<8x512xi1>, vector<8x512xf32>
    %select_n3A_4569 = arith.select %gt3A_4567, %add3A_4566, %select_n3A_4527 : vector<8x512xi1>, vector<8x512xi32>
    %select_n3A_4570 = arith.select %gt3A_4567, %get3A_4535, %select_n3A_4528 : vector<8x512xi1>, vector<8x512xf32>
    %select_n3A_4571 = arith.select %gt3A_4567, %get3A_4540, %select_n3A_4529 : vector<8x512xi1>, vector<8x512xf32>
    %select_n3A_4572 = arith.select %gt3A_4567, %get3A_4545, %select_n3A_4530 : vector<8x512xi1>, vector<8x512xf32>
    %get3A_4573 = arith.constant 0 : index
    %get3A_4574 = arith.constant 0 : index
    %get3A_4575 = arith.constant 4096 : index
    %get3A_4576 = vector.load %arg1[%get3A_4573, %get3A_4574, %get3A_4575] : memref<3x8x16384xf32, #tpu.memory_space<vmem>>, vector<1x8x512xf32>
    %get3A_4577 = vector.shape_cast %get3A_4576 : vector<1x8x512xf32> to vector<8x512xf32>
    %get3A_4578 = arith.constant 1 : index
    %get3A_4579 = arith.constant 0 : index
    %get3A_4580 = arith.constant 4096 : index
    %get3A_4581 = vector.load %arg1[%get3A_4578, %get3A_4579, %get3A_4580] : memref<3x8x16384xf32, #tpu.memory_space<vmem>>, vector<1x8x512xf32>
    %get3A_4582 = vector.shape_cast %get3A_4581 : vector<1x8x512xf32> to vector<8x512xf32>
    %get3A_4583 = arith.constant 2 : index
    %get3A_4584 = arith.constant 0 : index
    %get3A_4585 = arith.constant 4096 : index
    %get3A_4586 = vector.load %arg1[%get3A_4583, %get3A_4584, %get3A_4585] : memref<3x8x16384xf32, #tpu.memory_space<vmem>>, vector<1x8x512xf32>
    %get3A_4587 = vector.shape_cast %get3A_4586 : vector<1x8x512xf32> to vector<8x512xf32>
    %sub3A_4588 = vector.broadcast %get3A_4235 : vector<8x1xf32> to vector<8x512xf32>
    %sub3A_4589 = arith.subf %get3A_4577, %sub3A_4588 : vector<8x512xf32>
    %sub3A_4590 = vector.broadcast %get3A_4240 : vector<8x1xf32> to vector<8x512xf32>
    %sub3A_4591 = arith.subf %get3A_4582, %sub3A_4590 : vector<8x512xf32>
    %sub3A_4592 = vector.broadcast %get3A_4245 : vector<8x1xf32> to vector<8x512xf32>
    %sub3A_4593 = arith.subf %get3A_4587, %sub3A_4592 : vector<8x512xf32>
    %mul3A_4594 = arith.mulf %sub3A_4589, %sub3A_4589 : vector<8x512xf32>
    %mul3A_4595 = arith.mulf %sub3A_4593, %sub3A_4593 : vector<8x512xf32>
    %add3A_4596 = arith.addf %mul3A_4594, %mul3A_4595 : vector<8x512xf32>
    %mul3A_4597 = arith.mulf %sub3A_4591, %sub3A_4591 : vector<8x512xf32>
    %add3A_4598 = arith.addf %add3A_4596, %mul3A_4597 : vector<8x512xf32>
    %get3A_4599 = arith.constant 0 : index
    %get3A_4600 = arith.constant 4096 : index
    %get3A_4601 = vector.load %arg5[%get3A_4599, %get3A_4600] : memref<8x16384xf32, #tpu.memory_space<vmem>>, vector<8x512xf32>
    %min3A_4602 = arith.minimumf %get3A_4601, %add3A_4598 : vector<8x512xf32>
    %swap3A_4603 = arith.constant 0 : index
    %swap3A_4604 = arith.constant 4096 : index
    %swap3A_4605 = vector.load %arg5[%swap3A_4603, %swap3A_4604] : memref<8x16384xf32, #tpu.memory_space<vmem>>, vector<8x512xf32>
    tpu.vector_store %arg5[%swap3A_4603, %swap3A_4604], %min3A_4602 {strides = array<i32>} : memref<8x16384xf32, #tpu.memory_space<vmem>>, vector<8x512xf32>,
    %add3A_4606 = arith.constant 4096 : i32
    %add3A_4607 = vector.broadcast %add3A_4606 : i32 to vector<8x512xi32>
    %add3A_4608 = arith.addi %iota3A, %add3A_4607 : vector<8x512xi32>
    %gt3A_4609 = arith.cmpf ogt, %min3A_4602, %select_n3A_4568 : vector<8x512xf32>
    %select_n3A_4610 = arith.select %gt3A_4609, %min3A_4602, %select_n3A_4568 : vector<8x512xi1>, vector<8x512xf32>
    %select_n3A_4611 = arith.select %gt3A_4609, %add3A_4608, %select_n3A_4569 : vector<8x512xi1>, vector<8x512xi32>
    %select_n3A_4612 = arith.select %gt3A_4609, %get3A_4577, %select_n3A_4570 : vector<8x512xi1>, vector<8x512xf32>
    %select_n3A_4613 = arith.select %gt3A_4609, %get3A_4582, %select_n3A_4571 : vector<8x512xi1>, vector<8x512xf32>
    %select_n3A_4614 = arith.select %gt3A_4609, %get3A_4587, %select_n3A_4572 : vector<8x512xi1>, vector<8x512xf32>
    %get3A_4615 = arith.constant 0 : index
    %get3A_4616 = arith.constant 0 : index
    %get3A_4617 = arith.constant 4608 : index
    %get3A_4618 = vector.load %arg1[%get3A_4615, %get3A_4616, %get3A_4617] : memref<3x8x16384xf32, #tpu.memory_space<vmem>>, vector<1x8x512xf32>
    %get3A_4619 = vector.shape_cast %get3A_4618 : vector<1x8x512xf32> to vector<8x512xf32>
    %get3A_4620 = arith.constant 1 : index
    %get3A_4621 = arith.constant 0 : index
    %get3A_4622 = arith.constant 4608 : index
    %get3A_4623 = vector.load %arg1[%get3A_4620, %get3A_4621, %get3A_4622] : memref<3x8x16384xf32, #tpu.memory_space<vmem>>, vector<1x8x512xf32>
    %get3A_4624 = vector.shape_cast %get3A_4623 : vector<1x8x512xf32> to vector<8x512xf32>
    %get3A_4625 = arith.constant 2 : index
    %get3A_4626 = arith.constant 0 : index
    %get3A_4627 = arith.constant 4608 : index
    %get3A_4628 = vector.load %arg1[%get3A_4625, %get3A_4626, %get3A_4627] : memref<3x8x16384xf32, #tpu.memory_space<vmem>>, vector<1x8x512xf32>
    %get3A_4629 = vector.shape_cast %get3A_4628 : vector<1x8x512xf32> to vector<8x512xf32>
    %sub3A_4630 = vector.broadcast %get3A_4235 : vector<8x1xf32> to vector<8x512xf32>
    %sub3A_4631 = arith.subf %get3A_4619, %sub3A_4630 : vector<8x512xf32>
    %sub3A_4632 = vector.broadcast %get3A_4240 : vector<8x1xf32> to vector<8x512xf32>
    %sub3A_4633 = arith.subf %get3A_4624, %sub3A_4632 : vector<8x512xf32>
    %sub3A_4634 = vector.broadcast %get3A_4245 : vector<8x1xf32> to vector<8x512xf32>
    %sub3A_4635 = arith.subf %get3A_4629, %sub3A_4634 : vector<8x512xf32>
    %mul3A_4636 = arith.mulf %sub3A_4631, %sub3A_4631 : vector<8x512xf32>
    %mul3A_4637 = arith.mulf %sub3A_4635, %sub3A_4635 : vector<8x512xf32>
    %add3A_4638 = arith.addf %mul3A_4636, %mul3A_4637 : vector<8x512xf32>
    %mul3A_4639 = arith.mulf %sub3A_4633, %sub3A_4633 : vector<8x512xf32>
    %add3A_4640 = arith.addf %add3A_4638, %mul3A_4639 : vector<8x512xf32>
    %get3A_4641 = arith.constant 0 : index
    %get3A_4642 = arith.constant 4608 : index
    %get3A_4643 = vector.load %arg5[%get3A_4641, %get3A_4642] : memref<8x16384xf32, #tpu.memory_space<vmem>>, vector<8x512xf32>
    %min3A_4644 = arith.minimumf %get3A_4643, %add3A_4640 : vector<8x512xf32>
    %swap3A_4645 = arith.constant 0 : index
    %swap3A_4646 = arith.constant 4608 : index
    %swap3A_4647 = vector.load %arg5[%swap3A_4645, %swap3A_4646] : memref<8x16384xf32, #tpu.memory_space<vmem>>, vector<8x512xf32>
    tpu.vector_store %arg5[%swap3A_4645, %swap3A_4646], %min3A_4644 {strides = array<i32>} : memref<8x16384xf32, #tpu.memory_space<vmem>>, vector<8x512xf32>,
    %add3A_4648 = arith.constant 4608 : i32
    %add3A_4649 = vector.broadcast %add3A_4648 : i32 to vector<8x512xi32>
    %add3A_4650 = arith.addi %iota3A, %add3A_4649 : vector<8x512xi32>
    %gt3A_4651 = arith.cmpf ogt, %min3A_4644, %select_n3A_4610 : vector<8x512xf32>
    %select_n3A_4652 = arith.select %gt3A_4651, %min3A_4644, %select_n3A_4610 : vector<8x512xi1>, vector<8x512xf32>
    %select_n3A_4653 = arith.select %gt3A_4651, %add3A_4650, %select_n3A_4611 : vector<8x512xi1>, vector<8x512xi32>
    %select_n3A_4654 = arith.select %gt3A_4651, %get3A_4619, %select_n3A_4612 : vector<8x512xi1>, vector<8x512xf32>
    %select_n3A_4655 = arith.select %gt3A_4651, %get3A_4624, %select_n3A_4613 : vector<8x512xi1>, vector<8x512xf32>
    %select_n3A_4656 = arith.select %gt3A_4651, %get3A_4629, %select_n3A_4614 : vector<8x512xi1>, vector<8x512xf32>
    %get3A_4657 = arith.constant 0 : index
    %get3A_4658 = arith.constant 0 : index
    %get3A_4659 = arith.constant 5120 : index
    %get3A_4660 = vector.load %arg1[%get3A_4657, %get3A_4658, %get3A_4659] : memref<3x8x16384xf32, #tpu.memory_space<vmem>>, vector<1x8x512xf32>
    %get3A_4661 = vector.shape_cast %get3A_4660 : vector<1x8x512xf32> to vector<8x512xf32>
    %get3A_4662 = arith.constant 1 : index
    %get3A_4663 = arith.constant 0 : index
    %get3A_4664 = arith.constant 5120 : index
    %get3A_4665 = vector.load %arg1[%get3A_4662, %get3A_4663, %get3A_4664] : memref<3x8x16384xf32, #tpu.memory_space<vmem>>, vector<1x8x512xf32>
    %get3A_4666 = vector.shape_cast %get3A_4665 : vector<1x8x512xf32> to vector<8x512xf32>
    %get3A_4667 = arith.constant 2 : index
    %get3A_4668 = arith.constant 0 : index
    %get3A_4669 = arith.constant 5120 : index
    %get3A_4670 = vector.load %arg1[%get3A_4667, %get3A_4668, %get3A_4669] : memref<3x8x16384xf32, #tpu.memory_space<vmem>>, vector<1x8x512xf32>
    %get3A_4671 = vector.shape_cast %get3A_4670 : vector<1x8x512xf32> to vector<8x512xf32>
    %sub3A_4672 = vector.broadcast %get3A_4235 : vector<8x1xf32> to vector<8x512xf32>
    %sub3A_4673 = arith.subf %get3A_4661, %sub3A_4672 : vector<8x512xf32>
    %sub3A_4674 = vector.broadcast %get3A_4240 : vector<8x1xf32> to vector<8x512xf32>
    %sub3A_4675 = arith.subf %get3A_4666, %sub3A_4674 : vector<8x512xf32>
    %sub3A_4676 = vector.broadcast %get3A_4245 : vector<8x1xf32> to vector<8x512xf32>
    %sub3A_4677 = arith.subf %get3A_4671, %sub3A_4676 : vector<8x512xf32>
    %mul3A_4678 = arith.mulf %sub3A_4673, %sub3A_4673 : vector<8x512xf32>
    %mul3A_4679 = arith.mulf %sub3A_4677, %sub3A_4677 : vector<8x512xf32>
    %add3A_4680 = arith.addf %mul3A_4678, %mul3A_4679 : vector<8x512xf32>
    %mul3A_4681 = arith.mulf %sub3A_4675, %sub3A_4675 : vector<8x512xf32>
    %add3A_4682 = arith.addf %add3A_4680, %mul3A_4681 : vector<8x512xf32>
    %get3A_4683 = arith.constant 0 : index
    %get3A_4684 = arith.constant 5120 : index
    %get3A_4685 = vector.load %arg5[%get3A_4683, %get3A_4684] : memref<8x16384xf32, #tpu.memory_space<vmem>>, vector<8x512xf32>
    %min3A_4686 = arith.minimumf %get3A_4685, %add3A_4682 : vector<8x512xf32>
    %swap3A_4687 = arith.constant 0 : index
    %swap3A_4688 = arith.constant 5120 : index
    %swap3A_4689 = vector.load %arg5[%swap3A_4687, %swap3A_4688] : memref<8x16384xf32, #tpu.memory_space<vmem>>, vector<8x512xf32>
    tpu.vector_store %arg5[%swap3A_4687, %swap3A_4688], %min3A_4686 {strides = array<i32>} : memref<8x16384xf32, #tpu.memory_space<vmem>>, vector<8x512xf32>,
    %add3A_4690 = arith.constant 5120 : i32
    %add3A_4691 = vector.broadcast %add3A_4690 : i32 to vector<8x512xi32>
    %add3A_4692 = arith.addi %iota3A, %add3A_4691 : vector<8x512xi32>
    %gt3A_4693 = arith.cmpf ogt, %min3A_4686, %select_n3A_4652 : vector<8x512xf32>
    %select_n3A_4694 = arith.select %gt3A_4693, %min3A_4686, %select_n3A_4652 : vector<8x512xi1>, vector<8x512xf32>
    %select_n3A_4695 = arith.select %gt3A_4693, %add3A_4692, %select_n3A_4653 : vector<8x512xi1>, vector<8x512xi32>
    %select_n3A_4696 = arith.select %gt3A_4693, %get3A_4661, %select_n3A_4654 : vector<8x512xi1>, vector<8x512xf32>
    %select_n3A_4697 = arith.select %gt3A_4693, %get3A_4666, %select_n3A_4655 : vector<8x512xi1>, vector<8x512xf32>
    %select_n3A_4698 = arith.select %gt3A_4693, %get3A_4671, %select_n3A_4656 : vector<8x512xi1>, vector<8x512xf32>
    %get3A_4699 = arith.constant 0 : index
    %get3A_4700 = arith.constant 0 : index
    %get3A_4701 = arith.constant 5632 : index
    %get3A_4702 = vector.load %arg1[%get3A_4699, %get3A_4700, %get3A_4701] : memref<3x8x16384xf32, #tpu.memory_space<vmem>>, vector<1x8x512xf32>
    %get3A_4703 = vector.shape_cast %get3A_4702 : vector<1x8x512xf32> to vector<8x512xf32>
    %get3A_4704 = arith.constant 1 : index
    %get3A_4705 = arith.constant 0 : index
    %get3A_4706 = arith.constant 5632 : index
    %get3A_4707 = vector.load %arg1[%get3A_4704, %get3A_4705, %get3A_4706] : memref<3x8x16384xf32, #tpu.memory_space<vmem>>, vector<1x8x512xf32>
    %get3A_4708 = vector.shape_cast %get3A_4707 : vector<1x8x512xf32> to vector<8x512xf32>
    %get3A_4709 = arith.constant 2 : index
    %get3A_4710 = arith.constant 0 : index
    %get3A_4711 = arith.constant 5632 : index
    %get3A_4712 = vector.load %arg1[%get3A_4709, %get3A_4710, %get3A_4711] : memref<3x8x16384xf32, #tpu.memory_space<vmem>>, vector<1x8x512xf32>
    %get3A_4713 = vector.shape_cast %get3A_4712 : vector<1x8x512xf32> to vector<8x512xf32>
    %sub3A_4714 = vector.broadcast %get3A_4235 : vector<8x1xf32> to vector<8x512xf32>
    %sub3A_4715 = arith.subf %get3A_4703, %sub3A_4714 : vector<8x512xf32>
    %sub3A_4716 = vector.broadcast %get3A_4240 : vector<8x1xf32> to vector<8x512xf32>
    %sub3A_4717 = arith.subf %get3A_4708, %sub3A_4716 : vector<8x512xf32>
    %sub3A_4718 = vector.broadcast %get3A_4245 : vector<8x1xf32> to vector<8x512xf32>
    %sub3A_4719 = arith.subf %get3A_4713, %sub3A_4718 : vector<8x512xf32>
    %mul3A_4720 = arith.mulf %sub3A_4715, %sub3A_4715 : vector<8x512xf32>
    %mul3A_4721 = arith.mulf %sub3A_4719, %sub3A_4719 : vector<8x512xf32>
    %add3A_4722 = arith.addf %mul3A_4720, %mul3A_4721 : vector<8x512xf32>
    %mul3A_4723 = arith.mulf %sub3A_4717, %sub3A_4717 : vector<8x512xf32>
    %add3A_4724 = arith.addf %add3A_4722, %mul3A_4723 : vector<8x512xf32>
    %get3A_4725 = arith.constant 0 : index
    %get3A_4726 = arith.constant 5632 : index
    %get3A_4727 = vector.load %arg5[%get3A_4725, %get3A_4726] : memref<8x16384xf32, #tpu.memory_space<vmem>>, vector<8x512xf32>
    %min3A_4728 = arith.minimumf %get3A_4727, %add3A_4724 : vector<8x512xf32>
    %swap3A_4729 = arith.constant 0 : index
    %swap3A_4730 = arith.constant 5632 : index
    %swap3A_4731 = vector.load %arg5[%swap3A_4729, %swap3A_4730] : memref<8x16384xf32, #tpu.memory_space<vmem>>, vector<8x512xf32>
    tpu.vector_store %arg5[%swap3A_4729, %swap3A_4730], %min3A_4728 {strides = array<i32>} : memref<8x16384xf32, #tpu.memory_space<vmem>>, vector<8x512xf32>,
    %add3A_4732 = arith.constant 5632 : i32
    %add3A_4733 = vector.broadcast %add3A_4732 : i32 to vector<8x512xi32>
    %add3A_4734 = arith.addi %iota3A, %add3A_4733 : vector<8x512xi32>
    %gt3A_4735 = arith.cmpf ogt, %min3A_4728, %select_n3A_4694 : vector<8x512xf32>
    %select_n3A_4736 = arith.select %gt3A_4735, %min3A_4728, %select_n3A_4694 : vector<8x512xi1>, vector<8x512xf32>
    %select_n3A_4737 = arith.select %gt3A_4735, %add3A_4734, %select_n3A_4695 : vector<8x512xi1>, vector<8x512xi32>
    %select_n3A_4738 = arith.select %gt3A_4735, %get3A_4703, %select_n3A_4696 : vector<8x512xi1>, vector<8x512xf32>
    %select_n3A_4739 = arith.select %gt3A_4735, %get3A_4708, %select_n3A_4697 : vector<8x512xi1>, vector<8x512xf32>
    %select_n3A_4740 = arith.select %gt3A_4735, %get3A_4713, %select_n3A_4698 : vector<8x512xi1>, vector<8x512xf32>
    %get3A_4741 = arith.constant 0 : index
    %get3A_4742 = arith.constant 0 : index
    %get3A_4743 = arith.constant 6144 : index
    %get3A_4744 = vector.load %arg1[%get3A_4741, %get3A_4742, %get3A_4743] : memref<3x8x16384xf32, #tpu.memory_space<vmem>>, vector<1x8x512xf32>
    %get3A_4745 = vector.shape_cast %get3A_4744 : vector<1x8x512xf32> to vector<8x512xf32>
    %get3A_4746 = arith.constant 1 : index
    %get3A_4747 = arith.constant 0 : index
    %get3A_4748 = arith.constant 6144 : index
    %get3A_4749 = vector.load %arg1[%get3A_4746, %get3A_4747, %get3A_4748] : memref<3x8x16384xf32, #tpu.memory_space<vmem>>, vector<1x8x512xf32>
    %get3A_4750 = vector.shape_cast %get3A_4749 : vector<1x8x512xf32> to vector<8x512xf32>
    %get3A_4751 = arith.constant 2 : index
    %get3A_4752 = arith.constant 0 : index
    %get3A_4753 = arith.constant 6144 : index
    %get3A_4754 = vector.load %arg1[%get3A_4751, %get3A_4752, %get3A_4753] : memref<3x8x16384xf32, #tpu.memory_space<vmem>>, vector<1x8x512xf32>
    %get3A_4755 = vector.shape_cast %get3A_4754 : vector<1x8x512xf32> to vector<8x512xf32>
    %sub3A_4756 = vector.broadcast %get3A_4235 : vector<8x1xf32> to vector<8x512xf32>
    %sub3A_4757 = arith.subf %get3A_4745, %sub3A_4756 : vector<8x512xf32>
    %sub3A_4758 = vector.broadcast %get3A_4240 : vector<8x1xf32> to vector<8x512xf32>
    %sub3A_4759 = arith.subf %get3A_4750, %sub3A_4758 : vector<8x512xf32>
    %sub3A_4760 = vector.broadcast %get3A_4245 : vector<8x1xf32> to vector<8x512xf32>
    %sub3A_4761 = arith.subf %get3A_4755, %sub3A_4760 : vector<8x512xf32>
    %mul3A_4762 = arith.mulf %sub3A_4757, %sub3A_4757 : vector<8x512xf32>
    %mul3A_4763 = arith.mulf %sub3A_4761, %sub3A_4761 : vector<8x512xf32>
    %add3A_4764 = arith.addf %mul3A_4762, %mul3A_4763 : vector<8x512xf32>
    %mul3A_4765 = arith.mulf %sub3A_4759, %sub3A_4759 : vector<8x512xf32>
    %add3A_4766 = arith.addf %add3A_4764, %mul3A_4765 : vector<8x512xf32>
    %get3A_4767 = arith.constant 0 : index
    %get3A_4768 = arith.constant 6144 : index
    %get3A_4769 = vector.load %arg5[%get3A_4767, %get3A_4768] : memref<8x16384xf32, #tpu.memory_space<vmem>>, vector<8x512xf32>
    %min3A_4770 = arith.minimumf %get3A_4769, %add3A_4766 : vector<8x512xf32>
    %swap3A_4771 = arith.constant 0 : index
    %swap3A_4772 = arith.constant 6144 : index
    %swap3A_4773 = vector.load %arg5[%swap3A_4771, %swap3A_4772] : memref<8x16384xf32, #tpu.memory_space<vmem>>, vector<8x512xf32>
    tpu.vector_store %arg5[%swap3A_4771, %swap3A_4772], %min3A_4770 {strides = array<i32>} : memref<8x16384xf32, #tpu.memory_space<vmem>>, vector<8x512xf32>,
    %add3A_4774 = arith.constant 6144 : i32
    %add3A_4775 = vector.broadcast %add3A_4774 : i32 to vector<8x512xi32>
    %add3A_4776 = arith.addi %iota3A, %add3A_4775 : vector<8x512xi32>
    %gt3A_4777 = arith.cmpf ogt, %min3A_4770, %select_n3A_4736 : vector<8x512xf32>
    %select_n3A_4778 = arith.select %gt3A_4777, %min3A_4770, %select_n3A_4736 : vector<8x512xi1>, vector<8x512xf32>
    %select_n3A_4779 = arith.select %gt3A_4777, %add3A_4776, %select_n3A_4737 : vector<8x512xi1>, vector<8x512xi32>
    %select_n3A_4780 = arith.select %gt3A_4777, %get3A_4745, %select_n3A_4738 : vector<8x512xi1>, vector<8x512xf32>
    %select_n3A_4781 = arith.select %gt3A_4777, %get3A_4750, %select_n3A_4739 : vector<8x512xi1>, vector<8x512xf32>
    %select_n3A_4782 = arith.select %gt3A_4777, %get3A_4755, %select_n3A_4740 : vector<8x512xi1>, vector<8x512xf32>
    %get3A_4783 = arith.constant 0 : index
    %get3A_4784 = arith.constant 0 : index
    %get3A_4785 = arith.constant 6656 : index
    %get3A_4786 = vector.load %arg1[%get3A_4783, %get3A_4784, %get3A_4785] : memref<3x8x16384xf32, #tpu.memory_space<vmem>>, vector<1x8x512xf32>
    %get3A_4787 = vector.shape_cast %get3A_4786 : vector<1x8x512xf32> to vector<8x512xf32>
    %get3A_4788 = arith.constant 1 : index
    %get3A_4789 = arith.constant 0 : index
    %get3A_4790 = arith.constant 6656 : index
    %get3A_4791 = vector.load %arg1[%get3A_4788, %get3A_4789, %get3A_4790] : memref<3x8x16384xf32, #tpu.memory_space<vmem>>, vector<1x8x512xf32>
    %get3A_4792 = vector.shape_cast %get3A_4791 : vector<1x8x512xf32> to vector<8x512xf32>
    %get3A_4793 = arith.constant 2 : index
    %get3A_4794 = arith.constant 0 : index
    %get3A_4795 = arith.constant 6656 : index
    %get3A_4796 = vector.load %arg1[%get3A_4793, %get3A_4794, %get3A_4795] : memref<3x8x16384xf32, #tpu.memory_space<vmem>>, vector<1x8x512xf32>
    %get3A_4797 = vector.shape_cast %get3A_4796 : vector<1x8x512xf32> to vector<8x512xf32>
    %sub3A_4798 = vector.broadcast %get3A_4235 : vector<8x1xf32> to vector<8x512xf32>
    %sub3A_4799 = arith.subf %get3A_4787, %sub3A_4798 : vector<8x512xf32>
    %sub3A_4800 = vector.broadcast %get3A_4240 : vector<8x1xf32> to vector<8x512xf32>
    %sub3A_4801 = arith.subf %get3A_4792, %sub3A_4800 : vector<8x512xf32>
    %sub3A_4802 = vector.broadcast %get3A_4245 : vector<8x1xf32> to vector<8x512xf32>
    %sub3A_4803 = arith.subf %get3A_4797, %sub3A_4802 : vector<8x512xf32>
    %mul3A_4804 = arith.mulf %sub3A_4799, %sub3A_4799 : vector<8x512xf32>
    %mul3A_4805 = arith.mulf %sub3A_4803, %sub3A_4803 : vector<8x512xf32>
    %add3A_4806 = arith.addf %mul3A_4804, %mul3A_4805 : vector<8x512xf32>
    %mul3A_4807 = arith.mulf %sub3A_4801, %sub3A_4801 : vector<8x512xf32>
    %add3A_4808 = arith.addf %add3A_4806, %mul3A_4807 : vector<8x512xf32>
    %get3A_4809 = arith.constant 0 : index
    %get3A_4810 = arith.constant 6656 : index
    %get3A_4811 = vector.load %arg5[%get3A_4809, %get3A_4810] : memref<8x16384xf32, #tpu.memory_space<vmem>>, vector<8x512xf32>
    %min3A_4812 = arith.minimumf %get3A_4811, %add3A_4808 : vector<8x512xf32>
    %swap3A_4813 = arith.constant 0 : index
    %swap3A_4814 = arith.constant 6656 : index
    %swap3A_4815 = vector.load %arg5[%swap3A_4813, %swap3A_4814] : memref<8x16384xf32, #tpu.memory_space<vmem>>, vector<8x512xf32>
    tpu.vector_store %arg5[%swap3A_4813, %swap3A_4814], %min3A_4812 {strides = array<i32>} : memref<8x16384xf32, #tpu.memory_space<vmem>>, vector<8x512xf32>,
    %add3A_4816 = arith.constant 6656 : i32
    %add3A_4817 = vector.broadcast %add3A_4816 : i32 to vector<8x512xi32>
    %add3A_4818 = arith.addi %iota3A, %add3A_4817 : vector<8x512xi32>
    %gt3A_4819 = arith.cmpf ogt, %min3A_4812, %select_n3A_4778 : vector<8x512xf32>
    %select_n3A_4820 = arith.select %gt3A_4819, %min3A_4812, %select_n3A_4778 : vector<8x512xi1>, vector<8x512xf32>
    %select_n3A_4821 = arith.select %gt3A_4819, %add3A_4818, %select_n3A_4779 : vector<8x512xi1>, vector<8x512xi32>
    %select_n3A_4822 = arith.select %gt3A_4819, %get3A_4787, %select_n3A_4780 : vector<8x512xi1>, vector<8x512xf32>
    %select_n3A_4823 = arith.select %gt3A_4819, %get3A_4792, %select_n3A_4781 : vector<8x512xi1>, vector<8x512xf32>
    %select_n3A_4824 = arith.select %gt3A_4819, %get3A_4797, %select_n3A_4782 : vector<8x512xi1>, vector<8x512xf32>
    %get3A_4825 = arith.constant 0 : index
    %get3A_4826 = arith.constant 0 : index
    %get3A_4827 = arith.constant 7168 : index
    %get3A_4828 = vector.load %arg1[%get3A_4825, %get3A_4826, %get3A_4827] : memref<3x8x16384xf32, #tpu.memory_space<vmem>>, vector<1x8x512xf32>
    %get3A_4829 = vector.shape_cast %get3A_4828 : vector<1x8x512xf32> to vector<8x512xf32>
    %get3A_4830 = arith.constant 1 : index
    %get3A_4831 = arith.constant 0 : index
    %get3A_4832 = arith.constant 7168 : index
    %get3A_4833 = vector.load %arg1[%get3A_4830, %get3A_4831, %get3A_4832] : memref<3x8x16384xf32, #tpu.memory_space<vmem>>, vector<1x8x512xf32>
    %get3A_4834 = vector.shape_cast %get3A_4833 : vector<1x8x512xf32> to vector<8x512xf32>
    %get3A_4835 = arith.constant 2 : index
    %get3A_4836 = arith.constant 0 : index
    %get3A_4837 = arith.constant 7168 : index
    %get3A_4838 = vector.load %arg1[%get3A_4835, %get3A_4836, %get3A_4837] : memref<3x8x16384xf32, #tpu.memory_space<vmem>>, vector<1x8x512xf32>
    %get3A_4839 = vector.shape_cast %get3A_4838 : vector<1x8x512xf32> to vector<8x512xf32>
    %sub3A_4840 = vector.broadcast %get3A_4235 : vector<8x1xf32> to vector<8x512xf32>
    %sub3A_4841 = arith.subf %get3A_4829, %sub3A_4840 : vector<8x512xf32>
    %sub3A_4842 = vector.broadcast %get3A_4240 : vector<8x1xf32> to vector<8x512xf32>
    %sub3A_4843 = arith.subf %get3A_4834, %sub3A_4842 : vector<8x512xf32>
    %sub3A_4844 = vector.broadcast %get3A_4245 : vector<8x1xf32> to vector<8x512xf32>
    %sub3A_4845 = arith.subf %get3A_4839, %sub3A_4844 : vector<8x512xf32>
    %mul3A_4846 = arith.mulf %sub3A_4841, %sub3A_4841 : vector<8x512xf32>
    %mul3A_4847 = arith.mulf %sub3A_4845, %sub3A_4845 : vector<8x512xf32>
    %add3A_4848 = arith.addf %mul3A_4846, %mul3A_4847 : vector<8x512xf32>
    %mul3A_4849 = arith.mulf %sub3A_4843, %sub3A_4843 : vector<8x512xf32>
    %add3A_4850 = arith.addf %add3A_4848, %mul3A_4849 : vector<8x512xf32>
    %get3A_4851 = arith.constant 0 : index
    %get3A_4852 = arith.constant 7168 : index
    %get3A_4853 = vector.load %arg5[%get3A_4851, %get3A_4852] : memref<8x16384xf32, #tpu.memory_space<vmem>>, vector<8x512xf32>
    %min3A_4854 = arith.minimumf %get3A_4853, %add3A_4850 : vector<8x512xf32>
    %swap3A_4855 = arith.constant 0 : index
    %swap3A_4856 = arith.constant 7168 : index
    %swap3A_4857 = vector.load %arg5[%swap3A_4855, %swap3A_4856] : memref<8x16384xf32, #tpu.memory_space<vmem>>, vector<8x512xf32>
    tpu.vector_store %arg5[%swap3A_4855, %swap3A_4856], %min3A_4854 {strides = array<i32>} : memref<8x16384xf32, #tpu.memory_space<vmem>>, vector<8x512xf32>,
    %add3A_4858 = arith.constant 7168 : i32
    %add3A_4859 = vector.broadcast %add3A_4858 : i32 to vector<8x512xi32>
    %add3A_4860 = arith.addi %iota3A, %add3A_4859 : vector<8x512xi32>
    %gt3A_4861 = arith.cmpf ogt, %min3A_4854, %select_n3A_4820 : vector<8x512xf32>
    %select_n3A_4862 = arith.select %gt3A_4861, %min3A_4854, %select_n3A_4820 : vector<8x512xi1>, vector<8x512xf32>
    %select_n3A_4863 = arith.select %gt3A_4861, %add3A_4860, %select_n3A_4821 : vector<8x512xi1>, vector<8x512xi32>
    %select_n3A_4864 = arith.select %gt3A_4861, %get3A_4829, %select_n3A_4822 : vector<8x512xi1>, vector<8x512xf32>
    %select_n3A_4865 = arith.select %gt3A_4861, %get3A_4834, %select_n3A_4823 : vector<8x512xi1>, vector<8x512xf32>
    %select_n3A_4866 = arith.select %gt3A_4861, %get3A_4839, %select_n3A_4824 : vector<8x512xi1>, vector<8x512xf32>
    %get3A_4867 = arith.constant 0 : index
    %get3A_4868 = arith.constant 0 : index
    %get3A_4869 = arith.constant 7680 : index
    %get3A_4870 = vector.load %arg1[%get3A_4867, %get3A_4868, %get3A_4869] : memref<3x8x16384xf32, #tpu.memory_space<vmem>>, vector<1x8x512xf32>
    %get3A_4871 = vector.shape_cast %get3A_4870 : vector<1x8x512xf32> to vector<8x512xf32>
    %get3A_4872 = arith.constant 1 : index
    %get3A_4873 = arith.constant 0 : index
    %get3A_4874 = arith.constant 7680 : index
    %get3A_4875 = vector.load %arg1[%get3A_4872, %get3A_4873, %get3A_4874] : memref<3x8x16384xf32, #tpu.memory_space<vmem>>, vector<1x8x512xf32>
    %get3A_4876 = vector.shape_cast %get3A_4875 : vector<1x8x512xf32> to vector<8x512xf32>
    %get3A_4877 = arith.constant 2 : index
    %get3A_4878 = arith.constant 0 : index
    %get3A_4879 = arith.constant 7680 : index
    %get3A_4880 = vector.load %arg1[%get3A_4877, %get3A_4878, %get3A_4879] : memref<3x8x16384xf32, #tpu.memory_space<vmem>>, vector<1x8x512xf32>
    %get3A_4881 = vector.shape_cast %get3A_4880 : vector<1x8x512xf32> to vector<8x512xf32>
    %sub3A_4882 = vector.broadcast %get3A_4235 : vector<8x1xf32> to vector<8x512xf32>
    %sub3A_4883 = arith.subf %get3A_4871, %sub3A_4882 : vector<8x512xf32>
    %sub3A_4884 = vector.broadcast %get3A_4240 : vector<8x1xf32> to vector<8x512xf32>
    %sub3A_4885 = arith.subf %get3A_4876, %sub3A_4884 : vector<8x512xf32>
    %sub3A_4886 = vector.broadcast %get3A_4245 : vector<8x1xf32> to vector<8x512xf32>
    %sub3A_4887 = arith.subf %get3A_4881, %sub3A_4886 : vector<8x512xf32>
    %mul3A_4888 = arith.mulf %sub3A_4883, %sub3A_4883 : vector<8x512xf32>
    %mul3A_4889 = arith.mulf %sub3A_4887, %sub3A_4887 : vector<8x512xf32>
    %add3A_4890 = arith.addf %mul3A_4888, %mul3A_4889 : vector<8x512xf32>
    %mul3A_4891 = arith.mulf %sub3A_4885, %sub3A_4885 : vector<8x512xf32>
    %add3A_4892 = arith.addf %add3A_4890, %mul3A_4891 : vector<8x512xf32>
    %get3A_4893 = arith.constant 0 : index
    %get3A_4894 = arith.constant 7680 : index
    %get3A_4895 = vector.load %arg5[%get3A_4893, %get3A_4894] : memref<8x16384xf32, #tpu.memory_space<vmem>>, vector<8x512xf32>
    %min3A_4896 = arith.minimumf %get3A_4895, %add3A_4892 : vector<8x512xf32>
    %swap3A_4897 = arith.constant 0 : index
    %swap3A_4898 = arith.constant 7680 : index
    %swap3A_4899 = vector.load %arg5[%swap3A_4897, %swap3A_4898] : memref<8x16384xf32, #tpu.memory_space<vmem>>, vector<8x512xf32>
    tpu.vector_store %arg5[%swap3A_4897, %swap3A_4898], %min3A_4896 {strides = array<i32>} : memref<8x16384xf32, #tpu.memory_space<vmem>>, vector<8x512xf32>,
    %add3A_4900 = arith.constant 7680 : i32
    %add3A_4901 = vector.broadcast %add3A_4900 : i32 to vector<8x512xi32>
    %add3A_4902 = arith.addi %iota3A, %add3A_4901 : vector<8x512xi32>
    %gt3A_4903 = arith.cmpf ogt, %min3A_4896, %select_n3A_4862 : vector<8x512xf32>
    %select_n3A_4904 = arith.select %gt3A_4903, %min3A_4896, %select_n3A_4862 : vector<8x512xi1>, vector<8x512xf32>
    %select_n3A_4905 = arith.select %gt3A_4903, %add3A_4902, %select_n3A_4863 : vector<8x512xi1>, vector<8x512xi32>
    %select_n3A_4906 = arith.select %gt3A_4903, %get3A_4871, %select_n3A_4864 : vector<8x512xi1>, vector<8x512xf32>
    %select_n3A_4907 = arith.select %gt3A_4903, %get3A_4876, %select_n3A_4865 : vector<8x512xi1>, vector<8x512xf32>
    %select_n3A_4908 = arith.select %gt3A_4903, %get3A_4881, %select_n3A_4866 : vector<8x512xi1>, vector<8x512xf32>
    %get3A_4909 = arith.constant 0 : index
    %get3A_4910 = arith.constant 0 : index
    %get3A_4911 = arith.constant 8192 : index
    %get3A_4912 = vector.load %arg1[%get3A_4909, %get3A_4910, %get3A_4911] : memref<3x8x16384xf32, #tpu.memory_space<vmem>>, vector<1x8x512xf32>
    %get3A_4913 = vector.shape_cast %get3A_4912 : vector<1x8x512xf32> to vector<8x512xf32>
    %get3A_4914 = arith.constant 1 : index
    %get3A_4915 = arith.constant 0 : index
    %get3A_4916 = arith.constant 8192 : index
    %get3A_4917 = vector.load %arg1[%get3A_4914, %get3A_4915, %get3A_4916] : memref<3x8x16384xf32, #tpu.memory_space<vmem>>, vector<1x8x512xf32>
    %get3A_4918 = vector.shape_cast %get3A_4917 : vector<1x8x512xf32> to vector<8x512xf32>
    %get3A_4919 = arith.constant 2 : index
    %get3A_4920 = arith.constant 0 : index
    %get3A_4921 = arith.constant 8192 : index
    %get3A_4922 = vector.load %arg1[%get3A_4919, %get3A_4920, %get3A_4921] : memref<3x8x16384xf32, #tpu.memory_space<vmem>>, vector<1x8x512xf32>
    %get3A_4923 = vector.shape_cast %get3A_4922 : vector<1x8x512xf32> to vector<8x512xf32>
    %sub3A_4924 = vector.broadcast %get3A_4235 : vector<8x1xf32> to vector<8x512xf32>
    %sub3A_4925 = arith.subf %get3A_4913, %sub3A_4924 : vector<8x512xf32>
    %sub3A_4926 = vector.broadcast %get3A_4240 : vector<8x1xf32> to vector<8x512xf32>
    %sub3A_4927 = arith.subf %get3A_4918, %sub3A_4926 : vector<8x512xf32>
    %sub3A_4928 = vector.broadcast %get3A_4245 : vector<8x1xf32> to vector<8x512xf32>
    %sub3A_4929 = arith.subf %get3A_4923, %sub3A_4928 : vector<8x512xf32>
    %mul3A_4930 = arith.mulf %sub3A_4925, %sub3A_4925 : vector<8x512xf32>
    %mul3A_4931 = arith.mulf %sub3A_4929, %sub3A_4929 : vector<8x512xf32>
    %add3A_4932 = arith.addf %mul3A_4930, %mul3A_4931 : vector<8x512xf32>
    %mul3A_4933 = arith.mulf %sub3A_4927, %sub3A_4927 : vector<8x512xf32>
    %add3A_4934 = arith.addf %add3A_4932, %mul3A_4933 : vector<8x512xf32>
    %get3A_4935 = arith.constant 0 : index
    %get3A_4936 = arith.constant 8192 : index
    %get3A_4937 = vector.load %arg5[%get3A_4935, %get3A_4936] : memref<8x16384xf32, #tpu.memory_space<vmem>>, vector<8x512xf32>
    %min3A_4938 = arith.minimumf %get3A_4937, %add3A_4934 : vector<8x512xf32>
    %swap3A_4939 = arith.constant 0 : index
    %swap3A_4940 = arith.constant 8192 : index
    %swap3A_4941 = vector.load %arg5[%swap3A_4939, %swap3A_4940] : memref<8x16384xf32, #tpu.memory_space<vmem>>, vector<8x512xf32>
    tpu.vector_store %arg5[%swap3A_4939, %swap3A_4940], %min3A_4938 {strides = array<i32>} : memref<8x16384xf32, #tpu.memory_space<vmem>>, vector<8x512xf32>,
    %add3A_4942 = arith.constant 8192 : i32
    %add3A_4943 = vector.broadcast %add3A_4942 : i32 to vector<8x512xi32>
    %add3A_4944 = arith.addi %iota3A, %add3A_4943 : vector<8x512xi32>
    %gt3A_4945 = arith.cmpf ogt, %min3A_4938, %select_n3A_4904 : vector<8x512xf32>
    %select_n3A_4946 = arith.select %gt3A_4945, %min3A_4938, %select_n3A_4904 : vector<8x512xi1>, vector<8x512xf32>
    %select_n3A_4947 = arith.select %gt3A_4945, %add3A_4944, %select_n3A_4905 : vector<8x512xi1>, vector<8x512xi32>
    %select_n3A_4948 = arith.select %gt3A_4945, %get3A_4913, %select_n3A_4906 : vector<8x512xi1>, vector<8x512xf32>
    %select_n3A_4949 = arith.select %gt3A_4945, %get3A_4918, %select_n3A_4907 : vector<8x512xi1>, vector<8x512xf32>
    %select_n3A_4950 = arith.select %gt3A_4945, %get3A_4923, %select_n3A_4908 : vector<8x512xi1>, vector<8x512xf32>
    %get3A_4951 = arith.constant 0 : index
    %get3A_4952 = arith.constant 0 : index
    %get3A_4953 = arith.constant 8704 : index
    %get3A_4954 = vector.load %arg1[%get3A_4951, %get3A_4952, %get3A_4953] : memref<3x8x16384xf32, #tpu.memory_space<vmem>>, vector<1x8x512xf32>
    %get3A_4955 = vector.shape_cast %get3A_4954 : vector<1x8x512xf32> to vector<8x512xf32>
    %get3A_4956 = arith.constant 1 : index
    %get3A_4957 = arith.constant 0 : index
    %get3A_4958 = arith.constant 8704 : index
    %get3A_4959 = vector.load %arg1[%get3A_4956, %get3A_4957, %get3A_4958] : memref<3x8x16384xf32, #tpu.memory_space<vmem>>, vector<1x8x512xf32>
    %get3A_4960 = vector.shape_cast %get3A_4959 : vector<1x8x512xf32> to vector<8x512xf32>
    %get3A_4961 = arith.constant 2 : index
    %get3A_4962 = arith.constant 0 : index
    %get3A_4963 = arith.constant 8704 : index
    %get3A_4964 = vector.load %arg1[%get3A_4961, %get3A_4962, %get3A_4963] : memref<3x8x16384xf32, #tpu.memory_space<vmem>>, vector<1x8x512xf32>
    %get3A_4965 = vector.shape_cast %get3A_4964 : vector<1x8x512xf32> to vector<8x512xf32>
    %sub3A_4966 = vector.broadcast %get3A_4235 : vector<8x1xf32> to vector<8x512xf32>
    %sub3A_4967 = arith.subf %get3A_4955, %sub3A_4966 : vector<8x512xf32>
    %sub3A_4968 = vector.broadcast %get3A_4240 : vector<8x1xf32> to vector<8x512xf32>
    %sub3A_4969 = arith.subf %get3A_4960, %sub3A_4968 : vector<8x512xf32>
    %sub3A_4970 = vector.broadcast %get3A_4245 : vector<8x1xf32> to vector<8x512xf32>
    %sub3A_4971 = arith.subf %get3A_4965, %sub3A_4970 : vector<8x512xf32>
    %mul3A_4972 = arith.mulf %sub3A_4967, %sub3A_4967 : vector<8x512xf32>
    %mul3A_4973 = arith.mulf %sub3A_4971, %sub3A_4971 : vector<8x512xf32>
    %add3A_4974 = arith.addf %mul3A_4972, %mul3A_4973 : vector<8x512xf32>
    %mul3A_4975 = arith.mulf %sub3A_4969, %sub3A_4969 : vector<8x512xf32>
    %add3A_4976 = arith.addf %add3A_4974, %mul3A_4975 : vector<8x512xf32>
    %get3A_4977 = arith.constant 0 : index
    %get3A_4978 = arith.constant 8704 : index
    %get3A_4979 = vector.load %arg5[%get3A_4977, %get3A_4978] : memref<8x16384xf32, #tpu.memory_space<vmem>>, vector<8x512xf32>
    %min3A_4980 = arith.minimumf %get3A_4979, %add3A_4976 : vector<8x512xf32>
    %swap3A_4981 = arith.constant 0 : index
    %swap3A_4982 = arith.constant 8704 : index
    %swap3A_4983 = vector.load %arg5[%swap3A_4981, %swap3A_4982] : memref<8x16384xf32, #tpu.memory_space<vmem>>, vector<8x512xf32>
    tpu.vector_store %arg5[%swap3A_4981, %swap3A_4982], %min3A_4980 {strides = array<i32>} : memref<8x16384xf32, #tpu.memory_space<vmem>>, vector<8x512xf32>,
    %add3A_4984 = arith.constant 8704 : i32
    %add3A_4985 = vector.broadcast %add3A_4984 : i32 to vector<8x512xi32>
    %add3A_4986 = arith.addi %iota3A, %add3A_4985 : vector<8x512xi32>
    %gt3A_4987 = arith.cmpf ogt, %min3A_4980, %select_n3A_4946 : vector<8x512xf32>
    %select_n3A_4988 = arith.select %gt3A_4987, %min3A_4980, %select_n3A_4946 : vector<8x512xi1>, vector<8x512xf32>
    %select_n3A_4989 = arith.select %gt3A_4987, %add3A_4986, %select_n3A_4947 : vector<8x512xi1>, vector<8x512xi32>
    %select_n3A_4990 = arith.select %gt3A_4987, %get3A_4955, %select_n3A_4948 : vector<8x512xi1>, vector<8x512xf32>
    %select_n3A_4991 = arith.select %gt3A_4987, %get3A_4960, %select_n3A_4949 : vector<8x512xi1>, vector<8x512xf32>
    %select_n3A_4992 = arith.select %gt3A_4987, %get3A_4965, %select_n3A_4950 : vector<8x512xi1>, vector<8x512xf32>
    %get3A_4993 = arith.constant 0 : index
    %get3A_4994 = arith.constant 0 : index
    %get3A_4995 = arith.constant 9216 : index
    %get3A_4996 = vector.load %arg1[%get3A_4993, %get3A_4994, %get3A_4995] : memref<3x8x16384xf32, #tpu.memory_space<vmem>>, vector<1x8x512xf32>
    %get3A_4997 = vector.shape_cast %get3A_4996 : vector<1x8x512xf32> to vector<8x512xf32>
    %get3A_4998 = arith.constant 1 : index
    %get3A_4999 = arith.constant 0 : index
    %get3A_5000 = arith.constant 9216 : index
    %get3A_5001 = vector.load %arg1[%get3A_4998, %get3A_4999, %get3A_5000] : memref<3x8x16384xf32, #tpu.memory_space<vmem>>, vector<1x8x512xf32>
    %get3A_5002 = vector.shape_cast %get3A_5001 : vector<1x8x512xf32> to vector<8x512xf32>
    %get3A_5003 = arith.constant 2 : index
    %get3A_5004 = arith.constant 0 : index
    %get3A_5005 = arith.constant 9216 : index
    %get3A_5006 = vector.load %arg1[%get3A_5003, %get3A_5004, %get3A_5005] : memref<3x8x16384xf32, #tpu.memory_space<vmem>>, vector<1x8x512xf32>
    %get3A_5007 = vector.shape_cast %get3A_5006 : vector<1x8x512xf32> to vector<8x512xf32>
    %sub3A_5008 = vector.broadcast %get3A_4235 : vector<8x1xf32> to vector<8x512xf32>
    %sub3A_5009 = arith.subf %get3A_4997, %sub3A_5008 : vector<8x512xf32>
    %sub3A_5010 = vector.broadcast %get3A_4240 : vector<8x1xf32> to vector<8x512xf32>
    %sub3A_5011 = arith.subf %get3A_5002, %sub3A_5010 : vector<8x512xf32>
    %sub3A_5012 = vector.broadcast %get3A_4245 : vector<8x1xf32> to vector<8x512xf32>
    %sub3A_5013 = arith.subf %get3A_5007, %sub3A_5012 : vector<8x512xf32>
    %mul3A_5014 = arith.mulf %sub3A_5009, %sub3A_5009 : vector<8x512xf32>
    %mul3A_5015 = arith.mulf %sub3A_5013, %sub3A_5013 : vector<8x512xf32>
    %add3A_5016 = arith.addf %mul3A_5014, %mul3A_5015 : vector<8x512xf32>
    %mul3A_5017 = arith.mulf %sub3A_5011, %sub3A_5011 : vector<8x512xf32>
    %add3A_5018 = arith.addf %add3A_5016, %mul3A_5017 : vector<8x512xf32>
    %get3A_5019 = arith.constant 0 : index
    %get3A_5020 = arith.constant 9216 : index
    %get3A_5021 = vector.load %arg5[%get3A_5019, %get3A_5020] : memref<8x16384xf32, #tpu.memory_space<vmem>>, vector<8x512xf32>
    %min3A_5022 = arith.minimumf %get3A_5021, %add3A_5018 : vector<8x512xf32>
    %swap3A_5023 = arith.constant 0 : index
    %swap3A_5024 = arith.constant 9216 : index
    %swap3A_5025 = vector.load %arg5[%swap3A_5023, %swap3A_5024] : memref<8x16384xf32, #tpu.memory_space<vmem>>, vector<8x512xf32>
    tpu.vector_store %arg5[%swap3A_5023, %swap3A_5024], %min3A_5022 {strides = array<i32>} : memref<8x16384xf32, #tpu.memory_space<vmem>>, vector<8x512xf32>,
    %add3A_5026 = arith.constant 9216 : i32
    %add3A_5027 = vector.broadcast %add3A_5026 : i32 to vector<8x512xi32>
    %add3A_5028 = arith.addi %iota3A, %add3A_5027 : vector<8x512xi32>
    %gt3A_5029 = arith.cmpf ogt, %min3A_5022, %select_n3A_4988 : vector<8x512xf32>
    %select_n3A_5030 = arith.select %gt3A_5029, %min3A_5022, %select_n3A_4988 : vector<8x512xi1>, vector<8x512xf32>
    %select_n3A_5031 = arith.select %gt3A_5029, %add3A_5028, %select_n3A_4989 : vector<8x512xi1>, vector<8x512xi32>
    %select_n3A_5032 = arith.select %gt3A_5029, %get3A_4997, %select_n3A_4990 : vector<8x512xi1>, vector<8x512xf32>
    %select_n3A_5033 = arith.select %gt3A_5029, %get3A_5002, %select_n3A_4991 : vector<8x512xi1>, vector<8x512xf32>
    %select_n3A_5034 = arith.select %gt3A_5029, %get3A_5007, %select_n3A_4992 : vector<8x512xi1>, vector<8x512xf32>
    %get3A_5035 = arith.constant 0 : index
    %get3A_5036 = arith.constant 0 : index
    %get3A_5037 = arith.constant 9728 : index
    %get3A_5038 = vector.load %arg1[%get3A_5035, %get3A_5036, %get3A_5037] : memref<3x8x16384xf32, #tpu.memory_space<vmem>>, vector<1x8x512xf32>
    %get3A_5039 = vector.shape_cast %get3A_5038 : vector<1x8x512xf32> to vector<8x512xf32>
    %get3A_5040 = arith.constant 1 : index
    %get3A_5041 = arith.constant 0 : index
    %get3A_5042 = arith.constant 9728 : index
    %get3A_5043 = vector.load %arg1[%get3A_5040, %get3A_5041, %get3A_5042] : memref<3x8x16384xf32, #tpu.memory_space<vmem>>, vector<1x8x512xf32>
    %get3A_5044 = vector.shape_cast %get3A_5043 : vector<1x8x512xf32> to vector<8x512xf32>
    %get3A_5045 = arith.constant 2 : index
    %get3A_5046 = arith.constant 0 : index
    %get3A_5047 = arith.constant 9728 : index
    %get3A_5048 = vector.load %arg1[%get3A_5045, %get3A_5046, %get3A_5047] : memref<3x8x16384xf32, #tpu.memory_space<vmem>>, vector<1x8x512xf32>
    %get3A_5049 = vector.shape_cast %get3A_5048 : vector<1x8x512xf32> to vector<8x512xf32>
    %sub3A_5050 = vector.broadcast %get3A_4235 : vector<8x1xf32> to vector<8x512xf32>
    %sub3A_5051 = arith.subf %get3A_5039, %sub3A_5050 : vector<8x512xf32>
    %sub3A_5052 = vector.broadcast %get3A_4240 : vector<8x1xf32> to vector<8x512xf32>
    %sub3A_5053 = arith.subf %get3A_5044, %sub3A_5052 : vector<8x512xf32>
    %sub3A_5054 = vector.broadcast %get3A_4245 : vector<8x1xf32> to vector<8x512xf32>
    %sub3A_5055 = arith.subf %get3A_5049, %sub3A_5054 : vector<8x512xf32>
    %mul3A_5056 = arith.mulf %sub3A_5051, %sub3A_5051 : vector<8x512xf32>
    %mul3A_5057 = arith.mulf %sub3A_5055, %sub3A_5055 : vector<8x512xf32>
    %add3A_5058 = arith.addf %mul3A_5056, %mul3A_5057 : vector<8x512xf32>
    %mul3A_5059 = arith.mulf %sub3A_5053, %sub3A_5053 : vector<8x512xf32>
    %add3A_5060 = arith.addf %add3A_5058, %mul3A_5059 : vector<8x512xf32>
    %get3A_5061 = arith.constant 0 : index
    %get3A_5062 = arith.constant 9728 : index
    %get3A_5063 = vector.load %arg5[%get3A_5061, %get3A_5062] : memref<8x16384xf32, #tpu.memory_space<vmem>>, vector<8x512xf32>
    %min3A_5064 = arith.minimumf %get3A_5063, %add3A_5060 : vector<8x512xf32>
    %swap3A_5065 = arith.constant 0 : index
    %swap3A_5066 = arith.constant 9728 : index
    %swap3A_5067 = vector.load %arg5[%swap3A_5065, %swap3A_5066] : memref<8x16384xf32, #tpu.memory_space<vmem>>, vector<8x512xf32>
    tpu.vector_store %arg5[%swap3A_5065, %swap3A_5066], %min3A_5064 {strides = array<i32>} : memref<8x16384xf32, #tpu.memory_space<vmem>>, vector<8x512xf32>,
    %add3A_5068 = arith.constant 9728 : i32
    %add3A_5069 = vector.broadcast %add3A_5068 : i32 to vector<8x512xi32>
    %add3A_5070 = arith.addi %iota3A, %add3A_5069 : vector<8x512xi32>
    %gt3A_5071 = arith.cmpf ogt, %min3A_5064, %select_n3A_5030 : vector<8x512xf32>
    %select_n3A_5072 = arith.select %gt3A_5071, %min3A_5064, %select_n3A_5030 : vector<8x512xi1>, vector<8x512xf32>
    %select_n3A_5073 = arith.select %gt3A_5071, %add3A_5070, %select_n3A_5031 : vector<8x512xi1>, vector<8x512xi32>
    %select_n3A_5074 = arith.select %gt3A_5071, %get3A_5039, %select_n3A_5032 : vector<8x512xi1>, vector<8x512xf32>
    %select_n3A_5075 = arith.select %gt3A_5071, %get3A_5044, %select_n3A_5033 : vector<8x512xi1>, vector<8x512xf32>
    %select_n3A_5076 = arith.select %gt3A_5071, %get3A_5049, %select_n3A_5034 : vector<8x512xi1>, vector<8x512xf32>
    %get3A_5077 = arith.constant 0 : index
    %get3A_5078 = arith.constant 0 : index
    %get3A_5079 = arith.constant 10240 : index
    %get3A_5080 = vector.load %arg1[%get3A_5077, %get3A_5078, %get3A_5079] : memref<3x8x16384xf32, #tpu.memory_space<vmem>>, vector<1x8x512xf32>
    %get3A_5081 = vector.shape_cast %get3A_5080 : vector<1x8x512xf32> to vector<8x512xf32>
    %get3A_5082 = arith.constant 1 : index
    %get3A_5083 = arith.constant 0 : index
    %get3A_5084 = arith.constant 10240 : index
    %get3A_5085 = vector.load %arg1[%get3A_5082, %get3A_5083, %get3A_5084] : memref<3x8x16384xf32, #tpu.memory_space<vmem>>, vector<1x8x512xf32>
    %get3A_5086 = vector.shape_cast %get3A_5085 : vector<1x8x512xf32> to vector<8x512xf32>
    %get3A_5087 = arith.constant 2 : index
    %get3A_5088 = arith.constant 0 : index
    %get3A_5089 = arith.constant 10240 : index
    %get3A_5090 = vector.load %arg1[%get3A_5087, %get3A_5088, %get3A_5089] : memref<3x8x16384xf32, #tpu.memory_space<vmem>>, vector<1x8x512xf32>
    %get3A_5091 = vector.shape_cast %get3A_5090 : vector<1x8x512xf32> to vector<8x512xf32>
    %sub3A_5092 = vector.broadcast %get3A_4235 : vector<8x1xf32> to vector<8x512xf32>
    %sub3A_5093 = arith.subf %get3A_5081, %sub3A_5092 : vector<8x512xf32>
    %sub3A_5094 = vector.broadcast %get3A_4240 : vector<8x1xf32> to vector<8x512xf32>
    %sub3A_5095 = arith.subf %get3A_5086, %sub3A_5094 : vector<8x512xf32>
    %sub3A_5096 = vector.broadcast %get3A_4245 : vector<8x1xf32> to vector<8x512xf32>
    %sub3A_5097 = arith.subf %get3A_5091, %sub3A_5096 : vector<8x512xf32>
    %mul3A_5098 = arith.mulf %sub3A_5093, %sub3A_5093 : vector<8x512xf32>
    %mul3A_5099 = arith.mulf %sub3A_5097, %sub3A_5097 : vector<8x512xf32>
    %add3A_5100 = arith.addf %mul3A_5098, %mul3A_5099 : vector<8x512xf32>
    %mul3A_5101 = arith.mulf %sub3A_5095, %sub3A_5095 : vector<8x512xf32>
    %add3A_5102 = arith.addf %add3A_5100, %mul3A_5101 : vector<8x512xf32>
    %get3A_5103 = arith.constant 0 : index
    %get3A_5104 = arith.constant 10240 : index
    %get3A_5105 = vector.load %arg5[%get3A_5103, %get3A_5104] : memref<8x16384xf32, #tpu.memory_space<vmem>>, vector<8x512xf32>
    %min3A_5106 = arith.minimumf %get3A_5105, %add3A_5102 : vector<8x512xf32>
    %swap3A_5107 = arith.constant 0 : index
    %swap3A_5108 = arith.constant 10240 : index
    %swap3A_5109 = vector.load %arg5[%swap3A_5107, %swap3A_5108] : memref<8x16384xf32, #tpu.memory_space<vmem>>, vector<8x512xf32>
    tpu.vector_store %arg5[%swap3A_5107, %swap3A_5108], %min3A_5106 {strides = array<i32>} : memref<8x16384xf32, #tpu.memory_space<vmem>>, vector<8x512xf32>,
    %add3A_5110 = arith.constant 10240 : i32
    %add3A_5111 = vector.broadcast %add3A_5110 : i32 to vector<8x512xi32>
    %add3A_5112 = arith.addi %iota3A, %add3A_5111 : vector<8x512xi32>
    %gt3A_5113 = arith.cmpf ogt, %min3A_5106, %select_n3A_5072 : vector<8x512xf32>
    %select_n3A_5114 = arith.select %gt3A_5113, %min3A_5106, %select_n3A_5072 : vector<8x512xi1>, vector<8x512xf32>
    %select_n3A_5115 = arith.select %gt3A_5113, %add3A_5112, %select_n3A_5073 : vector<8x512xi1>, vector<8x512xi32>
    %select_n3A_5116 = arith.select %gt3A_5113, %get3A_5081, %select_n3A_5074 : vector<8x512xi1>, vector<8x512xf32>
    %select_n3A_5117 = arith.select %gt3A_5113, %get3A_5086, %select_n3A_5075 : vector<8x512xi1>, vector<8x512xf32>
    %select_n3A_5118 = arith.select %gt3A_5113, %get3A_5091, %select_n3A_5076 : vector<8x512xi1>, vector<8x512xf32>
    %get3A_5119 = arith.constant 0 : index
    %get3A_5120 = arith.constant 0 : index
    %get3A_5121 = arith.constant 10752 : index
    %get3A_5122 = vector.load %arg1[%get3A_5119, %get3A_5120, %get3A_5121] : memref<3x8x16384xf32, #tpu.memory_space<vmem>>, vector<1x8x512xf32>
    %get3A_5123 = vector.shape_cast %get3A_5122 : vector<1x8x512xf32> to vector<8x512xf32>
    %get3A_5124 = arith.constant 1 : index
    %get3A_5125 = arith.constant 0 : index
    %get3A_5126 = arith.constant 10752 : index
    %get3A_5127 = vector.load %arg1[%get3A_5124, %get3A_5125, %get3A_5126] : memref<3x8x16384xf32, #tpu.memory_space<vmem>>, vector<1x8x512xf32>
    %get3A_5128 = vector.shape_cast %get3A_5127 : vector<1x8x512xf32> to vector<8x512xf32>
    %get3A_5129 = arith.constant 2 : index
    %get3A_5130 = arith.constant 0 : index
    %get3A_5131 = arith.constant 10752 : index
    %get3A_5132 = vector.load %arg1[%get3A_5129, %get3A_5130, %get3A_5131] : memref<3x8x16384xf32, #tpu.memory_space<vmem>>, vector<1x8x512xf32>
    %get3A_5133 = vector.shape_cast %get3A_5132 : vector<1x8x512xf32> to vector<8x512xf32>
    %sub3A_5134 = vector.broadcast %get3A_4235 : vector<8x1xf32> to vector<8x512xf32>
    %sub3A_5135 = arith.subf %get3A_5123, %sub3A_5134 : vector<8x512xf32>
    %sub3A_5136 = vector.broadcast %get3A_4240 : vector<8x1xf32> to vector<8x512xf32>
    %sub3A_5137 = arith.subf %get3A_5128, %sub3A_5136 : vector<8x512xf32>
    %sub3A_5138 = vector.broadcast %get3A_4245 : vector<8x1xf32> to vector<8x512xf32>
    %sub3A_5139 = arith.subf %get3A_5133, %sub3A_5138 : vector<8x512xf32>
    %mul3A_5140 = arith.mulf %sub3A_5135, %sub3A_5135 : vector<8x512xf32>
    %mul3A_5141 = arith.mulf %sub3A_5139, %sub3A_5139 : vector<8x512xf32>
    %add3A_5142 = arith.addf %mul3A_5140, %mul3A_5141 : vector<8x512xf32>
    %mul3A_5143 = arith.mulf %sub3A_5137, %sub3A_5137 : vector<8x512xf32>
    %add3A_5144 = arith.addf %add3A_5142, %mul3A_5143 : vector<8x512xf32>
    %get3A_5145 = arith.constant 0 : index
    %get3A_5146 = arith.constant 10752 : index
    %get3A_5147 = vector.load %arg5[%get3A_5145, %get3A_5146] : memref<8x16384xf32, #tpu.memory_space<vmem>>, vector<8x512xf32>
    %min3A_5148 = arith.minimumf %get3A_5147, %add3A_5144 : vector<8x512xf32>
    %swap3A_5149 = arith.constant 0 : index
    %swap3A_5150 = arith.constant 10752 : index
    %swap3A_5151 = vector.load %arg5[%swap3A_5149, %swap3A_5150] : memref<8x16384xf32, #tpu.memory_space<vmem>>, vector<8x512xf32>
    tpu.vector_store %arg5[%swap3A_5149, %swap3A_5150], %min3A_5148 {strides = array<i32>} : memref<8x16384xf32, #tpu.memory_space<vmem>>, vector<8x512xf32>,
    %add3A_5152 = arith.constant 10752 : i32
    %add3A_5153 = vector.broadcast %add3A_5152 : i32 to vector<8x512xi32>
    %add3A_5154 = arith.addi %iota3A, %add3A_5153 : vector<8x512xi32>
    %gt3A_5155 = arith.cmpf ogt, %min3A_5148, %select_n3A_5114 : vector<8x512xf32>
    %select_n3A_5156 = arith.select %gt3A_5155, %min3A_5148, %select_n3A_5114 : vector<8x512xi1>, vector<8x512xf32>
    %select_n3A_5157 = arith.select %gt3A_5155, %add3A_5154, %select_n3A_5115 : vector<8x512xi1>, vector<8x512xi32>
    %select_n3A_5158 = arith.select %gt3A_5155, %get3A_5123, %select_n3A_5116 : vector<8x512xi1>, vector<8x512xf32>
    %select_n3A_5159 = arith.select %gt3A_5155, %get3A_5128, %select_n3A_5117 : vector<8x512xi1>, vector<8x512xf32>
    %select_n3A_5160 = arith.select %gt3A_5155, %get3A_5133, %select_n3A_5118 : vector<8x512xi1>, vector<8x512xf32>
    %get3A_5161 = arith.constant 0 : index
    %get3A_5162 = arith.constant 0 : index
    %get3A_5163 = arith.constant 11264 : index
    %get3A_5164 = vector.load %arg1[%get3A_5161, %get3A_5162, %get3A_5163] : memref<3x8x16384xf32, #tpu.memory_space<vmem>>, vector<1x8x512xf32>
    %get3A_5165 = vector.shape_cast %get3A_5164 : vector<1x8x512xf32> to vector<8x512xf32>
    %get3A_5166 = arith.constant 1 : index
    %get3A_5167 = arith.constant 0 : index
    %get3A_5168 = arith.constant 11264 : index
    %get3A_5169 = vector.load %arg1[%get3A_5166, %get3A_5167, %get3A_5168] : memref<3x8x16384xf32, #tpu.memory_space<vmem>>, vector<1x8x512xf32>
    %get3A_5170 = vector.shape_cast %get3A_5169 : vector<1x8x512xf32> to vector<8x512xf32>
    %get3A_5171 = arith.constant 2 : index
    %get3A_5172 = arith.constant 0 : index
    %get3A_5173 = arith.constant 11264 : index
    %get3A_5174 = vector.load %arg1[%get3A_5171, %get3A_5172, %get3A_5173] : memref<3x8x16384xf32, #tpu.memory_space<vmem>>, vector<1x8x512xf32>
    %get3A_5175 = vector.shape_cast %get3A_5174 : vector<1x8x512xf32> to vector<8x512xf32>
    %sub3A_5176 = vector.broadcast %get3A_4235 : vector<8x1xf32> to vector<8x512xf32>
    %sub3A_5177 = arith.subf %get3A_5165, %sub3A_5176 : vector<8x512xf32>
    %sub3A_5178 = vector.broadcast %get3A_4240 : vector<8x1xf32> to vector<8x512xf32>
    %sub3A_5179 = arith.subf %get3A_5170, %sub3A_5178 : vector<8x512xf32>
    %sub3A_5180 = vector.broadcast %get3A_4245 : vector<8x1xf32> to vector<8x512xf32>
    %sub3A_5181 = arith.subf %get3A_5175, %sub3A_5180 : vector<8x512xf32>
    %mul3A_5182 = arith.mulf %sub3A_5177, %sub3A_5177 : vector<8x512xf32>
    %mul3A_5183 = arith.mulf %sub3A_5181, %sub3A_5181 : vector<8x512xf32>
    %add3A_5184 = arith.addf %mul3A_5182, %mul3A_5183 : vector<8x512xf32>
    %mul3A_5185 = arith.mulf %sub3A_5179, %sub3A_5179 : vector<8x512xf32>
    %add3A_5186 = arith.addf %add3A_5184, %mul3A_5185 : vector<8x512xf32>
    %get3A_5187 = arith.constant 0 : index
    %get3A_5188 = arith.constant 11264 : index
    %get3A_5189 = vector.load %arg5[%get3A_5187, %get3A_5188] : memref<8x16384xf32, #tpu.memory_space<vmem>>, vector<8x512xf32>
    %min3A_5190 = arith.minimumf %get3A_5189, %add3A_5186 : vector<8x512xf32>
    %swap3A_5191 = arith.constant 0 : index
    %swap3A_5192 = arith.constant 11264 : index
    %swap3A_5193 = vector.load %arg5[%swap3A_5191, %swap3A_5192] : memref<8x16384xf32, #tpu.memory_space<vmem>>, vector<8x512xf32>
    tpu.vector_store %arg5[%swap3A_5191, %swap3A_5192], %min3A_5190 {strides = array<i32>} : memref<8x16384xf32, #tpu.memory_space<vmem>>, vector<8x512xf32>,
    %add3A_5194 = arith.constant 11264 : i32
    %add3A_5195 = vector.broadcast %add3A_5194 : i32 to vector<8x512xi32>
    %add3A_5196 = arith.addi %iota3A, %add3A_5195 : vector<8x512xi32>
    %gt3A_5197 = arith.cmpf ogt, %min3A_5190, %select_n3A_5156 : vector<8x512xf32>
    %select_n3A_5198 = arith.select %gt3A_5197, %min3A_5190, %select_n3A_5156 : vector<8x512xi1>, vector<8x512xf32>
    %select_n3A_5199 = arith.select %gt3A_5197, %add3A_5196, %select_n3A_5157 : vector<8x512xi1>, vector<8x512xi32>
    %select_n3A_5200 = arith.select %gt3A_5197, %get3A_5165, %select_n3A_5158 : vector<8x512xi1>, vector<8x512xf32>
    %select_n3A_5201 = arith.select %gt3A_5197, %get3A_5170, %select_n3A_5159 : vector<8x512xi1>, vector<8x512xf32>
    %select_n3A_5202 = arith.select %gt3A_5197, %get3A_5175, %select_n3A_5160 : vector<8x512xi1>, vector<8x512xf32>
    %get3A_5203 = arith.constant 0 : index
    %get3A_5204 = arith.constant 0 : index
    %get3A_5205 = arith.constant 11776 : index
    %get3A_5206 = vector.load %arg1[%get3A_5203, %get3A_5204, %get3A_5205] : memref<3x8x16384xf32, #tpu.memory_space<vmem>>, vector<1x8x512xf32>
    %get3A_5207 = vector.shape_cast %get3A_5206 : vector<1x8x512xf32> to vector<8x512xf32>
    %get3A_5208 = arith.constant 1 : index
    %get3A_5209 = arith.constant 0 : index
    %get3A_5210 = arith.constant 11776 : index
    %get3A_5211 = vector.load %arg1[%get3A_5208, %get3A_5209, %get3A_5210] : memref<3x8x16384xf32, #tpu.memory_space<vmem>>, vector<1x8x512xf32>
    %get3A_5212 = vector.shape_cast %get3A_5211 : vector<1x8x512xf32> to vector<8x512xf32>
    %get3A_5213 = arith.constant 2 : index
    %get3A_5214 = arith.constant 0 : index
    %get3A_5215 = arith.constant 11776 : index
    %get3A_5216 = vector.load %arg1[%get3A_5213, %get3A_5214, %get3A_5215] : memref<3x8x16384xf32, #tpu.memory_space<vmem>>, vector<1x8x512xf32>
    %get3A_5217 = vector.shape_cast %get3A_5216 : vector<1x8x512xf32> to vector<8x512xf32>
    %sub3A_5218 = vector.broadcast %get3A_4235 : vector<8x1xf32> to vector<8x512xf32>
    %sub3A_5219 = arith.subf %get3A_5207, %sub3A_5218 : vector<8x512xf32>
    %sub3A_5220 = vector.broadcast %get3A_4240 : vector<8x1xf32> to vector<8x512xf32>
    %sub3A_5221 = arith.subf %get3A_5212, %sub3A_5220 : vector<8x512xf32>
    %sub3A_5222 = vector.broadcast %get3A_4245 : vector<8x1xf32> to vector<8x512xf32>
    %sub3A_5223 = arith.subf %get3A_5217, %sub3A_5222 : vector<8x512xf32>
    %mul3A_5224 = arith.mulf %sub3A_5219, %sub3A_5219 : vector<8x512xf32>
    %mul3A_5225 = arith.mulf %sub3A_5223, %sub3A_5223 : vector<8x512xf32>
    %add3A_5226 = arith.addf %mul3A_5224, %mul3A_5225 : vector<8x512xf32>
    %mul3A_5227 = arith.mulf %sub3A_5221, %sub3A_5221 : vector<8x512xf32>
    %add3A_5228 = arith.addf %add3A_5226, %mul3A_5227 : vector<8x512xf32>
    %get3A_5229 = arith.constant 0 : index
    %get3A_5230 = arith.constant 11776 : index
    %get3A_5231 = vector.load %arg5[%get3A_5229, %get3A_5230] : memref<8x16384xf32, #tpu.memory_space<vmem>>, vector<8x512xf32>
    %min3A_5232 = arith.minimumf %get3A_5231, %add3A_5228 : vector<8x512xf32>
    %swap3A_5233 = arith.constant 0 : index
    %swap3A_5234 = arith.constant 11776 : index
    %swap3A_5235 = vector.load %arg5[%swap3A_5233, %swap3A_5234] : memref<8x16384xf32, #tpu.memory_space<vmem>>, vector<8x512xf32>
    tpu.vector_store %arg5[%swap3A_5233, %swap3A_5234], %min3A_5232 {strides = array<i32>} : memref<8x16384xf32, #tpu.memory_space<vmem>>, vector<8x512xf32>,
    %add3A_5236 = arith.constant 11776 : i32
    %add3A_5237 = vector.broadcast %add3A_5236 : i32 to vector<8x512xi32>
    %add3A_5238 = arith.addi %iota3A, %add3A_5237 : vector<8x512xi32>
    %gt3A_5239 = arith.cmpf ogt, %min3A_5232, %select_n3A_5198 : vector<8x512xf32>
    %select_n3A_5240 = arith.select %gt3A_5239, %min3A_5232, %select_n3A_5198 : vector<8x512xi1>, vector<8x512xf32>
    %select_n3A_5241 = arith.select %gt3A_5239, %add3A_5238, %select_n3A_5199 : vector<8x512xi1>, vector<8x512xi32>
    %select_n3A_5242 = arith.select %gt3A_5239, %get3A_5207, %select_n3A_5200 : vector<8x512xi1>, vector<8x512xf32>
    %select_n3A_5243 = arith.select %gt3A_5239, %get3A_5212, %select_n3A_5201 : vector<8x512xi1>, vector<8x512xf32>
    %select_n3A_5244 = arith.select %gt3A_5239, %get3A_5217, %select_n3A_5202 : vector<8x512xi1>, vector<8x512xf32>
    %get3A_5245 = arith.constant 0 : index
    %get3A_5246 = arith.constant 0 : index
    %get3A_5247 = arith.constant 12288 : index
    %get3A_5248 = vector.load %arg1[%get3A_5245, %get3A_5246, %get3A_5247] : memref<3x8x16384xf32, #tpu.memory_space<vmem>>, vector<1x8x512xf32>
    %get3A_5249 = vector.shape_cast %get3A_5248 : vector<1x8x512xf32> to vector<8x512xf32>
    %get3A_5250 = arith.constant 1 : index
    %get3A_5251 = arith.constant 0 : index
    %get3A_5252 = arith.constant 12288 : index
    %get3A_5253 = vector.load %arg1[%get3A_5250, %get3A_5251, %get3A_5252] : memref<3x8x16384xf32, #tpu.memory_space<vmem>>, vector<1x8x512xf32>
    %get3A_5254 = vector.shape_cast %get3A_5253 : vector<1x8x512xf32> to vector<8x512xf32>
    %get3A_5255 = arith.constant 2 : index
    %get3A_5256 = arith.constant 0 : index
    %get3A_5257 = arith.constant 12288 : index
    %get3A_5258 = vector.load %arg1[%get3A_5255, %get3A_5256, %get3A_5257] : memref<3x8x16384xf32, #tpu.memory_space<vmem>>, vector<1x8x512xf32>
    %get3A_5259 = vector.shape_cast %get3A_5258 : vector<1x8x512xf32> to vector<8x512xf32>
    %sub3A_5260 = vector.broadcast %get3A_4235 : vector<8x1xf32> to vector<8x512xf32>
    %sub3A_5261 = arith.subf %get3A_5249, %sub3A_5260 : vector<8x512xf32>
    %sub3A_5262 = vector.broadcast %get3A_4240 : vector<8x1xf32> to vector<8x512xf32>
    %sub3A_5263 = arith.subf %get3A_5254, %sub3A_5262 : vector<8x512xf32>
    %sub3A_5264 = vector.broadcast %get3A_4245 : vector<8x1xf32> to vector<8x512xf32>
    %sub3A_5265 = arith.subf %get3A_5259, %sub3A_5264 : vector<8x512xf32>
    %mul3A_5266 = arith.mulf %sub3A_5261, %sub3A_5261 : vector<8x512xf32>
    %mul3A_5267 = arith.mulf %sub3A_5265, %sub3A_5265 : vector<8x512xf32>
    %add3A_5268 = arith.addf %mul3A_5266, %mul3A_5267 : vector<8x512xf32>
    %mul3A_5269 = arith.mulf %sub3A_5263, %sub3A_5263 : vector<8x512xf32>
    %add3A_5270 = arith.addf %add3A_5268, %mul3A_5269 : vector<8x512xf32>
    %get3A_5271 = arith.constant 0 : index
    %get3A_5272 = arith.constant 12288 : index
    %get3A_5273 = vector.load %arg5[%get3A_5271, %get3A_5272] : memref<8x16384xf32, #tpu.memory_space<vmem>>, vector<8x512xf32>
    %min3A_5274 = arith.minimumf %get3A_5273, %add3A_5270 : vector<8x512xf32>
    %swap3A_5275 = arith.constant 0 : index
    %swap3A_5276 = arith.constant 12288 : index
    %swap3A_5277 = vector.load %arg5[%swap3A_5275, %swap3A_5276] : memref<8x16384xf32, #tpu.memory_space<vmem>>, vector<8x512xf32>
    tpu.vector_store %arg5[%swap3A_5275, %swap3A_5276], %min3A_5274 {strides = array<i32>} : memref<8x16384xf32, #tpu.memory_space<vmem>>, vector<8x512xf32>,
    %add3A_5278 = arith.constant 12288 : i32
    %add3A_5279 = vector.broadcast %add3A_5278 : i32 to vector<8x512xi32>
    %add3A_5280 = arith.addi %iota3A, %add3A_5279 : vector<8x512xi32>
    %gt3A_5281 = arith.cmpf ogt, %min3A_5274, %select_n3A_5240 : vector<8x512xf32>
    %select_n3A_5282 = arith.select %gt3A_5281, %min3A_5274, %select_n3A_5240 : vector<8x512xi1>, vector<8x512xf32>
    %select_n3A_5283 = arith.select %gt3A_5281, %add3A_5280, %select_n3A_5241 : vector<8x512xi1>, vector<8x512xi32>
    %select_n3A_5284 = arith.select %gt3A_5281, %get3A_5249, %select_n3A_5242 : vector<8x512xi1>, vector<8x512xf32>
    %select_n3A_5285 = arith.select %gt3A_5281, %get3A_5254, %select_n3A_5243 : vector<8x512xi1>, vector<8x512xf32>
    %select_n3A_5286 = arith.select %gt3A_5281, %get3A_5259, %select_n3A_5244 : vector<8x512xi1>, vector<8x512xf32>
    %get3A_5287 = arith.constant 0 : index
    %get3A_5288 = arith.constant 0 : index
    %get3A_5289 = arith.constant 12800 : index
    %get3A_5290 = vector.load %arg1[%get3A_5287, %get3A_5288, %get3A_5289] : memref<3x8x16384xf32, #tpu.memory_space<vmem>>, vector<1x8x512xf32>
    %get3A_5291 = vector.shape_cast %get3A_5290 : vector<1x8x512xf32> to vector<8x512xf32>
    %get3A_5292 = arith.constant 1 : index
    %get3A_5293 = arith.constant 0 : index
    %get3A_5294 = arith.constant 12800 : index
    %get3A_5295 = vector.load %arg1[%get3A_5292, %get3A_5293, %get3A_5294] : memref<3x8x16384xf32, #tpu.memory_space<vmem>>, vector<1x8x512xf32>
    %get3A_5296 = vector.shape_cast %get3A_5295 : vector<1x8x512xf32> to vector<8x512xf32>
    %get3A_5297 = arith.constant 2 : index
    %get3A_5298 = arith.constant 0 : index
    %get3A_5299 = arith.constant 12800 : index
    %get3A_5300 = vector.load %arg1[%get3A_5297, %get3A_5298, %get3A_5299] : memref<3x8x16384xf32, #tpu.memory_space<vmem>>, vector<1x8x512xf32>
    %get3A_5301 = vector.shape_cast %get3A_5300 : vector<1x8x512xf32> to vector<8x512xf32>
    %sub3A_5302 = vector.broadcast %get3A_4235 : vector<8x1xf32> to vector<8x512xf32>
    %sub3A_5303 = arith.subf %get3A_5291, %sub3A_5302 : vector<8x512xf32>
    %sub3A_5304 = vector.broadcast %get3A_4240 : vector<8x1xf32> to vector<8x512xf32>
    %sub3A_5305 = arith.subf %get3A_5296, %sub3A_5304 : vector<8x512xf32>
    %sub3A_5306 = vector.broadcast %get3A_4245 : vector<8x1xf32> to vector<8x512xf32>
    %sub3A_5307 = arith.subf %get3A_5301, %sub3A_5306 : vector<8x512xf32>
    %mul3A_5308 = arith.mulf %sub3A_5303, %sub3A_5303 : vector<8x512xf32>
    %mul3A_5309 = arith.mulf %sub3A_5307, %sub3A_5307 : vector<8x512xf32>
    %add3A_5310 = arith.addf %mul3A_5308, %mul3A_5309 : vector<8x512xf32>
    %mul3A_5311 = arith.mulf %sub3A_5305, %sub3A_5305 : vector<8x512xf32>
    %add3A_5312 = arith.addf %add3A_5310, %mul3A_5311 : vector<8x512xf32>
    %get3A_5313 = arith.constant 0 : index
    %get3A_5314 = arith.constant 12800 : index
    %get3A_5315 = vector.load %arg5[%get3A_5313, %get3A_5314] : memref<8x16384xf32, #tpu.memory_space<vmem>>, vector<8x512xf32>
    %min3A_5316 = arith.minimumf %get3A_5315, %add3A_5312 : vector<8x512xf32>
    %swap3A_5317 = arith.constant 0 : index
    %swap3A_5318 = arith.constant 12800 : index
    %swap3A_5319 = vector.load %arg5[%swap3A_5317, %swap3A_5318] : memref<8x16384xf32, #tpu.memory_space<vmem>>, vector<8x512xf32>
    tpu.vector_store %arg5[%swap3A_5317, %swap3A_5318], %min3A_5316 {strides = array<i32>} : memref<8x16384xf32, #tpu.memory_space<vmem>>, vector<8x512xf32>,
    %add3A_5320 = arith.constant 12800 : i32
    %add3A_5321 = vector.broadcast %add3A_5320 : i32 to vector<8x512xi32>
    %add3A_5322 = arith.addi %iota3A, %add3A_5321 : vector<8x512xi32>
    %gt3A_5323 = arith.cmpf ogt, %min3A_5316, %select_n3A_5282 : vector<8x512xf32>
    %select_n3A_5324 = arith.select %gt3A_5323, %min3A_5316, %select_n3A_5282 : vector<8x512xi1>, vector<8x512xf32>
    %select_n3A_5325 = arith.select %gt3A_5323, %add3A_5322, %select_n3A_5283 : vector<8x512xi1>, vector<8x512xi32>
    %select_n3A_5326 = arith.select %gt3A_5323, %get3A_5291, %select_n3A_5284 : vector<8x512xi1>, vector<8x512xf32>
    %select_n3A_5327 = arith.select %gt3A_5323, %get3A_5296, %select_n3A_5285 : vector<8x512xi1>, vector<8x512xf32>
    %select_n3A_5328 = arith.select %gt3A_5323, %get3A_5301, %select_n3A_5286 : vector<8x512xi1>, vector<8x512xf32>
    %get3A_5329 = arith.constant 0 : index
    %get3A_5330 = arith.constant 0 : index
    %get3A_5331 = arith.constant 13312 : index
    %get3A_5332 = vector.load %arg1[%get3A_5329, %get3A_5330, %get3A_5331] : memref<3x8x16384xf32, #tpu.memory_space<vmem>>, vector<1x8x512xf32>
    %get3A_5333 = vector.shape_cast %get3A_5332 : vector<1x8x512xf32> to vector<8x512xf32>
    %get3A_5334 = arith.constant 1 : index
    %get3A_5335 = arith.constant 0 : index
    %get3A_5336 = arith.constant 13312 : index
    %get3A_5337 = vector.load %arg1[%get3A_5334, %get3A_5335, %get3A_5336] : memref<3x8x16384xf32, #tpu.memory_space<vmem>>, vector<1x8x512xf32>
    %get3A_5338 = vector.shape_cast %get3A_5337 : vector<1x8x512xf32> to vector<8x512xf32>
    %get3A_5339 = arith.constant 2 : index
    %get3A_5340 = arith.constant 0 : index
    %get3A_5341 = arith.constant 13312 : index
    %get3A_5342 = vector.load %arg1[%get3A_5339, %get3A_5340, %get3A_5341] : memref<3x8x16384xf32, #tpu.memory_space<vmem>>, vector<1x8x512xf32>
    %get3A_5343 = vector.shape_cast %get3A_5342 : vector<1x8x512xf32> to vector<8x512xf32>
    %sub3A_5344 = vector.broadcast %get3A_4235 : vector<8x1xf32> to vector<8x512xf32>
    %sub3A_5345 = arith.subf %get3A_5333, %sub3A_5344 : vector<8x512xf32>
    %sub3A_5346 = vector.broadcast %get3A_4240 : vector<8x1xf32> to vector<8x512xf32>
    %sub3A_5347 = arith.subf %get3A_5338, %sub3A_5346 : vector<8x512xf32>
    %sub3A_5348 = vector.broadcast %get3A_4245 : vector<8x1xf32> to vector<8x512xf32>
    %sub3A_5349 = arith.subf %get3A_5343, %sub3A_5348 : vector<8x512xf32>
    %mul3A_5350 = arith.mulf %sub3A_5345, %sub3A_5345 : vector<8x512xf32>
    %mul3A_5351 = arith.mulf %sub3A_5349, %sub3A_5349 : vector<8x512xf32>
    %add3A_5352 = arith.addf %mul3A_5350, %mul3A_5351 : vector<8x512xf32>
    %mul3A_5353 = arith.mulf %sub3A_5347, %sub3A_5347 : vector<8x512xf32>
    %add3A_5354 = arith.addf %add3A_5352, %mul3A_5353 : vector<8x512xf32>
    %get3A_5355 = arith.constant 0 : index
    %get3A_5356 = arith.constant 13312 : index
    %get3A_5357 = vector.load %arg5[%get3A_5355, %get3A_5356] : memref<8x16384xf32, #tpu.memory_space<vmem>>, vector<8x512xf32>
    %min3A_5358 = arith.minimumf %get3A_5357, %add3A_5354 : vector<8x512xf32>
    %swap3A_5359 = arith.constant 0 : index
    %swap3A_5360 = arith.constant 13312 : index
    %swap3A_5361 = vector.load %arg5[%swap3A_5359, %swap3A_5360] : memref<8x16384xf32, #tpu.memory_space<vmem>>, vector<8x512xf32>
    tpu.vector_store %arg5[%swap3A_5359, %swap3A_5360], %min3A_5358 {strides = array<i32>} : memref<8x16384xf32, #tpu.memory_space<vmem>>, vector<8x512xf32>,
    %add3A_5362 = arith.constant 13312 : i32
    %add3A_5363 = vector.broadcast %add3A_5362 : i32 to vector<8x512xi32>
    %add3A_5364 = arith.addi %iota3A, %add3A_5363 : vector<8x512xi32>
    %gt3A_5365 = arith.cmpf ogt, %min3A_5358, %select_n3A_5324 : vector<8x512xf32>
    %select_n3A_5366 = arith.select %gt3A_5365, %min3A_5358, %select_n3A_5324 : vector<8x512xi1>, vector<8x512xf32>
    %select_n3A_5367 = arith.select %gt3A_5365, %add3A_5364, %select_n3A_5325 : vector<8x512xi1>, vector<8x512xi32>
    %select_n3A_5368 = arith.select %gt3A_5365, %get3A_5333, %select_n3A_5326 : vector<8x512xi1>, vector<8x512xf32>
    %select_n3A_5369 = arith.select %gt3A_5365, %get3A_5338, %select_n3A_5327 : vector<8x512xi1>, vector<8x512xf32>
    %select_n3A_5370 = arith.select %gt3A_5365, %get3A_5343, %select_n3A_5328 : vector<8x512xi1>, vector<8x512xf32>
    %get3A_5371 = arith.constant 0 : index
    %get3A_5372 = arith.constant 0 : index
    %get3A_5373 = arith.constant 13824 : index
    %get3A_5374 = vector.load %arg1[%get3A_5371, %get3A_5372, %get3A_5373] : memref<3x8x16384xf32, #tpu.memory_space<vmem>>, vector<1x8x512xf32>
    %get3A_5375 = vector.shape_cast %get3A_5374 : vector<1x8x512xf32> to vector<8x512xf32>
    %get3A_5376 = arith.constant 1 : index
    %get3A_5377 = arith.constant 0 : index
    %get3A_5378 = arith.constant 13824 : index
    %get3A_5379 = vector.load %arg1[%get3A_5376, %get3A_5377, %get3A_5378] : memref<3x8x16384xf32, #tpu.memory_space<vmem>>, vector<1x8x512xf32>
    %get3A_5380 = vector.shape_cast %get3A_5379 : vector<1x8x512xf32> to vector<8x512xf32>
    %get3A_5381 = arith.constant 2 : index
    %get3A_5382 = arith.constant 0 : index
    %get3A_5383 = arith.constant 13824 : index
    %get3A_5384 = vector.load %arg1[%get3A_5381, %get3A_5382, %get3A_5383] : memref<3x8x16384xf32, #tpu.memory_space<vmem>>, vector<1x8x512xf32>
    %get3A_5385 = vector.shape_cast %get3A_5384 : vector<1x8x512xf32> to vector<8x512xf32>
    %sub3A_5386 = vector.broadcast %get3A_4235 : vector<8x1xf32> to vector<8x512xf32>
    %sub3A_5387 = arith.subf %get3A_5375, %sub3A_5386 : vector<8x512xf32>
    %sub3A_5388 = vector.broadcast %get3A_4240 : vector<8x1xf32> to vector<8x512xf32>
    %sub3A_5389 = arith.subf %get3A_5380, %sub3A_5388 : vector<8x512xf32>
    %sub3A_5390 = vector.broadcast %get3A_4245 : vector<8x1xf32> to vector<8x512xf32>
    %sub3A_5391 = arith.subf %get3A_5385, %sub3A_5390 : vector<8x512xf32>
    %mul3A_5392 = arith.mulf %sub3A_5387, %sub3A_5387 : vector<8x512xf32>
    %mul3A_5393 = arith.mulf %sub3A_5391, %sub3A_5391 : vector<8x512xf32>
    %add3A_5394 = arith.addf %mul3A_5392, %mul3A_5393 : vector<8x512xf32>
    %mul3A_5395 = arith.mulf %sub3A_5389, %sub3A_5389 : vector<8x512xf32>
    %add3A_5396 = arith.addf %add3A_5394, %mul3A_5395 : vector<8x512xf32>
    %get3A_5397 = arith.constant 0 : index
    %get3A_5398 = arith.constant 13824 : index
    %get3A_5399 = vector.load %arg5[%get3A_5397, %get3A_5398] : memref<8x16384xf32, #tpu.memory_space<vmem>>, vector<8x512xf32>
    %min3A_5400 = arith.minimumf %get3A_5399, %add3A_5396 : vector<8x512xf32>
    %swap3A_5401 = arith.constant 0 : index
    %swap3A_5402 = arith.constant 13824 : index
    %swap3A_5403 = vector.load %arg5[%swap3A_5401, %swap3A_5402] : memref<8x16384xf32, #tpu.memory_space<vmem>>, vector<8x512xf32>
    tpu.vector_store %arg5[%swap3A_5401, %swap3A_5402], %min3A_5400 {strides = array<i32>} : memref<8x16384xf32, #tpu.memory_space<vmem>>, vector<8x512xf32>,
    %add3A_5404 = arith.constant 13824 : i32
    %add3A_5405 = vector.broadcast %add3A_5404 : i32 to vector<8x512xi32>
    %add3A_5406 = arith.addi %iota3A, %add3A_5405 : vector<8x512xi32>
    %gt3A_5407 = arith.cmpf ogt, %min3A_5400, %select_n3A_5366 : vector<8x512xf32>
    %select_n3A_5408 = arith.select %gt3A_5407, %min3A_5400, %select_n3A_5366 : vector<8x512xi1>, vector<8x512xf32>
    %select_n3A_5409 = arith.select %gt3A_5407, %add3A_5406, %select_n3A_5367 : vector<8x512xi1>, vector<8x512xi32>
    %select_n3A_5410 = arith.select %gt3A_5407, %get3A_5375, %select_n3A_5368 : vector<8x512xi1>, vector<8x512xf32>
    %select_n3A_5411 = arith.select %gt3A_5407, %get3A_5380, %select_n3A_5369 : vector<8x512xi1>, vector<8x512xf32>
    %select_n3A_5412 = arith.select %gt3A_5407, %get3A_5385, %select_n3A_5370 : vector<8x512xi1>, vector<8x512xf32>
    %get3A_5413 = arith.constant 0 : index
    %get3A_5414 = arith.constant 0 : index
    %get3A_5415 = arith.constant 14336 : index
    %get3A_5416 = vector.load %arg1[%get3A_5413, %get3A_5414, %get3A_5415] : memref<3x8x16384xf32, #tpu.memory_space<vmem>>, vector<1x8x512xf32>
    %get3A_5417 = vector.shape_cast %get3A_5416 : vector<1x8x512xf32> to vector<8x512xf32>
    %get3A_5418 = arith.constant 1 : index
    %get3A_5419 = arith.constant 0 : index
    %get3A_5420 = arith.constant 14336 : index
    %get3A_5421 = vector.load %arg1[%get3A_5418, %get3A_5419, %get3A_5420] : memref<3x8x16384xf32, #tpu.memory_space<vmem>>, vector<1x8x512xf32>
    %get3A_5422 = vector.shape_cast %get3A_5421 : vector<1x8x512xf32> to vector<8x512xf32>
    %get3A_5423 = arith.constant 2 : index
    %get3A_5424 = arith.constant 0 : index
    %get3A_5425 = arith.constant 14336 : index
    %get3A_5426 = vector.load %arg1[%get3A_5423, %get3A_5424, %get3A_5425] : memref<3x8x16384xf32, #tpu.memory_space<vmem>>, vector<1x8x512xf32>
    %get3A_5427 = vector.shape_cast %get3A_5426 : vector<1x8x512xf32> to vector<8x512xf32>
    %sub3A_5428 = vector.broadcast %get3A_4235 : vector<8x1xf32> to vector<8x512xf32>
    %sub3A_5429 = arith.subf %get3A_5417, %sub3A_5428 : vector<8x512xf32>
    %sub3A_5430 = vector.broadcast %get3A_4240 : vector<8x1xf32> to vector<8x512xf32>
    %sub3A_5431 = arith.subf %get3A_5422, %sub3A_5430 : vector<8x512xf32>
    %sub3A_5432 = vector.broadcast %get3A_4245 : vector<8x1xf32> to vector<8x512xf32>
    %sub3A_5433 = arith.subf %get3A_5427, %sub3A_5432 : vector<8x512xf32>
    %mul3A_5434 = arith.mulf %sub3A_5429, %sub3A_5429 : vector<8x512xf32>
    %mul3A_5435 = arith.mulf %sub3A_5433, %sub3A_5433 : vector<8x512xf32>
    %add3A_5436 = arith.addf %mul3A_5434, %mul3A_5435 : vector<8x512xf32>
    %mul3A_5437 = arith.mulf %sub3A_5431, %sub3A_5431 : vector<8x512xf32>
    %add3A_5438 = arith.addf %add3A_5436, %mul3A_5437 : vector<8x512xf32>
    %get3A_5439 = arith.constant 0 : index
    %get3A_5440 = arith.constant 14336 : index
    %get3A_5441 = vector.load %arg5[%get3A_5439, %get3A_5440] : memref<8x16384xf32, #tpu.memory_space<vmem>>, vector<8x512xf32>
    %min3A_5442 = arith.minimumf %get3A_5441, %add3A_5438 : vector<8x512xf32>
    %swap3A_5443 = arith.constant 0 : index
    %swap3A_5444 = arith.constant 14336 : index
    %swap3A_5445 = vector.load %arg5[%swap3A_5443, %swap3A_5444] : memref<8x16384xf32, #tpu.memory_space<vmem>>, vector<8x512xf32>
    tpu.vector_store %arg5[%swap3A_5443, %swap3A_5444], %min3A_5442 {strides = array<i32>} : memref<8x16384xf32, #tpu.memory_space<vmem>>, vector<8x512xf32>,
    %add3A_5446 = arith.constant 14336 : i32
    %add3A_5447 = vector.broadcast %add3A_5446 : i32 to vector<8x512xi32>
    %add3A_5448 = arith.addi %iota3A, %add3A_5447 : vector<8x512xi32>
    %gt3A_5449 = arith.cmpf ogt, %min3A_5442, %select_n3A_5408 : vector<8x512xf32>
    %select_n3A_5450 = arith.select %gt3A_5449, %min3A_5442, %select_n3A_5408 : vector<8x512xi1>, vector<8x512xf32>
    %select_n3A_5451 = arith.select %gt3A_5449, %add3A_5448, %select_n3A_5409 : vector<8x512xi1>, vector<8x512xi32>
    %select_n3A_5452 = arith.select %gt3A_5449, %get3A_5417, %select_n3A_5410 : vector<8x512xi1>, vector<8x512xf32>
    %select_n3A_5453 = arith.select %gt3A_5449, %get3A_5422, %select_n3A_5411 : vector<8x512xi1>, vector<8x512xf32>
    %select_n3A_5454 = arith.select %gt3A_5449, %get3A_5427, %select_n3A_5412 : vector<8x512xi1>, vector<8x512xf32>
    %get3A_5455 = arith.constant 0 : index
    %get3A_5456 = arith.constant 0 : index
    %get3A_5457 = arith.constant 14848 : index
    %get3A_5458 = vector.load %arg1[%get3A_5455, %get3A_5456, %get3A_5457] : memref<3x8x16384xf32, #tpu.memory_space<vmem>>, vector<1x8x512xf32>
    %get3A_5459 = vector.shape_cast %get3A_5458 : vector<1x8x512xf32> to vector<8x512xf32>
    %get3A_5460 = arith.constant 1 : index
    %get3A_5461 = arith.constant 0 : index
    %get3A_5462 = arith.constant 14848 : index
    %get3A_5463 = vector.load %arg1[%get3A_5460, %get3A_5461, %get3A_5462] : memref<3x8x16384xf32, #tpu.memory_space<vmem>>, vector<1x8x512xf32>
    %get3A_5464 = vector.shape_cast %get3A_5463 : vector<1x8x512xf32> to vector<8x512xf32>
    %get3A_5465 = arith.constant 2 : index
    %get3A_5466 = arith.constant 0 : index
    %get3A_5467 = arith.constant 14848 : index
    %get3A_5468 = vector.load %arg1[%get3A_5465, %get3A_5466, %get3A_5467] : memref<3x8x16384xf32, #tpu.memory_space<vmem>>, vector<1x8x512xf32>
    %get3A_5469 = vector.shape_cast %get3A_5468 : vector<1x8x512xf32> to vector<8x512xf32>
    %sub3A_5470 = vector.broadcast %get3A_4235 : vector<8x1xf32> to vector<8x512xf32>
    %sub3A_5471 = arith.subf %get3A_5459, %sub3A_5470 : vector<8x512xf32>
    %sub3A_5472 = vector.broadcast %get3A_4240 : vector<8x1xf32> to vector<8x512xf32>
    %sub3A_5473 = arith.subf %get3A_5464, %sub3A_5472 : vector<8x512xf32>
    %sub3A_5474 = vector.broadcast %get3A_4245 : vector<8x1xf32> to vector<8x512xf32>
    %sub3A_5475 = arith.subf %get3A_5469, %sub3A_5474 : vector<8x512xf32>
    %mul3A_5476 = arith.mulf %sub3A_5471, %sub3A_5471 : vector<8x512xf32>
    %mul3A_5477 = arith.mulf %sub3A_5475, %sub3A_5475 : vector<8x512xf32>
    %add3A_5478 = arith.addf %mul3A_5476, %mul3A_5477 : vector<8x512xf32>
    %mul3A_5479 = arith.mulf %sub3A_5473, %sub3A_5473 : vector<8x512xf32>
    %add3A_5480 = arith.addf %add3A_5478, %mul3A_5479 : vector<8x512xf32>
    %get3A_5481 = arith.constant 0 : index
    %get3A_5482 = arith.constant 14848 : index
    %get3A_5483 = vector.load %arg5[%get3A_5481, %get3A_5482] : memref<8x16384xf32, #tpu.memory_space<vmem>>, vector<8x512xf32>
    %min3A_5484 = arith.minimumf %get3A_5483, %add3A_5480 : vector<8x512xf32>
    %swap3A_5485 = arith.constant 0 : index
    %swap3A_5486 = arith.constant 14848 : index
    %swap3A_5487 = vector.load %arg5[%swap3A_5485, %swap3A_5486] : memref<8x16384xf32, #tpu.memory_space<vmem>>, vector<8x512xf32>
    tpu.vector_store %arg5[%swap3A_5485, %swap3A_5486], %min3A_5484 {strides = array<i32>} : memref<8x16384xf32, #tpu.memory_space<vmem>>, vector<8x512xf32>,
    %add3A_5488 = arith.constant 14848 : i32
    %add3A_5489 = vector.broadcast %add3A_5488 : i32 to vector<8x512xi32>
    %add3A_5490 = arith.addi %iota3A, %add3A_5489 : vector<8x512xi32>
    %gt3A_5491 = arith.cmpf ogt, %min3A_5484, %select_n3A_5450 : vector<8x512xf32>
    %select_n3A_5492 = arith.select %gt3A_5491, %min3A_5484, %select_n3A_5450 : vector<8x512xi1>, vector<8x512xf32>
    %select_n3A_5493 = arith.select %gt3A_5491, %add3A_5490, %select_n3A_5451 : vector<8x512xi1>, vector<8x512xi32>
    %select_n3A_5494 = arith.select %gt3A_5491, %get3A_5459, %select_n3A_5452 : vector<8x512xi1>, vector<8x512xf32>
    %select_n3A_5495 = arith.select %gt3A_5491, %get3A_5464, %select_n3A_5453 : vector<8x512xi1>, vector<8x512xf32>
    %select_n3A_5496 = arith.select %gt3A_5491, %get3A_5469, %select_n3A_5454 : vector<8x512xi1>, vector<8x512xf32>
    %get3A_5497 = arith.constant 0 : index
    %get3A_5498 = arith.constant 0 : index
    %get3A_5499 = arith.constant 15360 : index
    %get3A_5500 = vector.load %arg1[%get3A_5497, %get3A_5498, %get3A_5499] : memref<3x8x16384xf32, #tpu.memory_space<vmem>>, vector<1x8x512xf32>
    %get3A_5501 = vector.shape_cast %get3A_5500 : vector<1x8x512xf32> to vector<8x512xf32>
    %get3A_5502 = arith.constant 1 : index
    %get3A_5503 = arith.constant 0 : index
    %get3A_5504 = arith.constant 15360 : index
    %get3A_5505 = vector.load %arg1[%get3A_5502, %get3A_5503, %get3A_5504] : memref<3x8x16384xf32, #tpu.memory_space<vmem>>, vector<1x8x512xf32>
    %get3A_5506 = vector.shape_cast %get3A_5505 : vector<1x8x512xf32> to vector<8x512xf32>
    %get3A_5507 = arith.constant 2 : index
    %get3A_5508 = arith.constant 0 : index
    %get3A_5509 = arith.constant 15360 : index
    %get3A_5510 = vector.load %arg1[%get3A_5507, %get3A_5508, %get3A_5509] : memref<3x8x16384xf32, #tpu.memory_space<vmem>>, vector<1x8x512xf32>
    %get3A_5511 = vector.shape_cast %get3A_5510 : vector<1x8x512xf32> to vector<8x512xf32>
    %sub3A_5512 = vector.broadcast %get3A_4235 : vector<8x1xf32> to vector<8x512xf32>
    %sub3A_5513 = arith.subf %get3A_5501, %sub3A_5512 : vector<8x512xf32>
    %sub3A_5514 = vector.broadcast %get3A_4240 : vector<8x1xf32> to vector<8x512xf32>
    %sub3A_5515 = arith.subf %get3A_5506, %sub3A_5514 : vector<8x512xf32>
    %sub3A_5516 = vector.broadcast %get3A_4245 : vector<8x1xf32> to vector<8x512xf32>
    %sub3A_5517 = arith.subf %get3A_5511, %sub3A_5516 : vector<8x512xf32>
    %mul3A_5518 = arith.mulf %sub3A_5513, %sub3A_5513 : vector<8x512xf32>
    %mul3A_5519 = arith.mulf %sub3A_5517, %sub3A_5517 : vector<8x512xf32>
    %add3A_5520 = arith.addf %mul3A_5518, %mul3A_5519 : vector<8x512xf32>
    %mul3A_5521 = arith.mulf %sub3A_5515, %sub3A_5515 : vector<8x512xf32>
    %add3A_5522 = arith.addf %add3A_5520, %mul3A_5521 : vector<8x512xf32>
    %get3A_5523 = arith.constant 0 : index
    %get3A_5524 = arith.constant 15360 : index
    %get3A_5525 = vector.load %arg5[%get3A_5523, %get3A_5524] : memref<8x16384xf32, #tpu.memory_space<vmem>>, vector<8x512xf32>
    %min3A_5526 = arith.minimumf %get3A_5525, %add3A_5522 : vector<8x512xf32>
    %swap3A_5527 = arith.constant 0 : index
    %swap3A_5528 = arith.constant 15360 : index
    %swap3A_5529 = vector.load %arg5[%swap3A_5527, %swap3A_5528] : memref<8x16384xf32, #tpu.memory_space<vmem>>, vector<8x512xf32>
    tpu.vector_store %arg5[%swap3A_5527, %swap3A_5528], %min3A_5526 {strides = array<i32>} : memref<8x16384xf32, #tpu.memory_space<vmem>>, vector<8x512xf32>,
    %add3A_5530 = arith.constant 15360 : i32
    %add3A_5531 = vector.broadcast %add3A_5530 : i32 to vector<8x512xi32>
    %add3A_5532 = arith.addi %iota3A, %add3A_5531 : vector<8x512xi32>
    %gt3A_5533 = arith.cmpf ogt, %min3A_5526, %select_n3A_5492 : vector<8x512xf32>
    %select_n3A_5534 = arith.select %gt3A_5533, %min3A_5526, %select_n3A_5492 : vector<8x512xi1>, vector<8x512xf32>
    %select_n3A_5535 = arith.select %gt3A_5533, %add3A_5532, %select_n3A_5493 : vector<8x512xi1>, vector<8x512xi32>
    %select_n3A_5536 = arith.select %gt3A_5533, %get3A_5501, %select_n3A_5494 : vector<8x512xi1>, vector<8x512xf32>
    %select_n3A_5537 = arith.select %gt3A_5533, %get3A_5506, %select_n3A_5495 : vector<8x512xi1>, vector<8x512xf32>
    %select_n3A_5538 = arith.select %gt3A_5533, %get3A_5511, %select_n3A_5496 : vector<8x512xi1>, vector<8x512xf32>
    %get3A_5539 = arith.constant 0 : index
    %get3A_5540 = arith.constant 0 : index
    %get3A_5541 = arith.constant 15872 : index
    %get3A_5542 = vector.load %arg1[%get3A_5539, %get3A_5540, %get3A_5541] : memref<3x8x16384xf32, #tpu.memory_space<vmem>>, vector<1x8x512xf32>
    %get3A_5543 = vector.shape_cast %get3A_5542 : vector<1x8x512xf32> to vector<8x512xf32>
    %get3A_5544 = arith.constant 1 : index
    %get3A_5545 = arith.constant 0 : index
    %get3A_5546 = arith.constant 15872 : index
    %get3A_5547 = vector.load %arg1[%get3A_5544, %get3A_5545, %get3A_5546] : memref<3x8x16384xf32, #tpu.memory_space<vmem>>, vector<1x8x512xf32>
    %get3A_5548 = vector.shape_cast %get3A_5547 : vector<1x8x512xf32> to vector<8x512xf32>
    %get3A_5549 = arith.constant 2 : index
    %get3A_5550 = arith.constant 0 : index
    %get3A_5551 = arith.constant 15872 : index
    %get3A_5552 = vector.load %arg1[%get3A_5549, %get3A_5550, %get3A_5551] : memref<3x8x16384xf32, #tpu.memory_space<vmem>>, vector<1x8x512xf32>
    %get3A_5553 = vector.shape_cast %get3A_5552 : vector<1x8x512xf32> to vector<8x512xf32>
    %sub3A_5554 = vector.broadcast %get3A_4235 : vector<8x1xf32> to vector<8x512xf32>
    %sub3A_5555 = arith.subf %get3A_5543, %sub3A_5554 : vector<8x512xf32>
    %sub3A_5556 = vector.broadcast %get3A_4240 : vector<8x1xf32> to vector<8x512xf32>
    %sub3A_5557 = arith.subf %get3A_5548, %sub3A_5556 : vector<8x512xf32>
    %sub3A_5558 = vector.broadcast %get3A_4245 : vector<8x1xf32> to vector<8x512xf32>
    %sub3A_5559 = arith.subf %get3A_5553, %sub3A_5558 : vector<8x512xf32>
    %mul3A_5560 = arith.mulf %sub3A_5555, %sub3A_5555 : vector<8x512xf32>
    %mul3A_5561 = arith.mulf %sub3A_5559, %sub3A_5559 : vector<8x512xf32>
    %add3A_5562 = arith.addf %mul3A_5560, %mul3A_5561 : vector<8x512xf32>
    %mul3A_5563 = arith.mulf %sub3A_5557, %sub3A_5557 : vector<8x512xf32>
    %add3A_5564 = arith.addf %add3A_5562, %mul3A_5563 : vector<8x512xf32>
    %get3A_5565 = arith.constant 0 : index
    %get3A_5566 = arith.constant 15872 : index
    %get3A_5567 = vector.load %arg5[%get3A_5565, %get3A_5566] : memref<8x16384xf32, #tpu.memory_space<vmem>>, vector<8x512xf32>
    %min3A_5568 = arith.minimumf %get3A_5567, %add3A_5564 : vector<8x512xf32>
    %swap3A_5569 = arith.constant 0 : index
    %swap3A_5570 = arith.constant 15872 : index
    %swap3A_5571 = vector.load %arg5[%swap3A_5569, %swap3A_5570] : memref<8x16384xf32, #tpu.memory_space<vmem>>, vector<8x512xf32>
    tpu.vector_store %arg5[%swap3A_5569, %swap3A_5570], %min3A_5568 {strides = array<i32>} : memref<8x16384xf32, #tpu.memory_space<vmem>>, vector<8x512xf32>,
    %add3A_5572 = arith.constant 15872 : i32
    %add3A_5573 = vector.broadcast %add3A_5572 : i32 to vector<8x512xi32>
    %add3A_5574 = arith.addi %iota3A, %add3A_5573 : vector<8x512xi32>
    %gt3A_5575 = arith.cmpf ogt, %min3A_5568, %select_n3A_5534 : vector<8x512xf32>
    %select_n3A_5576 = arith.select %gt3A_5575, %min3A_5568, %select_n3A_5534 : vector<8x512xi1>, vector<8x512xf32>
    %select_n3A_5577 = arith.select %gt3A_5575, %add3A_5574, %select_n3A_5535 : vector<8x512xi1>, vector<8x512xi32>
    %select_n3A_5578 = arith.select %gt3A_5575, %get3A_5543, %select_n3A_5536 : vector<8x512xi1>, vector<8x512xf32>
    %select_n3A_5579 = arith.select %gt3A_5575, %get3A_5548, %select_n3A_5537 : vector<8x512xi1>, vector<8x512xf32>
    %select_n3A_5580 = arith.select %gt3A_5575, %get3A_5553, %select_n3A_5538 : vector<8x512xi1>, vector<8x512xf32>
    %reduce_max3A_5581 = arith.constant dense<0xFF800000> : vector<8xf32>
    %reduce_max3A_5582 = vector.multi_reduction <maximumf>, %select_n3A_5576, %reduce_max3A_5581 [1] : vector<8x512xf32> to vector<8xf32>
    %broadcast_in_dim3A_5583 = vector.shape_cast %reduce_max3A_5582 : vector<8xf32> to vector<8x1xf32>
    %eq3A_5584 = vector.broadcast %broadcast_in_dim3A_5583 : vector<8x1xf32> to vector<8x512xf32>
    %eq3A_5585 = arith.cmpf oeq, %select_n3A_5576, %eq3A_5584 : vector<8x512xf32>
    %jit3A_5586 = arith.constant 16384 : i32
    %broadcast_in_dim3A_5587 = vector.broadcast %jit3A_5586 : i32 to vector<8x512xi32>
    %select_n3A_5588 = arith.select %eq3A_5585, %select_n3A_5577, %broadcast_in_dim3A_5587 : vector<8x512xi1>, vector<8x512xi32>
    %reduce_min3A_5589 = arith.constant dense<2147483647> : vector<8xi32>
    %reduce_min3A_5590 = vector.multi_reduction <minsi>, %select_n3A_5588, %reduce_min3A_5589 [1] : vector<8x512xi32> to vector<8xi32>
    %broadcast_in_dim3A_5591 = vector.shape_cast %reduce_min3A_5590 : vector<8xi32> to vector<8x1xi32>
    %eq3A_5592 = vector.broadcast %broadcast_in_dim3A_5591 : vector<8x1xi32> to vector<8x512xi32>
    %eq3A_5593 = arith.cmpi eq, %select_n3A_5588, %eq3A_5592 : vector<8x512xi32>
    %jit3A_5594 = arith.constant 0.000000e+00 : f32
    %broadcast_in_dim3A_5595 = vector.broadcast %jit3A_5594 : f32 to vector<8x512xf32>
    %select_n3A_5596 = arith.select %eq3A_5593, %select_n3A_5578, %broadcast_in_dim3A_5595 : vector<8x512xi1>, vector<8x512xf32>
    %reduce_sum3A_5597 = arith.constant dense<0.000000e+00> : vector<8xf32>
    %reduce_sum3A_5598 = vector.multi_reduction <add>, %select_n3A_5596, %reduce_sum3A_5597 [1] : vector<8x512xf32> to vector<8xf32>
    %broadcast_in_dim3A_5599 = vector.shape_cast %reduce_sum3A_5598 : vector<8xf32> to vector<8x1xf32>
    %swap3A_5600 = arith.constant 0 : index
    %swap3A_5601 = arith.constant 0 : index
    %swap3A_5602 = arith.constant 0 : index
    %swap3A_5603 = vector.load %arg7[%swap3A_5600, %swap3A_5601, %swap3A_5602] : memref<3x8x1xf32, #tpu.memory_space<vmem>>, vector<1x8x1xf32>
    %swap3A_5604 = vector.shape_cast %swap3A_5603 : vector<1x8x1xf32> to vector<8x1xf32>
    %swap3A_5605 = vector.shape_cast %broadcast_in_dim3A_5599 : vector<8x1xf32> to vector<1x8x1xf32>
    tpu.vector_store %arg7[%swap3A_5600, %swap3A_5601, %swap3A_5602], %swap3A_5605 {strides = array<i32>} : memref<3x8x1xf32, #tpu.memory_space<vmem>>, vector<1x8x1xf32>,
    %jit3A_5606 = arith.constant 0.000000e+00 : f32
    %broadcast_in_dim3A_5607 = vector.broadcast %jit3A_5606 : f32 to vector<8x512xf32>
    %select_n3A_5608 = arith.select %eq3A_5593, %select_n3A_5579, %broadcast_in_dim3A_5607 : vector<8x512xi1>, vector<8x512xf32>
    %reduce_sum3A_5609 = arith.constant dense<0.000000e+00> : vector<8xf32>
    %reduce_sum3A_5610 = vector.multi_reduction <add>, %select_n3A_5608, %reduce_sum3A_5609 [1] : vector<8x512xf32> to vector<8xf32>
    %broadcast_in_dim3A_5611 = vector.shape_cast %reduce_sum3A_5610 : vector<8xf32> to vector<8x1xf32>
    %swap3A_5612 = arith.constant 1 : index
    %swap3A_5613 = arith.constant 0 : index
    %swap3A_5614 = arith.constant 0 : index
    %swap3A_5615 = vector.load %arg7[%swap3A_5612, %swap3A_5613, %swap3A_5614] : memref<3x8x1xf32, #tpu.memory_space<vmem>>, vector<1x8x1xf32>
    %swap3A_5616 = vector.shape_cast %swap3A_5615 : vector<1x8x1xf32> to vector<8x1xf32>
    %swap3A_5617 = vector.shape_cast %broadcast_in_dim3A_5611 : vector<8x1xf32> to vector<1x8x1xf32>
    tpu.vector_store %arg7[%swap3A_5612, %swap3A_5613, %swap3A_5614], %swap3A_5617 {strides = array<i32>} : memref<3x8x1xf32, #tpu.memory_space<vmem>>, vector<1x8x1xf32>,
    %jit3A_5618 = arith.constant 0.000000e+00 : f32
    %broadcast_in_dim3A_5619 = vector.broadcast %jit3A_5618 : f32 to vector<8x512xf32>
    %select_n3A_5620 = arith.select %eq3A_5593, %select_n3A_5580, %broadcast_in_dim3A_5619 : vector<8x512xi1>, vector<8x512xf32>
    %reduce_sum3A_5621 = arith.constant dense<0.000000e+00> : vector<8xf32>
    %reduce_sum3A_5622 = vector.multi_reduction <add>, %select_n3A_5620, %reduce_sum3A_5621 [1] : vector<8x512xf32> to vector<8xf32>
    %broadcast_in_dim3A_5623 = vector.shape_cast %reduce_sum3A_5622 : vector<8xf32> to vector<8x1xf32>
    %swap3A_5624 = arith.constant 2 : index
    %swap3A_5625 = arith.constant 0 : index
    %swap3A_5626 = arith.constant 0 : index
    %swap3A_5627 = vector.load %arg7[%swap3A_5624, %swap3A_5625, %swap3A_5626] : memref<3x8x1xf32, #tpu.memory_space<vmem>>, vector<1x8x1xf32>
    %swap3A_5628 = vector.shape_cast %swap3A_5627 : vector<1x8x1xf32> to vector<8x1xf32>
    %swap3A_5629 = vector.shape_cast %broadcast_in_dim3A_5623 : vector<8x1xf32> to vector<1x8x1xf32>
    tpu.vector_store %arg7[%swap3A_5624, %swap3A_5625, %swap3A_5626], %swap3A_5629 {strides = array<i32>} : memref<3x8x1xf32, #tpu.memory_space<vmem>>, vector<1x8x1xf32>,
    %swap3A_5630 = arith.constant 0 : index
    %swap3A_5631 = arith.constant 0 : index
    %swap3A_5632 = vector.load %arg6[%swap3A_5630, %swap3A_5631] : memref<8x1xi32, #tpu.memory_space<vmem>>, vector<8x1xi32>
    tpu.vector_store %arg6[%swap3A_5630, %swap3A_5631], %broadcast_in_dim3A_5591 {strides = array<i32>} : memref<8x1xi32, #tpu.memory_space<vmem>>, vector<8x1xi32>,
    return
  }
  func.func @transform_0(%arg0: i32) -> (i32, i32, i32) {
    %c0_i32 = arith.constant 0 : i32
    %c0_i32_0 = arith.constant 0 : i32
    %c0_i32_1 = arith.constant 0 : i32
    %c0_i32_2 = arith.constant 0 : i32
    return %c0_i32, %c0_i32_0, %c0_i32_1 : i32, i32, i32
  }
  func.func @transform_1(%arg0: i32) -> (i32, i32) {
    %c0_i32 = arith.constant 0 : i32
    %c0_i32_0 = arith.constant 0 : i32
    %c0_i32_1 = arith.constant 0 : i32
    return %c0_i32, %c0_i32_0 : i32, i32
  }
  func.func @transform_2(%arg0: i32) -> (i32, i32, i32) {
    %c0_i32 = arith.constant 0 : i32
    %c0_i32_0 = arith.constant 0 : i32
    %c0_i32_1 = arith.constant 0 : i32
    %c0_i32_2 = arith.constant 0 : i32
    return %c0_i32, %c0_i32_0, %c0_i32_1 : i32, i32, i32
  }
  func.func @transform_3(%arg0: i32) -> (i32, i32, i32) {
    %c0_i32 = arith.constant 0 : i32
    %c0_i32_0 = arith.constant 0 : i32
    %c0_i32_1 = arith.constant 0 : i32
    return %arg0, %c0_i32, %c0_i32_0 : i32, i32, i32
  }
}

</mosaic_0001>

<sc_bundles>
// kernel: kernel.4.cloned.1.call-start
scs
__scs_entry_jumppad:
0x0: {  	(pc) =	sbr.rel $0x88, $3  }
0x1: {  	(tag) =	ssettag $0x0;
	lr =	simm.s32 $0x1  }
0x2: {  	[smem:$0x3FA0] =	sst lr;
	_ =	strace $0xD0000000  }
0x3: {  	_ = 	snop  }
0x4: {  	_ = 	snop  }
0x5: {  	_ = 	snop  }
0x6: {  	_ = 	snop  }
0x7: {  	_ = 	snop  }
__scs_overlays_trampoline_lowered:
0x8: {  	[smem:$0x3FAF] =	sst s0  }
0x9: {  	[smem:$0x3FB0] =	sst s1  }
0xa: {  	[smem:$0x3FB1] =	sst s2  }
0xb: {  	[smem:$0x3FB2] =	sst s3  }
0xc: {  	[smem:$0x3FB3] =	sst s4  }
0xd: {  	[smem:$0x3FB4] =	sst s5  }
0xe: {  	[smem:$0x3FB5] =	sst s6  }
0xf: {  	[smem:$0x3FB6] =	sst s7  }
0x10: {  	[smem:$0x3FB7] =	sst s8  }
0x11: {  	[smem:$0x3FB8] =	sst s9;
	s0 =	simm.s32 @!p0 $0x0  }
0x12: {  	s1 =	sld [smem:$0x3F9E];
	s0 =	simm.s32 @p0 $0x1  }
0x13: {  	[smem:$0x3FB9] =	sst s0;
	s0 =	simm.s32 @!p1 $0x0  }
0x14: {  	s2 =	sld [smem:$0x3F9D];
	s0 =	simm.s32 @p1 $0x1  }
0x15: {  	[smem:$0x3FBA] =	sst s0;
	s0 =	simm.s32 @!p2 $0x0  }
0x16: {  	s3 =	sld [smem:$0x3FDB];
	s0 =	simm.s32 @p2 $0x1  }
0x17: {  	s4 =	simm.s32 $0x1BF5;
	[smem:$0x3FBC] =	sst s0  }
0x18: {  	s0 =	sld [smem:$0x3F9F];
	_ =	swait.ge [sflag:s4], $0x0  }
0x19: {  	s7 =	sld [smem:$0x3FA0]  }
0x1a: {  	s8 =	sadd.s32 $0xFFFFE003, lr  }
0x1b: {  	s9 =	sadd.s32 $0xFFFFFEF7, lr;
	s5 =	simm.s32 $0xFFFFFFFF;
	p2 =	slt.u32 s8, $0xFFFFF086  }
0x1c: {  	p1 =	slt.u32 s9, $0xF7A;
	s5 =	simm.s32 @!p2 $0x0  }
0x1d: {  	s5 =	simm.s32 @p1 $0x1;
	p0 =	seq.s32 s7, s2  }
0x1e: {  	s7 =	smul.u32 @!p0 $0xF7A, s2;
	p2 =	seq.s32 @!p0 s5, $0x0  }
0x1f: {  	s9 =	smul.u32 $0xF7A, s1;
	s8 =	simm.s32 @!p0 $0x1BF5;
	p2 =	por !p2, p0  }
0x20: {  	[sflag:s8] =	ssyncset.s32 @!p0 $0xFFFFF086;
	s6 =	sadd.s32 @!p0 s3, s7;
	s7 =	simm.s32 @!p0 $0x108  }
0x21: {  	s3 =	sadd.s32 s3, s9;
	s6 =	sadd.s32 @!p0 $0x88, s6;
	s7 =	simm.s32 @p2 $0x1082  }
0x22: {  	[simem:s7], [sflag:s8] =	dma.local @!p0 [hbm:s6], $0xF7A  }
0x23: {  	s9 =	sor.u32 $0xD0000000, s2;
	s6 =	simm.s32 $0x108;
	_ =	swait.ge @!p0 [sflag:s8], $0x0  }
0x24: {  	s3 =	sadd.s32 $0x88, s3;
	s6 =	simm.s32 @!p1 $0x1082;
	[sflag:s4] =	ssyncset.s32 $0xFFFFF086  }
0x25: {  	[simem:s6], [sflag:s4] =	dma.local [hbm:s3], $0xF7A  }
0x26: {  	[smem:$0x3FA0] =	sst s1;
	(tag) =	ssettag s2;
	_ =	strace s9  }
0x27: {  	s1 =	sld [smem:$0x3FB0]  }
0x28: {  	s2 =	sld [smem:$0x3FB1]  }
0x29: {  	s4 =	sld [smem:$0x3FB3]  }
0x2a: {  	p0 =	seq.s32 s5, $0x0;
	s5 =	sld [smem:$0x3FB4]  }
0x2b: {  	s6 =	sld [smem:$0x3FB5]  }
0x2c: {  	s7 =	sld [smem:$0x3FB6]  }
0x2d: {  	s3 =	simm.s32 $0x108;
	s8 =	sld [smem:$0x3FB7]  }
0x2e: {  	s3 =	simm.s32 @!p0 $0x1082;
	s9 =	sld [smem:$0x3FB8]  }
0x2f: {  	lr =	sadd.s32 s0, s3;
	s0 =	sld [smem:$0x3FAF]  }
0x30: {  	s3 =	sld [smem:$0x3FB2]  }
0x31: {  	[smem:$0x3FBB] =	sst s10  }
0x32: {  	s10 =	sld [smem:$0x3FB9];
	_ =	sdelay $0x3  }
0x33: {  	p0 =	seq.s32 s10, $0x1;
	s10 =	sld [smem:$0x3FBB];
	_ =	sdelay $0x3  }
0x34: {  	[smem:$0x3FBB] =	sst s10  }
0x35: {  	s10 =	sld [smem:$0x3FBA];
	_ =	sdelay $0x3  }
0x36: {  	p1 =	seq.s32 s10, $0x1;
	s10 =	sld [smem:$0x3FBB];
	_ =	sdelay $0x3  }
0x37: {  	[smem:$0x3FBB] =	sst s10  }
0x38: {  	s10 =	sld [smem:$0x3FBC]  }
0x39: {  	_ = 	snop;
	(pc) =	sbr.ind lr, $3  }
0x3a: {  	_ = 	snop  }
0x3b: {  	_ = 	snop  }
0x3c: {  	p2 =	seq.s32 s10, $0x1;
	s10 =	sld [smem:$0x3FBB]  }
0x3d: {  	_ =	shalt  }
0x3e: {  	_ =	shalt  }
0x3f: {  	_ =	shalt  }
0x40: {  	_ =	shalt  }
0x41: {  	_ =	shalt  }
0x42: {  	_ =	shalt  }
0x43: {  	_ =	shalt  }
0x44: {  	_ =	shalt  }
0x45: {  	_ =	shalt  }
0x46: {  	_ =	shalt  }
0x47: {  	_ =	shalt  }
0x48: {  	_ =	shalt  }
0x49: {  	_ =	shalt  }
0x4a: {  	_ =	shalt  }
0x4b: {  	_ =	shalt  }
0x4c: {  	_ =	shalt  }
0x4d: {  	_ =	shalt  }
0x4e: {  	_ =	shalt  }
0x4f: {  	_ =	shalt  }
0x50: {  	_ =	shalt  }
0x51: {  	_ =	shalt  }
0x52: {  	_ =	shalt  }
0x53: {  	_ =	shalt  }
0x54: {  	_ =	shalt  }
0x55: {  	_ =	shalt  }
0x56: {  	_ =	shalt  }
0x57: {  	_ =	shalt  }
0x58: {  	_ =	shalt  }
0x59: {  	_ =	shalt  }
0x5a: {  	_ =	shalt  }
0x5b: {  	_ =	shalt  }
0x5c: {  	_ =	shalt  }
0x5d: {  	_ =	shalt  }
0x5e: {  	_ =	shalt  }
0x5f: {  	_ =	shalt  }
0x60: {  	_ =	shalt  }
0x61: {  	_ =	shalt  }
0x62: {  	_ =	shalt  }
0x63: {  	_ =	shalt  }
0x64: {  	_ =	shalt  }
0x65: {  	_ =	shalt  }
0x66: {  	_ =	shalt  }
0x67: {  	_ =	shalt  }
0x68: {  	_ =	shalt  }
0x69: {  	_ =	shalt  }
0x6a: {  	_ =	shalt  }
0x6b: {  	_ =	shalt  }
0x6c: {  	_ =	shalt  }
0x6d: {  	_ =	shalt  }
0x6e: {  	_ =	shalt  }
0x6f: {  	_ =	shalt  }
0x70: {  	_ =	shalt  }
0x71: {  	_ =	shalt  }
0x72: {  	_ =	shalt  }
0x73: {  	_ =	shalt  }
0x74: {  	_ =	shalt  }
0x75: {  	_ =	shalt  }
0x76: {  	_ =	shalt  }
0x77: {  	_ =	shalt  }
0x78: {  	_ =	shalt  }
0x79: {  	_ =	shalt  }
0x7a: {  	_ =	shalt  }
0x7b: {  	_ =	shalt  }
0x7c: {  	_ =	shalt  }
0x7d: {  	_ =	shalt  }
0x7e: {  	_ =	shalt  }
0x7f: {  	_ =	shalt  }
0x80: {  	_ =	shalt  }
0x81: {  	_ =	shalt  }
0x82: {  	_ =	shalt  }
0x83: {  	_ =	shalt  }
0x84: {  	_ =	shalt  }
0x85: {  	_ =	shalt  }
0x86: {  	_ =	shalt  }
0x87: {  	_ =	shalt  }
.Lfunc_end0:
.L_simem_size_0:
called_computation_lowered:
.L_overlay_start_0:
0x88: {  	s2 =	sld [smem:$0x3FD9]  }
0x89: {  	s3 =	sld [smem:$0x3FFE];
	_ =	sdelay $0x1  }
0x8a: {  	s1 =	srdreg.scid  }
0x8b: {  	s0 =	sand.u32 $0x1, s1  }
0x8c: {  	s14 =	sshll.u32 s0, $0xA;
	s2 =	sadd.s32 s3, s2  }
0x8d: {  	s2 =	sadd.s32 s2, s14  }
0x8e: {  	[smem:$0x3FC7] =	sst s2  }
0x8f: {  	_ = 	snop  }
0x90: {  	s2 =	sld [smem:$0x3FD0];
	_ =	sdelay $0x2  }
0x91: {  	s15 =	simm.s32 $0xA;
	s4 =	simm.s32 $0x10  }
0x92: {  	[smem:s4], [sflag:s15] =	dma.local [hbm:s2], $0x1  }
0x93: {  	_ =	swait.eq [sflag:s15], $0x1  }
0x94: {  	[sflag:s15] =	ssyncset.done $0x0  }
0x95: {  	[sflag:s15] =	ssyncadd.s32 $0xFFFFFFFF  }
0x96: {  	s16 =	sld [smem:$0x10];
	(tm) =	ssettm $0x1  }
0x97: {  	s17 =	sld [smem:$0x3FFB];
	_ =	sdelay $0x3  }
0x98: {  	_ =	strace s17  }
0x99: {  	s3 =	sld [smem:$0x3FFC];
	_ =	sdelay $0x3  }
0x9a: {  	_ =	strace s3  }
0x9b: {  	s3 =	sld [smem:$0x3FFD];
	_ =	sdelay $0x3  }
0x9c: {  	_ =	strace s3  }
0x9d: {  	_ =	strace $0x8FFFFFFF  }
0x9e: {  	s18 =	sld [smem:$0x3FDB];
	_ =	sdelay $0x1  }
0x9f: {  	s19 =	simm.s32 $_scs_section_size  }
0xa0: {  	s5 =	simm.s32 $_size__tile_overlayer_lowered;
	s6 =	simm.s32 $_tile_overlayer_lowered  }
0xa1: {  	s22 =	simm.s32 $0x1BFF;
	s21 =	sshll.u32 s6, $0x1;
	s3 =	sadd.s32 s19, s18  }
0xa2: {  	s7 =	simm.s32 $0x0;
	s20 =	sshll.u32 s5, $0x1;
	s5 =	sadd.s32 s21, s3  }
0xa3: {  	[timem:s7], [sflag:s22] =	dma.local [hbm:s5], s20  }
0xa4: {  	_ =	swait.ge [sflag:s22], s20  }
0xa5: {  	s4 =	ssub.s32 $0x0, s20;
	[sflag:s22] =	ssyncset.done $0x0  }
0xa6: {  	[sflag:s22] =	ssyncadd.s32 s4;
	_ =	sdelay $0x1  }
0xa7: {  	s23 =	simm.s32 $0x1B8B  }
0xa8: {  	_ =	swait.ge [sflag:s23], $0x1  }
0xa9: {  	[sflag:s23] =	ssyncset.done $0x0  }
0xaa: {  	s25 =	simm.s32 $0x1B8E;
	s24 =	sld [smem:$0x3FFE];
	[sflag:s23] =	ssyncadd.s32 $0xFFFFFFFF  }
0xab: {  	s26 =	simm.s32 $execute0_lowered;
	[smem:$0x3FD2] =	sst s25  }
0xac: {  	s5 =	sshll.u32 s26, $0x1;
	_ =	strace $0x80000046;
	[dreg:$0x1] =	wrdreg $0xFFFFFFFF  }
0xad: {  	s28 =	simm.s32 $_size_execute0_lowered;
	s3 =	sadd.s32 s3, s5;
	[dreg:$0x0] =	wrdreg $0x0  }
0xae: {  	s5 =	sshll.u32 s28, $0x1;
	[dreg:$0x2] =	wrdreg s3  }
0xaf: {  	[dreg:$0x3] =	wrdreg s5  }
0xb0: {  	[dreg:$0x4] =	wrdreg $0xC0  }
0xb1: {  	_ =	task [dreg:s7], $0x5FFFF  }
0xb2: {  	[dreg:$0x1] =	wrdreg $0xFFFFFFFF  }
0xb3: {  	[dreg:$0x0] =	wrdreg $0x60  }
0xb4: {  	[dreg:$0x2] =	wrdreg s16  }
0xb5: {  	[dreg:$0x3] =	wrdreg s24  }
0xb6: {  	[dreg:$0x4] =	wrdreg $0x9  }
0xb7: {  	_ =	task.clear_ibuf [dreg:s7], $0x5FFFF;
	_ =	strace $0x90000046  }
0xb8: {  	s29 =	simm.s32 $0x9;
	_ =	strace $0x80000048  }
0xb9: {  	_ =	swait.ge [sflag:s29], $0x1  }
0xba: {  	[sflag:s29] =	ssyncadd.s32 $0xFFFFFFFF  }
0xbb: {  	_ =	strace $0x90000048  }
0xbc: {  	_ =	sfence  }
0xbd: {  	s30 =	sld [smem:$0x0];
	_ =	sdelay $0x2  }
0xbe: {  	s31 =	sshll.u32 s1, $0xD;
	s1 =	sshrl.u32 s1, $0x2  }
0xbf: {  	s3 =	sand.u32 $0x4000, s31;
	s1 =	sadd.s32 s1, s30  }
0xc0: {  	s0 =	sor.u32 s3, s0;
	s1 =	sshll.u32 s1, $0x11  }
0xc1: {  	s0 =	sor.u32 s1, s0  }
0xc2: {  	s0 =	sadd.s32 $0x8F2B, s0  }
0xc3: {  	[sflag:s0] =	ssyncadd.remote.s32 $0x1  }
0xc4: {  	_ =	sfence.sel $0xFFFF  }
0xc5: {  	[dreg:$0x0] =	wrdreg $0xFFFFFFFF;
	(pc) =	sbr.abs _section_cstart, $3  }
0xc6: {  	[dreg:$0x1] =	wrdreg $0xFFFFFFFF  }
0xc7: {  	_ =	task.clear_ibuf [dreg:s7], $0x2FFFF;
	_ =	strace $0x9FFFFFFF  }
0xc8: {  	(tm) =	ssettm $0x7FFFFFFF  }
0xc9: {  	_ =	shalt  }
tec
execute0_lowered:
.L_overlay_start_1:
0x0: {  	(tag) =	ssettag $0x1  }
0x1: {  	s1 =	srdreg.scid;
	s3 =	rddreg [dreg:$0x0]  }
0x2: {  	s0 =	stileid.u32;
	s8 =	rddreg [dreg:$0x1];
	s6 =	sand.u32 $0x1, s1  }
0x3: {  	s2 =	simm.s32 $0x0;
	s4 =	sshll.u32 s0, $0x9;
	s5 =	sshll.u32 s6, $0x8  }
0x4: {  	s7 =	simm.s32 $0x1;
	[smem:$0x7FF] =	sst s2;
	s9 =	sor.u32 s5, s4  }
0x5: {  	s1 =	rddreg [dreg:$0x2];
	_ =	strace $0x80000047;
	s4 =	sshrl.u32 s9, $0x3  }
0x6: {  	s10 =	ssub.s32 $0x2, s6;
	s4 =	sadd.s32 s3, s4;
	s3 =	simm.s32 $0x2  }
0x7: {  	[tilespmem:s2], [sflag:$0x2] =	stream.linear.gather [hbm4b:s4+s2], $0x100, $0x38;
	[tilespmem:$0x900] =	vst v63  }
0x8: {  	s6 =	simm.s32 $0x100;
	s11 =	sshrl.u32 s10, $0x1;
	_ =	swait.ge [sflag:s3], $0x100  }
0x9: {  	s5 =	sadd.s32 $0xA00, s8;
	s31 =	ssub.s32 s10, s11;
	[sflag:s3] =	ssyncset.done $0x0  }
0xa: {  	s8 =	sadd.s32 s9, s8;
	s9 =	smax.u32 s31, $0x1;
	[sflag:s3] =	ssyncadd.s32 $0xFFFFFF00  }
0xb: {  	[tilespmem:s6], [sflag:$0x1] =	stream.indirect.gather [hbm4b:s5+s6], $0x8, s2, s6, $0xb8;
	[tilespmem:$0x900] =	vst v63  }
0xc: {  	p0 =	sne.s32 s9, $0x1;
	_ =	swait.ge [sflag:s7], $0x800  }
.Ltmp0:
0xd: {  	[sflag:s7] =	ssyncset.done $0x0;
	(pc) =	sbr.rel @!p0 .LBB2_2-.Ltmp0, $4  }
0xe: {  	s8 =	sadd.s32 $0x20A00, s8;
	[sflag:s7] =	ssyncadd.s32 $0xFFFFF800  }
0xf: {  	[hbm4b:s8+s2] =	stream.linear.scatter [tilespmem:s6], [sflag:$0x2], $0x800, $0x38;
	[tilespmem:$0x900] =	vst v63  }
0x10: {  	_ =	swait.ge [sflag:s3], $0x800  }
0x11: {  	s9 =	sadd.s32 $0xFFFFFFFF, s9;
	[sflag:s3] =	ssyncset.done $0x0  }
.LBB2_1:
0x12: {  	p0 =	sne.s32 s9, $0x1;
	s9 =	sadd.s32 $0xFFFFFFFF, s9;
	[sflag:s3] =	ssyncadd.s32 $0xFFFFF800  }
0x13: {  	[tilespmem:s2], [sflag:$0x2] =	stream.linear.gather [hbm4b:s4+s2], $0x100, $0x38;
	[tilespmem:$0x900] =	vst v63  }
0x14: {  	_ =	swait.ge [sflag:s3], $0x100  }
0x15: {  	[sflag:s3] =	ssyncset.done $0x0  }
0x16: {  	[sflag:s3] =	ssyncadd.s32 $0xFFFFFF00  }
0x17: {  	[tilespmem:s6], [sflag:$0x1] =	stream.indirect.gather [hbm4b:s5+s6], $0x8, s2, s6, $0xb8;
	[tilespmem:$0x900] =	vst v63  }
0x18: {  	_ =	swait.ge [sflag:s7], $0x800  }
.Ltmp1:
0x19: {  	[sflag:s7] =	ssyncset.done $0x0;
	(pc) =	sbr.rel @p0 .LBB2_1-.Ltmp1, $4  }
0x1a: {  	[sflag:s7] =	ssyncadd.s32 $0xFFFFF800  }
0x1b: {  	[hbm4b:s8+s2] =	stream.linear.scatter [tilespmem:s6], [sflag:$0x2], $0x800, $0x38;
	[tilespmem:$0x900] =	vst v63  }
0x1c: {  	_ =	swait.ge [sflag:s3], $0x800  }
0x1d: {  	[sflag:s3] =	ssyncset.done $0x0  }
.LBB2_2:
0x1e: {  	[sflag:s3] =	ssyncadd.s32 $0xFFFFF800  }
0x1f: {  	_ =	sfence.sel $0x180000  }
0x20: {  	[bflag:$0x0] =	sbarrier.arrive $0xFFFF  }
0x21: {  	p0 =	sne.s32 s0, $0x0;
	_ =	strace $0x90000047  }
0x22: {  	s0 =	sadd.s32 @!p0 $0x100000, s1;
	[bflag:$0x2] =	sbarrier.arrive $0xFFFF  }
0x23: {  	[sflag:s0] =	ssyncadd.tile.s32 @!p0 $0x1;
	_ =	shalt  }
.Lfunc_end2:
_tile_overlayer_lowered:
.L_overlay_start_2:
0x24: {  	(tag) =	ssettag $0x2  }
0x25: {  	s0 =	rddreg [dreg:$0x0];
	s2 =	stileid.u32  }
0x26: {  	s1 =	rddreg [dreg:$0x1];
	p0 =	sne.s32 s2, $0x0  }
0x27: {  	s3 =	rddreg [dreg:$0x2];
	[bflag:$0x3] =	sbarrier.arrive $0xFFFF;
	s2 =	simm.s32 @!p0 $0x1C02  }
0x28: {  	[timem:s3], [sflag:s2] =	dma.local @!p0 [hbm:s0], s1  }
0x29: {  	s0 =	simm.s32 @!p0 $0x2  }
0x2a: {  	_ =	swait.ge @!p0 [sflag:s0], s1  }
0x2b: {  	s1 =	ssub.s32 @!p0 $0x0, s1;
	[sflag:s0] =	ssyncset.done @!p0 $0x0  }
0x2c: {  	[sflag:s0] =	ssyncadd.s32 @!p0 s1  }
0x2d: {  	[bflag:$0x3] =	sbarrier.arrive $0xFFFF  }
0x2e: {  	_ =	shalt  }

</sc_bundles>
